<compile_context>
chip_gen: v7x
topology: tpu7x:2x2x1
jax: 0.10.2.dev20260603
libtpu: 0.0.44.dev20260713+nightly
codegen_flags: <defaults>
</compile_context>

<pallas_src>
import jax
import jax.numpy as jnp
from jax import lax
from jax.experimental import pallas as pl
from jax.experimental.pallas import tpu as pltpu
from jax.experimental.pallas import tpu_sc as plsc

N_RAYS_S = 131072
N_COARSE_S = 64
N_FINE_S = 128
L = 16
NUM_CORES = 2
NUM_SUBCORES = 16
NUM_WORKERS = NUM_CORES * NUM_SUBCORES
RAYS_PER_WORKER = N_RAYS_S // NUM_WORKERS
CHUNK = 128
NUM_CHUNKS = RAYS_PER_WORKER // CHUNK
NGC = N_COARSE_S // L
NGF = N_FINE_S // L
CB_LEN = N_COARSE_S + L
CNT_LEN = 128
UNROLL = 2


def _tec_body(
    z_hbm, w_hbm, out_hbm,
    zbuf, wbuf, obuf0, obuf1, cbstore, slopestore, cntstore,
    zsem, wsem, osem0, osem1,
):
    wid = lax.axis_index("s") * NUM_CORES + lax.axis_index("c")
    base = wid * RAYS_PER_WORKER
    iota_f = lax.broadcasted_iota(jnp.int32, (L,), 0).astype(jnp.float32)
    zero16i = jnp.zeros((L,), jnp.int32)
    one16i = jnp.ones((L,), jnp.int32)
    zero16f = jnp.zeros((L,), jnp.float32)
    one16f = jnp.ones((L,), jnp.float32)
    idx15 = jnp.full((L,), L - 1, jnp.int32)
    iota_i = lax.broadcasted_iota(jnp.int32, (L,), 0)
    shift_idx = jnp.minimum(iota_i + 1, L - 1)
    lane15 = iota_i == (L - 1)

    @plsc.parallel_loop(0, CHUNK, 1, unroll=4)
    def _init(r):
        slopestore[r, pl.ds(N_COARSE_S, L)] = zero16f
        for g in range(CNT_LEN // L):
            cntstore[r, pl.ds(L * g, L)] = zero16i

    def in_copies(ci):
        row0 = base + ci * CHUNK
        return (
            pltpu.make_async_copy(z_hbm.at[pl.ds(row0, CHUNK)], zbuf, zsem),
            pltpu.make_async_copy(w_hbm.at[pl.ds(row0, CHUNK)], wbuf, wsem),
        )

    def stage_a_loop():
        @plsc.parallel_loop(0, CHUNK, 1, unroll=UNROLL)
        def stage_a(r):
            r16 = jnp.full((L,), r, jnp.int32)
            wv = [wbuf[r, pl.ds(L * g, L)] + 1e-5 for g in range(NGC)]
            cs = [plsc.cumsum(v) for v in wv]
            zv = [zbuf[r, pl.ds(L * g, L)] for g in range(NGC)]
            last = [c.at[idx15].get(mode="promise_in_bounds") for c in cs]
            run = [zero16f, last[0], last[0] + last[1], last[0] + last[1] + last[2]]
            inv = 127.0 / (run[3] + last[3])
            z63 = zv[NGC - 1].at[idx15].get(mode="promise_in_bounds")
            cbstore[r, pl.ds(N_COARSE_S, L)] = z63
            for g in range(NGC):
                d = wv[g] * inv
                cg = (cs[g] + run[g]) * inv
                rcp = 1.0 / jnp.where(d < 127e-5, jnp.float32(127.0), d)
                if g + 1 < NGC:
                    dz = zbuf[r, pl.ds(L * g + 1, L)] - zv[g]
                else:
                    zshift = zv[g].at[shift_idx].get(mode="promise_in_bounds")
                    dz = jnp.where(lane15, zero16f, zshift - zv[g])
                slope = dz * rcp
                slopestore[r, pl.ds(L * g, L)] = slope
                cbstore[r, pl.ds(L * g, L)] = zv[g] - (cg - d) * slope
                pgrid = 128 - (128.0 - cg).astype(jnp.int32)
                plsc.addupdate_scatter(
                    cntstore, [r16, jnp.minimum(pgrid, CNT_LEN - 1)], one16i
                )

    def stage_b_loop(ob):
        @plsc.parallel_loop(0, CHUNK, 1, unroll=UNROLL)
        def stage_b(r):
            r16 = jnp.full((L,), r, jnp.int32)
            carry = zero16i
            for g in range(NGF):
                local = plsc.cumsum(cntstore[r, pl.ds(L * g, L)])
                below = local + carry
                if g + 1 < NGF:
                    carry = carry + local.at[idx15].get(mode="promise_in_bounds")
                cntstore[r, pl.ds(L * g, L)] = zero16i
                a_v = plsc.load_gather(cbstore, [r16, below])
                slope = plsc.load_gather(slopestore, [r16, below])
                u = iota_f + jnp.float32(L * g)
                ob[r, pl.ds(L * g, L)] = a_v + u * slope

    def half(ci, i2, ob, osem):
        cz, cw = in_copies(ci)
        cz.wait()
        cw.wait()
        stage_a_loop()

        @pl.when(ci + 1 < NUM_CHUNKS)
        def _():
            nz, nw = in_copies(ci + 1)
            nz.start()
            nw.start()

        @pl.when(i2 > 0)
        def _():
            pltpu.make_async_copy(ob, out_hbm.at[pl.ds(base, CHUNK)], osem).wait()

        stage_b_loop(ob)
        row0 = base + ci * CHUNK
        pltpu.async_copy(ob, out_hbm.at[pl.ds(row0, CHUNK)], osem)

    cz0, cw0 = in_copies(0)
    cz0.start()
    cw0.start()

    def do_pair(i2, pair_carry):
        half(2 * i2, i2, obuf0, osem0)
        half(2 * i2 + 1, i2, obuf1, osem1)
        return pair_carry

    lax.fori_loop(0, NUM_CHUNKS // 2, do_pair, 0)
    pltpu.make_async_copy(obuf0, out_hbm.at[pl.ds(base, CHUNK)], osem0).wait()
    pltpu.make_async_copy(obuf1, out_hbm.at[pl.ds(base, CHUNK)], osem1).wait()


_sampler = pl.kernel(
    _tec_body,
    out_type=jax.ShapeDtypeStruct((N_RAYS_S, N_FINE_S), jnp.float32),
    mesh=plsc.VectorSubcoreMesh(core_axis_name="c", subcore_axis_name="s"),
    scratch_types=[
        pltpu.VMEM((CHUNK, N_COARSE_S), jnp.float32),
        pltpu.VMEM((CHUNK, N_COARSE_S), jnp.float32),
        pltpu.VMEM((CHUNK, N_FINE_S), jnp.float32),
        pltpu.VMEM((CHUNK, N_FINE_S), jnp.float32),
        pltpu.VMEM((CHUNK, CB_LEN), jnp.float32),
        pltpu.VMEM((CHUNK, CB_LEN), jnp.float32),
        pltpu.VMEM((CHUNK, CNT_LEN), jnp.int32),
        pltpu.SemaphoreType.DMA,
        pltpu.SemaphoreType.DMA,
        pltpu.SemaphoreType.DMA,
        pltpu.SemaphoreType.DMA,
    ],
    compiler_params=pltpu.CompilerParams(needs_layout_passes=False),
)


def kernel(z_vals, weights, num_samples):
    del num_samples
    return _sampler(z_vals, weights)

# --- scband reference (transcript-rebuilt; emitter-appended) ---
"""Pipeline reference for scband-hierarchical-renderer-47536698032149 (READ-ONLY COPY).

The authoritative reference and input builder live on the scoring server;
editing this copy changes nothing except your own understanding.
"""

import jax, jax.numpy as jnp
import numpy as np

N_RAYS = 131072
N_COARSE = 64
N_FINE = 128


def setup_inputs(seed: int = 0):
    key = jax.random.key(seed)
    k1, k2 = jax.random.split(key)
    z_raw = jax.random.uniform(k1, (N_RAYS, N_COARSE), dtype=jnp.float32)
    # sorted sample depths along each ray in [near=2.0, far=6.0]
    z_vals = 2.0 + 4.0 * jnp.sort(z_raw, axis=-1)
    weights = jax.random.uniform(k2, (N_RAYS, N_COARSE), dtype=jnp.float32)
    return {"z_vals": z_vals, "weights": weights, "num_samples": N_FINE}


def reference(z_vals, weights, num_samples):
    # HierarchicalRenderer.importance_sample with det=True (eval mode: det = not training)
    w = weights + 1e-05
    pdf = w / jnp.sum(w, axis=-1, keepdims=True)
    cdf = jnp.cumsum(pdf, axis=-1)
    cdf = jnp.concatenate([jnp.zeros_like(cdf[..., :1]), cdf], axis=-1)
    batch_size = z_vals.shape[0]
    num_static = N_FINE
    u = jnp.linspace(0.0, 1.0, num_static, dtype=z_vals.dtype)
    u = jnp.where(num_samples > 0, u, u)
    u = jnp.broadcast_to(u, (batch_size, num_static))
    indices = jax.vmap(lambda c, q: jnp.searchsorted(c, q, side='right'))(cdf, u)
    below = jnp.clip(indices - 1, 0, cdf.shape[-1] - 1)
    above = jnp.clip(indices, 0, cdf.shape[-1] - 1)
    cdf_b = jnp.take_along_axis(cdf, below, axis=-1, mode='clip')
    cdf_a = jnp.take_along_axis(cdf, above, axis=-1, mode='clip')
    z_b = jnp.take_along_axis(z_vals, below, axis=-1, mode='clip')
    z_a = jnp.take_along_axis(z_vals, above, axis=-1, mode='clip')
    denom = cdf_a - cdf_b
    denom = jnp.where(denom < 1e-05, jnp.ones_like(denom), denom)
    t = (u - cdf_b) / denom
    samples = z_b + t * (z_a - z_b)
    return samples

if __name__ == "__main__":
    import jax
    _d = setup_inputs()
    print(jax.jit(kernel)(*tuple(_d.values())))

</pallas_src>

<mosaic_0001>
#map = affine_map<(d0, d1) -> (0, 0)>
module attributes {stable_mosaic.version = 14 : i64} {
  func.func @_tec_body(%arg0: i32, %arg1: i32, %arg2: memref<131072x64xf32, #tpu.memory_space<hbm>>, %arg3: memref<131072x64xf32, #tpu.memory_space<hbm>>, %arg4: memref<131072x128xf32, #tpu.memory_space<hbm>>, %arg5: memref<128x64xf32, #tpu.memory_space<vmem>>, %arg6: memref<128x64xf32, #tpu.memory_space<vmem>>, %arg7: memref<128x128xf32, #tpu.memory_space<vmem>>, %arg8: memref<128x128xf32, #tpu.memory_space<vmem>>, %arg9: memref<128x80xf32, #tpu.memory_space<vmem>>, %arg10: memref<128x80xf32, #tpu.memory_space<vmem>>, %arg11: memref<128x128xi32, #tpu.memory_space<vmem>>, %arg12: memref<!tpu.dma_semaphore, #tpu.memory_space<semaphore_mem>>, %arg13: memref<!tpu.dma_semaphore, #tpu.memory_space<semaphore_mem>>, %arg14: memref<!tpu.dma_semaphore, #tpu.memory_space<semaphore_mem>>, %arg15: memref<!tpu.dma_semaphore, #tpu.memory_space<semaphore_mem>>) attributes {dimension_semantics = [#tpu.dimension_semantics<core_parallel>, #tpu.dimension_semantics<subcore_parallel>], iteration_bounds = array<i64: 2, 16>, scalar_prefetch = 0 : i64, scratch_operands = 11 : i64, tpu.core_type = #tpu.core_type<sc_vector_subcore>, window_params = [{transform_indices = #map}, {transform_indices = #map}, {transform_indices = #map}]} {
    %mul3A = arith.constant 2 : i32
    %mul3A_0 = arith.muli %arg1, %mul3A : i32
    %add3A = arith.addi %mul3A_0, %arg0 : i32
    %mul3A_1 = arith.constant 4096 : i32
    %mul3A_2 = arith.muli %add3A, %mul3A_1 : i32
    %iota3A = tpu.iota {dimensions = array<i32: 0>} : vector<16xi32>
    %convert_element_type3A = arith.sitofp %iota3A : vector<16xi32> to vector<16xf32>
    %broadcast_in_dim3A = arith.constant 0 : i32
    %broadcast_in_dim3A_3 = vector.broadcast %broadcast_in_dim3A : i32 to vector<16xi32>
    %broadcast_in_dim3A_4 = arith.constant 1 : i32
    %broadcast_in_dim3A_5 = vector.broadcast %broadcast_in_dim3A_4 : i32 to vector<16xi32>
    %broadcast_in_dim3A_6 = arith.constant 0.000000e+00 : f32
    %broadcast_in_dim3A_7 = vector.broadcast %broadcast_in_dim3A_6 : f32 to vector<16xf32>
    %broadcast_in_dim3A_8 = arith.constant 1.000000e+00 : f32
    %broadcast_in_dim3A_9 = vector.broadcast %broadcast_in_dim3A_8 : f32 to vector<16xf32>
    %broadcast_in_dim3A_10 = arith.constant 15 : i32
    %broadcast_in_dim3A_11 = vector.broadcast %broadcast_in_dim3A_10 : i32 to vector<16xi32>
    %iota3A_12 = tpu.iota {dimensions = array<i32: 0>} : vector<16xi32>
    %add3A_13 = arith.constant 1 : i32
    %add3A_14 = vector.broadcast %add3A_13 : i32 to vector<16xi32>
    %add3A_15 = arith.addi %iota3A_12, %add3A_14 : vector<16xi32>
    %min3A = arith.constant 15 : i32
    %min3A_16 = vector.broadcast %min3A : i32 to vector<16xi32>
    %min3A_17 = arith.minsi %add3A_15, %min3A_16 : vector<16xi32>
    %eq3A = arith.constant 15 : i32
    %eq3A_18 = vector.broadcast %eq3A : i32 to vector<16xi32>
    %eq3A_19 = arith.cmpi eq, %iota3A_12, %eq3A_18 : vector<16xi32>
    %parallel_loop3A = arith.constant 0 : i32
    %parallel_loop3A_20 = arith.constant 128 : i32
    %parallel_loop3A_21 = arith.constant 1 : i32
    scf.for %parallel_loop3A_43 = %parallel_loop3A to %parallel_loop3A_20 step %parallel_loop3A_21  : i32 {
      %parallel_loop3A_44 = arith.index_cast %parallel_loop3A_43 : i32 to index
      %parallel_loop3A_45 = arith.constant 64 : index
      %parallel_loop3A_46 = tpu.vector_load %arg10[%parallel_loop3A_44, %parallel_loop3A_45] {strides = array<i32>} : memref<128x80xf32, #tpu.memory_space<vmem>>, vector<16xf32>,
      tpu.vector_store %arg10[%parallel_loop3A_44, %parallel_loop3A_45], %broadcast_in_dim3A_7 {strides = array<i32>} : memref<128x80xf32, #tpu.memory_space<vmem>>, vector<16xf32>,
      %parallel_loop3A_47 = arith.index_cast %parallel_loop3A_43 : i32 to index
      %parallel_loop3A_48 = arith.constant 0 : index
      %parallel_loop3A_49 = tpu.vector_load %arg11[%parallel_loop3A_47, %parallel_loop3A_48] {strides = array<i32>} : memref<128x128xi32, #tpu.memory_space<vmem>>, vector<16xi32>,
      tpu.vector_store %arg11[%parallel_loop3A_47, %parallel_loop3A_48], %broadcast_in_dim3A_3 {strides = array<i32>} : memref<128x128xi32, #tpu.memory_space<vmem>>, vector<16xi32>,
      %parallel_loop3A_50 = arith.index_cast %parallel_loop3A_43 : i32 to index
      %parallel_loop3A_51 = arith.constant 16 : index
      %parallel_loop3A_52 = tpu.vector_load %arg11[%parallel_loop3A_50, %parallel_loop3A_51] {strides = array<i32>} : memref<128x128xi32, #tpu.memory_space<vmem>>, vector<16xi32>,
      tpu.vector_store %arg11[%parallel_loop3A_50, %parallel_loop3A_51], %broadcast_in_dim3A_3 {strides = array<i32>} : memref<128x128xi32, #tpu.memory_space<vmem>>, vector<16xi32>,
      %parallel_loop3A_53 = arith.index_cast %parallel_loop3A_43 : i32 to index
      %parallel_loop3A_54 = arith.constant 32 : index
      %parallel_loop3A_55 = tpu.vector_load %arg11[%parallel_loop3A_53, %parallel_loop3A_54] {strides = array<i32>} : memref<128x128xi32, #tpu.memory_space<vmem>>, vector<16xi32>,
      tpu.vector_store %arg11[%parallel_loop3A_53, %parallel_loop3A_54], %broadcast_in_dim3A_3 {strides = array<i32>} : memref<128x128xi32, #tpu.memory_space<vmem>>, vector<16xi32>,
      %parallel_loop3A_56 = arith.index_cast %parallel_loop3A_43 : i32 to index
      %parallel_loop3A_57 = arith.constant 48 : index
      %parallel_loop3A_58 = tpu.vector_load %arg11[%parallel_loop3A_56, %parallel_loop3A_57] {strides = array<i32>} : memref<128x128xi32, #tpu.memory_space<vmem>>, vector<16xi32>,
      tpu.vector_store %arg11[%parallel_loop3A_56, %parallel_loop3A_57], %broadcast_in_dim3A_3 {strides = array<i32>} : memref<128x128xi32, #tpu.memory_space<vmem>>, vector<16xi32>,
      %parallel_loop3A_59 = arith.index_cast %parallel_loop3A_43 : i32 to index
      %parallel_loop3A_60 = arith.constant 64 : index
      %parallel_loop3A_61 = tpu.vector_load %arg11[%parallel_loop3A_59, %parallel_loop3A_60] {strides = array<i32>} : memref<128x128xi32, #tpu.memory_space<vmem>>, vector<16xi32>,
      tpu.vector_store %arg11[%parallel_loop3A_59, %parallel_loop3A_60], %broadcast_in_dim3A_3 {strides = array<i32>} : memref<128x128xi32, #tpu.memory_space<vmem>>, vector<16xi32>,
      %parallel_loop3A_62 = arith.index_cast %parallel_loop3A_43 : i32 to index
      %parallel_loop3A_63 = arith.constant 80 : index
      %parallel_loop3A_64 = tpu.vector_load %arg11[%parallel_loop3A_62, %parallel_loop3A_63] {strides = array<i32>} : memref<128x128xi32, #tpu.memory_space<vmem>>, vector<16xi32>,
      tpu.vector_store %arg11[%parallel_loop3A_62, %parallel_loop3A_63], %broadcast_in_dim3A_3 {strides = array<i32>} : memref<128x128xi32, #tpu.memory_space<vmem>>, vector<16xi32>,
      %parallel_loop3A_65 = arith.index_cast %parallel_loop3A_43 : i32 to index
      %parallel_loop3A_66 = arith.constant 96 : index
      %parallel_loop3A_67 = tpu.vector_load %arg11[%parallel_loop3A_65, %parallel_loop3A_66] {strides = array<i32>} : memref<128x128xi32, #tpu.memory_space<vmem>>, vector<16xi32>,
      tpu.vector_store %arg11[%parallel_loop3A_65, %parallel_loop3A_66], %broadcast_in_dim3A_3 {strides = array<i32>} : memref<128x128xi32, #tpu.memory_space<vmem>>, vector<16xi32>,
      %parallel_loop3A_68 = arith.index_cast %parallel_loop3A_43 : i32 to index
      %parallel_loop3A_69 = arith.constant 112 : index
      %parallel_loop3A_70 = tpu.vector_load %arg11[%parallel_loop3A_68, %parallel_loop3A_69] {strides = array<i32>} : memref<128x128xi32, #tpu.memory_space<vmem>>, vector<16xi32>,
      tpu.vector_store %arg11[%parallel_loop3A_68, %parallel_loop3A_69], %broadcast_in_dim3A_3 {strides = array<i32>} : memref<128x128xi32, #tpu.memory_space<vmem>>, vector<16xi32>,
    } {sc.loop_unroll_factor = 4 : i64, sc.parallel_access}
    %add3A_22 = arith.constant 0 : i32
    %add3A_23 = arith.addi %mul3A_2, %add3A_22 : i32
    %dma_start3A = arith.constant 0 : i32
    %dma_start3A_24 = tpu.memref_slice %arg2[%add3A_23, %dma_start3A] : memref<131072x64xf32, #tpu.memory_space<hbm>> -> memref<128x64xf32, #tpu.memory_space<hbm>>
    %dma_start3A_25 = arith.constant 0 : i32
    %dma_start3A_26 = tpu.memref_slice %arg2[%add3A_23, %dma_start3A_25] : memref<131072x64xf32, #tpu.memory_space<hbm>> -> memref<128x64xf32, #tpu.memory_space<hbm>>
    tpu.enqueue_dma source(%dma_start3A_26 : memref<128x64xf32, #tpu.memory_space<hbm>>) target(%arg5 : memref<128x64xf32, #tpu.memory_space<vmem>>) target_semaphore(%arg12 : memref<!tpu.dma_semaphore, #tpu.memory_space<semaphore_mem>>)
    %dma_start3A_27 = arith.constant 0 : i32
    %dma_start3A_28 = tpu.memref_slice %arg3[%add3A_23, %dma_start3A_27] : memref<131072x64xf32, #tpu.memory_space<hbm>> -> memref<128x64xf32, #tpu.memory_space<hbm>>
    %dma_start3A_29 = arith.constant 0 : i32
    %dma_start3A_30 = tpu.memref_slice %arg3[%add3A_23, %dma_start3A_29] : memref<131072x64xf32, #tpu.memory_space<hbm>> -> memref<128x64xf32, #tpu.memory_space<hbm>>
    tpu.enqueue_dma source(%dma_start3A_30 : memref<128x64xf32, #tpu.memory_space<hbm>>) target(%arg6 : memref<128x64xf32, #tpu.memory_space<vmem>>) target_semaphore(%arg13 : memref<!tpu.dma_semaphore, #tpu.memory_space<semaphore_mem>>)
    %scan3A = arith.constant 0 : i32
    %scan3A_31 = arith.constant 0 : i32
    %scan3A_32 = arith.constant 16 : i32
    %scan3A_33 = arith.addi %scan3A_31, %scan3A_32 : i32
    %scan3A_34 = arith.constant 1 : i32
    scf.for %scan3A_43 = %scan3A_31 to %scan3A_33 step %scan3A_34  : i32 {
      %mul3A_44 = arith.constant 2 : i32
      %mul3A_45 = arith.muli %mul3A_44, %scan3A_43 : i32
      %mul3A_46 = arith.constant 128 : i32
      %mul3A_47 = arith.muli %mul3A_45, %mul3A_46 : i32
      %add3A_48 = arith.addi %mul3A_2, %mul3A_47 : i32
      %dma_wait3A_49 = arith.constant 0 : i32
      %dma_wait3A_50 = tpu.memref_slice %arg2[%add3A_48, %dma_wait3A_49] : memref<131072x64xf32, #tpu.memory_space<hbm>> -> memref<128x64xf32, #tpu.memory_space<hbm>>
      %dma_wait3A_51 = arith.constant 0 : i32
      %dma_wait3A_52 = tpu.memref_slice %arg2[%add3A_48, %dma_wait3A_51] : memref<131072x64xf32, #tpu.memory_space<hbm>> -> memref<128x64xf32, #tpu.memory_space<hbm>>
      tpu.wait_dma2 semaphore(%arg12 : memref<!tpu.dma_semaphore, #tpu.memory_space<semaphore_mem>>) src(%dma_wait3A_52 : memref<128x64xf32, #tpu.memory_space<hbm>>) dst(%arg5 : memref<128x64xf32, #tpu.memory_space<vmem>>)
      %dma_wait3A_53 = arith.constant 0 : i32
      %dma_wait3A_54 = tpu.memref_slice %arg3[%add3A_48, %dma_wait3A_53] : memref<131072x64xf32, #tpu.memory_space<hbm>> -> memref<128x64xf32, #tpu.memory_space<hbm>>
      %dma_wait3A_55 = arith.constant 0 : i32
      %dma_wait3A_56 = tpu.memref_slice %arg3[%add3A_48, %dma_wait3A_55] : memref<131072x64xf32, #tpu.memory_space<hbm>> -> memref<128x64xf32, #tpu.memory_space<hbm>>
      tpu.wait_dma2 semaphore(%arg13 : memref<!tpu.dma_semaphore, #tpu.memory_space<semaphore_mem>>) src(%dma_wait3A_56 : memref<128x64xf32, #tpu.memory_space<hbm>>) dst(%arg6 : memref<128x64xf32, #tpu.memory_space<vmem>>)
      %parallel_loop3A_57 = arith.constant 0 : i32
      %parallel_loop3A_58 = arith.constant 128 : i32
      %parallel_loop3A_59 = arith.constant 1 : i32
      scf.for %parallel_loop3A_119 = %parallel_loop3A_57 to %parallel_loop3A_58 step %parallel_loop3A_59  : i32 {
        %parallel_loop3A_120 = vector.broadcast %parallel_loop3A_119 : i32 to vector<16xi32>
        %parallel_loop3A_121 = arith.index_cast %parallel_loop3A_119 : i32 to index
        %parallel_loop3A_122 = arith.constant 0 : index
        %parallel_loop3A_123 = tpu.vector_load %arg6[%parallel_loop3A_121, %parallel_loop3A_122] {strides = array<i32>} : memref<128x64xf32, #tpu.memory_space<vmem>>, vector<16xf32>,
        %parallel_loop3A_124 = arith.constant 9.99999974E-6 : f32
        %parallel_loop3A_125 = vector.broadcast %parallel_loop3A_124 : f32 to vector<16xf32>
        %parallel_loop3A_126 = arith.addf %parallel_loop3A_123, %parallel_loop3A_125 : vector<16xf32>
        %parallel_loop3A_127 = arith.index_cast %parallel_loop3A_119 : i32 to index
        %parallel_loop3A_128 = arith.constant 16 : index
        %parallel_loop3A_129 = tpu.vector_load %arg6[%parallel_loop3A_127, %parallel_loop3A_128] {strides = array<i32>} : memref<128x64xf32, #tpu.memory_space<vmem>>, vector<16xf32>,
        %parallel_loop3A_130 = arith.constant 9.99999974E-6 : f32
        %parallel_loop3A_131 = vector.broadcast %parallel_loop3A_130 : f32 to vector<16xf32>
        %parallel_loop3A_132 = arith.addf %parallel_loop3A_129, %parallel_loop3A_131 : vector<16xf32>
        %parallel_loop3A_133 = arith.index_cast %parallel_loop3A_119 : i32 to index
        %parallel_loop3A_134 = arith.constant 32 : index
        %parallel_loop3A_135 = tpu.vector_load %arg6[%parallel_loop3A_133, %parallel_loop3A_134] {strides = array<i32>} : memref<128x64xf32, #tpu.memory_space<vmem>>, vector<16xf32>,
        %parallel_loop3A_136 = arith.constant 9.99999974E-6 : f32
        %parallel_loop3A_137 = vector.broadcast %parallel_loop3A_136 : f32 to vector<16xf32>
        %parallel_loop3A_138 = arith.addf %parallel_loop3A_135, %parallel_loop3A_137 : vector<16xf32>
        %parallel_loop3A_139 = arith.index_cast %parallel_loop3A_119 : i32 to index
        %parallel_loop3A_140 = arith.constant 48 : index
        %parallel_loop3A_141 = tpu.vector_load %arg6[%parallel_loop3A_139, %parallel_loop3A_140] {strides = array<i32>} : memref<128x64xf32, #tpu.memory_space<vmem>>, vector<16xf32>,
        %parallel_loop3A_142 = arith.constant 9.99999974E-6 : f32
        %parallel_loop3A_143 = vector.broadcast %parallel_loop3A_142 : f32 to vector<16xf32>
        %parallel_loop3A_144 = arith.addf %parallel_loop3A_141, %parallel_loop3A_143 : vector<16xf32>
        %parallel_loop3A_145 = arith.constant true
        %parallel_loop3A_146 = vector.broadcast %parallel_loop3A_145 : i1 to vector<16xi1>
        %parallel_loop3A_147 = tpu.scan <sum>, %parallel_loop3A_126 masked %parallel_loop3A_146 : vector<16xf32>, vector<16xi1> -> vector<16xf32>
        %parallel_loop3A_148 = arith.constant true
        %parallel_loop3A_149 = vector.broadcast %parallel_loop3A_148 : i1 to vector<16xi1>
        %parallel_loop3A_150 = tpu.scan <sum>, %parallel_loop3A_132 masked %parallel_loop3A_149 : vector<16xf32>, vector<16xi1> -> vector<16xf32>
        %parallel_loop3A_151 = arith.constant true
        %parallel_loop3A_152 = vector.broadcast %parallel_loop3A_151 : i1 to vector<16xi1>
        %parallel_loop3A_153 = tpu.scan <sum>, %parallel_loop3A_138 masked %parallel_loop3A_152 : vector<16xf32>, vector<16xi1> -> vector<16xf32>
        %parallel_loop3A_154 = arith.constant true
        %parallel_loop3A_155 = vector.broadcast %parallel_loop3A_154 : i1 to vector<16xi1>
        %parallel_loop3A_156 = tpu.scan <sum>, %parallel_loop3A_144 masked %parallel_loop3A_155 : vector<16xf32>, vector<16xi1> -> vector<16xf32>
        %parallel_loop3A_157 = arith.index_cast %parallel_loop3A_119 : i32 to index
        %parallel_loop3A_158 = arith.constant 0 : index
        %parallel_loop3A_159 = tpu.vector_load %arg5[%parallel_loop3A_157, %parallel_loop3A_158] {strides = array<i32>} : memref<128x64xf32, #tpu.memory_space<vmem>>, vector<16xf32>,
        %parallel_loop3A_160 = arith.index_cast %parallel_loop3A_119 : i32 to index
        %parallel_loop3A_161 = arith.constant 16 : index
        %parallel_loop3A_162 = tpu.vector_load %arg5[%parallel_loop3A_160, %parallel_loop3A_161] {strides = array<i32>} : memref<128x64xf32, #tpu.memory_space<vmem>>, vector<16xf32>,
        %parallel_loop3A_163 = arith.index_cast %parallel_loop3A_119 : i32 to index
        %parallel_loop3A_164 = arith.constant 32 : index
        %parallel_loop3A_165 = tpu.vector_load %arg5[%parallel_loop3A_163, %parallel_loop3A_164] {strides = array<i32>} : memref<128x64xf32, #tpu.memory_space<vmem>>, vector<16xf32>,
        %parallel_loop3A_166 = arith.index_cast %parallel_loop3A_119 : i32 to index
        %parallel_loop3A_167 = arith.constant 48 : index
        %parallel_loop3A_168 = tpu.vector_load %arg5[%parallel_loop3A_166, %parallel_loop3A_167] {strides = array<i32>} : memref<128x64xf32, #tpu.memory_space<vmem>>, vector<16xf32>,
        %parallel_loop3A_169 = arith.constant 0 : i32
        %parallel_loop3A_170 = vector.broadcast %parallel_loop3A_169 : i32 to vector<16xi32>
        %parallel_loop3A_171 = arith.cmpi slt, %broadcast_in_dim3A_11, %parallel_loop3A_170 : vector<16xi32>
        %parallel_loop3A_172 = arith.constant 16 : i32
        %parallel_loop3A_173 = vector.broadcast %parallel_loop3A_172 : i32 to vector<16xi32>
        %parallel_loop3A_174 = arith.addi %broadcast_in_dim3A_11, %parallel_loop3A_173 : vector<16xi32>
        %parallel_loop3A_175 = arith.select %parallel_loop3A_171, %parallel_loop3A_174, %broadcast_in_dim3A_11 : vector<16xi1>, vector<16xi32>
        %parallel_loop3A_176 = vector.shape_cast %parallel_loop3A_175 : vector<16xi32> to vector<16x1xi32>
        %parallel_loop3A_177 = vector.shape_cast %parallel_loop3A_176 : vector<16x1xi32> to vector<16xi32>
        %parallel_loop3A_178 = tpu.dynamic_gather %parallel_loop3A_147[%parallel_loop3A_177] in [0] : vector<16xf32>, vector<16xi32> -> vector<16xf32>
        %parallel_loop3A_179 = arith.constant 0 : i32
        %parallel_loop3A_180 = vector.broadcast %parallel_loop3A_179 : i32 to vector<16xi32>
        %parallel_loop3A_181 = arith.cmpi slt, %broadcast_in_dim3A_11, %parallel_loop3A_180 : vector<16xi32>
        %parallel_loop3A_182 = arith.constant 16 : i32
        %parallel_loop3A_183 = vector.broadcast %parallel_loop3A_182 : i32 to vector<16xi32>
        %parallel_loop3A_184 = arith.addi %broadcast_in_dim3A_11, %parallel_loop3A_183 : vector<16xi32>
        %parallel_loop3A_185 = arith.select %parallel_loop3A_181, %parallel_loop3A_184, %broadcast_in_dim3A_11 : vector<16xi1>, vector<16xi32>
        %parallel_loop3A_186 = vector.shape_cast %parallel_loop3A_185 : vector<16xi32> to vector<16x1xi32>
        %parallel_loop3A_187 = vector.shape_cast %parallel_loop3A_186 : vector<16x1xi32> to vector<16xi32>
        %parallel_loop3A_188 = tpu.dynamic_gather %parallel_loop3A_150[%parallel_loop3A_187] in [0] : vector<16xf32>, vector<16xi32> -> vector<16xf32>
        %parallel_loop3A_189 = arith.constant 0 : i32
        %parallel_loop3A_190 = vector.broadcast %parallel_loop3A_189 : i32 to vector<16xi32>
        %parallel_loop3A_191 = arith.cmpi slt, %broadcast_in_dim3A_11, %parallel_loop3A_190 : vector<16xi32>
        %parallel_loop3A_192 = arith.constant 16 : i32
        %parallel_loop3A_193 = vector.broadcast %parallel_loop3A_192 : i32 to vector<16xi32>
        %parallel_loop3A_194 = arith.addi %broadcast_in_dim3A_11, %parallel_loop3A_193 : vector<16xi32>
        %parallel_loop3A_195 = arith.select %parallel_loop3A_191, %parallel_loop3A_194, %broadcast_in_dim3A_11 : vector<16xi1>, vector<16xi32>
        %parallel_loop3A_196 = vector.shape_cast %parallel_loop3A_195 : vector<16xi32> to vector<16x1xi32>
        %parallel_loop3A_197 = vector.shape_cast %parallel_loop3A_196 : vector<16x1xi32> to vector<16xi32>
        %parallel_loop3A_198 = tpu.dynamic_gather %parallel_loop3A_153[%parallel_loop3A_197] in [0] : vector<16xf32>, vector<16xi32> -> vector<16xf32>
        %parallel_loop3A_199 = arith.constant 0 : i32
        %parallel_loop3A_200 = vector.broadcast %parallel_loop3A_199 : i32 to vector<16xi32>
        %parallel_loop3A_201 = arith.cmpi slt, %broadcast_in_dim3A_11, %parallel_loop3A_200 : vector<16xi32>
        %parallel_loop3A_202 = arith.constant 16 : i32
        %parallel_loop3A_203 = vector.broadcast %parallel_loop3A_202 : i32 to vector<16xi32>
        %parallel_loop3A_204 = arith.addi %broadcast_in_dim3A_11, %parallel_loop3A_203 : vector<16xi32>
        %parallel_loop3A_205 = arith.select %parallel_loop3A_201, %parallel_loop3A_204, %broadcast_in_dim3A_11 : vector<16xi1>, vector<16xi32>
        %parallel_loop3A_206 = vector.shape_cast %parallel_loop3A_205 : vector<16xi32> to vector<16x1xi32>
        %parallel_loop3A_207 = vector.shape_cast %parallel_loop3A_206 : vector<16x1xi32> to vector<16xi32>
        %parallel_loop3A_208 = tpu.dynamic_gather %parallel_loop3A_156[%parallel_loop3A_207] in [0] : vector<16xf32>, vector<16xi32> -> vector<16xf32>
        %parallel_loop3A_209 = arith.addf %parallel_loop3A_178, %parallel_loop3A_188 : vector<16xf32>
        %parallel_loop3A_210 = arith.addf %parallel_loop3A_178, %parallel_loop3A_188 : vector<16xf32>
        %parallel_loop3A_211 = arith.addf %parallel_loop3A_210, %parallel_loop3A_198 : vector<16xf32>
        %parallel_loop3A_212 = arith.addf %parallel_loop3A_211, %parallel_loop3A_208 : vector<16xf32>
        %parallel_loop3A_213 = arith.constant 1.270000e+02 : f32
        %parallel_loop3A_214 = vector.broadcast %parallel_loop3A_213 : f32 to vector<16xf32>
        %parallel_loop3A_215 = arith.divf %parallel_loop3A_214, %parallel_loop3A_212 : vector<16xf32>
        %parallel_loop3A_216 = arith.constant 0 : i32
        %parallel_loop3A_217 = vector.broadcast %parallel_loop3A_216 : i32 to vector<16xi32>
        %parallel_loop3A_218 = arith.cmpi slt, %broadcast_in_dim3A_11, %parallel_loop3A_217 : vector<16xi32>
        %parallel_loop3A_219 = arith.constant 16 : i32
        %parallel_loop3A_220 = vector.broadcast %parallel_loop3A_219 : i32 to vector<16xi32>
        %parallel_loop3A_221 = arith.addi %broadcast_in_dim3A_11, %parallel_loop3A_220 : vector<16xi32>
        %parallel_loop3A_222 = arith.select %parallel_loop3A_218, %parallel_loop3A_221, %broadcast_in_dim3A_11 : vector<16xi1>, vector<16xi32>
        %parallel_loop3A_223 = vector.shape_cast %parallel_loop3A_222 : vector<16xi32> to vector<16x1xi32>
        %parallel_loop3A_224 = vector.shape_cast %parallel_loop3A_223 : vector<16x1xi32> to vector<16xi32>
        %parallel_loop3A_225 = tpu.dynamic_gather %parallel_loop3A_168[%parallel_loop3A_224] in [0] : vector<16xf32>, vector<16xi32> -> vector<16xf32>
        %parallel_loop3A_226 = arith.index_cast %parallel_loop3A_119 : i32 to index
        %parallel_loop3A_227 = arith.constant 64 : index
        %parallel_loop3A_228 = tpu.vector_load %arg9[%parallel_loop3A_226, %parallel_loop3A_227] {strides = array<i32>} : memref<128x80xf32, #tpu.memory_space<vmem>>, vector<16xf32>,
        tpu.vector_store %arg9[%parallel_loop3A_226, %parallel_loop3A_227], %parallel_loop3A_225 {strides = array<i32>} : memref<128x80xf32, #tpu.memory_space<vmem>>, vector<16xf32>,
        %parallel_loop3A_229 = arith.mulf %parallel_loop3A_126, %parallel_loop3A_215 : vector<16xf32>
        %parallel_loop3A_230 = arith.addf %parallel_loop3A_147, %broadcast_in_dim3A_7 : vector<16xf32>
        %parallel_loop3A_231 = arith.mulf %parallel_loop3A_230, %parallel_loop3A_215 : vector<16xf32>
        %parallel_loop3A_232 = arith.constant 1.270000e-03 : f32
        %parallel_loop3A_233 = vector.broadcast %parallel_loop3A_232 : f32 to vector<16xf32>
        %parallel_loop3A_234 = arith.cmpf olt, %parallel_loop3A_229, %parallel_loop3A_233 : vector<16xf32>
        %parallel_loop3A_235 = arith.constant 1.270000e+02 : f32
        %parallel_loop3A_236 = vector.broadcast %parallel_loop3A_235 : f32 to vector<16xf32>
        %parallel_loop3A_237 = arith.select %parallel_loop3A_234, %parallel_loop3A_236, %parallel_loop3A_229 : vector<16xi1>, vector<16xf32>
        %parallel_loop3A_238 = arith.constant 1.000000e+00 : f32
        %parallel_loop3A_239 = vector.broadcast %parallel_loop3A_238 : f32 to vector<16xf32>
        %parallel_loop3A_240 = arith.divf %parallel_loop3A_239, %parallel_loop3A_237 : vector<16xf32>
        %parallel_loop3A_241 = arith.index_cast %parallel_loop3A_119 : i32 to index
        %parallel_loop3A_242 = arith.constant 1 : index
        %parallel_loop3A_243 = tpu.vector_load %arg5[%parallel_loop3A_241, %parallel_loop3A_242] {strides = array<i32>} : memref<128x64xf32, #tpu.memory_space<vmem>>, vector<16xf32>,
        %parallel_loop3A_244 = arith.subf %parallel_loop3A_243, %parallel_loop3A_159 : vector<16xf32>
        %parallel_loop3A_245 = arith.mulf %parallel_loop3A_244, %parallel_loop3A_240 : vector<16xf32>
        %parallel_loop3A_246 = arith.index_cast %parallel_loop3A_119 : i32 to index
        %parallel_loop3A_247 = arith.constant 0 : index
        %parallel_loop3A_248 = tpu.vector_load %arg10[%parallel_loop3A_246, %parallel_loop3A_247] {strides = array<i32>} : memref<128x80xf32, #tpu.memory_space<vmem>>, vector<16xf32>,
        tpu.vector_store %arg10[%parallel_loop3A_246, %parallel_loop3A_247], %parallel_loop3A_245 {strides = array<i32>} : memref<128x80xf32, #tpu.memory_space<vmem>>, vector<16xf32>,
        %parallel_loop3A_249 = arith.subf %parallel_loop3A_231, %parallel_loop3A_229 : vector<16xf32>
        %parallel_loop3A_250 = arith.mulf %parallel_loop3A_249, %parallel_loop3A_245 : vector<16xf32>
        %parallel_loop3A_251 = arith.subf %parallel_loop3A_159, %parallel_loop3A_250 : vector<16xf32>
        %parallel_loop3A_252 = arith.index_cast %parallel_loop3A_119 : i32 to index
        %parallel_loop3A_253 = arith.constant 0 : index
        %parallel_loop3A_254 = tpu.vector_load %arg9[%parallel_loop3A_252, %parallel_loop3A_253] {strides = array<i32>} : memref<128x80xf32, #tpu.memory_space<vmem>>, vector<16xf32>,
        tpu.vector_store %arg9[%parallel_loop3A_252, %parallel_loop3A_253], %parallel_loop3A_251 {strides = array<i32>} : memref<128x80xf32, #tpu.memory_space<vmem>>, vector<16xf32>,
        %parallel_loop3A_255 = arith.constant 1.280000e+02 : f32
        %parallel_loop3A_256 = vector.broadcast %parallel_loop3A_255 : f32 to vector<16xf32>
        %parallel_loop3A_257 = arith.subf %parallel_loop3A_256, %parallel_loop3A_231 : vector<16xf32>
        %parallel_loop3A_258 = arith.fptosi %parallel_loop3A_257 : vector<16xf32> to vector<16xi32>
        %parallel_loop3A_259 = arith.constant 128 : i32
        %parallel_loop3A_260 = vector.broadcast %parallel_loop3A_259 : i32 to vector<16xi32>
        %parallel_loop3A_261 = arith.subi %parallel_loop3A_260, %parallel_loop3A_258 : vector<16xi32>
        %parallel_loop3A_262 = arith.constant 127 : i32
        %parallel_loop3A_263 = vector.broadcast %parallel_loop3A_262 : i32 to vector<16xi32>
        %parallel_loop3A_264 = arith.minsi %parallel_loop3A_261, %parallel_loop3A_263 : vector<16xi32>
        tpu.vector_store_idx %arg11[%parallel_loop3A_120, %parallel_loop3A_264], %broadcast_in_dim3A_5 {add = true} : memref<128x128xi32, #tpu.memory_space<vmem>>[vector<16xi32>, vector<16xi32>], vector<16xi32>,
        %parallel_loop3A_265 = arith.mulf %parallel_loop3A_132, %parallel_loop3A_215 : vector<16xf32>
        %parallel_loop3A_266 = arith.addf %parallel_loop3A_150, %parallel_loop3A_178 : vector<16xf32>
        %parallel_loop3A_267 = arith.mulf %parallel_loop3A_266, %parallel_loop3A_215 : vector<16xf32>
        %parallel_loop3A_268 = arith.constant 1.270000e-03 : f32
        %parallel_loop3A_269 = vector.broadcast %parallel_loop3A_268 : f32 to vector<16xf32>
        %parallel_loop3A_270 = arith.cmpf olt, %parallel_loop3A_265, %parallel_loop3A_269 : vector<16xf32>
        %parallel_loop3A_271 = arith.constant 1.270000e+02 : f32
        %parallel_loop3A_272 = vector.broadcast %parallel_loop3A_271 : f32 to vector<16xf32>
        %parallel_loop3A_273 = arith.select %parallel_loop3A_270, %parallel_loop3A_272, %parallel_loop3A_265 : vector<16xi1>, vector<16xf32>
        %parallel_loop3A_274 = arith.constant 1.000000e+00 : f32
        %parallel_loop3A_275 = vector.broadcast %parallel_loop3A_274 : f32 to vector<16xf32>
        %parallel_loop3A_276 = arith.divf %parallel_loop3A_275, %parallel_loop3A_273 : vector<16xf32>
        %parallel_loop3A_277 = arith.index_cast %parallel_loop3A_119 : i32 to index
        %parallel_loop3A_278 = arith.constant 17 : index
        %parallel_loop3A_279 = tpu.vector_load %arg5[%parallel_loop3A_277, %parallel_loop3A_278] {strides = array<i32>} : memref<128x64xf32, #tpu.memory_space<vmem>>, vector<16xf32>,
        %parallel_loop3A_280 = arith.subf %parallel_loop3A_279, %parallel_loop3A_162 : vector<16xf32>
        %parallel_loop3A_281 = arith.mulf %parallel_loop3A_280, %parallel_loop3A_276 : vector<16xf32>
        %parallel_loop3A_282 = arith.index_cast %parallel_loop3A_119 : i32 to index
        %parallel_loop3A_283 = arith.constant 16 : index
        %parallel_loop3A_284 = tpu.vector_load %arg10[%parallel_loop3A_282, %parallel_loop3A_283] {strides = array<i32>} : memref<128x80xf32, #tpu.memory_space<vmem>>, vector<16xf32>,
        tpu.vector_store %arg10[%parallel_loop3A_282, %parallel_loop3A_283], %parallel_loop3A_281 {strides = array<i32>} : memref<128x80xf32, #tpu.memory_space<vmem>>, vector<16xf32>,
        %parallel_loop3A_285 = arith.subf %parallel_loop3A_267, %parallel_loop3A_265 : vector<16xf32>
        %parallel_loop3A_286 = arith.mulf %parallel_loop3A_285, %parallel_loop3A_281 : vector<16xf32>
        %parallel_loop3A_287 = arith.subf %parallel_loop3A_162, %parallel_loop3A_286 : vector<16xf32>
        %parallel_loop3A_288 = arith.index_cast %parallel_loop3A_119 : i32 to index
        %parallel_loop3A_289 = arith.constant 16 : index
        %parallel_loop3A_290 = tpu.vector_load %arg9[%parallel_loop3A_288, %parallel_loop3A_289] {strides = array<i32>} : memref<128x80xf32, #tpu.memory_space<vmem>>, vector<16xf32>,
        tpu.vector_store %arg9[%parallel_loop3A_288, %parallel_loop3A_289], %parallel_loop3A_287 {strides = array<i32>} : memref<128x80xf32, #tpu.memory_space<vmem>>, vector<16xf32>,
        %parallel_loop3A_291 = arith.constant 1.280000e+02 : f32
        %parallel_loop3A_292 = vector.broadcast %parallel_loop3A_291 : f32 to vector<16xf32>
        %parallel_loop3A_293 = arith.subf %parallel_loop3A_292, %parallel_loop3A_267 : vector<16xf32>
        %parallel_loop3A_294 = arith.fptosi %parallel_loop3A_293 : vector<16xf32> to vector<16xi32>
        %parallel_loop3A_295 = arith.constant 128 : i32
        %parallel_loop3A_296 = vector.broadcast %parallel_loop3A_295 : i32 to vector<16xi32>
        %parallel_loop3A_297 = arith.subi %parallel_loop3A_296, %parallel_loop3A_294 : vector<16xi32>
        %parallel_loop3A_298 = arith.constant 127 : i32
        %parallel_loop3A_299 = vector.broadcast %parallel_loop3A_298 : i32 to vector<16xi32>
        %parallel_loop3A_300 = arith.minsi %parallel_loop3A_297, %parallel_loop3A_299 : vector<16xi32>
        tpu.vector_store_idx %arg11[%parallel_loop3A_120, %parallel_loop3A_300], %broadcast_in_dim3A_5 {add = true} : memref<128x128xi32, #tpu.memory_space<vmem>>[vector<16xi32>, vector<16xi32>], vector<16xi32>,
        %parallel_loop3A_301 = arith.mulf %parallel_loop3A_138, %parallel_loop3A_215 : vector<16xf32>
        %parallel_loop3A_302 = arith.addf %parallel_loop3A_153, %parallel_loop3A_209 : vector<16xf32>
        %parallel_loop3A_303 = arith.mulf %parallel_loop3A_302, %parallel_loop3A_215 : vector<16xf32>
        %parallel_loop3A_304 = arith.constant 1.270000e-03 : f32
        %parallel_loop3A_305 = vector.broadcast %parallel_loop3A_304 : f32 to vector<16xf32>
        %parallel_loop3A_306 = arith.cmpf olt, %parallel_loop3A_301, %parallel_loop3A_305 : vector<16xf32>
        %parallel_loop3A_307 = arith.constant 1.270000e+02 : f32
        %parallel_loop3A_308 = vector.broadcast %parallel_loop3A_307 : f32 to vector<16xf32>
        %parallel_loop3A_309 = arith.select %parallel_loop3A_306, %parallel_loop3A_308, %parallel_loop3A_301 : vector<16xi1>, vector<16xf32>
        %parallel_loop3A_310 = arith.constant 1.000000e+00 : f32
        %parallel_loop3A_311 = vector.broadcast %parallel_loop3A_310 : f32 to vector<16xf32>
        %parallel_loop3A_312 = arith.divf %parallel_loop3A_311, %parallel_loop3A_309 : vector<16xf32>
        %parallel_loop3A_313 = arith.index_cast %parallel_loop3A_119 : i32 to index
        %parallel_loop3A_314 = arith.constant 33 : index
        %parallel_loop3A_315 = tpu.vector_load %arg5[%parallel_loop3A_313, %parallel_loop3A_314] {strides = array<i32>} : memref<128x64xf32, #tpu.memory_space<vmem>>, vector<16xf32>,
        %parallel_loop3A_316 = arith.subf %parallel_loop3A_315, %parallel_loop3A_165 : vector<16xf32>
        %parallel_loop3A_317 = arith.mulf %parallel_loop3A_316, %parallel_loop3A_312 : vector<16xf32>
        %parallel_loop3A_318 = arith.index_cast %parallel_loop3A_119 : i32 to index
        %parallel_loop3A_319 = arith.constant 32 : index
        %parallel_loop3A_320 = tpu.vector_load %arg10[%parallel_loop3A_318, %parallel_loop3A_319] {strides = array<i32>} : memref<128x80xf32, #tpu.memory_space<vmem>>, vector<16xf32>,
        tpu.vector_store %arg10[%parallel_loop3A_318, %parallel_loop3A_319], %parallel_loop3A_317 {strides = array<i32>} : memref<128x80xf32, #tpu.memory_space<vmem>>, vector<16xf32>,
        %parallel_loop3A_321 = arith.subf %parallel_loop3A_303, %parallel_loop3A_301 : vector<16xf32>
        %parallel_loop3A_322 = arith.mulf %parallel_loop3A_321, %parallel_loop3A_317 : vector<16xf32>
        %parallel_loop3A_323 = arith.subf %parallel_loop3A_165, %parallel_loop3A_322 : vector<16xf32>
        %parallel_loop3A_324 = arith.index_cast %parallel_loop3A_119 : i32 to index
        %parallel_loop3A_325 = arith.constant 32 : index
        %parallel_loop3A_326 = tpu.vector_load %arg9[%parallel_loop3A_324, %parallel_loop3A_325] {strides = array<i32>} : memref<128x80xf32, #tpu.memory_space<vmem>>, vector<16xf32>,
        tpu.vector_store %arg9[%parallel_loop3A_324, %parallel_loop3A_325], %parallel_loop3A_323 {strides = array<i32>} : memref<128x80xf32, #tpu.memory_space<vmem>>, vector<16xf32>,
        %parallel_loop3A_327 = arith.constant 1.280000e+02 : f32
        %parallel_loop3A_328 = vector.broadcast %parallel_loop3A_327 : f32 to vector<16xf32>
        %parallel_loop3A_329 = arith.subf %parallel_loop3A_328, %parallel_loop3A_303 : vector<16xf32>
        %parallel_loop3A_330 = arith.fptosi %parallel_loop3A_329 : vector<16xf32> to vector<16xi32>
        %parallel_loop3A_331 = arith.constant 128 : i32
        %parallel_loop3A_332 = vector.broadcast %parallel_loop3A_331 : i32 to vector<16xi32>
        %parallel_loop3A_333 = arith.subi %parallel_loop3A_332, %parallel_loop3A_330 : vector<16xi32>
        %parallel_loop3A_334 = arith.constant 127 : i32
        %parallel_loop3A_335 = vector.broadcast %parallel_loop3A_334 : i32 to vector<16xi32>
        %parallel_loop3A_336 = arith.minsi %parallel_loop3A_333, %parallel_loop3A_335 : vector<16xi32>
        tpu.vector_store_idx %arg11[%parallel_loop3A_120, %parallel_loop3A_336], %broadcast_in_dim3A_5 {add = true} : memref<128x128xi32, #tpu.memory_space<vmem>>[vector<16xi32>, vector<16xi32>], vector<16xi32>,
        %parallel_loop3A_337 = arith.mulf %parallel_loop3A_144, %parallel_loop3A_215 : vector<16xf32>
        %parallel_loop3A_338 = arith.addf %parallel_loop3A_156, %parallel_loop3A_211 : vector<16xf32>
        %parallel_loop3A_339 = arith.mulf %parallel_loop3A_338, %parallel_loop3A_215 : vector<16xf32>
        %parallel_loop3A_340 = arith.constant 1.270000e-03 : f32
        %parallel_loop3A_341 = vector.broadcast %parallel_loop3A_340 : f32 to vector<16xf32>
        %parallel_loop3A_342 = arith.cmpf olt, %parallel_loop3A_337, %parallel_loop3A_341 : vector<16xf32>
        %parallel_loop3A_343 = arith.constant 1.270000e+02 : f32
        %parallel_loop3A_344 = vector.broadcast %parallel_loop3A_343 : f32 to vector<16xf32>
        %parallel_loop3A_345 = arith.select %parallel_loop3A_342, %parallel_loop3A_344, %parallel_loop3A_337 : vector<16xi1>, vector<16xf32>
        %parallel_loop3A_346 = arith.constant 1.000000e+00 : f32
        %parallel_loop3A_347 = vector.broadcast %parallel_loop3A_346 : f32 to vector<16xf32>
        %parallel_loop3A_348 = arith.divf %parallel_loop3A_347, %parallel_loop3A_345 : vector<16xf32>
        %parallel_loop3A_349 = arith.constant 0 : i32
        %parallel_loop3A_350 = vector.broadcast %parallel_loop3A_349 : i32 to vector<16xi32>
        %parallel_loop3A_351 = arith.cmpi slt, %min3A_17, %parallel_loop3A_350 : vector<16xi32>
        %parallel_loop3A_352 = arith.constant 16 : i32
        %parallel_loop3A_353 = vector.broadcast %parallel_loop3A_352 : i32 to vector<16xi32>
        %parallel_loop3A_354 = arith.addi %min3A_17, %parallel_loop3A_353 : vector<16xi32>
        %parallel_loop3A_355 = arith.select %parallel_loop3A_351, %parallel_loop3A_354, %min3A_17 : vector<16xi1>, vector<16xi32>
        %parallel_loop3A_356 = vector.shape_cast %parallel_loop3A_355 : vector<16xi32> to vector<16x1xi32>
        %parallel_loop3A_357 = vector.shape_cast %parallel_loop3A_356 : vector<16x1xi32> to vector<16xi32>
        %parallel_loop3A_358 = tpu.dynamic_gather %parallel_loop3A_168[%parallel_loop3A_357] in [0] : vector<16xf32>, vector<16xi32> -> vector<16xf32>
        %parallel_loop3A_359 = arith.subf %parallel_loop3A_358, %parallel_loop3A_168 : vector<16xf32>
        %parallel_loop3A_360 = arith.select %eq3A_19, %broadcast_in_dim3A_7, %parallel_loop3A_359 : vector<16xi1>, vector<16xf32>
        %parallel_loop3A_361 = arith.mulf %parallel_loop3A_360, %parallel_loop3A_348 : vector<16xf32>
        %parallel_loop3A_362 = arith.index_cast %parallel_loop3A_119 : i32 to index
        %parallel_loop3A_363 = arith.constant 48 : index
        %parallel_loop3A_364 = tpu.vector_load %arg10[%parallel_loop3A_362, %parallel_loop3A_363] {strides = array<i32>} : memref<128x80xf32, #tpu.memory_space<vmem>>, vector<16xf32>,
        tpu.vector_store %arg10[%parallel_loop3A_362, %parallel_loop3A_363], %parallel_loop3A_361 {strides = array<i32>} : memref<128x80xf32, #tpu.memory_space<vmem>>, vector<16xf32>,
        %parallel_loop3A_365 = arith.subf %parallel_loop3A_339, %parallel_loop3A_337 : vector<16xf32>
        %parallel_loop3A_366 = arith.mulf %parallel_loop3A_365, %parallel_loop3A_361 : vector<16xf32>
        %parallel_loop3A_367 = arith.subf %parallel_loop3A_168, %parallel_loop3A_366 : vector<16xf32>
        %parallel_loop3A_368 = arith.index_cast %parallel_loop3A_119 : i32 to index
        %parallel_loop3A_369 = arith.constant 48 : index
        %parallel_loop3A_370 = tpu.vector_load %arg9[%parallel_loop3A_368, %parallel_loop3A_369] {strides = array<i32>} : memref<128x80xf32, #tpu.memory_space<vmem>>, vector<16xf32>,
        tpu.vector_store %arg9[%parallel_loop3A_368, %parallel_loop3A_369], %parallel_loop3A_367 {strides = array<i32>} : memref<128x80xf32, #tpu.memory_space<vmem>>, vector<16xf32>,
        %parallel_loop3A_371 = arith.constant 1.280000e+02 : f32
        %parallel_loop3A_372 = vector.broadcast %parallel_loop3A_371 : f32 to vector<16xf32>
        %parallel_loop3A_373 = arith.subf %parallel_loop3A_372, %parallel_loop3A_339 : vector<16xf32>
        %parallel_loop3A_374 = arith.fptosi %parallel_loop3A_373 : vector<16xf32> to vector<16xi32>
        %parallel_loop3A_375 = arith.constant 128 : i32
        %parallel_loop3A_376 = vector.broadcast %parallel_loop3A_375 : i32 to vector<16xi32>
        %parallel_loop3A_377 = arith.subi %parallel_loop3A_376, %parallel_loop3A_374 : vector<16xi32>
        %parallel_loop3A_378 = arith.constant 127 : i32
        %parallel_loop3A_379 = vector.broadcast %parallel_loop3A_378 : i32 to vector<16xi32>
        %parallel_loop3A_380 = arith.minsi %parallel_loop3A_377, %parallel_loop3A_379 : vector<16xi32>
        tpu.vector_store_idx %arg11[%parallel_loop3A_120, %parallel_loop3A_380], %broadcast_in_dim3A_5 {add = true} : memref<128x128xi32, #tpu.memory_space<vmem>>[vector<16xi32>, vector<16xi32>], vector<16xi32>,
      } {sc.loop_unroll_factor = 2 : i64, sc.parallel_access}
      %add3A_60 = arith.constant 1 : i32
      %add3A_61 = arith.addi %mul3A_45, %add3A_60 : i32
      %lt3A = arith.constant 32 : i32
      %lt3A_62 = arith.cmpi slt, %add3A_61, %lt3A : i32
      %convert_element_type3A_63 = arith.extui %lt3A_62 : i1 to i32
      %cond3A = arith.constant 0 : i32
      %cond3A_64 = arith.cmpi ne, %convert_element_type3A_63, %cond3A : i32
      scf.if %cond3A_64 {
        %add3A_119 = arith.constant 1 : i32
        %add3A_120 = arith.addi %mul3A_45, %add3A_119 : i32
        %mul3A_121 = arith.constant 128 : i32
        %mul3A_122 = arith.muli %add3A_120, %mul3A_121 : i32
        %add3A_123 = arith.addi %mul3A_2, %mul3A_122 : i32
        %dma_start3A_124 = arith.constant 0 : i32
        %dma_start3A_125 = tpu.memref_slice %arg2[%add3A_123, %dma_start3A_124] : memref<131072x64xf32, #tpu.memory_space<hbm>> -> memref<128x64xf32, #tpu.memory_space<hbm>>
        %dma_start3A_126 = arith.constant 0 : i32
        %dma_start3A_127 = tpu.memref_slice %arg2[%add3A_123, %dma_start3A_126] : memref<131072x64xf32, #tpu.memory_space<hbm>> -> memref<128x64xf32, #tpu.memory_space<hbm>>
        tpu.enqueue_dma source(%dma_start3A_127 : memref<128x64xf32, #tpu.memory_space<hbm>>) target(%arg5 : memref<128x64xf32, #tpu.memory_space<vmem>>) target_semaphore(%arg12 : memref<!tpu.dma_semaphore, #tpu.memory_space<semaphore_mem>>)
        %dma_start3A_128 = arith.constant 0 : i32
        %dma_start3A_129 = tpu.memref_slice %arg3[%add3A_123, %dma_start3A_128] : memref<131072x64xf32, #tpu.memory_space<hbm>> -> memref<128x64xf32, #tpu.memory_space<hbm>>
        %dma_start3A_130 = arith.constant 0 : i32
        %dma_start3A_131 = tpu.memref_slice %arg3[%add3A_123, %dma_start3A_130] : memref<131072x64xf32, #tpu.memory_space<hbm>> -> memref<128x64xf32, #tpu.memory_space<hbm>>
        tpu.enqueue_dma source(%dma_start3A_131 : memref<128x64xf32, #tpu.memory_space<hbm>>) target(%arg6 : memref<128x64xf32, #tpu.memory_space<vmem>>) target_semaphore(%arg13 : memref<!tpu.dma_semaphore, #tpu.memory_space<semaphore_mem>>)
      } else {
      }
      %gt3A = arith.constant 0 : i32
      %gt3A_65 = arith.cmpi sgt, %scan3A_43, %gt3A : i32
      %convert_element_type3A_66 = arith.extui %gt3A_65 : i1 to i32
      %cond3A_67 = arith.constant 0 : i32
      %cond3A_68 = arith.cmpi ne, %convert_element_type3A_66, %cond3A_67 : i32
      scf.if %cond3A_68 {
        %dma_wait3A_119 = arith.constant 0 : i32
        %dma_wait3A_120 = tpu.memref_slice %arg4[%mul3A_2, %dma_wait3A_119] : memref<131072x128xf32, #tpu.memory_space<hbm>> -> memref<128x128xf32, #tpu.memory_space<hbm>>
        %dma_wait3A_121 = arith.constant 0 : i32
        %dma_wait3A_122 = tpu.memref_slice %arg4[%mul3A_2, %dma_wait3A_121] : memref<131072x128xf32, #tpu.memory_space<hbm>> -> memref<128x128xf32, #tpu.memory_space<hbm>>
        tpu.wait_dma2 semaphore(%arg14 : memref<!tpu.dma_semaphore, #tpu.memory_space<semaphore_mem>>) src(%arg7 : memref<128x128xf32, #tpu.memory_space<vmem>>) dst(%dma_wait3A_122 : memref<128x128xf32, #tpu.memory_space<hbm>>)
      } else {
      }
      %parallel_loop3A_69 = arith.constant 0 : i32
      %parallel_loop3A_70 = arith.constant 128 : i32
      %parallel_loop3A_71 = arith.constant 1 : i32
      scf.for %parallel_loop3A_119 = %parallel_loop3A_69 to %parallel_loop3A_70 step %parallel_loop3A_71  : i32 {
        %parallel_loop3A_120 = vector.broadcast %parallel_loop3A_119 : i32 to vector<16xi32>
        %parallel_loop3A_121 = arith.index_cast %parallel_loop3A_119 : i32 to index
        %parallel_loop3A_122 = arith.constant 0 : index
        %parallel_loop3A_123 = tpu.vector_load %arg11[%parallel_loop3A_121, %parallel_loop3A_122] {strides = array<i32>} : memref<128x128xi32, #tpu.memory_space<vmem>>, vector<16xi32>,
        %parallel_loop3A_124 = arith.constant true
        %parallel_loop3A_125 = vector.broadcast %parallel_loop3A_124 : i1 to vector<16xi1>
        %parallel_loop3A_126 = tpu.scan <sum>, %parallel_loop3A_123 masked %parallel_loop3A_125 : vector<16xi32>, vector<16xi1> -> vector<16xi32>
        %parallel_loop3A_127 = arith.addi %parallel_loop3A_126, %broadcast_in_dim3A_3 : vector<16xi32>
        %parallel_loop3A_128 = arith.constant 0 : i32
        %parallel_loop3A_129 = vector.broadcast %parallel_loop3A_128 : i32 to vector<16xi32>
        %parallel_loop3A_130 = arith.cmpi slt, %broadcast_in_dim3A_11, %parallel_loop3A_129 : vector<16xi32>
        %parallel_loop3A_131 = arith.constant 16 : i32
        %parallel_loop3A_132 = vector.broadcast %parallel_loop3A_131 : i32 to vector<16xi32>
        %parallel_loop3A_133 = arith.addi %broadcast_in_dim3A_11, %parallel_loop3A_132 : vector<16xi32>
        %parallel_loop3A_134 = arith.select %parallel_loop3A_130, %parallel_loop3A_133, %broadcast_in_dim3A_11 : vector<16xi1>, vector<16xi32>
        %parallel_loop3A_135 = vector.shape_cast %parallel_loop3A_134 : vector<16xi32> to vector<16x1xi32>
        %parallel_loop3A_136 = vector.shape_cast %parallel_loop3A_135 : vector<16x1xi32> to vector<16xi32>
        %parallel_loop3A_137 = tpu.dynamic_gather %parallel_loop3A_126[%parallel_loop3A_136] in [0] : vector<16xi32>, vector<16xi32> -> vector<16xi32>
        %parallel_loop3A_138 = arith.addi %broadcast_in_dim3A_3, %parallel_loop3A_137 : vector<16xi32>
        %parallel_loop3A_139 = arith.index_cast %parallel_loop3A_119 : i32 to index
        %parallel_loop3A_140 = arith.constant 0 : index
        %parallel_loop3A_141 = tpu.vector_load %arg11[%parallel_loop3A_139, %parallel_loop3A_140] {strides = array<i32>} : memref<128x128xi32, #tpu.memory_space<vmem>>, vector<16xi32>,
        tpu.vector_store %arg11[%parallel_loop3A_139, %parallel_loop3A_140], %broadcast_in_dim3A_3 {strides = array<i32>} : memref<128x128xi32, #tpu.memory_space<vmem>>, vector<16xi32>,
        %parallel_loop3A_142 = tpu.vector_load_idx %arg9[%parallel_loop3A_120, %parallel_loop3A_127] : memref<128x80xf32, #tpu.memory_space<vmem>>[vector<16xi32>, vector<16xi32>], vector<16xf32>,
        %parallel_loop3A_143 = tpu.vector_load_idx %arg10[%parallel_loop3A_120, %parallel_loop3A_127] : memref<128x80xf32, #tpu.memory_space<vmem>>[vector<16xi32>, vector<16xi32>], vector<16xf32>,
        %parallel_loop3A_144 = arith.constant 0.000000e+00 : f32
        %parallel_loop3A_145 = vector.broadcast %parallel_loop3A_144 : f32 to vector<16xf32>
        %parallel_loop3A_146 = arith.addf %convert_element_type3A, %parallel_loop3A_145 : vector<16xf32>
        %parallel_loop3A_147 = arith.mulf %parallel_loop3A_146, %parallel_loop3A_143 : vector<16xf32>
        %parallel_loop3A_148 = arith.addf %parallel_loop3A_142, %parallel_loop3A_147 : vector<16xf32>
        %parallel_loop3A_149 = arith.index_cast %parallel_loop3A_119 : i32 to index
        %parallel_loop3A_150 = arith.constant 0 : index
        %parallel_loop3A_151 = tpu.vector_load %arg7[%parallel_loop3A_149, %parallel_loop3A_150] {strides = array<i32>} : memref<128x128xf32, #tpu.memory_space<vmem>>, vector<16xf32>,
        tpu.vector_store %arg7[%parallel_loop3A_149, %parallel_loop3A_150], %parallel_loop3A_148 {strides = array<i32>} : memref<128x128xf32, #tpu.memory_space<vmem>>, vector<16xf32>,
        %parallel_loop3A_152 = arith.index_cast %parallel_loop3A_119 : i32 to index
        %parallel_loop3A_153 = arith.constant 16 : index
        %parallel_loop3A_154 = tpu.vector_load %arg11[%parallel_loop3A_152, %parallel_loop3A_153] {strides = array<i32>} : memref<128x128xi32, #tpu.memory_space<vmem>>, vector<16xi32>,
        %parallel_loop3A_155 = arith.constant true
        %parallel_loop3A_156 = vector.broadcast %parallel_loop3A_155 : i1 to vector<16xi1>
        %parallel_loop3A_157 = tpu.scan <sum>, %parallel_loop3A_154 masked %parallel_loop3A_156 : vector<16xi32>, vector<16xi1> -> vector<16xi32>
        %parallel_loop3A_158 = arith.addi %parallel_loop3A_157, %parallel_loop3A_138 : vector<16xi32>
        %parallel_loop3A_159 = arith.constant 0 : i32
        %parallel_loop3A_160 = vector.broadcast %parallel_loop3A_159 : i32 to vector<16xi32>
        %parallel_loop3A_161 = arith.cmpi slt, %broadcast_in_dim3A_11, %parallel_loop3A_160 : vector<16xi32>
        %parallel_loop3A_162 = arith.constant 16 : i32
        %parallel_loop3A_163 = vector.broadcast %parallel_loop3A_162 : i32 to vector<16xi32>
        %parallel_loop3A_164 = arith.addi %broadcast_in_dim3A_11, %parallel_loop3A_163 : vector<16xi32>
        %parallel_loop3A_165 = arith.select %parallel_loop3A_161, %parallel_loop3A_164, %broadcast_in_dim3A_11 : vector<16xi1>, vector<16xi32>
        %parallel_loop3A_166 = vector.shape_cast %parallel_loop3A_165 : vector<16xi32> to vector<16x1xi32>
        %parallel_loop3A_167 = vector.shape_cast %parallel_loop3A_166 : vector<16x1xi32> to vector<16xi32>
        %parallel_loop3A_168 = tpu.dynamic_gather %parallel_loop3A_157[%parallel_loop3A_167] in [0] : vector<16xi32>, vector<16xi32> -> vector<16xi32>
        %parallel_loop3A_169 = arith.addi %parallel_loop3A_138, %parallel_loop3A_168 : vector<16xi32>
        %parallel_loop3A_170 = arith.index_cast %parallel_loop3A_119 : i32 to index
        %parallel_loop3A_171 = arith.constant 16 : index
        %parallel_loop3A_172 = tpu.vector_load %arg11[%parallel_loop3A_170, %parallel_loop3A_171] {strides = array<i32>} : memref<128x128xi32, #tpu.memory_space<vmem>>, vector<16xi32>,
        tpu.vector_store %arg11[%parallel_loop3A_170, %parallel_loop3A_171], %broadcast_in_dim3A_3 {strides = array<i32>} : memref<128x128xi32, #tpu.memory_space<vmem>>, vector<16xi32>,
        %parallel_loop3A_173 = tpu.vector_load_idx %arg9[%parallel_loop3A_120, %parallel_loop3A_158] : memref<128x80xf32, #tpu.memory_space<vmem>>[vector<16xi32>, vector<16xi32>], vector<16xf32>,
        %parallel_loop3A_174 = tpu.vector_load_idx %arg10[%parallel_loop3A_120, %parallel_loop3A_158] : memref<128x80xf32, #tpu.memory_space<vmem>>[vector<16xi32>, vector<16xi32>], vector<16xf32>,
        %parallel_loop3A_175 = arith.constant 1.600000e+01 : f32
        %parallel_loop3A_176 = vector.broadcast %parallel_loop3A_175 : f32 to vector<16xf32>
        %parallel_loop3A_177 = arith.addf %convert_element_type3A, %parallel_loop3A_176 : vector<16xf32>
        %parallel_loop3A_178 = arith.mulf %parallel_loop3A_177, %parallel_loop3A_174 : vector<16xf32>
        %parallel_loop3A_179 = arith.addf %parallel_loop3A_173, %parallel_loop3A_178 : vector<16xf32>
        %parallel_loop3A_180 = arith.index_cast %parallel_loop3A_119 : i32 to index
        %parallel_loop3A_181 = arith.constant 16 : index
        %parallel_loop3A_182 = tpu.vector_load %arg7[%parallel_loop3A_180, %parallel_loop3A_181] {strides = array<i32>} : memref<128x128xf32, #tpu.memory_space<vmem>>, vector<16xf32>,
        tpu.vector_store %arg7[%parallel_loop3A_180, %parallel_loop3A_181], %parallel_loop3A_179 {strides = array<i32>} : memref<128x128xf32, #tpu.memory_space<vmem>>, vector<16xf32>,
        %parallel_loop3A_183 = arith.index_cast %parallel_loop3A_119 : i32 to index
        %parallel_loop3A_184 = arith.constant 32 : index
        %parallel_loop3A_185 = tpu.vector_load %arg11[%parallel_loop3A_183, %parallel_loop3A_184] {strides = array<i32>} : memref<128x128xi32, #tpu.memory_space<vmem>>, vector<16xi32>,
        %parallel_loop3A_186 = arith.constant true
        %parallel_loop3A_187 = vector.broadcast %parallel_loop3A_186 : i1 to vector<16xi1>
        %parallel_loop3A_188 = tpu.scan <sum>, %parallel_loop3A_185 masked %parallel_loop3A_187 : vector<16xi32>, vector<16xi1> -> vector<16xi32>
        %parallel_loop3A_189 = arith.addi %parallel_loop3A_188, %parallel_loop3A_169 : vector<16xi32>
        %parallel_loop3A_190 = arith.constant 0 : i32
        %parallel_loop3A_191 = vector.broadcast %parallel_loop3A_190 : i32 to vector<16xi32>
        %parallel_loop3A_192 = arith.cmpi slt, %broadcast_in_dim3A_11, %parallel_loop3A_191 : vector<16xi32>
        %parallel_loop3A_193 = arith.constant 16 : i32
        %parallel_loop3A_194 = vector.broadcast %parallel_loop3A_193 : i32 to vector<16xi32>
        %parallel_loop3A_195 = arith.addi %broadcast_in_dim3A_11, %parallel_loop3A_194 : vector<16xi32>
        %parallel_loop3A_196 = arith.select %parallel_loop3A_192, %parallel_loop3A_195, %broadcast_in_dim3A_11 : vector<16xi1>, vector<16xi32>
        %parallel_loop3A_197 = vector.shape_cast %parallel_loop3A_196 : vector<16xi32> to vector<16x1xi32>
        %parallel_loop3A_198 = vector.shape_cast %parallel_loop3A_197 : vector<16x1xi32> to vector<16xi32>
        %parallel_loop3A_199 = tpu.dynamic_gather %parallel_loop3A_188[%parallel_loop3A_198] in [0] : vector<16xi32>, vector<16xi32> -> vector<16xi32>
        %parallel_loop3A_200 = arith.addi %parallel_loop3A_169, %parallel_loop3A_199 : vector<16xi32>
        %parallel_loop3A_201 = arith.index_cast %parallel_loop3A_119 : i32 to index
        %parallel_loop3A_202 = arith.constant 32 : index
        %parallel_loop3A_203 = tpu.vector_load %arg11[%parallel_loop3A_201, %parallel_loop3A_202] {strides = array<i32>} : memref<128x128xi32, #tpu.memory_space<vmem>>, vector<16xi32>,
        tpu.vector_store %arg11[%parallel_loop3A_201, %parallel_loop3A_202], %broadcast_in_dim3A_3 {strides = array<i32>} : memref<128x128xi32, #tpu.memory_space<vmem>>, vector<16xi32>,
        %parallel_loop3A_204 = tpu.vector_load_idx %arg9[%parallel_loop3A_120, %parallel_loop3A_189] : memref<128x80xf32, #tpu.memory_space<vmem>>[vector<16xi32>, vector<16xi32>], vector<16xf32>,
        %parallel_loop3A_205 = tpu.vector_load_idx %arg10[%parallel_loop3A_120, %parallel_loop3A_189] : memref<128x80xf32, #tpu.memory_space<vmem>>[vector<16xi32>, vector<16xi32>], vector<16xf32>,
        %parallel_loop3A_206 = arith.constant 3.200000e+01 : f32
        %parallel_loop3A_207 = vector.broadcast %parallel_loop3A_206 : f32 to vector<16xf32>
        %parallel_loop3A_208 = arith.addf %convert_element_type3A, %parallel_loop3A_207 : vector<16xf32>
        %parallel_loop3A_209 = arith.mulf %parallel_loop3A_208, %parallel_loop3A_205 : vector<16xf32>
        %parallel_loop3A_210 = arith.addf %parallel_loop3A_204, %parallel_loop3A_209 : vector<16xf32>
        %parallel_loop3A_211 = arith.index_cast %parallel_loop3A_119 : i32 to index
        %parallel_loop3A_212 = arith.constant 32 : index
        %parallel_loop3A_213 = tpu.vector_load %arg7[%parallel_loop3A_211, %parallel_loop3A_212] {strides = array<i32>} : memref<128x128xf32, #tpu.memory_space<vmem>>, vector<16xf32>,
        tpu.vector_store %arg7[%parallel_loop3A_211, %parallel_loop3A_212], %parallel_loop3A_210 {strides = array<i32>} : memref<128x128xf32, #tpu.memory_space<vmem>>, vector<16xf32>,
        %parallel_loop3A_214 = arith.index_cast %parallel_loop3A_119 : i32 to index
        %parallel_loop3A_215 = arith.constant 48 : index
        %parallel_loop3A_216 = tpu.vector_load %arg11[%parallel_loop3A_214, %parallel_loop3A_215] {strides = array<i32>} : memref<128x128xi32, #tpu.memory_space<vmem>>, vector<16xi32>,
        %parallel_loop3A_217 = arith.constant true
        %parallel_loop3A_218 = vector.broadcast %parallel_loop3A_217 : i1 to vector<16xi1>
        %parallel_loop3A_219 = tpu.scan <sum>, %parallel_loop3A_216 masked %parallel_loop3A_218 : vector<16xi32>, vector<16xi1> -> vector<16xi32>
        %parallel_loop3A_220 = arith.addi %parallel_loop3A_219, %parallel_loop3A_200 : vector<16xi32>
        %parallel_loop3A_221 = arith.constant 0 : i32
        %parallel_loop3A_222 = vector.broadcast %parallel_loop3A_221 : i32 to vector<16xi32>
        %parallel_loop3A_223 = arith.cmpi slt, %broadcast_in_dim3A_11, %parallel_loop3A_222 : vector<16xi32>
        %parallel_loop3A_224 = arith.constant 16 : i32
        %parallel_loop3A_225 = vector.broadcast %parallel_loop3A_224 : i32 to vector<16xi32>
        %parallel_loop3A_226 = arith.addi %broadcast_in_dim3A_11, %parallel_loop3A_225 : vector<16xi32>
        %parallel_loop3A_227 = arith.select %parallel_loop3A_223, %parallel_loop3A_226, %broadcast_in_dim3A_11 : vector<16xi1>, vector<16xi32>
        %parallel_loop3A_228 = vector.shape_cast %parallel_loop3A_227 : vector<16xi32> to vector<16x1xi32>
        %parallel_loop3A_229 = vector.shape_cast %parallel_loop3A_228 : vector<16x1xi32> to vector<16xi32>
        %parallel_loop3A_230 = tpu.dynamic_gather %parallel_loop3A_219[%parallel_loop3A_229] in [0] : vector<16xi32>, vector<16xi32> -> vector<16xi32>
        %parallel_loop3A_231 = arith.addi %parallel_loop3A_200, %parallel_loop3A_230 : vector<16xi32>
        %parallel_loop3A_232 = arith.index_cast %parallel_loop3A_119 : i32 to index
        %parallel_loop3A_233 = arith.constant 48 : index
        %parallel_loop3A_234 = tpu.vector_load %arg11[%parallel_loop3A_232, %parallel_loop3A_233] {strides = array<i32>} : memref<128x128xi32, #tpu.memory_space<vmem>>, vector<16xi32>,
        tpu.vector_store %arg11[%parallel_loop3A_232, %parallel_loop3A_233], %broadcast_in_dim3A_3 {strides = array<i32>} : memref<128x128xi32, #tpu.memory_space<vmem>>, vector<16xi32>,
        %parallel_loop3A_235 = tpu.vector_load_idx %arg9[%parallel_loop3A_120, %parallel_loop3A_220] : memref<128x80xf32, #tpu.memory_space<vmem>>[vector<16xi32>, vector<16xi32>], vector<16xf32>,
        %parallel_loop3A_236 = tpu.vector_load_idx %arg10[%parallel_loop3A_120, %parallel_loop3A_220] : memref<128x80xf32, #tpu.memory_space<vmem>>[vector<16xi32>, vector<16xi32>], vector<16xf32>,
        %parallel_loop3A_237 = arith.constant 4.800000e+01 : f32
        %parallel_loop3A_238 = vector.broadcast %parallel_loop3A_237 : f32 to vector<16xf32>
        %parallel_loop3A_239 = arith.addf %convert_element_type3A, %parallel_loop3A_238 : vector<16xf32>
        %parallel_loop3A_240 = arith.mulf %parallel_loop3A_239, %parallel_loop3A_236 : vector<16xf32>
        %parallel_loop3A_241 = arith.addf %parallel_loop3A_235, %parallel_loop3A_240 : vector<16xf32>
        %parallel_loop3A_242 = arith.index_cast %parallel_loop3A_119 : i32 to index
        %parallel_loop3A_243 = arith.constant 48 : index
        %parallel_loop3A_244 = tpu.vector_load %arg7[%parallel_loop3A_242, %parallel_loop3A_243] {strides = array<i32>} : memref<128x128xf32, #tpu.memory_space<vmem>>, vector<16xf32>,
        tpu.vector_store %arg7[%parallel_loop3A_242, %parallel_loop3A_243], %parallel_loop3A_241 {strides = array<i32>} : memref<128x128xf32, #tpu.memory_space<vmem>>, vector<16xf32>,
        %parallel_loop3A_245 = arith.index_cast %parallel_loop3A_119 : i32 to index
        %parallel_loop3A_246 = arith.constant 64 : index
        %parallel_loop3A_247 = tpu.vector_load %arg11[%parallel_loop3A_245, %parallel_loop3A_246] {strides = array<i32>} : memref<128x128xi32, #tpu.memory_space<vmem>>, vector<16xi32>,
        %parallel_loop3A_248 = arith.constant true
        %parallel_loop3A_249 = vector.broadcast %parallel_loop3A_248 : i1 to vector<16xi1>
        %parallel_loop3A_250 = tpu.scan <sum>, %parallel_loop3A_247 masked %parallel_loop3A_249 : vector<16xi32>, vector<16xi1> -> vector<16xi32>
        %parallel_loop3A_251 = arith.addi %parallel_loop3A_250, %parallel_loop3A_231 : vector<16xi32>
        %parallel_loop3A_252 = arith.constant 0 : i32
        %parallel_loop3A_253 = vector.broadcast %parallel_loop3A_252 : i32 to vector<16xi32>
        %parallel_loop3A_254 = arith.cmpi slt, %broadcast_in_dim3A_11, %parallel_loop3A_253 : vector<16xi32>
        %parallel_loop3A_255 = arith.constant 16 : i32
        %parallel_loop3A_256 = vector.broadcast %parallel_loop3A_255 : i32 to vector<16xi32>
        %parallel_loop3A_257 = arith.addi %broadcast_in_dim3A_11, %parallel_loop3A_256 : vector<16xi32>
        %parallel_loop3A_258 = arith.select %parallel_loop3A_254, %parallel_loop3A_257, %broadcast_in_dim3A_11 : vector<16xi1>, vector<16xi32>
        %parallel_loop3A_259 = vector.shape_cast %parallel_loop3A_258 : vector<16xi32> to vector<16x1xi32>
        %parallel_loop3A_260 = vector.shape_cast %parallel_loop3A_259 : vector<16x1xi32> to vector<16xi32>
        %parallel_loop3A_261 = tpu.dynamic_gather %parallel_loop3A_250[%parallel_loop3A_260] in [0] : vector<16xi32>, vector<16xi32> -> vector<16xi32>
        %parallel_loop3A_262 = arith.addi %parallel_loop3A_231, %parallel_loop3A_261 : vector<16xi32>
        %parallel_loop3A_263 = arith.index_cast %parallel_loop3A_119 : i32 to index
        %parallel_loop3A_264 = arith.constant 64 : index
        %parallel_loop3A_265 = tpu.vector_load %arg11[%parallel_loop3A_263, %parallel_loop3A_264] {strides = array<i32>} : memref<128x128xi32, #tpu.memory_space<vmem>>, vector<16xi32>,
        tpu.vector_store %arg11[%parallel_loop3A_263, %parallel_loop3A_264], %broadcast_in_dim3A_3 {strides = array<i32>} : memref<128x128xi32, #tpu.memory_space<vmem>>, vector<16xi32>,
        %parallel_loop3A_266 = tpu.vector_load_idx %arg9[%parallel_loop3A_120, %parallel_loop3A_251] : memref<128x80xf32, #tpu.memory_space<vmem>>[vector<16xi32>, vector<16xi32>], vector<16xf32>,
        %parallel_loop3A_267 = tpu.vector_load_idx %arg10[%parallel_loop3A_120, %parallel_loop3A_251] : memref<128x80xf32, #tpu.memory_space<vmem>>[vector<16xi32>, vector<16xi32>], vector<16xf32>,
        %parallel_loop3A_268 = arith.constant 6.400000e+01 : f32
        %parallel_loop3A_269 = vector.broadcast %parallel_loop3A_268 : f32 to vector<16xf32>
        %parallel_loop3A_270 = arith.addf %convert_element_type3A, %parallel_loop3A_269 : vector<16xf32>
        %parallel_loop3A_271 = arith.mulf %parallel_loop3A_270, %parallel_loop3A_267 : vector<16xf32>
        %parallel_loop3A_272 = arith.addf %parallel_loop3A_266, %parallel_loop3A_271 : vector<16xf32>
        %parallel_loop3A_273 = arith.index_cast %parallel_loop3A_119 : i32 to index
        %parallel_loop3A_274 = arith.constant 64 : index
        %parallel_loop3A_275 = tpu.vector_load %arg7[%parallel_loop3A_273, %parallel_loop3A_274] {strides = array<i32>} : memref<128x128xf32, #tpu.memory_space<vmem>>, vector<16xf32>,
        tpu.vector_store %arg7[%parallel_loop3A_273, %parallel_loop3A_274], %parallel_loop3A_272 {strides = array<i32>} : memref<128x128xf32, #tpu.memory_space<vmem>>, vector<16xf32>,
        %parallel_loop3A_276 = arith.index_cast %parallel_loop3A_119 : i32 to index
        %parallel_loop3A_277 = arith.constant 80 : index
        %parallel_loop3A_278 = tpu.vector_load %arg11[%parallel_loop3A_276, %parallel_loop3A_277] {strides = array<i32>} : memref<128x128xi32, #tpu.memory_space<vmem>>, vector<16xi32>,
        %parallel_loop3A_279 = arith.constant true
        %parallel_loop3A_280 = vector.broadcast %parallel_loop3A_279 : i1 to vector<16xi1>
        %parallel_loop3A_281 = tpu.scan <sum>, %parallel_loop3A_278 masked %parallel_loop3A_280 : vector<16xi32>, vector<16xi1> -> vector<16xi32>
        %parallel_loop3A_282 = arith.addi %parallel_loop3A_281, %parallel_loop3A_262 : vector<16xi32>
        %parallel_loop3A_283 = arith.constant 0 : i32
        %parallel_loop3A_284 = vector.broadcast %parallel_loop3A_283 : i32 to vector<16xi32>
        %parallel_loop3A_285 = arith.cmpi slt, %broadcast_in_dim3A_11, %parallel_loop3A_284 : vector<16xi32>
        %parallel_loop3A_286 = arith.constant 16 : i32
        %parallel_loop3A_287 = vector.broadcast %parallel_loop3A_286 : i32 to vector<16xi32>
        %parallel_loop3A_288 = arith.addi %broadcast_in_dim3A_11, %parallel_loop3A_287 : vector<16xi32>
        %parallel_loop3A_289 = arith.select %parallel_loop3A_285, %parallel_loop3A_288, %broadcast_in_dim3A_11 : vector<16xi1>, vector<16xi32>
        %parallel_loop3A_290 = vector.shape_cast %parallel_loop3A_289 : vector<16xi32> to vector<16x1xi32>
        %parallel_loop3A_291 = vector.shape_cast %parallel_loop3A_290 : vector<16x1xi32> to vector<16xi32>
        %parallel_loop3A_292 = tpu.dynamic_gather %parallel_loop3A_281[%parallel_loop3A_291] in [0] : vector<16xi32>, vector<16xi32> -> vector<16xi32>
        %parallel_loop3A_293 = arith.addi %parallel_loop3A_262, %parallel_loop3A_292 : vector<16xi32>
        %parallel_loop3A_294 = arith.index_cast %parallel_loop3A_119 : i32 to index
        %parallel_loop3A_295 = arith.constant 80 : index
        %parallel_loop3A_296 = tpu.vector_load %arg11[%parallel_loop3A_294, %parallel_loop3A_295] {strides = array<i32>} : memref<128x128xi32, #tpu.memory_space<vmem>>, vector<16xi32>,
        tpu.vector_store %arg11[%parallel_loop3A_294, %parallel_loop3A_295], %broadcast_in_dim3A_3 {strides = array<i32>} : memref<128x128xi32, #tpu.memory_space<vmem>>, vector<16xi32>,
        %parallel_loop3A_297 = tpu.vector_load_idx %arg9[%parallel_loop3A_120, %parallel_loop3A_282] : memref<128x80xf32, #tpu.memory_space<vmem>>[vector<16xi32>, vector<16xi32>], vector<16xf32>,
        %parallel_loop3A_298 = tpu.vector_load_idx %arg10[%parallel_loop3A_120, %parallel_loop3A_282] : memref<128x80xf32, #tpu.memory_space<vmem>>[vector<16xi32>, vector<16xi32>], vector<16xf32>,
        %parallel_loop3A_299 = arith.constant 8.000000e+01 : f32
        %parallel_loop3A_300 = vector.broadcast %parallel_loop3A_299 : f32 to vector<16xf32>
        %parallel_loop3A_301 = arith.addf %convert_element_type3A, %parallel_loop3A_300 : vector<16xf32>
        %parallel_loop3A_302 = arith.mulf %parallel_loop3A_301, %parallel_loop3A_298 : vector<16xf32>
        %parallel_loop3A_303 = arith.addf %parallel_loop3A_297, %parallel_loop3A_302 : vector<16xf32>
        %parallel_loop3A_304 = arith.index_cast %parallel_loop3A_119 : i32 to index
        %parallel_loop3A_305 = arith.constant 80 : index
        %parallel_loop3A_306 = tpu.vector_load %arg7[%parallel_loop3A_304, %parallel_loop3A_305] {strides = array<i32>} : memref<128x128xf32, #tpu.memory_space<vmem>>, vector<16xf32>,
        tpu.vector_store %arg7[%parallel_loop3A_304, %parallel_loop3A_305], %parallel_loop3A_303 {strides = array<i32>} : memref<128x128xf32, #tpu.memory_space<vmem>>, vector<16xf32>,
        %parallel_loop3A_307 = arith.index_cast %parallel_loop3A_119 : i32 to index
        %parallel_loop3A_308 = arith.constant 96 : index
        %parallel_loop3A_309 = tpu.vector_load %arg11[%parallel_loop3A_307, %parallel_loop3A_308] {strides = array<i32>} : memref<128x128xi32, #tpu.memory_space<vmem>>, vector<16xi32>,
        %parallel_loop3A_310 = arith.constant true
        %parallel_loop3A_311 = vector.broadcast %parallel_loop3A_310 : i1 to vector<16xi1>
        %parallel_loop3A_312 = tpu.scan <sum>, %parallel_loop3A_309 masked %parallel_loop3A_311 : vector<16xi32>, vector<16xi1> -> vector<16xi32>
        %parallel_loop3A_313 = arith.addi %parallel_loop3A_312, %parallel_loop3A_293 : vector<16xi32>
        %parallel_loop3A_314 = arith.constant 0 : i32
        %parallel_loop3A_315 = vector.broadcast %parallel_loop3A_314 : i32 to vector<16xi32>
        %parallel_loop3A_316 = arith.cmpi slt, %broadcast_in_dim3A_11, %parallel_loop3A_315 : vector<16xi32>
        %parallel_loop3A_317 = arith.constant 16 : i32
        %parallel_loop3A_318 = vector.broadcast %parallel_loop3A_317 : i32 to vector<16xi32>
        %parallel_loop3A_319 = arith.addi %broadcast_in_dim3A_11, %parallel_loop3A_318 : vector<16xi32>
        %parallel_loop3A_320 = arith.select %parallel_loop3A_316, %parallel_loop3A_319, %broadcast_in_dim3A_11 : vector<16xi1>, vector<16xi32>
        %parallel_loop3A_321 = vector.shape_cast %parallel_loop3A_320 : vector<16xi32> to vector<16x1xi32>
        %parallel_loop3A_322 = vector.shape_cast %parallel_loop3A_321 : vector<16x1xi32> to vector<16xi32>
        %parallel_loop3A_323 = tpu.dynamic_gather %parallel_loop3A_312[%parallel_loop3A_322] in [0] : vector<16xi32>, vector<16xi32> -> vector<16xi32>
        %parallel_loop3A_324 = arith.addi %parallel_loop3A_293, %parallel_loop3A_323 : vector<16xi32>
        %parallel_loop3A_325 = arith.index_cast %parallel_loop3A_119 : i32 to index
        %parallel_loop3A_326 = arith.constant 96 : index
        %parallel_loop3A_327 = tpu.vector_load %arg11[%parallel_loop3A_325, %parallel_loop3A_326] {strides = array<i32>} : memref<128x128xi32, #tpu.memory_space<vmem>>, vector<16xi32>,
        tpu.vector_store %arg11[%parallel_loop3A_325, %parallel_loop3A_326], %broadcast_in_dim3A_3 {strides = array<i32>} : memref<128x128xi32, #tpu.memory_space<vmem>>, vector<16xi32>,
        %parallel_loop3A_328 = tpu.vector_load_idx %arg9[%parallel_loop3A_120, %parallel_loop3A_313] : memref<128x80xf32, #tpu.memory_space<vmem>>[vector<16xi32>, vector<16xi32>], vector<16xf32>,
        %parallel_loop3A_329 = tpu.vector_load_idx %arg10[%parallel_loop3A_120, %parallel_loop3A_313] : memref<128x80xf32, #tpu.memory_space<vmem>>[vector<16xi32>, vector<16xi32>], vector<16xf32>,
        %parallel_loop3A_330 = arith.constant 9.600000e+01 : f32
        %parallel_loop3A_331 = vector.broadcast %parallel_loop3A_330 : f32 to vector<16xf32>
        %parallel_loop3A_332 = arith.addf %convert_element_type3A, %parallel_loop3A_331 : vector<16xf32>
        %parallel_loop3A_333 = arith.mulf %parallel_loop3A_332, %parallel_loop3A_329 : vector<16xf32>
        %parallel_loop3A_334 = arith.addf %parallel_loop3A_328, %parallel_loop3A_333 : vector<16xf32>
        %parallel_loop3A_335 = arith.index_cast %parallel_loop3A_119 : i32 to index
        %parallel_loop3A_336 = arith.constant 96 : index
        %parallel_loop3A_337 = tpu.vector_load %arg7[%parallel_loop3A_335, %parallel_loop3A_336] {strides = array<i32>} : memref<128x128xf32, #tpu.memory_space<vmem>>, vector<16xf32>,
        tpu.vector_store %arg7[%parallel_loop3A_335, %parallel_loop3A_336], %parallel_loop3A_334 {strides = array<i32>} : memref<128x128xf32, #tpu.memory_space<vmem>>, vector<16xf32>,
        %parallel_loop3A_338 = arith.index_cast %parallel_loop3A_119 : i32 to index
        %parallel_loop3A_339 = arith.constant 112 : index
        %parallel_loop3A_340 = tpu.vector_load %arg11[%parallel_loop3A_338, %parallel_loop3A_339] {strides = array<i32>} : memref<128x128xi32, #tpu.memory_space<vmem>>, vector<16xi32>,
        %parallel_loop3A_341 = arith.constant true
        %parallel_loop3A_342 = vector.broadcast %parallel_loop3A_341 : i1 to vector<16xi1>
        %parallel_loop3A_343 = tpu.scan <sum>, %parallel_loop3A_340 masked %parallel_loop3A_342 : vector<16xi32>, vector<16xi1> -> vector<16xi32>
        %parallel_loop3A_344 = arith.addi %parallel_loop3A_343, %parallel_loop3A_324 : vector<16xi32>
        %parallel_loop3A_345 = arith.index_cast %parallel_loop3A_119 : i32 to index
        %parallel_loop3A_346 = arith.constant 112 : index
        %parallel_loop3A_347 = tpu.vector_load %arg11[%parallel_loop3A_345, %parallel_loop3A_346] {strides = array<i32>} : memref<128x128xi32, #tpu.memory_space<vmem>>, vector<16xi32>,
        tpu.vector_store %arg11[%parallel_loop3A_345, %parallel_loop3A_346], %broadcast_in_dim3A_3 {strides = array<i32>} : memref<128x128xi32, #tpu.memory_space<vmem>>, vector<16xi32>,
        %parallel_loop3A_348 = tpu.vector_load_idx %arg9[%parallel_loop3A_120, %parallel_loop3A_344] : memref<128x80xf32, #tpu.memory_space<vmem>>[vector<16xi32>, vector<16xi32>], vector<16xf32>,
        %parallel_loop3A_349 = tpu.vector_load_idx %arg10[%parallel_loop3A_120, %parallel_loop3A_344] : memref<128x80xf32, #tpu.memory_space<vmem>>[vector<16xi32>, vector<16xi32>], vector<16xf32>,
        %parallel_loop3A_350 = arith.constant 1.120000e+02 : f32
        %parallel_loop3A_351 = vector.broadcast %parallel_loop3A_350 : f32 to vector<16xf32>
        %parallel_loop3A_352 = arith.addf %convert_element_type3A, %parallel_loop3A_351 : vector<16xf32>
        %parallel_loop3A_353 = arith.mulf %parallel_loop3A_352, %parallel_loop3A_349 : vector<16xf32>
        %parallel_loop3A_354 = arith.addf %parallel_loop3A_348, %parallel_loop3A_353 : vector<16xf32>
        %parallel_loop3A_355 = arith.index_cast %parallel_loop3A_119 : i32 to index
        %parallel_loop3A_356 = arith.constant 112 : index
        %parallel_loop3A_357 = tpu.vector_load %arg7[%parallel_loop3A_355, %parallel_loop3A_356] {strides = array<i32>} : memref<128x128xf32, #tpu.memory_space<vmem>>, vector<16xf32>,
        tpu.vector_store %arg7[%parallel_loop3A_355, %parallel_loop3A_356], %parallel_loop3A_354 {strides = array<i32>} : memref<128x128xf32, #tpu.memory_space<vmem>>, vector<16xf32>,
      } {sc.loop_unroll_factor = 2 : i64, sc.parallel_access}
      %mul3A_72 = arith.constant 128 : i32
      %mul3A_73 = arith.muli %mul3A_45, %mul3A_72 : i32
      %add3A_74 = arith.addi %mul3A_2, %mul3A_73 : i32
      %dma_start3A_75 = arith.constant 0 : i32
      %dma_start3A_76 = tpu.memref_slice %arg4[%add3A_74, %dma_start3A_75] : memref<131072x128xf32, #tpu.memory_space<hbm>> -> memref<128x128xf32, #tpu.memory_space<hbm>>
      %dma_start3A_77 = arith.constant 0 : i32
      %dma_start3A_78 = tpu.memref_slice %arg4[%add3A_74, %dma_start3A_77] : memref<131072x128xf32, #tpu.memory_space<hbm>> -> memref<128x128xf32, #tpu.memory_space<hbm>>
      tpu.enqueue_dma source(%arg7 : memref<128x128xf32, #tpu.memory_space<vmem>>) target(%dma_start3A_78 : memref<128x128xf32, #tpu.memory_space<hbm>>) target_semaphore(%arg14 : memref<!tpu.dma_semaphore, #tpu.memory_space<semaphore_mem>>)
      %mul3A_79 = arith.constant 2 : i32
      %mul3A_80 = arith.muli %mul3A_79, %scan3A_43 : i32
      %add3A_81 = arith.constant 1 : i32
      %add3A_82 = arith.addi %mul3A_80, %add3A_81 : i32
      %mul3A_83 = arith.constant 128 : i32
      %mul3A_84 = arith.muli %add3A_82, %mul3A_83 : i32
      %add3A_85 = arith.addi %mul3A_2, %mul3A_84 : i32
      %dma_wait3A_86 = arith.constant 0 : i32
      %dma_wait3A_87 = tpu.memref_slice %arg2[%add3A_85, %dma_wait3A_86] : memref<131072x64xf32, #tpu.memory_space<hbm>> -> memref<128x64xf32, #tpu.memory_space<hbm>>
      %dma_wait3A_88 = arith.constant 0 : i32
      %dma_wait3A_89 = tpu.memref_slice %arg2[%add3A_85, %dma_wait3A_88] : memref<131072x64xf32, #tpu.memory_space<hbm>> -> memref<128x64xf32, #tpu.memory_space<hbm>>
      tpu.wait_dma2 semaphore(%arg12 : memref<!tpu.dma_semaphore, #tpu.memory_space<semaphore_mem>>) src(%dma_wait3A_89 : memref<128x64xf32, #tpu.memory_space<hbm>>) dst(%arg5 : memref<128x64xf32, #tpu.memory_space<vmem>>)
      %dma_wait3A_90 = arith.constant 0 : i32
      %dma_wait3A_91 = tpu.memref_slice %arg3[%add3A_85, %dma_wait3A_90] : memref<131072x64xf32, #tpu.memory_space<hbm>> -> memref<128x64xf32, #tpu.memory_space<hbm>>
      %dma_wait3A_92 = arith.constant 0 : i32
      %dma_wait3A_93 = tpu.memref_slice %arg3[%add3A_85, %dma_wait3A_92] : memref<131072x64xf32, #tpu.memory_space<hbm>> -> memref<128x64xf32, #tpu.memory_space<hbm>>
      tpu.wait_dma2 semaphore(%arg13 : memref<!tpu.dma_semaphore, #tpu.memory_space<semaphore_mem>>) src(%dma_wait3A_93 : memref<128x64xf32, #tpu.memory_space<hbm>>) dst(%arg6 : memref<128x64xf32, #tpu.memory_space<vmem>>)
      %parallel_loop3A_94 = arith.constant 0 : i32
      %parallel_loop3A_95 = arith.constant 128 : i32
      %parallel_loop3A_96 = arith.constant 1 : i32
      scf.for %parallel_loop3A_119 = %parallel_loop3A_94 to %parallel_loop3A_95 step %parallel_loop3A_96  : i32 {
        %parallel_loop3A_120 = vector.broadcast %parallel_loop3A_119 : i32 to vector<16xi32>
        %parallel_loop3A_121 = arith.index_cast %parallel_loop3A_119 : i32 to index
        %parallel_loop3A_122 = arith.constant 0 : index
        %parallel_loop3A_123 = tpu.vector_load %arg6[%parallel_loop3A_121, %parallel_loop3A_122] {strides = array<i32>} : memref<128x64xf32, #tpu.memory_space<vmem>>, vector<16xf32>,
        %parallel_loop3A_124 = arith.constant 9.99999974E-6 : f32
        %parallel_loop3A_125 = vector.broadcast %parallel_loop3A_124 : f32 to vector<16xf32>
        %parallel_loop3A_126 = arith.addf %parallel_loop3A_123, %parallel_loop3A_125 : vector<16xf32>
        %parallel_loop3A_127 = arith.index_cast %parallel_loop3A_119 : i32 to index
        %parallel_loop3A_128 = arith.constant 16 : index
        %parallel_loop3A_129 = tpu.vector_load %arg6[%parallel_loop3A_127, %parallel_loop3A_128] {strides = array<i32>} : memref<128x64xf32, #tpu.memory_space<vmem>>, vector<16xf32>,
        %parallel_loop3A_130 = arith.constant 9.99999974E-6 : f32
        %parallel_loop3A_131 = vector.broadcast %parallel_loop3A_130 : f32 to vector<16xf32>
        %parallel_loop3A_132 = arith.addf %parallel_loop3A_129, %parallel_loop3A_131 : vector<16xf32>
        %parallel_loop3A_133 = arith.index_cast %parallel_loop3A_119 : i32 to index
        %parallel_loop3A_134 = arith.constant 32 : index
        %parallel_loop3A_135 = tpu.vector_load %arg6[%parallel_loop3A_133, %parallel_loop3A_134] {strides = array<i32>} : memref<128x64xf32, #tpu.memory_space<vmem>>, vector<16xf32>,
        %parallel_loop3A_136 = arith.constant 9.99999974E-6 : f32
        %parallel_loop3A_137 = vector.broadcast %parallel_loop3A_136 : f32 to vector<16xf32>
        %parallel_loop3A_138 = arith.addf %parallel_loop3A_135, %parallel_loop3A_137 : vector<16xf32>
        %parallel_loop3A_139 = arith.index_cast %parallel_loop3A_119 : i32 to index
        %parallel_loop3A_140 = arith.constant 48 : index
        %parallel_loop3A_141 = tpu.vector_load %arg6[%parallel_loop3A_139, %parallel_loop3A_140] {strides = array<i32>} : memref<128x64xf32, #tpu.memory_space<vmem>>, vector<16xf32>,
        %parallel_loop3A_142 = arith.constant 9.99999974E-6 : f32
        %parallel_loop3A_143 = vector.broadcast %parallel_loop3A_142 : f32 to vector<16xf32>
        %parallel_loop3A_144 = arith.addf %parallel_loop3A_141, %parallel_loop3A_143 : vector<16xf32>
        %parallel_loop3A_145 = arith.constant true
        %parallel_loop3A_146 = vector.broadcast %parallel_loop3A_145 : i1 to vector<16xi1>
        %parallel_loop3A_147 = tpu.scan <sum>, %parallel_loop3A_126 masked %parallel_loop3A_146 : vector<16xf32>, vector<16xi1> -> vector<16xf32>
        %parallel_loop3A_148 = arith.constant true
        %parallel_loop3A_149 = vector.broadcast %parallel_loop3A_148 : i1 to vector<16xi1>
        %parallel_loop3A_150 = tpu.scan <sum>, %parallel_loop3A_132 masked %parallel_loop3A_149 : vector<16xf32>, vector<16xi1> -> vector<16xf32>
        %parallel_loop3A_151 = arith.constant true
        %parallel_loop3A_152 = vector.broadcast %parallel_loop3A_151 : i1 to vector<16xi1>
        %parallel_loop3A_153 = tpu.scan <sum>, %parallel_loop3A_138 masked %parallel_loop3A_152 : vector<16xf32>, vector<16xi1> -> vector<16xf32>
        %parallel_loop3A_154 = arith.constant true
        %parallel_loop3A_155 = vector.broadcast %parallel_loop3A_154 : i1 to vector<16xi1>
        %parallel_loop3A_156 = tpu.scan <sum>, %parallel_loop3A_144 masked %parallel_loop3A_155 : vector<16xf32>, vector<16xi1> -> vector<16xf32>
        %parallel_loop3A_157 = arith.index_cast %parallel_loop3A_119 : i32 to index
        %parallel_loop3A_158 = arith.constant 0 : index
        %parallel_loop3A_159 = tpu.vector_load %arg5[%parallel_loop3A_157, %parallel_loop3A_158] {strides = array<i32>} : memref<128x64xf32, #tpu.memory_space<vmem>>, vector<16xf32>,
        %parallel_loop3A_160 = arith.index_cast %parallel_loop3A_119 : i32 to index
        %parallel_loop3A_161 = arith.constant 16 : index
        %parallel_loop3A_162 = tpu.vector_load %arg5[%parallel_loop3A_160, %parallel_loop3A_161] {strides = array<i32>} : memref<128x64xf32, #tpu.memory_space<vmem>>, vector<16xf32>,
        %parallel_loop3A_163 = arith.index_cast %parallel_loop3A_119 : i32 to index
        %parallel_loop3A_164 = arith.constant 32 : index
        %parallel_loop3A_165 = tpu.vector_load %arg5[%parallel_loop3A_163, %parallel_loop3A_164] {strides = array<i32>} : memref<128x64xf32, #tpu.memory_space<vmem>>, vector<16xf32>,
        %parallel_loop3A_166 = arith.index_cast %parallel_loop3A_119 : i32 to index
        %parallel_loop3A_167 = arith.constant 48 : index
        %parallel_loop3A_168 = tpu.vector_load %arg5[%parallel_loop3A_166, %parallel_loop3A_167] {strides = array<i32>} : memref<128x64xf32, #tpu.memory_space<vmem>>, vector<16xf32>,
        %parallel_loop3A_169 = arith.constant 0 : i32
        %parallel_loop3A_170 = vector.broadcast %parallel_loop3A_169 : i32 to vector<16xi32>
        %parallel_loop3A_171 = arith.cmpi slt, %broadcast_in_dim3A_11, %parallel_loop3A_170 : vector<16xi32>
        %parallel_loop3A_172 = arith.constant 16 : i32
        %parallel_loop3A_173 = vector.broadcast %parallel_loop3A_172 : i32 to vector<16xi32>
        %parallel_loop3A_174 = arith.addi %broadcast_in_dim3A_11, %parallel_loop3A_173 : vector<16xi32>
        %parallel_loop3A_175 = arith.select %parallel_loop3A_171, %parallel_loop3A_174, %broadcast_in_dim3A_11 : vector<16xi1>, vector<16xi32>
        %parallel_loop3A_176 = vector.shape_cast %parallel_loop3A_175 : vector<16xi32> to vector<16x1xi32>
        %parallel_loop3A_177 = vector.shape_cast %parallel_loop3A_176 : vector<16x1xi32> to vector<16xi32>
        %parallel_loop3A_178 = tpu.dynamic_gather %parallel_loop3A_147[%parallel_loop3A_177] in [0] : vector<16xf32>, vector<16xi32> -> vector<16xf32>
        %parallel_loop3A_179 = arith.constant 0 : i32
        %parallel_loop3A_180 = vector.broadcast %parallel_loop3A_179 : i32 to vector<16xi32>
        %parallel_loop3A_181 = arith.cmpi slt, %broadcast_in_dim3A_11, %parallel_loop3A_180 : vector<16xi32>
        %parallel_loop3A_182 = arith.constant 16 : i32
        %parallel_loop3A_183 = vector.broadcast %parallel_loop3A_182 : i32 to vector<16xi32>
        %parallel_loop3A_184 = arith.addi %broadcast_in_dim3A_11, %parallel_loop3A_183 : vector<16xi32>
        %parallel_loop3A_185 = arith.select %parallel_loop3A_181, %parallel_loop3A_184, %broadcast_in_dim3A_11 : vector<16xi1>, vector<16xi32>
        %parallel_loop3A_186 = vector.shape_cast %parallel_loop3A_185 : vector<16xi32> to vector<16x1xi32>
        %parallel_loop3A_187 = vector.shape_cast %parallel_loop3A_186 : vector<16x1xi32> to vector<16xi32>
        %parallel_loop3A_188 = tpu.dynamic_gather %parallel_loop3A_150[%parallel_loop3A_187] in [0] : vector<16xf32>, vector<16xi32> -> vector<16xf32>
        %parallel_loop3A_189 = arith.constant 0 : i32
        %parallel_loop3A_190 = vector.broadcast %parallel_loop3A_189 : i32 to vector<16xi32>
        %parallel_loop3A_191 = arith.cmpi slt, %broadcast_in_dim3A_11, %parallel_loop3A_190 : vector<16xi32>
        %parallel_loop3A_192 = arith.constant 16 : i32
        %parallel_loop3A_193 = vector.broadcast %parallel_loop3A_192 : i32 to vector<16xi32>
        %parallel_loop3A_194 = arith.addi %broadcast_in_dim3A_11, %parallel_loop3A_193 : vector<16xi32>
        %parallel_loop3A_195 = arith.select %parallel_loop3A_191, %parallel_loop3A_194, %broadcast_in_dim3A_11 : vector<16xi1>, vector<16xi32>
        %parallel_loop3A_196 = vector.shape_cast %parallel_loop3A_195 : vector<16xi32> to vector<16x1xi32>
        %parallel_loop3A_197 = vector.shape_cast %parallel_loop3A_196 : vector<16x1xi32> to vector<16xi32>
        %parallel_loop3A_198 = tpu.dynamic_gather %parallel_loop3A_153[%parallel_loop3A_197] in [0] : vector<16xf32>, vector<16xi32> -> vector<16xf32>
        %parallel_loop3A_199 = arith.constant 0 : i32
        %parallel_loop3A_200 = vector.broadcast %parallel_loop3A_199 : i32 to vector<16xi32>
        %parallel_loop3A_201 = arith.cmpi slt, %broadcast_in_dim3A_11, %parallel_loop3A_200 : vector<16xi32>
        %parallel_loop3A_202 = arith.constant 16 : i32
        %parallel_loop3A_203 = vector.broadcast %parallel_loop3A_202 : i32 to vector<16xi32>
        %parallel_loop3A_204 = arith.addi %broadcast_in_dim3A_11, %parallel_loop3A_203 : vector<16xi32>
        %parallel_loop3A_205 = arith.select %parallel_loop3A_201, %parallel_loop3A_204, %broadcast_in_dim3A_11 : vector<16xi1>, vector<16xi32>
        %parallel_loop3A_206 = vector.shape_cast %parallel_loop3A_205 : vector<16xi32> to vector<16x1xi32>
        %parallel_loop3A_207 = vector.shape_cast %parallel_loop3A_206 : vector<16x1xi32> to vector<16xi32>
        %parallel_loop3A_208 = tpu.dynamic_gather %parallel_loop3A_156[%parallel_loop3A_207] in [0] : vector<16xf32>, vector<16xi32> -> vector<16xf32>
        %parallel_loop3A_209 = arith.addf %parallel_loop3A_178, %parallel_loop3A_188 : vector<16xf32>
        %parallel_loop3A_210 = arith.addf %parallel_loop3A_178, %parallel_loop3A_188 : vector<16xf32>
        %parallel_loop3A_211 = arith.addf %parallel_loop3A_210, %parallel_loop3A_198 : vector<16xf32>
        %parallel_loop3A_212 = arith.addf %parallel_loop3A_211, %parallel_loop3A_208 : vector<16xf32>
        %parallel_loop3A_213 = arith.constant 1.270000e+02 : f32
        %parallel_loop3A_214 = vector.broadcast %parallel_loop3A_213 : f32 to vector<16xf32>
        %parallel_loop3A_215 = arith.divf %parallel_loop3A_214, %parallel_loop3A_212 : vector<16xf32>
        %parallel_loop3A_216 = arith.constant 0 : i32
        %parallel_loop3A_217 = vector.broadcast %parallel_loop3A_216 : i32 to vector<16xi32>
        %parallel_loop3A_218 = arith.cmpi slt, %broadcast_in_dim3A_11, %parallel_loop3A_217 : vector<16xi32>
        %parallel_loop3A_219 = arith.constant 16 : i32
        %parallel_loop3A_220 = vector.broadcast %parallel_loop3A_219 : i32 to vector<16xi32>
        %parallel_loop3A_221 = arith.addi %broadcast_in_dim3A_11, %parallel_loop3A_220 : vector<16xi32>
        %parallel_loop3A_222 = arith.select %parallel_loop3A_218, %parallel_loop3A_221, %broadcast_in_dim3A_11 : vector<16xi1>, vector<16xi32>
        %parallel_loop3A_223 = vector.shape_cast %parallel_loop3A_222 : vector<16xi32> to vector<16x1xi32>
        %parallel_loop3A_224 = vector.shape_cast %parallel_loop3A_223 : vector<16x1xi32> to vector<16xi32>
        %parallel_loop3A_225 = tpu.dynamic_gather %parallel_loop3A_168[%parallel_loop3A_224] in [0] : vector<16xf32>, vector<16xi32> -> vector<16xf32>
        %parallel_loop3A_226 = arith.index_cast %parallel_loop3A_119 : i32 to index
        %parallel_loop3A_227 = arith.constant 64 : index
        %parallel_loop3A_228 = tpu.vector_load %arg9[%parallel_loop3A_226, %parallel_loop3A_227] {strides = array<i32>} : memref<128x80xf32, #tpu.memory_space<vmem>>, vector<16xf32>,
        tpu.vector_store %arg9[%parallel_loop3A_226, %parallel_loop3A_227], %parallel_loop3A_225 {strides = array<i32>} : memref<128x80xf32, #tpu.memory_space<vmem>>, vector<16xf32>,
        %parallel_loop3A_229 = arith.mulf %parallel_loop3A_126, %parallel_loop3A_215 : vector<16xf32>
        %parallel_loop3A_230 = arith.addf %parallel_loop3A_147, %broadcast_in_dim3A_7 : vector<16xf32>
        %parallel_loop3A_231 = arith.mulf %parallel_loop3A_230, %parallel_loop3A_215 : vector<16xf32>
        %parallel_loop3A_232 = arith.constant 1.270000e-03 : f32
        %parallel_loop3A_233 = vector.broadcast %parallel_loop3A_232 : f32 to vector<16xf32>
        %parallel_loop3A_234 = arith.cmpf olt, %parallel_loop3A_229, %parallel_loop3A_233 : vector<16xf32>
        %parallel_loop3A_235 = arith.constant 1.270000e+02 : f32
        %parallel_loop3A_236 = vector.broadcast %parallel_loop3A_235 : f32 to vector<16xf32>
        %parallel_loop3A_237 = arith.select %parallel_loop3A_234, %parallel_loop3A_236, %parallel_loop3A_229 : vector<16xi1>, vector<16xf32>
        %parallel_loop3A_238 = arith.constant 1.000000e+00 : f32
        %parallel_loop3A_239 = vector.broadcast %parallel_loop3A_238 : f32 to vector<16xf32>
        %parallel_loop3A_240 = arith.divf %parallel_loop3A_239, %parallel_loop3A_237 : vector<16xf32>
        %parallel_loop3A_241 = arith.index_cast %parallel_loop3A_119 : i32 to index
        %parallel_loop3A_242 = arith.constant 1 : index
        %parallel_loop3A_243 = tpu.vector_load %arg5[%parallel_loop3A_241, %parallel_loop3A_242] {strides = array<i32>} : memref<128x64xf32, #tpu.memory_space<vmem>>, vector<16xf32>,
        %parallel_loop3A_244 = arith.subf %parallel_loop3A_243, %parallel_loop3A_159 : vector<16xf32>
        %parallel_loop3A_245 = arith.mulf %parallel_loop3A_244, %parallel_loop3A_240 : vector<16xf32>
        %parallel_loop3A_246 = arith.index_cast %parallel_loop3A_119 : i32 to index
        %parallel_loop3A_247 = arith.constant 0 : index
        %parallel_loop3A_248 = tpu.vector_load %arg10[%parallel_loop3A_246, %parallel_loop3A_247] {strides = array<i32>} : memref<128x80xf32, #tpu.memory_space<vmem>>, vector<16xf32>,
        tpu.vector_store %arg10[%parallel_loop3A_246, %parallel_loop3A_247], %parallel_loop3A_245 {strides = array<i32>} : memref<128x80xf32, #tpu.memory_space<vmem>>, vector<16xf32>,
        %parallel_loop3A_249 = arith.subf %parallel_loop3A_231, %parallel_loop3A_229 : vector<16xf32>
        %parallel_loop3A_250 = arith.mulf %parallel_loop3A_249, %parallel_loop3A_245 : vector<16xf32>
        %parallel_loop3A_251 = arith.subf %parallel_loop3A_159, %parallel_loop3A_250 : vector<16xf32>
        %parallel_loop3A_252 = arith.index_cast %parallel_loop3A_119 : i32 to index
        %parallel_loop3A_253 = arith.constant 0 : index
        %parallel_loop3A_254 = tpu.vector_load %arg9[%parallel_loop3A_252, %parallel_loop3A_253] {strides = array<i32>} : memref<128x80xf32, #tpu.memory_space<vmem>>, vector<16xf32>,
        tpu.vector_store %arg9[%parallel_loop3A_252, %parallel_loop3A_253], %parallel_loop3A_251 {strides = array<i32>} : memref<128x80xf32, #tpu.memory_space<vmem>>, vector<16xf32>,
        %parallel_loop3A_255 = arith.constant 1.280000e+02 : f32
        %parallel_loop3A_256 = vector.broadcast %parallel_loop3A_255 : f32 to vector<16xf32>
        %parallel_loop3A_257 = arith.subf %parallel_loop3A_256, %parallel_loop3A_231 : vector<16xf32>
        %parallel_loop3A_258 = arith.fptosi %parallel_loop3A_257 : vector<16xf32> to vector<16xi32>
        %parallel_loop3A_259 = arith.constant 128 : i32
        %parallel_loop3A_260 = vector.broadcast %parallel_loop3A_259 : i32 to vector<16xi32>
        %parallel_loop3A_261 = arith.subi %parallel_loop3A_260, %parallel_loop3A_258 : vector<16xi32>
        %parallel_loop3A_262 = arith.constant 127 : i32
        %parallel_loop3A_263 = vector.broadcast %parallel_loop3A_262 : i32 to vector<16xi32>
        %parallel_loop3A_264 = arith.minsi %parallel_loop3A_261, %parallel_loop3A_263 : vector<16xi32>
        tpu.vector_store_idx %arg11[%parallel_loop3A_120, %parallel_loop3A_264], %broadcast_in_dim3A_5 {add = true} : memref<128x128xi32, #tpu.memory_space<vmem>>[vector<16xi32>, vector<16xi32>], vector<16xi32>,
        %parallel_loop3A_265 = arith.mulf %parallel_loop3A_132, %parallel_loop3A_215 : vector<16xf32>
        %parallel_loop3A_266 = arith.addf %parallel_loop3A_150, %parallel_loop3A_178 : vector<16xf32>
        %parallel_loop3A_267 = arith.mulf %parallel_loop3A_266, %parallel_loop3A_215 : vector<16xf32>
        %parallel_loop3A_268 = arith.constant 1.270000e-03 : f32
        %parallel_loop3A_269 = vector.broadcast %parallel_loop3A_268 : f32 to vector<16xf32>
        %parallel_loop3A_270 = arith.cmpf olt, %parallel_loop3A_265, %parallel_loop3A_269 : vector<16xf32>
        %parallel_loop3A_271 = arith.constant 1.270000e+02 : f32
        %parallel_loop3A_272 = vector.broadcast %parallel_loop3A_271 : f32 to vector<16xf32>
        %parallel_loop3A_273 = arith.select %parallel_loop3A_270, %parallel_loop3A_272, %parallel_loop3A_265 : vector<16xi1>, vector<16xf32>
        %parallel_loop3A_274 = arith.constant 1.000000e+00 : f32
        %parallel_loop3A_275 = vector.broadcast %parallel_loop3A_274 : f32 to vector<16xf32>
        %parallel_loop3A_276 = arith.divf %parallel_loop3A_275, %parallel_loop3A_273 : vector<16xf32>
        %parallel_loop3A_277 = arith.index_cast %parallel_loop3A_119 : i32 to index
        %parallel_loop3A_278 = arith.constant 17 : index
        %parallel_loop3A_279 = tpu.vector_load %arg5[%parallel_loop3A_277, %parallel_loop3A_278] {strides = array<i32>} : memref<128x64xf32, #tpu.memory_space<vmem>>, vector<16xf32>,
        %parallel_loop3A_280 = arith.subf %parallel_loop3A_279, %parallel_loop3A_162 : vector<16xf32>
        %parallel_loop3A_281 = arith.mulf %parallel_loop3A_280, %parallel_loop3A_276 : vector<16xf32>
        %parallel_loop3A_282 = arith.index_cast %parallel_loop3A_119 : i32 to index
        %parallel_loop3A_283 = arith.constant 16 : index
        %parallel_loop3A_284 = tpu.vector_load %arg10[%parallel_loop3A_282, %parallel_loop3A_283] {strides = array<i32>} : memref<128x80xf32, #tpu.memory_space<vmem>>, vector<16xf32>,
        tpu.vector_store %arg10[%parallel_loop3A_282, %parallel_loop3A_283], %parallel_loop3A_281 {strides = array<i32>} : memref<128x80xf32, #tpu.memory_space<vmem>>, vector<16xf32>,
        %parallel_loop3A_285 = arith.subf %parallel_loop3A_267, %parallel_loop3A_265 : vector<16xf32>
        %parallel_loop3A_286 = arith.mulf %parallel_loop3A_285, %parallel_loop3A_281 : vector<16xf32>
        %parallel_loop3A_287 = arith.subf %parallel_loop3A_162, %parallel_loop3A_286 : vector<16xf32>
        %parallel_loop3A_288 = arith.index_cast %parallel_loop3A_119 : i32 to index
        %parallel_loop3A_289 = arith.constant 16 : index
        %parallel_loop3A_290 = tpu.vector_load %arg9[%parallel_loop3A_288, %parallel_loop3A_289] {strides = array<i32>} : memref<128x80xf32, #tpu.memory_space<vmem>>, vector<16xf32>,
        tpu.vector_store %arg9[%parallel_loop3A_288, %parallel_loop3A_289], %parallel_loop3A_287 {strides = array<i32>} : memref<128x80xf32, #tpu.memory_space<vmem>>, vector<16xf32>,
        %parallel_loop3A_291 = arith.constant 1.280000e+02 : f32
        %parallel_loop3A_292 = vector.broadcast %parallel_loop3A_291 : f32 to vector<16xf32>
        %parallel_loop3A_293 = arith.subf %parallel_loop3A_292, %parallel_loop3A_267 : vector<16xf32>
        %parallel_loop3A_294 = arith.fptosi %parallel_loop3A_293 : vector<16xf32> to vector<16xi32>
        %parallel_loop3A_295 = arith.constant 128 : i32
        %parallel_loop3A_296 = vector.broadcast %parallel_loop3A_295 : i32 to vector<16xi32>
        %parallel_loop3A_297 = arith.subi %parallel_loop3A_296, %parallel_loop3A_294 : vector<16xi32>
        %parallel_loop3A_298 = arith.constant 127 : i32
        %parallel_loop3A_299 = vector.broadcast %parallel_loop3A_298 : i32 to vector<16xi32>
        %parallel_loop3A_300 = arith.minsi %parallel_loop3A_297, %parallel_loop3A_299 : vector<16xi32>
        tpu.vector_store_idx %arg11[%parallel_loop3A_120, %parallel_loop3A_300], %broadcast_in_dim3A_5 {add = true} : memref<128x128xi32, #tpu.memory_space<vmem>>[vector<16xi32>, vector<16xi32>], vector<16xi32>,
        %parallel_loop3A_301 = arith.mulf %parallel_loop3A_138, %parallel_loop3A_215 : vector<16xf32>
        %parallel_loop3A_302 = arith.addf %parallel_loop3A_153, %parallel_loop3A_209 : vector<16xf32>
        %parallel_loop3A_303 = arith.mulf %parallel_loop3A_302, %parallel_loop3A_215 : vector<16xf32>
        %parallel_loop3A_304 = arith.constant 1.270000e-03 : f32
        %parallel_loop3A_305 = vector.broadcast %parallel_loop3A_304 : f32 to vector<16xf32>
        %parallel_loop3A_306 = arith.cmpf olt, %parallel_loop3A_301, %parallel_loop3A_305 : vector<16xf32>
        %parallel_loop3A_307 = arith.constant 1.270000e+02 : f32
        %parallel_loop3A_308 = vector.broadcast %parallel_loop3A_307 : f32 to vector<16xf32>
        %parallel_loop3A_309 = arith.select %parallel_loop3A_306, %parallel_loop3A_308, %parallel_loop3A_301 : vector<16xi1>, vector<16xf32>
        %parallel_loop3A_310 = arith.constant 1.000000e+00 : f32
        %parallel_loop3A_311 = vector.broadcast %parallel_loop3A_310 : f32 to vector<16xf32>
        %parallel_loop3A_312 = arith.divf %parallel_loop3A_311, %parallel_loop3A_309 : vector<16xf32>
        %parallel_loop3A_313 = arith.index_cast %parallel_loop3A_119 : i32 to index
        %parallel_loop3A_314 = arith.constant 33 : index
        %parallel_loop3A_315 = tpu.vector_load %arg5[%parallel_loop3A_313, %parallel_loop3A_314] {strides = array<i32>} : memref<128x64xf32, #tpu.memory_space<vmem>>, vector<16xf32>,
        %parallel_loop3A_316 = arith.subf %parallel_loop3A_315, %parallel_loop3A_165 : vector<16xf32>
        %parallel_loop3A_317 = arith.mulf %parallel_loop3A_316, %parallel_loop3A_312 : vector<16xf32>
        %parallel_loop3A_318 = arith.index_cast %parallel_loop3A_119 : i32 to index
        %parallel_loop3A_319 = arith.constant 32 : index
        %parallel_loop3A_320 = tpu.vector_load %arg10[%parallel_loop3A_318, %parallel_loop3A_319] {strides = array<i32>} : memref<128x80xf32, #tpu.memory_space<vmem>>, vector<16xf32>,
        tpu.vector_store %arg10[%parallel_loop3A_318, %parallel_loop3A_319], %parallel_loop3A_317 {strides = array<i32>} : memref<128x80xf32, #tpu.memory_space<vmem>>, vector<16xf32>,
        %parallel_loop3A_321 = arith.subf %parallel_loop3A_303, %parallel_loop3A_301 : vector<16xf32>
        %parallel_loop3A_322 = arith.mulf %parallel_loop3A_321, %parallel_loop3A_317 : vector<16xf32>
        %parallel_loop3A_323 = arith.subf %parallel_loop3A_165, %parallel_loop3A_322 : vector<16xf32>
        %parallel_loop3A_324 = arith.index_cast %parallel_loop3A_119 : i32 to index
        %parallel_loop3A_325 = arith.constant 32 : index
        %parallel_loop3A_326 = tpu.vector_load %arg9[%parallel_loop3A_324, %parallel_loop3A_325] {strides = array<i32>} : memref<128x80xf32, #tpu.memory_space<vmem>>, vector<16xf32>,
        tpu.vector_store %arg9[%parallel_loop3A_324, %parallel_loop3A_325], %parallel_loop3A_323 {strides = array<i32>} : memref<128x80xf32, #tpu.memory_space<vmem>>, vector<16xf32>,
        %parallel_loop3A_327 = arith.constant 1.280000e+02 : f32
        %parallel_loop3A_328 = vector.broadcast %parallel_loop3A_327 : f32 to vector<16xf32>
        %parallel_loop3A_329 = arith.subf %parallel_loop3A_328, %parallel_loop3A_303 : vector<16xf32>
        %parallel_loop3A_330 = arith.fptosi %parallel_loop3A_329 : vector<16xf32> to vector<16xi32>
        %parallel_loop3A_331 = arith.constant 128 : i32
        %parallel_loop3A_332 = vector.broadcast %parallel_loop3A_331 : i32 to vector<16xi32>
        %parallel_loop3A_333 = arith.subi %parallel_loop3A_332, %parallel_loop3A_330 : vector<16xi32>
        %parallel_loop3A_334 = arith.constant 127 : i32
        %parallel_loop3A_335 = vector.broadcast %parallel_loop3A_334 : i32 to vector<16xi32>
        %parallel_loop3A_336 = arith.minsi %parallel_loop3A_333, %parallel_loop3A_335 : vector<16xi32>
        tpu.vector_store_idx %arg11[%parallel_loop3A_120, %parallel_loop3A_336], %broadcast_in_dim3A_5 {add = true} : memref<128x128xi32, #tpu.memory_space<vmem>>[vector<16xi32>, vector<16xi32>], vector<16xi32>,
        %parallel_loop3A_337 = arith.mulf %parallel_loop3A_144, %parallel_loop3A_215 : vector<16xf32>
        %parallel_loop3A_338 = arith.addf %parallel_loop3A_156, %parallel_loop3A_211 : vector<16xf32>
        %parallel_loop3A_339 = arith.mulf %parallel_loop3A_338, %parallel_loop3A_215 : vector<16xf32>
        %parallel_loop3A_340 = arith.constant 1.270000e-03 : f32
        %parallel_loop3A_341 = vector.broadcast %parallel_loop3A_340 : f32 to vector<16xf32>
        %parallel_loop3A_342 = arith.cmpf olt, %parallel_loop3A_337, %parallel_loop3A_341 : vector<16xf32>
        %parallel_loop3A_343 = arith.constant 1.270000e+02 : f32
        %parallel_loop3A_344 = vector.broadcast %parallel_loop3A_343 : f32 to vector<16xf32>
        %parallel_loop3A_345 = arith.select %parallel_loop3A_342, %parallel_loop3A_344, %parallel_loop3A_337 : vector<16xi1>, vector<16xf32>
        %parallel_loop3A_346 = arith.constant 1.000000e+00 : f32
        %parallel_loop3A_347 = vector.broadcast %parallel_loop3A_346 : f32 to vector<16xf32>
        %parallel_loop3A_348 = arith.divf %parallel_loop3A_347, %parallel_loop3A_345 : vector<16xf32>
        %parallel_loop3A_349 = arith.constant 0 : i32
        %parallel_loop3A_350 = vector.broadcast %parallel_loop3A_349 : i32 to vector<16xi32>
        %parallel_loop3A_351 = arith.cmpi slt, %min3A_17, %parallel_loop3A_350 : vector<16xi32>
        %parallel_loop3A_352 = arith.constant 16 : i32
        %parallel_loop3A_353 = vector.broadcast %parallel_loop3A_352 : i32 to vector<16xi32>
        %parallel_loop3A_354 = arith.addi %min3A_17, %parallel_loop3A_353 : vector<16xi32>
        %parallel_loop3A_355 = arith.select %parallel_loop3A_351, %parallel_loop3A_354, %min3A_17 : vector<16xi1>, vector<16xi32>
        %parallel_loop3A_356 = vector.shape_cast %parallel_loop3A_355 : vector<16xi32> to vector<16x1xi32>
        %parallel_loop3A_357 = vector.shape_cast %parallel_loop3A_356 : vector<16x1xi32> to vector<16xi32>
        %parallel_loop3A_358 = tpu.dynamic_gather %parallel_loop3A_168[%parallel_loop3A_357] in [0] : vector<16xf32>, vector<16xi32> -> vector<16xf32>
        %parallel_loop3A_359 = arith.subf %parallel_loop3A_358, %parallel_loop3A_168 : vector<16xf32>
        %parallel_loop3A_360 = arith.select %eq3A_19, %broadcast_in_dim3A_7, %parallel_loop3A_359 : vector<16xi1>, vector<16xf32>
        %parallel_loop3A_361 = arith.mulf %parallel_loop3A_360, %parallel_loop3A_348 : vector<16xf32>
        %parallel_loop3A_362 = arith.index_cast %parallel_loop3A_119 : i32 to index
        %parallel_loop3A_363 = arith.constant 48 : index
        %parallel_loop3A_364 = tpu.vector_load %arg10[%parallel_loop3A_362, %parallel_loop3A_363] {strides = array<i32>} : memref<128x80xf32, #tpu.memory_space<vmem>>, vector<16xf32>,
        tpu.vector_store %arg10[%parallel_loop3A_362, %parallel_loop3A_363], %parallel_loop3A_361 {strides = array<i32>} : memref<128x80xf32, #tpu.memory_space<vmem>>, vector<16xf32>,
        %parallel_loop3A_365 = arith.subf %parallel_loop3A_339, %parallel_loop3A_337 : vector<16xf32>
        %parallel_loop3A_366 = arith.mulf %parallel_loop3A_365, %parallel_loop3A_361 : vector<16xf32>
        %parallel_loop3A_367 = arith.subf %parallel_loop3A_168, %parallel_loop3A_366 : vector<16xf32>
        %parallel_loop3A_368 = arith.index_cast %parallel_loop3A_119 : i32 to index
        %parallel_loop3A_369 = arith.constant 48 : index
        %parallel_loop3A_370 = tpu.vector_load %arg9[%parallel_loop3A_368, %parallel_loop3A_369] {strides = array<i32>} : memref<128x80xf32, #tpu.memory_space<vmem>>, vector<16xf32>,
        tpu.vector_store %arg9[%parallel_loop3A_368, %parallel_loop3A_369], %parallel_loop3A_367 {strides = array<i32>} : memref<128x80xf32, #tpu.memory_space<vmem>>, vector<16xf32>,
        %parallel_loop3A_371 = arith.constant 1.280000e+02 : f32
        %parallel_loop3A_372 = vector.broadcast %parallel_loop3A_371 : f32 to vector<16xf32>
        %parallel_loop3A_373 = arith.subf %parallel_loop3A_372, %parallel_loop3A_339 : vector<16xf32>
        %parallel_loop3A_374 = arith.fptosi %parallel_loop3A_373 : vector<16xf32> to vector<16xi32>
        %parallel_loop3A_375 = arith.constant 128 : i32
        %parallel_loop3A_376 = vector.broadcast %parallel_loop3A_375 : i32 to vector<16xi32>
        %parallel_loop3A_377 = arith.subi %parallel_loop3A_376, %parallel_loop3A_374 : vector<16xi32>
        %parallel_loop3A_378 = arith.constant 127 : i32
        %parallel_loop3A_379 = vector.broadcast %parallel_loop3A_378 : i32 to vector<16xi32>
        %parallel_loop3A_380 = arith.minsi %parallel_loop3A_377, %parallel_loop3A_379 : vector<16xi32>
        tpu.vector_store_idx %arg11[%parallel_loop3A_120, %parallel_loop3A_380], %broadcast_in_dim3A_5 {add = true} : memref<128x128xi32, #tpu.memory_space<vmem>>[vector<16xi32>, vector<16xi32>], vector<16xi32>,
      } {sc.loop_unroll_factor = 2 : i64, sc.parallel_access}
      %add3A_97 = arith.constant 1 : i32
      %add3A_98 = arith.addi %add3A_82, %add3A_97 : i32
      %lt3A_99 = arith.constant 32 : i32
      %lt3A_100 = arith.cmpi slt, %add3A_98, %lt3A_99 : i32
      %convert_element_type3A_101 = arith.extui %lt3A_100 : i1 to i32
      %cond3A_102 = arith.constant 0 : i32
      %cond3A_103 = arith.cmpi ne, %convert_element_type3A_101, %cond3A_102 : i32
      scf.if %cond3A_103 {
        %add3A_119 = arith.constant 1 : i32
        %add3A_120 = arith.addi %add3A_82, %add3A_119 : i32
        %mul3A_121 = arith.constant 128 : i32
        %mul3A_122 = arith.muli %add3A_120, %mul3A_121 : i32
        %add3A_123 = arith.addi %mul3A_2, %mul3A_122 : i32
        %dma_start3A_124 = arith.constant 0 : i32
        %dma_start3A_125 = tpu.memref_slice %arg2[%add3A_123, %dma_start3A_124] : memref<131072x64xf32, #tpu.memory_space<hbm>> -> memref<128x64xf32, #tpu.memory_space<hbm>>
        %dma_start3A_126 = arith.constant 0 : i32
        %dma_start3A_127 = tpu.memref_slice %arg2[%add3A_123, %dma_start3A_126] : memref<131072x64xf32, #tpu.memory_space<hbm>> -> memref<128x64xf32, #tpu.memory_space<hbm>>
        tpu.enqueue_dma source(%dma_start3A_127 : memref<128x64xf32, #tpu.memory_space<hbm>>) target(%arg5 : memref<128x64xf32, #tpu.memory_space<vmem>>) target_semaphore(%arg12 : memref<!tpu.dma_semaphore, #tpu.memory_space<semaphore_mem>>)
        %dma_start3A_128 = arith.constant 0 : i32
        %dma_start3A_129 = tpu.memref_slice %arg3[%add3A_123, %dma_start3A_128] : memref<131072x64xf32, #tpu.memory_space<hbm>> -> memref<128x64xf32, #tpu.memory_space<hbm>>
        %dma_start3A_130 = arith.constant 0 : i32
        %dma_start3A_131 = tpu.memref_slice %arg3[%add3A_123, %dma_start3A_130] : memref<131072x64xf32, #tpu.memory_space<hbm>> -> memref<128x64xf32, #tpu.memory_space<hbm>>
        tpu.enqueue_dma source(%dma_start3A_131 : memref<128x64xf32, #tpu.memory_space<hbm>>) target(%arg6 : memref<128x64xf32, #tpu.memory_space<vmem>>) target_semaphore(%arg13 : memref<!tpu.dma_semaphore, #tpu.memory_space<semaphore_mem>>)
      } else {
      }
      %gt3A_104 = arith.constant 0 : i32
      %gt3A_105 = arith.cmpi sgt, %scan3A_43, %gt3A_104 : i32
      %convert_element_type3A_106 = arith.extui %gt3A_105 : i1 to i32
      %cond3A_107 = arith.constant 0 : i32
      %cond3A_108 = arith.cmpi ne, %convert_element_type3A_106, %cond3A_107 : i32
      scf.if %cond3A_108 {
        %dma_wait3A_119 = arith.constant 0 : i32
        %dma_wait3A_120 = tpu.memref_slice %arg4[%mul3A_2, %dma_wait3A_119] : memref<131072x128xf32, #tpu.memory_space<hbm>> -> memref<128x128xf32, #tpu.memory_space<hbm>>
        %dma_wait3A_121 = arith.constant 0 : i32
        %dma_wait3A_122 = tpu.memref_slice %arg4[%mul3A_2, %dma_wait3A_121] : memref<131072x128xf32, #tpu.memory_space<hbm>> -> memref<128x128xf32, #tpu.memory_space<hbm>>
        tpu.wait_dma2 semaphore(%arg15 : memref<!tpu.dma_semaphore, #tpu.memory_space<semaphore_mem>>) src(%arg8 : memref<128x128xf32, #tpu.memory_space<vmem>>) dst(%dma_wait3A_122 : memref<128x128xf32, #tpu.memory_space<hbm>>)
      } else {
      }
      %parallel_loop3A_109 = arith.constant 0 : i32
      %parallel_loop3A_110 = arith.constant 128 : i32
      %parallel_loop3A_111 = arith.constant 1 : i32
      scf.for %parallel_loop3A_119 = %parallel_loop3A_109 to %parallel_loop3A_110 step %parallel_loop3A_111  : i32 {
        %parallel_loop3A_120 = vector.broadcast %parallel_loop3A_119 : i32 to vector<16xi32>
        %parallel_loop3A_121 = arith.index_cast %parallel_loop3A_119 : i32 to index
        %parallel_loop3A_122 = arith.constant 0 : index
        %parallel_loop3A_123 = tpu.vector_load %arg11[%parallel_loop3A_121, %parallel_loop3A_122] {strides = array<i32>} : memref<128x128xi32, #tpu.memory_space<vmem>>, vector<16xi32>,
        %parallel_loop3A_124 = arith.constant true
        %parallel_loop3A_125 = vector.broadcast %parallel_loop3A_124 : i1 to vector<16xi1>
        %parallel_loop3A_126 = tpu.scan <sum>, %parallel_loop3A_123 masked %parallel_loop3A_125 : vector<16xi32>, vector<16xi1> -> vector<16xi32>
        %parallel_loop3A_127 = arith.addi %parallel_loop3A_126, %broadcast_in_dim3A_3 : vector<16xi32>
        %parallel_loop3A_128 = arith.constant 0 : i32
        %parallel_loop3A_129 = vector.broadcast %parallel_loop3A_128 : i32 to vector<16xi32>
        %parallel_loop3A_130 = arith.cmpi slt, %broadcast_in_dim3A_11, %parallel_loop3A_129 : vector<16xi32>
        %parallel_loop3A_131 = arith.constant 16 : i32
        %parallel_loop3A_132 = vector.broadcast %parallel_loop3A_131 : i32 to vector<16xi32>
        %parallel_loop3A_133 = arith.addi %broadcast_in_dim3A_11, %parallel_loop3A_132 : vector<16xi32>
        %parallel_loop3A_134 = arith.select %parallel_loop3A_130, %parallel_loop3A_133, %broadcast_in_dim3A_11 : vector<16xi1>, vector<16xi32>
        %parallel_loop3A_135 = vector.shape_cast %parallel_loop3A_134 : vector<16xi32> to vector<16x1xi32>
        %parallel_loop3A_136 = vector.shape_cast %parallel_loop3A_135 : vector<16x1xi32> to vector<16xi32>
        %parallel_loop3A_137 = tpu.dynamic_gather %parallel_loop3A_126[%parallel_loop3A_136] in [0] : vector<16xi32>, vector<16xi32> -> vector<16xi32>
        %parallel_loop3A_138 = arith.addi %broadcast_in_dim3A_3, %parallel_loop3A_137 : vector<16xi32>
        %parallel_loop3A_139 = arith.index_cast %parallel_loop3A_119 : i32 to index
        %parallel_loop3A_140 = arith.constant 0 : index
        %parallel_loop3A_141 = tpu.vector_load %arg11[%parallel_loop3A_139, %parallel_loop3A_140] {strides = array<i32>} : memref<128x128xi32, #tpu.memory_space<vmem>>, vector<16xi32>,
        tpu.vector_store %arg11[%parallel_loop3A_139, %parallel_loop3A_140], %broadcast_in_dim3A_3 {strides = array<i32>} : memref<128x128xi32, #tpu.memory_space<vmem>>, vector<16xi32>,
        %parallel_loop3A_142 = tpu.vector_load_idx %arg9[%parallel_loop3A_120, %parallel_loop3A_127] : memref<128x80xf32, #tpu.memory_space<vmem>>[vector<16xi32>, vector<16xi32>], vector<16xf32>,
        %parallel_loop3A_143 = tpu.vector_load_idx %arg10[%parallel_loop3A_120, %parallel_loop3A_127] : memref<128x80xf32, #tpu.memory_space<vmem>>[vector<16xi32>, vector<16xi32>], vector<16xf32>,
        %parallel_loop3A_144 = arith.constant 0.000000e+00 : f32
        %parallel_loop3A_145 = vector.broadcast %parallel_loop3A_144 : f32 to vector<16xf32>
        %parallel_loop3A_146 = arith.addf %convert_element_type3A, %parallel_loop3A_145 : vector<16xf32>
        %parallel_loop3A_147 = arith.mulf %parallel_loop3A_146, %parallel_loop3A_143 : vector<16xf32>
        %parallel_loop3A_148 = arith.addf %parallel_loop3A_142, %parallel_loop3A_147 : vector<16xf32>
        %parallel_loop3A_149 = arith.index_cast %parallel_loop3A_119 : i32 to index
        %parallel_loop3A_150 = arith.constant 0 : index
        %parallel_loop3A_151 = tpu.vector_load %arg8[%parallel_loop3A_149, %parallel_loop3A_150] {strides = array<i32>} : memref<128x128xf32, #tpu.memory_space<vmem>>, vector<16xf32>,
        tpu.vector_store %arg8[%parallel_loop3A_149, %parallel_loop3A_150], %parallel_loop3A_148 {strides = array<i32>} : memref<128x128xf32, #tpu.memory_space<vmem>>, vector<16xf32>,
        %parallel_loop3A_152 = arith.index_cast %parallel_loop3A_119 : i32 to index
        %parallel_loop3A_153 = arith.constant 16 : index
        %parallel_loop3A_154 = tpu.vector_load %arg11[%parallel_loop3A_152, %parallel_loop3A_153] {strides = array<i32>} : memref<128x128xi32, #tpu.memory_space<vmem>>, vector<16xi32>,
        %parallel_loop3A_155 = arith.constant true
        %parallel_loop3A_156 = vector.broadcast %parallel_loop3A_155 : i1 to vector<16xi1>
        %parallel_loop3A_157 = tpu.scan <sum>, %parallel_loop3A_154 masked %parallel_loop3A_156 : vector<16xi32>, vector<16xi1> -> vector<16xi32>
        %parallel_loop3A_158 = arith.addi %parallel_loop3A_157, %parallel_loop3A_138 : vector<16xi32>
        %parallel_loop3A_159 = arith.constant 0 : i32
        %parallel_loop3A_160 = vector.broadcast %parallel_loop3A_159 : i32 to vector<16xi32>
        %parallel_loop3A_161 = arith.cmpi slt, %broadcast_in_dim3A_11, %parallel_loop3A_160 : vector<16xi32>
        %parallel_loop3A_162 = arith.constant 16 : i32
        %parallel_loop3A_163 = vector.broadcast %parallel_loop3A_162 : i32 to vector<16xi32>
        %parallel_loop3A_164 = arith.addi %broadcast_in_dim3A_11, %parallel_loop3A_163 : vector<16xi32>
        %parallel_loop3A_165 = arith.select %parallel_loop3A_161, %parallel_loop3A_164, %broadcast_in_dim3A_11 : vector<16xi1>, vector<16xi32>
        %parallel_loop3A_166 = vector.shape_cast %parallel_loop3A_165 : vector<16xi32> to vector<16x1xi32>
        %parallel_loop3A_167 = vector.shape_cast %parallel_loop3A_166 : vector<16x1xi32> to vector<16xi32>
        %parallel_loop3A_168 = tpu.dynamic_gather %parallel_loop3A_157[%parallel_loop3A_167] in [0] : vector<16xi32>, vector<16xi32> -> vector<16xi32>
        %parallel_loop3A_169 = arith.addi %parallel_loop3A_138, %parallel_loop3A_168 : vector<16xi32>
        %parallel_loop3A_170 = arith.index_cast %parallel_loop3A_119 : i32 to index
        %parallel_loop3A_171 = arith.constant 16 : index
        %parallel_loop3A_172 = tpu.vector_load %arg11[%parallel_loop3A_170, %parallel_loop3A_171] {strides = array<i32>} : memref<128x128xi32, #tpu.memory_space<vmem>>, vector<16xi32>,
        tpu.vector_store %arg11[%parallel_loop3A_170, %parallel_loop3A_171], %broadcast_in_dim3A_3 {strides = array<i32>} : memref<128x128xi32, #tpu.memory_space<vmem>>, vector<16xi32>,
        %parallel_loop3A_173 = tpu.vector_load_idx %arg9[%parallel_loop3A_120, %parallel_loop3A_158] : memref<128x80xf32, #tpu.memory_space<vmem>>[vector<16xi32>, vector<16xi32>], vector<16xf32>,
        %parallel_loop3A_174 = tpu.vector_load_idx %arg10[%parallel_loop3A_120, %parallel_loop3A_158] : memref<128x80xf32, #tpu.memory_space<vmem>>[vector<16xi32>, vector<16xi32>], vector<16xf32>,
        %parallel_loop3A_175 = arith.constant 1.600000e+01 : f32
        %parallel_loop3A_176 = vector.broadcast %parallel_loop3A_175 : f32 to vector<16xf32>
        %parallel_loop3A_177 = arith.addf %convert_element_type3A, %parallel_loop3A_176 : vector<16xf32>
        %parallel_loop3A_178 = arith.mulf %parallel_loop3A_177, %parallel_loop3A_174 : vector<16xf32>
        %parallel_loop3A_179 = arith.addf %parallel_loop3A_173, %parallel_loop3A_178 : vector<16xf32>
        %parallel_loop3A_180 = arith.index_cast %parallel_loop3A_119 : i32 to index
        %parallel_loop3A_181 = arith.constant 16 : index
        %parallel_loop3A_182 = tpu.vector_load %arg8[%parallel_loop3A_180, %parallel_loop3A_181] {strides = array<i32>} : memref<128x128xf32, #tpu.memory_space<vmem>>, vector<16xf32>,
        tpu.vector_store %arg8[%parallel_loop3A_180, %parallel_loop3A_181], %parallel_loop3A_179 {strides = array<i32>} : memref<128x128xf32, #tpu.memory_space<vmem>>, vector<16xf32>,
        %parallel_loop3A_183 = arith.index_cast %parallel_loop3A_119 : i32 to index
        %parallel_loop3A_184 = arith.constant 32 : index
        %parallel_loop3A_185 = tpu.vector_load %arg11[%parallel_loop3A_183, %parallel_loop3A_184] {strides = array<i32>} : memref<128x128xi32, #tpu.memory_space<vmem>>, vector<16xi32>,
        %parallel_loop3A_186 = arith.constant true
        %parallel_loop3A_187 = vector.broadcast %parallel_loop3A_186 : i1 to vector<16xi1>
        %parallel_loop3A_188 = tpu.scan <sum>, %parallel_loop3A_185 masked %parallel_loop3A_187 : vector<16xi32>, vector<16xi1> -> vector<16xi32>
        %parallel_loop3A_189 = arith.addi %parallel_loop3A_188, %parallel_loop3A_169 : vector<16xi32>
        %parallel_loop3A_190 = arith.constant 0 : i32
        %parallel_loop3A_191 = vector.broadcast %parallel_loop3A_190 : i32 to vector<16xi32>
        %parallel_loop3A_192 = arith.cmpi slt, %broadcast_in_dim3A_11, %parallel_loop3A_191 : vector<16xi32>
        %parallel_loop3A_193 = arith.constant 16 : i32
        %parallel_loop3A_194 = vector.broadcast %parallel_loop3A_193 : i32 to vector<16xi32>
        %parallel_loop3A_195 = arith.addi %broadcast_in_dim3A_11, %parallel_loop3A_194 : vector<16xi32>
        %parallel_loop3A_196 = arith.select %parallel_loop3A_192, %parallel_loop3A_195, %broadcast_in_dim3A_11 : vector<16xi1>, vector<16xi32>
        %parallel_loop3A_197 = vector.shape_cast %parallel_loop3A_196 : vector<16xi32> to vector<16x1xi32>
        %parallel_loop3A_198 = vector.shape_cast %parallel_loop3A_197 : vector<16x1xi32> to vector<16xi32>
        %parallel_loop3A_199 = tpu.dynamic_gather %parallel_loop3A_188[%parallel_loop3A_198] in [0] : vector<16xi32>, vector<16xi32> -> vector<16xi32>
        %parallel_loop3A_200 = arith.addi %parallel_loop3A_169, %parallel_loop3A_199 : vector<16xi32>
        %parallel_loop3A_201 = arith.index_cast %parallel_loop3A_119 : i32 to index
        %parallel_loop3A_202 = arith.constant 32 : index
        %parallel_loop3A_203 = tpu.vector_load %arg11[%parallel_loop3A_201, %parallel_loop3A_202] {strides = array<i32>} : memref<128x128xi32, #tpu.memory_space<vmem>>, vector<16xi32>,
        tpu.vector_store %arg11[%parallel_loop3A_201, %parallel_loop3A_202], %broadcast_in_dim3A_3 {strides = array<i32>} : memref<128x128xi32, #tpu.memory_space<vmem>>, vector<16xi32>,
        %parallel_loop3A_204 = tpu.vector_load_idx %arg9[%parallel_loop3A_120, %parallel_loop3A_189] : memref<128x80xf32, #tpu.memory_space<vmem>>[vector<16xi32>, vector<16xi32>], vector<16xf32>,
        %parallel_loop3A_205 = tpu.vector_load_idx %arg10[%parallel_loop3A_120, %parallel_loop3A_189] : memref<128x80xf32, #tpu.memory_space<vmem>>[vector<16xi32>, vector<16xi32>], vector<16xf32>,
        %parallel_loop3A_206 = arith.constant 3.200000e+01 : f32
        %parallel_loop3A_207 = vector.broadcast %parallel_loop3A_206 : f32 to vector<16xf32>
        %parallel_loop3A_208 = arith.addf %convert_element_type3A, %parallel_loop3A_207 : vector<16xf32>
        %parallel_loop3A_209 = arith.mulf %parallel_loop3A_208, %parallel_loop3A_205 : vector<16xf32>
        %parallel_loop3A_210 = arith.addf %parallel_loop3A_204, %parallel_loop3A_209 : vector<16xf32>
        %parallel_loop3A_211 = arith.index_cast %parallel_loop3A_119 : i32 to index
        %parallel_loop3A_212 = arith.constant 32 : index
        %parallel_loop3A_213 = tpu.vector_load %arg8[%parallel_loop3A_211, %parallel_loop3A_212] {strides = array<i32>} : memref<128x128xf32, #tpu.memory_space<vmem>>, vector<16xf32>,
        tpu.vector_store %arg8[%parallel_loop3A_211, %parallel_loop3A_212], %parallel_loop3A_210 {strides = array<i32>} : memref<128x128xf32, #tpu.memory_space<vmem>>, vector<16xf32>,
        %parallel_loop3A_214 = arith.index_cast %parallel_loop3A_119 : i32 to index
        %parallel_loop3A_215 = arith.constant 48 : index
        %parallel_loop3A_216 = tpu.vector_load %arg11[%parallel_loop3A_214, %parallel_loop3A_215] {strides = array<i32>} : memref<128x128xi32, #tpu.memory_space<vmem>>, vector<16xi32>,
        %parallel_loop3A_217 = arith.constant true
        %parallel_loop3A_218 = vector.broadcast %parallel_loop3A_217 : i1 to vector<16xi1>
        %parallel_loop3A_219 = tpu.scan <sum>, %parallel_loop3A_216 masked %parallel_loop3A_218 : vector<16xi32>, vector<16xi1> -> vector<16xi32>
        %parallel_loop3A_220 = arith.addi %parallel_loop3A_219, %parallel_loop3A_200 : vector<16xi32>
        %parallel_loop3A_221 = arith.constant 0 : i32
        %parallel_loop3A_222 = vector.broadcast %parallel_loop3A_221 : i32 to vector<16xi32>
        %parallel_loop3A_223 = arith.cmpi slt, %broadcast_in_dim3A_11, %parallel_loop3A_222 : vector<16xi32>
        %parallel_loop3A_224 = arith.constant 16 : i32
        %parallel_loop3A_225 = vector.broadcast %parallel_loop3A_224 : i32 to vector<16xi32>
        %parallel_loop3A_226 = arith.addi %broadcast_in_dim3A_11, %parallel_loop3A_225 : vector<16xi32>
        %parallel_loop3A_227 = arith.select %parallel_loop3A_223, %parallel_loop3A_226, %broadcast_in_dim3A_11 : vector<16xi1>, vector<16xi32>
        %parallel_loop3A_228 = vector.shape_cast %parallel_loop3A_227 : vector<16xi32> to vector<16x1xi32>
        %parallel_loop3A_229 = vector.shape_cast %parallel_loop3A_228 : vector<16x1xi32> to vector<16xi32>
        %parallel_loop3A_230 = tpu.dynamic_gather %parallel_loop3A_219[%parallel_loop3A_229] in [0] : vector<16xi32>, vector<16xi32> -> vector<16xi32>
        %parallel_loop3A_231 = arith.addi %parallel_loop3A_200, %parallel_loop3A_230 : vector<16xi32>
        %parallel_loop3A_232 = arith.index_cast %parallel_loop3A_119 : i32 to index
        %parallel_loop3A_233 = arith.constant 48 : index
        %parallel_loop3A_234 = tpu.vector_load %arg11[%parallel_loop3A_232, %parallel_loop3A_233] {strides = array<i32>} : memref<128x128xi32, #tpu.memory_space<vmem>>, vector<16xi32>,
        tpu.vector_store %arg11[%parallel_loop3A_232, %parallel_loop3A_233], %broadcast_in_dim3A_3 {strides = array<i32>} : memref<128x128xi32, #tpu.memory_space<vmem>>, vector<16xi32>,
        %parallel_loop3A_235 = tpu.vector_load_idx %arg9[%parallel_loop3A_120, %parallel_loop3A_220] : memref<128x80xf32, #tpu.memory_space<vmem>>[vector<16xi32>, vector<16xi32>], vector<16xf32>,
        %parallel_loop3A_236 = tpu.vector_load_idx %arg10[%parallel_loop3A_120, %parallel_loop3A_220] : memref<128x80xf32, #tpu.memory_space<vmem>>[vector<16xi32>, vector<16xi32>], vector<16xf32>,
        %parallel_loop3A_237 = arith.constant 4.800000e+01 : f32
        %parallel_loop3A_238 = vector.broadcast %parallel_loop3A_237 : f32 to vector<16xf32>
        %parallel_loop3A_239 = arith.addf %convert_element_type3A, %parallel_loop3A_238 : vector<16xf32>
        %parallel_loop3A_240 = arith.mulf %parallel_loop3A_239, %parallel_loop3A_236 : vector<16xf32>
        %parallel_loop3A_241 = arith.addf %parallel_loop3A_235, %parallel_loop3A_240 : vector<16xf32>
        %parallel_loop3A_242 = arith.index_cast %parallel_loop3A_119 : i32 to index
        %parallel_loop3A_243 = arith.constant 48 : index
        %parallel_loop3A_244 = tpu.vector_load %arg8[%parallel_loop3A_242, %parallel_loop3A_243] {strides = array<i32>} : memref<128x128xf32, #tpu.memory_space<vmem>>, vector<16xf32>,
        tpu.vector_store %arg8[%parallel_loop3A_242, %parallel_loop3A_243], %parallel_loop3A_241 {strides = array<i32>} : memref<128x128xf32, #tpu.memory_space<vmem>>, vector<16xf32>,
        %parallel_loop3A_245 = arith.index_cast %parallel_loop3A_119 : i32 to index
        %parallel_loop3A_246 = arith.constant 64 : index
        %parallel_loop3A_247 = tpu.vector_load %arg11[%parallel_loop3A_245, %parallel_loop3A_246] {strides = array<i32>} : memref<128x128xi32, #tpu.memory_space<vmem>>, vector<16xi32>,
        %parallel_loop3A_248 = arith.constant true
        %parallel_loop3A_249 = vector.broadcast %parallel_loop3A_248 : i1 to vector<16xi1>
        %parallel_loop3A_250 = tpu.scan <sum>, %parallel_loop3A_247 masked %parallel_loop3A_249 : vector<16xi32>, vector<16xi1> -> vector<16xi32>
        %parallel_loop3A_251 = arith.addi %parallel_loop3A_250, %parallel_loop3A_231 : vector<16xi32>
        %parallel_loop3A_252 = arith.constant 0 : i32
        %parallel_loop3A_253 = vector.broadcast %parallel_loop3A_252 : i32 to vector<16xi32>
        %parallel_loop3A_254 = arith.cmpi slt, %broadcast_in_dim3A_11, %parallel_loop3A_253 : vector<16xi32>
        %parallel_loop3A_255 = arith.constant 16 : i32
        %parallel_loop3A_256 = vector.broadcast %parallel_loop3A_255 : i32 to vector<16xi32>
        %parallel_loop3A_257 = arith.addi %broadcast_in_dim3A_11, %parallel_loop3A_256 : vector<16xi32>
        %parallel_loop3A_258 = arith.select %parallel_loop3A_254, %parallel_loop3A_257, %broadcast_in_dim3A_11 : vector<16xi1>, vector<16xi32>
        %parallel_loop3A_259 = vector.shape_cast %parallel_loop3A_258 : vector<16xi32> to vector<16x1xi32>
        %parallel_loop3A_260 = vector.shape_cast %parallel_loop3A_259 : vector<16x1xi32> to vector<16xi32>
        %parallel_loop3A_261 = tpu.dynamic_gather %parallel_loop3A_250[%parallel_loop3A_260] in [0] : vector<16xi32>, vector<16xi32> -> vector<16xi32>
        %parallel_loop3A_262 = arith.addi %parallel_loop3A_231, %parallel_loop3A_261 : vector<16xi32>
        %parallel_loop3A_263 = arith.index_cast %parallel_loop3A_119 : i32 to index
        %parallel_loop3A_264 = arith.constant 64 : index
        %parallel_loop3A_265 = tpu.vector_load %arg11[%parallel_loop3A_263, %parallel_loop3A_264] {strides = array<i32>} : memref<128x128xi32, #tpu.memory_space<vmem>>, vector<16xi32>,
        tpu.vector_store %arg11[%parallel_loop3A_263, %parallel_loop3A_264], %broadcast_in_dim3A_3 {strides = array<i32>} : memref<128x128xi32, #tpu.memory_space<vmem>>, vector<16xi32>,
        %parallel_loop3A_266 = tpu.vector_load_idx %arg9[%parallel_loop3A_120, %parallel_loop3A_251] : memref<128x80xf32, #tpu.memory_space<vmem>>[vector<16xi32>, vector<16xi32>], vector<16xf32>,
        %parallel_loop3A_267 = tpu.vector_load_idx %arg10[%parallel_loop3A_120, %parallel_loop3A_251] : memref<128x80xf32, #tpu.memory_space<vmem>>[vector<16xi32>, vector<16xi32>], vector<16xf32>,
        %parallel_loop3A_268 = arith.constant 6.400000e+01 : f32
        %parallel_loop3A_269 = vector.broadcast %parallel_loop3A_268 : f32 to vector<16xf32>
        %parallel_loop3A_270 = arith.addf %convert_element_type3A, %parallel_loop3A_269 : vector<16xf32>
        %parallel_loop3A_271 = arith.mulf %parallel_loop3A_270, %parallel_loop3A_267 : vector<16xf32>
        %parallel_loop3A_272 = arith.addf %parallel_loop3A_266, %parallel_loop3A_271 : vector<16xf32>
        %parallel_loop3A_273 = arith.index_cast %parallel_loop3A_119 : i32 to index
        %parallel_loop3A_274 = arith.constant 64 : index
        %parallel_loop3A_275 = tpu.vector_load %arg8[%parallel_loop3A_273, %parallel_loop3A_274] {strides = array<i32>} : memref<128x128xf32, #tpu.memory_space<vmem>>, vector<16xf32>,
        tpu.vector_store %arg8[%parallel_loop3A_273, %parallel_loop3A_274], %parallel_loop3A_272 {strides = array<i32>} : memref<128x128xf32, #tpu.memory_space<vmem>>, vector<16xf32>,
        %parallel_loop3A_276 = arith.index_cast %parallel_loop3A_119 : i32 to index
        %parallel_loop3A_277 = arith.constant 80 : index
        %parallel_loop3A_278 = tpu.vector_load %arg11[%parallel_loop3A_276, %parallel_loop3A_277] {strides = array<i32>} : memref<128x128xi32, #tpu.memory_space<vmem>>, vector<16xi32>,
        %parallel_loop3A_279 = arith.constant true
        %parallel_loop3A_280 = vector.broadcast %parallel_loop3A_279 : i1 to vector<16xi1>
        %parallel_loop3A_281 = tpu.scan <sum>, %parallel_loop3A_278 masked %parallel_loop3A_280 : vector<16xi32>, vector<16xi1> -> vector<16xi32>
        %parallel_loop3A_282 = arith.addi %parallel_loop3A_281, %parallel_loop3A_262 : vector<16xi32>
        %parallel_loop3A_283 = arith.constant 0 : i32
        %parallel_loop3A_284 = vector.broadcast %parallel_loop3A_283 : i32 to vector<16xi32>
        %parallel_loop3A_285 = arith.cmpi slt, %broadcast_in_dim3A_11, %parallel_loop3A_284 : vector<16xi32>
        %parallel_loop3A_286 = arith.constant 16 : i32
        %parallel_loop3A_287 = vector.broadcast %parallel_loop3A_286 : i32 to vector<16xi32>
        %parallel_loop3A_288 = arith.addi %broadcast_in_dim3A_11, %parallel_loop3A_287 : vector<16xi32>
        %parallel_loop3A_289 = arith.select %parallel_loop3A_285, %parallel_loop3A_288, %broadcast_in_dim3A_11 : vector<16xi1>, vector<16xi32>
        %parallel_loop3A_290 = vector.shape_cast %parallel_loop3A_289 : vector<16xi32> to vector<16x1xi32>
        %parallel_loop3A_291 = vector.shape_cast %parallel_loop3A_290 : vector<16x1xi32> to vector<16xi32>
        %parallel_loop3A_292 = tpu.dynamic_gather %parallel_loop3A_281[%parallel_loop3A_291] in [0] : vector<16xi32>, vector<16xi32> -> vector<16xi32>
        %parallel_loop3A_293 = arith.addi %parallel_loop3A_262, %parallel_loop3A_292 : vector<16xi32>
        %parallel_loop3A_294 = arith.index_cast %parallel_loop3A_119 : i32 to index
        %parallel_loop3A_295 = arith.constant 80 : index
        %parallel_loop3A_296 = tpu.vector_load %arg11[%parallel_loop3A_294, %parallel_loop3A_295] {strides = array<i32>} : memref<128x128xi32, #tpu.memory_space<vmem>>, vector<16xi32>,
        tpu.vector_store %arg11[%parallel_loop3A_294, %parallel_loop3A_295], %broadcast_in_dim3A_3 {strides = array<i32>} : memref<128x128xi32, #tpu.memory_space<vmem>>, vector<16xi32>,
        %parallel_loop3A_297 = tpu.vector_load_idx %arg9[%parallel_loop3A_120, %parallel_loop3A_282] : memref<128x80xf32, #tpu.memory_space<vmem>>[vector<16xi32>, vector<16xi32>], vector<16xf32>,
        %parallel_loop3A_298 = tpu.vector_load_idx %arg10[%parallel_loop3A_120, %parallel_loop3A_282] : memref<128x80xf32, #tpu.memory_space<vmem>>[vector<16xi32>, vector<16xi32>], vector<16xf32>,
        %parallel_loop3A_299 = arith.constant 8.000000e+01 : f32
        %parallel_loop3A_300 = vector.broadcast %parallel_loop3A_299 : f32 to vector<16xf32>
        %parallel_loop3A_301 = arith.addf %convert_element_type3A, %parallel_loop3A_300 : vector<16xf32>
        %parallel_loop3A_302 = arith.mulf %parallel_loop3A_301, %parallel_loop3A_298 : vector<16xf32>
        %parallel_loop3A_303 = arith.addf %parallel_loop3A_297, %parallel_loop3A_302 : vector<16xf32>
        %parallel_loop3A_304 = arith.index_cast %parallel_loop3A_119 : i32 to index
        %parallel_loop3A_305 = arith.constant 80 : index
        %parallel_loop3A_306 = tpu.vector_load %arg8[%parallel_loop3A_304, %parallel_loop3A_305] {strides = array<i32>} : memref<128x128xf32, #tpu.memory_space<vmem>>, vector<16xf32>,
        tpu.vector_store %arg8[%parallel_loop3A_304, %parallel_loop3A_305], %parallel_loop3A_303 {strides = array<i32>} : memref<128x128xf32, #tpu.memory_space<vmem>>, vector<16xf32>,
        %parallel_loop3A_307 = arith.index_cast %parallel_loop3A_119 : i32 to index
        %parallel_loop3A_308 = arith.constant 96 : index
        %parallel_loop3A_309 = tpu.vector_load %arg11[%parallel_loop3A_307, %parallel_loop3A_308] {strides = array<i32>} : memref<128x128xi32, #tpu.memory_space<vmem>>, vector<16xi32>,
        %parallel_loop3A_310 = arith.constant true
        %parallel_loop3A_311 = vector.broadcast %parallel_loop3A_310 : i1 to vector<16xi1>
        %parallel_loop3A_312 = tpu.scan <sum>, %parallel_loop3A_309 masked %parallel_loop3A_311 : vector<16xi32>, vector<16xi1> -> vector<16xi32>
        %parallel_loop3A_313 = arith.addi %parallel_loop3A_312, %parallel_loop3A_293 : vector<16xi32>
        %parallel_loop3A_314 = arith.constant 0 : i32
        %parallel_loop3A_315 = vector.broadcast %parallel_loop3A_314 : i32 to vector<16xi32>
        %parallel_loop3A_316 = arith.cmpi slt, %broadcast_in_dim3A_11, %parallel_loop3A_315 : vector<16xi32>
        %parallel_loop3A_317 = arith.constant 16 : i32
        %parallel_loop3A_318 = vector.broadcast %parallel_loop3A_317 : i32 to vector<16xi32>
        %parallel_loop3A_319 = arith.addi %broadcast_in_dim3A_11, %parallel_loop3A_318 : vector<16xi32>
        %parallel_loop3A_320 = arith.select %parallel_loop3A_316, %parallel_loop3A_319, %broadcast_in_dim3A_11 : vector<16xi1>, vector<16xi32>
        %parallel_loop3A_321 = vector.shape_cast %parallel_loop3A_320 : vector<16xi32> to vector<16x1xi32>
        %parallel_loop3A_322 = vector.shape_cast %parallel_loop3A_321 : vector<16x1xi32> to vector<16xi32>
        %parallel_loop3A_323 = tpu.dynamic_gather %parallel_loop3A_312[%parallel_loop3A_322] in [0] : vector<16xi32>, vector<16xi32> -> vector<16xi32>
        %parallel_loop3A_324 = arith.addi %parallel_loop3A_293, %parallel_loop3A_323 : vector<16xi32>
        %parallel_loop3A_325 = arith.index_cast %parallel_loop3A_119 : i32 to index
        %parallel_loop3A_326 = arith.constant 96 : index
        %parallel_loop3A_327 = tpu.vector_load %arg11[%parallel_loop3A_325, %parallel_loop3A_326] {strides = array<i32>} : memref<128x128xi32, #tpu.memory_space<vmem>>, vector<16xi32>,
        tpu.vector_store %arg11[%parallel_loop3A_325, %parallel_loop3A_326], %broadcast_in_dim3A_3 {strides = array<i32>} : memref<128x128xi32, #tpu.memory_space<vmem>>, vector<16xi32>,
        %parallel_loop3A_328 = tpu.vector_load_idx %arg9[%parallel_loop3A_120, %parallel_loop3A_313] : memref<128x80xf32, #tpu.memory_space<vmem>>[vector<16xi32>, vector<16xi32>], vector<16xf32>,
        %parallel_loop3A_329 = tpu.vector_load_idx %arg10[%parallel_loop3A_120, %parallel_loop3A_313] : memref<128x80xf32, #tpu.memory_space<vmem>>[vector<16xi32>, vector<16xi32>], vector<16xf32>,
        %parallel_loop3A_330 = arith.constant 9.600000e+01 : f32
        %parallel_loop3A_331 = vector.broadcast %parallel_loop3A_330 : f32 to vector<16xf32>
        %parallel_loop3A_332 = arith.addf %convert_element_type3A, %parallel_loop3A_331 : vector<16xf32>
        %parallel_loop3A_333 = arith.mulf %parallel_loop3A_332, %parallel_loop3A_329 : vector<16xf32>
        %parallel_loop3A_334 = arith.addf %parallel_loop3A_328, %parallel_loop3A_333 : vector<16xf32>
        %parallel_loop3A_335 = arith.index_cast %parallel_loop3A_119 : i32 to index
        %parallel_loop3A_336 = arith.constant 96 : index
        %parallel_loop3A_337 = tpu.vector_load %arg8[%parallel_loop3A_335, %parallel_loop3A_336] {strides = array<i32>} : memref<128x128xf32, #tpu.memory_space<vmem>>, vector<16xf32>,
        tpu.vector_store %arg8[%parallel_loop3A_335, %parallel_loop3A_336], %parallel_loop3A_334 {strides = array<i32>} : memref<128x128xf32, #tpu.memory_space<vmem>>, vector<16xf32>,
        %parallel_loop3A_338 = arith.index_cast %parallel_loop3A_119 : i32 to index
        %parallel_loop3A_339 = arith.constant 112 : index
        %parallel_loop3A_340 = tpu.vector_load %arg11[%parallel_loop3A_338, %parallel_loop3A_339] {strides = array<i32>} : memref<128x128xi32, #tpu.memory_space<vmem>>, vector<16xi32>,
        %parallel_loop3A_341 = arith.constant true
        %parallel_loop3A_342 = vector.broadcast %parallel_loop3A_341 : i1 to vector<16xi1>
        %parallel_loop3A_343 = tpu.scan <sum>, %parallel_loop3A_340 masked %parallel_loop3A_342 : vector<16xi32>, vector<16xi1> -> vector<16xi32>
        %parallel_loop3A_344 = arith.addi %parallel_loop3A_343, %parallel_loop3A_324 : vector<16xi32>
        %parallel_loop3A_345 = arith.index_cast %parallel_loop3A_119 : i32 to index
        %parallel_loop3A_346 = arith.constant 112 : index
        %parallel_loop3A_347 = tpu.vector_load %arg11[%parallel_loop3A_345, %parallel_loop3A_346] {strides = array<i32>} : memref<128x128xi32, #tpu.memory_space<vmem>>, vector<16xi32>,
        tpu.vector_store %arg11[%parallel_loop3A_345, %parallel_loop3A_346], %broadcast_in_dim3A_3 {strides = array<i32>} : memref<128x128xi32, #tpu.memory_space<vmem>>, vector<16xi32>,
        %parallel_loop3A_348 = tpu.vector_load_idx %arg9[%parallel_loop3A_120, %parallel_loop3A_344] : memref<128x80xf32, #tpu.memory_space<vmem>>[vector<16xi32>, vector<16xi32>], vector<16xf32>,
        %parallel_loop3A_349 = tpu.vector_load_idx %arg10[%parallel_loop3A_120, %parallel_loop3A_344] : memref<128x80xf32, #tpu.memory_space<vmem>>[vector<16xi32>, vector<16xi32>], vector<16xf32>,
        %parallel_loop3A_350 = arith.constant 1.120000e+02 : f32
        %parallel_loop3A_351 = vector.broadcast %parallel_loop3A_350 : f32 to vector<16xf32>
        %parallel_loop3A_352 = arith.addf %convert_element_type3A, %parallel_loop3A_351 : vector<16xf32>
        %parallel_loop3A_353 = arith.mulf %parallel_loop3A_352, %parallel_loop3A_349 : vector<16xf32>
        %parallel_loop3A_354 = arith.addf %parallel_loop3A_348, %parallel_loop3A_353 : vector<16xf32>
        %parallel_loop3A_355 = arith.index_cast %parallel_loop3A_119 : i32 to index
        %parallel_loop3A_356 = arith.constant 112 : index
        %parallel_loop3A_357 = tpu.vector_load %arg8[%parallel_loop3A_355, %parallel_loop3A_356] {strides = array<i32>} : memref<128x128xf32, #tpu.memory_space<vmem>>, vector<16xf32>,
        tpu.vector_store %arg8[%parallel_loop3A_355, %parallel_loop3A_356], %parallel_loop3A_354 {strides = array<i32>} : memref<128x128xf32, #tpu.memory_space<vmem>>, vector<16xf32>,
      } {sc.loop_unroll_factor = 2 : i64, sc.parallel_access}
      %mul3A_112 = arith.constant 128 : i32
      %mul3A_113 = arith.muli %add3A_82, %mul3A_112 : i32
      %add3A_114 = arith.addi %mul3A_2, %mul3A_113 : i32
      %dma_start3A_115 = arith.constant 0 : i32
      %dma_start3A_116 = tpu.memref_slice %arg4[%add3A_114, %dma_start3A_115] : memref<131072x128xf32, #tpu.memory_space<hbm>> -> memref<128x128xf32, #tpu.memory_space<hbm>>
      %dma_start3A_117 = arith.constant 0 : i32
      %dma_start3A_118 = tpu.memref_slice %arg4[%add3A_114, %dma_start3A_117] : memref<131072x128xf32, #tpu.memory_space<hbm>> -> memref<128x128xf32, #tpu.memory_space<hbm>>
      tpu.enqueue_dma source(%arg8 : memref<128x128xf32, #tpu.memory_space<vmem>>) target(%dma_start3A_118 : memref<128x128xf32, #tpu.memory_space<hbm>>) target_semaphore(%arg15 : memref<!tpu.dma_semaphore, #tpu.memory_space<semaphore_mem>>)
    }
    %scan3A_35 = arith.constant 16 : i32
    %dma_wait3A = arith.constant 0 : i32
    %dma_wait3A_36 = tpu.memref_slice %arg4[%mul3A_2, %dma_wait3A] : memref<131072x128xf32, #tpu.memory_space<hbm>> -> memref<128x128xf32, #tpu.memory_space<hbm>>
    %dma_wait3A_37 = arith.constant 0 : i32
    %dma_wait3A_38 = tpu.memref_slice %arg4[%mul3A_2, %dma_wait3A_37] : memref<131072x128xf32, #tpu.memory_space<hbm>> -> memref<128x128xf32, #tpu.memory_space<hbm>>
    tpu.wait_dma2 semaphore(%arg14 : memref<!tpu.dma_semaphore, #tpu.memory_space<semaphore_mem>>) src(%arg7 : memref<128x128xf32, #tpu.memory_space<vmem>>) dst(%dma_wait3A_38 : memref<128x128xf32, #tpu.memory_space<hbm>>)
    %dma_wait3A_39 = arith.constant 0 : i32
    %dma_wait3A_40 = tpu.memref_slice %arg4[%mul3A_2, %dma_wait3A_39] : memref<131072x128xf32, #tpu.memory_space<hbm>> -> memref<128x128xf32, #tpu.memory_space<hbm>>
    %dma_wait3A_41 = arith.constant 0 : i32
    %dma_wait3A_42 = tpu.memref_slice %arg4[%mul3A_2, %dma_wait3A_41] : memref<131072x128xf32, #tpu.memory_space<hbm>> -> memref<128x128xf32, #tpu.memory_space<hbm>>
    tpu.wait_dma2 semaphore(%arg15 : memref<!tpu.dma_semaphore, #tpu.memory_space<semaphore_mem>>) src(%arg8 : memref<128x128xf32, #tpu.memory_space<vmem>>) dst(%dma_wait3A_42 : memref<128x128xf32, #tpu.memory_space<hbm>>)
    return
  }
}

</mosaic_0001>

<sc_bundles>
// kernel: kernel.3.cloned.1.call-start
scs
__scs_entry_jumppad:
0x0: {  	(pc) =	sbr.rel $0x88, $3  }
0x1: {  	(tag) =	ssettag $0x0;
	lr =	simm.s32 $0x1  }
0x2: {  	[smem:$0x3F9F] =	sst lr;
	_ =	strace $0xD0000000  }
0x3: {  	_ = 	snop  }
0x4: {  	_ = 	snop  }
0x5: {  	_ = 	snop  }
0x6: {  	_ = 	snop  }
0x7: {  	_ = 	snop  }
__scs_overlays_trampoline_lowered:
0x8: {  	[smem:$0x3FAE] =	sst s0  }
0x9: {  	[smem:$0x3FAF] =	sst s1  }
0xa: {  	[smem:$0x3FB0] =	sst s2  }
0xb: {  	[smem:$0x3FB1] =	sst s3  }
0xc: {  	[smem:$0x3FB2] =	sst s4  }
0xd: {  	[smem:$0x3FB3] =	sst s5  }
0xe: {  	[smem:$0x3FB4] =	sst s6  }
0xf: {  	[smem:$0x3FB5] =	sst s7  }
0x10: {  	[smem:$0x3FB6] =	sst s8  }
0x11: {  	[smem:$0x3FB7] =	sst s9;
	s0 =	simm.s32 @!p0 $0x0  }
0x12: {  	s1 =	sld [smem:$0x3F9D];
	s0 =	simm.s32 @p0 $0x1  }
0x13: {  	[smem:$0x3FB8] =	sst s0;
	s0 =	simm.s32 @!p1 $0x0  }
0x14: {  	s2 =	sld [smem:$0x3F9C];
	s0 =	simm.s32 @p1 $0x1  }
0x15: {  	[smem:$0x3FB9] =	sst s0;
	s0 =	simm.s32 @!p2 $0x0  }
0x16: {  	s3 =	sld [smem:$0x3FDB];
	s0 =	simm.s32 @p2 $0x1  }
0x17: {  	s4 =	simm.s32 $0x1BF5;
	[smem:$0x3FBB] =	sst s0  }
0x18: {  	s0 =	sld [smem:$0x3F9E];
	_ =	swait.ge [sflag:s4], $0x0  }
0x19: {  	s7 =	sld [smem:$0x3F9F]  }
0x1a: {  	s8 =	sadd.s32 $0xFFFFE003, lr  }
0x1b: {  	s9 =	sadd.s32 $0xFFFFFEF7, lr;
	s5 =	simm.s32 $0xFFFFFFFF;
	p2 =	slt.u32 s8, $0xFFFFF086  }
0x1c: {  	p1 =	slt.u32 s9, $0xF7A;
	s5 =	simm.s32 @!p2 $0x0  }
0x1d: {  	s5 =	simm.s32 @p1 $0x1;
	p0 =	seq.s32 s7, s2  }
0x1e: {  	s7 =	smul.u32 @!p0 $0xF7A, s2;
	p2 =	seq.s32 @!p0 s5, $0x0  }
0x1f: {  	s9 =	smul.u32 $0xF7A, s1;
	s8 =	simm.s32 @!p0 $0x1BF5;
	p2 =	por !p2, p0  }
0x20: {  	[sflag:s8] =	ssyncset.s32 @!p0 $0xFFFFF086;
	s6 =	sadd.s32 @!p0 s3, s7;
	s7 =	simm.s32 @!p0 $0x108  }
0x21: {  	s3 =	sadd.s32 s3, s9;
	s6 =	sadd.s32 @!p0 $0x88, s6;
	s7 =	simm.s32 @p2 $0x1082  }
0x22: {  	[simem:s7], [sflag:s8] =	dma.local @!p0 [hbm:s6], $0xF7A  }
0x23: {  	s9 =	sor.u32 $0xD0000000, s2;
	s6 =	simm.s32 $0x108;
	_ =	swait.ge @!p0 [sflag:s8], $0x0  }
0x24: {  	s3 =	sadd.s32 $0x88, s3;
	s6 =	simm.s32 @!p1 $0x1082;
	[sflag:s4] =	ssyncset.s32 $0xFFFFF086  }
0x25: {  	[simem:s6], [sflag:s4] =	dma.local [hbm:s3], $0xF7A  }
0x26: {  	[smem:$0x3F9F] =	sst s1;
	(tag) =	ssettag s2;
	_ =	strace s9  }
0x27: {  	s1 =	sld [smem:$0x3FAF]  }
0x28: {  	s2 =	sld [smem:$0x3FB0]  }
0x29: {  	s4 =	sld [smem:$0x3FB2]  }
0x2a: {  	p0 =	seq.s32 s5, $0x0;
	s5 =	sld [smem:$0x3FB3]  }
0x2b: {  	s6 =	sld [smem:$0x3FB4]  }
0x2c: {  	s7 =	sld [smem:$0x3FB5]  }
0x2d: {  	s3 =	simm.s32 $0x108;
	s8 =	sld [smem:$0x3FB6]  }
0x2e: {  	s3 =	simm.s32 @!p0 $0x1082;
	s9 =	sld [smem:$0x3FB7]  }
0x2f: {  	lr =	sadd.s32 s0, s3;
	s0 =	sld [smem:$0x3FAE]  }
0x30: {  	s3 =	sld [smem:$0x3FB1]  }
0x31: {  	[smem:$0x3FBA] =	sst s10  }
0x32: {  	s10 =	sld [smem:$0x3FB8];
	_ =	sdelay $0x3  }
0x33: {  	p0 =	seq.s32 s10, $0x1;
	s10 =	sld [smem:$0x3FBA];
	_ =	sdelay $0x3  }
0x34: {  	[smem:$0x3FBA] =	sst s10  }
0x35: {  	s10 =	sld [smem:$0x3FB9];
	_ =	sdelay $0x3  }
0x36: {  	p1 =	seq.s32 s10, $0x1;
	s10 =	sld [smem:$0x3FBA];
	_ =	sdelay $0x3  }
0x37: {  	[smem:$0x3FBA] =	sst s10  }
0x38: {  	s10 =	sld [smem:$0x3FBB]  }
0x39: {  	_ = 	snop;
	(pc) =	sbr.ind lr, $3  }
0x3a: {  	_ = 	snop  }
0x3b: {  	_ = 	snop  }
0x3c: {  	p2 =	seq.s32 s10, $0x1;
	s10 =	sld [smem:$0x3FBA]  }
0x3d: {  	_ =	shalt  }
0x3e: {  	_ =	shalt  }
0x3f: {  	_ =	shalt  }
0x40: {  	_ =	shalt  }
0x41: {  	_ =	shalt  }
0x42: {  	_ =	shalt  }
0x43: {  	_ =	shalt  }
0x44: {  	_ =	shalt  }
0x45: {  	_ =	shalt  }
0x46: {  	_ =	shalt  }
0x47: {  	_ =	shalt  }
0x48: {  	_ =	shalt  }
0x49: {  	_ =	shalt  }
0x4a: {  	_ =	shalt  }
0x4b: {  	_ =	shalt  }
0x4c: {  	_ =	shalt  }
0x4d: {  	_ =	shalt  }
0x4e: {  	_ =	shalt  }
0x4f: {  	_ =	shalt  }
0x50: {  	_ =	shalt  }
0x51: {  	_ =	shalt  }
0x52: {  	_ =	shalt  }
0x53: {  	_ =	shalt  }
0x54: {  	_ =	shalt  }
0x55: {  	_ =	shalt  }
0x56: {  	_ =	shalt  }
0x57: {  	_ =	shalt  }
0x58: {  	_ =	shalt  }
0x59: {  	_ =	shalt  }
0x5a: {  	_ =	shalt  }
0x5b: {  	_ =	shalt  }
0x5c: {  	_ =	shalt  }
0x5d: {  	_ =	shalt  }
0x5e: {  	_ =	shalt  }
0x5f: {  	_ =	shalt  }
0x60: {  	_ =	shalt  }
0x61: {  	_ =	shalt  }
0x62: {  	_ =	shalt  }
0x63: {  	_ =	shalt  }
0x64: {  	_ =	shalt  }
0x65: {  	_ =	shalt  }
0x66: {  	_ =	shalt  }
0x67: {  	_ =	shalt  }
0x68: {  	_ =	shalt  }
0x69: {  	_ =	shalt  }
0x6a: {  	_ =	shalt  }
0x6b: {  	_ =	shalt  }
0x6c: {  	_ =	shalt  }
0x6d: {  	_ =	shalt  }
0x6e: {  	_ =	shalt  }
0x6f: {  	_ =	shalt  }
0x70: {  	_ =	shalt  }
0x71: {  	_ =	shalt  }
0x72: {  	_ =	shalt  }
0x73: {  	_ =	shalt  }
0x74: {  	_ =	shalt  }
0x75: {  	_ =	shalt  }
0x76: {  	_ =	shalt  }
0x77: {  	_ =	shalt  }
0x78: {  	_ =	shalt  }
0x79: {  	_ =	shalt  }
0x7a: {  	_ =	shalt  }
0x7b: {  	_ =	shalt  }
0x7c: {  	_ =	shalt  }
0x7d: {  	_ =	shalt  }
0x7e: {  	_ =	shalt  }
0x7f: {  	_ =	shalt  }
0x80: {  	_ =	shalt  }
0x81: {  	_ =	shalt  }
0x82: {  	_ =	shalt  }
0x83: {  	_ =	shalt  }
0x84: {  	_ =	shalt  }
0x85: {  	_ =	shalt  }
0x86: {  	_ =	shalt  }
0x87: {  	_ =	shalt  }
.Lfunc_end0:
.L_simem_size_0:
called_computation_lowered:
.L_overlay_start_0:
0x88: {  	s2 =	sld [smem:$0x3FD9]  }
0x89: {  	s3 =	sld [smem:$0x3FFE];
	_ =	sdelay $0x1  }
0x8a: {  	s1 =	srdreg.scid  }
0x8b: {  	s0 =	sand.u32 $0x1, s1  }
0x8c: {  	s17 =	sshll.u32 s0, $0xA;
	s2 =	sadd.s32 s3, s2  }
0x8d: {  	s2 =	sadd.s32 s2, s17  }
0x8e: {  	[smem:$0x3FC6] =	sst s2  }
0x8f: {  	_ = 	snop  }
0x90: {  	s2 =	sld [smem:$0x3FD0];
	(tm) =	ssettm $0x1  }
0x91: {  	s18 =	sld [smem:$0x3FFB];
	_ =	sdelay $0x3  }
0x92: {  	_ =	strace s18  }
0x93: {  	s3 =	sld [smem:$0x3FFC];
	_ =	sdelay $0x3  }
0x94: {  	_ =	strace s3  }
0x95: {  	s3 =	sld [smem:$0x3FFD];
	_ =	sdelay $0x3  }
0x96: {  	_ =	strace s3  }
0x97: {  	_ =	strace $0x8FFFFFFF  }
0x98: {  	s19 =	sld [smem:$0x3FDB];
	_ =	sdelay $0x1  }
0x99: {  	s4 =	simm.s32 $_scs_section_size  }
0x9a: {  	s5 =	simm.s32 $_size__tile_overlayer_lowered;
	s6 =	simm.s32 $_tile_overlayer_lowered  }
0x9b: {  	s22 =	simm.s32 $0x1BFF;
	s21 =	sshll.u32 s6, $0x1;
	s3 =	sadd.s32 s4, s19  }
0x9c: {  	s7 =	simm.s32 $0x0;
	s20 =	sshll.u32 s5, $0x1;
	s5 =	sadd.s32 s21, s3  }
0x9d: {  	[timem:s7], [sflag:s22] =	dma.local [hbm:s5], s20  }
0x9e: {  	_ =	swait.ge [sflag:s22], s20  }
0x9f: {  	s4 =	ssub.s32 $0x0, s20;
	[sflag:s22] =	ssyncset.done $0x0  }
0xa0: {  	[sflag:s22] =	ssyncadd.s32 s4;
	_ =	sdelay $0x1  }
0xa1: {  	s23 =	simm.s32 $0x1B8B  }
0xa2: {  	_ =	swait.ge [sflag:s23], $0x1  }
0xa3: {  	[sflag:s23] =	ssyncset.done $0x0  }
0xa4: {  	s25 =	simm.s32 $0x1B8E;
	s24 =	sld [smem:$0x3FFE];
	[sflag:s23] =	ssyncadd.s32 $0xFFFFFFFF  }
0xa5: {  	s26 =	simm.s32 $execute0_lowered;
	[smem:$0x3FD2] =	sst s25  }
0xa6: {  	s5 =	sshll.u32 s26, $0x1;
	_ =	strace $0x80000046;
	[dreg:$0x1] =	wrdreg $0xFFFFFFFF  }
0xa7: {  	s28 =	simm.s32 $_size_execute0_lowered;
	s3 =	sadd.s32 s3, s5;
	[dreg:$0x0] =	wrdreg $0x0  }
0xa8: {  	s5 =	sshll.u32 s28, $0x1;
	[dreg:$0x2] =	wrdreg s3  }
0xa9: {  	[dreg:$0x3] =	wrdreg s5  }
0xaa: {  	[dreg:$0x4] =	wrdreg $0xC0  }
0xab: {  	_ =	task [dreg:s7], $0x5FFFF  }
0xac: {  	[dreg:$0x1] =	wrdreg $0xFFFFFFFF  }
0xad: {  	[dreg:$0x0] =	wrdreg $0x60  }
0xae: {  	[dreg:$0x2] =	wrdreg s24  }
0xaf: {  	[dreg:$0x3] =	wrdreg s2  }
0xb0: {  	[dreg:$0x4] =	wrdreg $0x9  }
0xb1: {  	_ =	task.clear_ibuf [dreg:s7], $0x5FFFF;
	_ =	strace $0x90000046  }
0xb2: {  	s29 =	simm.s32 $0x9;
	_ =	strace $0x80000048  }
0xb3: {  	_ =	swait.ge [sflag:s29], $0x1  }
0xb4: {  	[sflag:s29] =	ssyncadd.s32 $0xFFFFFFFF  }
0xb5: {  	_ =	strace $0x90000048  }
0xb6: {  	_ =	sfence  }
0xb7: {  	s30 =	sld [smem:$0x0];
	_ =	sdelay $0x2  }
0xb8: {  	s31 =	sshll.u32 s1, $0xD;
	s1 =	sshrl.u32 s1, $0x2  }
0xb9: {  	s3 =	sand.u32 $0x4000, s31;
	s1 =	sadd.s32 s1, s30  }
0xba: {  	s0 =	sor.u32 s3, s0;
	s1 =	sshll.u32 s1, $0x11  }
0xbb: {  	s0 =	sor.u32 s1, s0  }
0xbc: {  	s0 =	sadd.s32 $0x8F2B, s0  }
0xbd: {  	[sflag:s0] =	ssyncadd.remote.s32 $0x1  }
0xbe: {  	_ =	sfence.sel $0xFFFF  }
0xbf: {  	[dreg:$0x0] =	wrdreg $0xFFFFFFFF;
	(pc) =	sbr.abs _section_cstart, $3  }
0xc0: {  	[dreg:$0x1] =	wrdreg $0xFFFFFFFF  }
0xc1: {  	_ =	task.clear_ibuf [dreg:s7], $0x2FFFF;
	_ =	strace $0x9FFFFFFF  }
0xc2: {  	(tm) =	ssettm $0x7FFFFFFF  }
0xc3: {  	_ =	shalt  }
tec
execute0_lowered:
.L_overlay_start_1:
0x0: {  	(tag) =	ssettag $0x1  }
0x1: {  	v0 =	vimm.s32 $0xFFEDCBA9;
	v1 =	vimm.s32 $0x87654321  }
0x2: {  	v2 =	vimm.s32 $0xF;
	v3 =	vimm.s32 $0x1;
	v5 =	vimm.f32 $1.500000000e+01  }
0x3: {  	vm14 =	vcmask $0x300;
	v6 =	vimm.f32 $3.100000000e+01;
	vm13 =	vcmask $0x704  }
0x4: {  	vm12 =	vcmask $0xB08;
	vm11 =	vcmask $0xF0C;
	vm10 =	vcmask $0x1310  }
0x5: {  	vm9 =	vcmask $0x1714;
	vm8 =	vcmask $0x1B18;
	vm7 =	vcmask $0x1F1C  }
0x6: {  	vm6 =	vcmask $0x2320;
	vm5 =	vcmask $0x2724;
	vm4 =	vcmask $0x2B28  }
0x7: {  	vm3 =	vcmask $0x2F2C;
	vm2 =	vcmask $0x3330;
	vm1 =	vcmask $0x3734  }
0x8: {  	vm0 =	vcmask $0x3B38;
	v9 =	vimm.f32 $6.300000000e+01;
	v10 =	vimm.f32 $7.900000000e+01  }
0x9: {  	v11 =	vimm.f32 $9.500000000e+01;
	v12 =	vimm.f32 $1.110000000e+02;
	v13 =	vimm.f32 $1.270000000e+02  }
0xa: {  	v0 =	vunpack.c.l.s4.s8 v0;
	v1 =	vunpack.c.l.s4.s8 v1;
	v5 =	vsel vm14, $0x0, v5  }
0xb: {  	v6 =	vsel vm14, $0x41800000, v6;
	v9 =	vsel vm14, $0x42400000, v9;
	v10 =	vsel vm14, $0x42800000, v10  }
0xc: {  	v11 =	vsel vm14, $0x42A00000, v11;
	v12 =	vsel vm14, $0x42C00000, v12;
	v13 =	vsel vm14, $0x42E00000, v13  }
0xd: {  	v5 =	vsel vm13, $0x3F800000, v5;
	v6 =	vsel vm13, $0x41880000, v6;
	v9 =	vsel vm13, $0x42440000, v9  }
0xe: {  	v10 =	vsel vm13, $0x42820000, v10;
	v11 =	vsel vm13, $0x42A20000, v11;
	v12 =	vsel vm13, $0x42C20000, v12  }
0xf: {  	v13 =	vsel vm13, $0x42E20000, v13;
	v0 =	vunpack.c.0.s8.s32 v0;
	v1 =	vunpack.c.0.s8.s32 v1  }
0x10: {  	v5 =	vsel vm12, $0x40000000, v5;
	v6 =	vsel vm12, $0x41900000, v6;
	v9 =	vsel vm12, $0x42480000, v9  }
0x11: {  	v10 =	vsel vm12, $0x42840000, v10;
	v11 =	vsel vm12, $0x42A40000, v11;
	v12 =	vsel vm12, $0x42C40000, v12  }
0x12: {  	v13 =	vsel vm12, $0x42E40000, v13;
	v5 =	vsel vm11, $0x40400000, v5;
	v6 =	vsel vm11, $0x41980000, v6  }
0x13: {  	v9 =	vsel vm11, $0x424C0000, v9;
	v10 =	vsel vm11, $0x42860000, v10;
	v11 =	vsel vm11, $0x42A60000, v11  }
0x14: {  	v12 =	vsel vm11, $0x42C60000, v12;
	v13 =	vsel vm11, $0x42E60000, v13;
	v4 =	vcombine.low v1, v0  }
0x15: {  	v0 =	vimm.f32 $0.0e+00;
	v1 =	vimm.s32 $0x0;
	v5 =	vsel vm10, $0x40800000, v5  }
0x16: {  	v6 =	vsel vm10, $0x41A00000, v6;
	v9 =	vsel vm10, $0x42500000, v9;
	v10 =	vsel vm10, $0x42880000, v10  }
0x17: {  	v11 =	vsel vm10, $0x42A80000, v11;
	v12 =	vsel vm10, $0x42C80000, v12;
	v13 =	vsel vm10, $0x42E80000, v13  }
0x18: {  	v5 =	vsel vm9, $0x40A00000, v5;
	v6 =	vsel vm9, $0x41A80000, v6;
	v9 =	vsel vm9, $0x42540000, v9  }
0x19: {  	v10 =	vsel vm9, $0x428A0000, v10;
	v11 =	vsel vm9, $0x42AA0000, v11;
	v12 =	vsel vm9, $0x42CA0000, v12  }
0x1a: {  	v13 =	vsel vm9, $0x42EA0000, v13;
	v4 =	vand.u32 $0xF, v4;
	v5 =	vsel vm8, $0x40C00000, v5  }
0x1b: {  	v6 =	vsel vm8, $0x41B00000, v6;
	v9 =	vsel vm8, $0x42580000, v9;
	v10 =	vsel vm8, $0x428C0000, v10  }
0x1c: {  	v11 =	vsel vm8, $0x42AC0000, v11;
	v12 =	vsel vm8, $0x42CC0000, v12;
	v13 =	vsel vm8, $0x42EC0000, v13  }
0x1d: {  	v5 =	vsel vm7, $0x40E00000, v5;
	v6 =	vsel vm7, $0x41B80000, v6;
	v9 =	vsel vm7, $0x425C0000, v9  }
0x1e: {  	v10 =	vsel vm7, $0x428E0000, v10;
	v11 =	vsel vm7, $0x42AE0000, v11;
	v12 =	vsel vm7, $0x42CE0000, v12  }
0x1f: {  	v13 =	vsel vm7, $0x42EE0000, v13;
	v5 =	vsel vm6, $0x41000000, v5;
	v6 =	vsel vm6, $0x41C00000, v6  }
0x20: {  	v9 =	vsel vm6, $0x42600000, v9;
	v5 =	vsel vm5, $0x41100000, v5;
	v6 =	vsel vm5, $0x41C80000, v6  }
0x21: {  	v10 =	vsel vm6, $0x42900000, v10;
	v5 =	vsel vm4, $0x41200000, v5;
	v6 =	vsel vm4, $0x41D00000, v6  }
0x22: {  	v11 =	vsel vm6, $0x42B00000, v11;
	v5 =	vsel vm3, $0x41300000, v5;
	v6 =	vsel vm3, $0x41D80000, v6  }
0x23: {  	v12 =	vsel vm6, $0x42D00000, v12;
	v5 =	vsel vm2, $0x41400000, v5;
	v6 =	vsel vm2, $0x41E00000, v6  }
0x24: {  	v13 =	vsel vm6, $0x42F00000, v13;
	v7 =	vsel vm1, $0x41500000, v5;
	v8 =	vsel vm1, $0x41E80000, v6  }
0x25: {  	v6 =	vsel vm0, $0x41600000, v7;
	v7 =	vsel vm0, $0x41F00000, v8;
	v8 =	vimm.f32 $4.700000000e+01  }
0x26: {  	v9 =	vsel vm5, $0x42640000, v9;
	v10 =	vsel vm5, $0x42920000, v10;
	v8 =	vsel vm14, $0x42000000, v8  }
0x27: {  	v11 =	vsel vm5, $0x42B20000, v11;
	v12 =	vsel vm5, $0x42D20000, v12;
	v8 =	vsel vm13, $0x42040000, v8  }
0x28: {  	s0 =	rddreg [dreg:$0x0];
	v13 =	vsel vm5, $0x42F20000, v13;
	v9 =	vsel vm4, $0x42680000, v9;
	v8 =	vsel vm12, $0x42080000, v8  }
0x29: {  	s4 =	rddreg [dreg:$0x1];
	s12 =	simm.s32 $0x0;
	s1 =	srdreg.scid;
	v10 =	vsel vm4, $0x42940000, v10;
	v11 =	vsel vm4, $0x42B40000, v11;
	v8 =	vsel vm11, $0x420C0000, v8  }
0x2a: {  	s3 =	stileid.u32;
	[smem:$0x7FF] =	sst s12;
	v12 =	vsel vm4, $0x42D40000, v12;
	v13 =	vsel vm4, $0x42F40000, v13;
	v8 =	vsel vm10, $0x42100000, v8  }
0x2b: {  	s5 =	sadd.s32 $0x400, s0;
	s1 =	sand.u32 $0x1, s1;
	s3 =	sshll.u32 s3, $0x11;
	v9 =	vsel vm3, $0x426C0000, v9;
	v10 =	vsel vm3, $0x42960000, v10;
	v8 =	vsel vm9, $0x42140000, v8  }
0x2c: {  	s6 =	sadd.s32 $0x200400, s0;
	s2 =	ssub.s32 $0x2, s1;
	s1 =	sshll.u32 s1, $0x10;
	v11 =	vsel vm3, $0x42B60000, v11;
	v12 =	vsel vm3, $0x42D60000, v12;
	v8 =	vsel vm8, $0x42180000, v8  }
0x2d: {  	_ =	strace $0x80000047;
	[dreg:$0x3] =	wrdreg s5;
	s1 =	sor.u32 s1, s3;
	v13 =	vsel vm3, $0x42F60000, v13;
	v9 =	vsel vm2, $0x42700000, v9;
	v8 =	vsel vm7, $0x421C0000, v8  }
0x2e: {  	[dreg:$0x4] =	wrdreg s6;
	s28 =	sadd.s32 s5, s1;
	v10 =	vsel vm2, $0x42980000, v10;
	v11 =	vsel vm2, $0x42B80000, v11;
	v8 =	vsel vm6, $0x42200000, v8  }
0x2f: {  	s29 =	sadd.s32 s6, s1;
	[dreg:$0x5] =	wrdreg s28;
	v12 =	vsel vm2, $0x42D80000, v12;
	v13 =	vsel vm2, $0x42F80000, v13;
	v8 =	vsel vm5, $0x42240000, v8  }
0x30: {  	s13 =	simm.s32 $0x18000;
	s30 =	sor.u32 $0x800, s1;
	[dreg:$0x6] =	wrdreg s29;
	v9 =	vsel vm1, $0x42740000, v9;
	v10 =	vsel vm1, $0x429A0000, v10;
	v8 =	vsel vm4, $0x42280000, v8  }
0x31: {  	s26 =	sshrl.u32 s2, $0x1;
	s31 =	sadd.s32 s4, s1;
	[dreg:$0x7] =	wrdreg s30;
	v11 =	vsel vm1, $0x42BA0000, v11;
	v12 =	vsel vm1, $0x42DA0000, v12;
	v8 =	vsel vm3, $0x422C0000, v8  }
0x32: {  	s0 =	ssub.s32 s2, s26;
	s1 =	sor.u32 $0x1000, s1;
	[dreg:$0x8] =	wrdreg s31;
	v13 =	vsel vm1, $0x42FA0000, v13;
	v9 =	vsel vm0, $0x42780000, v9;
	v8 =	vsel vm2, $0x42300000, v8  }
0x33: {  	s16 =	simm.s32 $0x10000;
	[dreg:$0x9] =	wrdreg s1;
	s0 =	smax.u32 s0, $0x1;
	v10 =	vsel vm0, $0x429C0000, v10;
	v11 =	vsel vm0, $0x42BC0000, v11;
	v8 =	vsel vm1, $0x42340000, v8  }
0x34: {  	s17 =	simm.s32 $0x14000;
	s2 =	simm.s32 $0x0;
	[dreg:$0xa] =	wrdreg s0;
	v12 =	vsel vm0, $0x42DC0000, v12;
	v13 =	vsel vm0, $0x42FC0000, v13;
	v8 =	vsel vm0, $0x42380000, v8  }
.LBB2_1:
0x35: {  	[dreg:$0xb] =	wrdreg s2;
	s1 =	simm.s32 $0x14140  }
0x36: {  	[tilespmem:s1+$0xFFFFFF80] =	vst v0  }
0x37: {  	[tilespmem:s1+$0x0] =	vst v0  }
0x38: {  	[tilespmem:s1+$0x80] =	vst v0  }
0x39: {  	s0 =	simm.s32 $0x18100;
	[tilespmem:s1+$0xFFFFFF00] =	vst v0  }
0x3a: {  	[tilespmem:s0+$0xFFFFFF80] =	vst v1  }
0x3b: {  	[tilespmem:s0+$0xFFFFFF90] =	vst v1  }
0x3c: {  	[tilespmem:s0+$0xFFFFFFA0] =	vst v1  }
0x3d: {  	[tilespmem:s0+$0xFFFFFFB0] =	vst v1  }
0x3e: {  	[tilespmem:s0+$0xFFFFFFC0] =	vst v1  }
0x3f: {  	[tilespmem:s0+$0xFFFFFFD0] =	vst v1  }
0x40: {  	[tilespmem:s0+$0xFFFFFFE0] =	vst v1  }
0x41: {  	[tilespmem:s0+$0xFFFFFFF0] =	vst v1  }
0x42: {  	[tilespmem:s0+$0x0] =	vst v1  }
0x43: {  	[tilespmem:s0+$0x10] =	vst v1  }
0x44: {  	[tilespmem:s0+$0x20] =	vst v1  }
0x45: {  	[tilespmem:s0+$0x30] =	vst v1  }
0x46: {  	[tilespmem:s0+$0x40] =	vst v1  }
0x47: {  	[tilespmem:s0+$0x50] =	vst v1  }
0x48: {  	[tilespmem:s0+$0x60] =	vst v1  }
0x49: {  	[tilespmem:s0+$0x70] =	vst v1  }
0x4a: {  	[tilespmem:s0+$0x80] =	vst v1  }
0x4b: {  	[tilespmem:s0+$0x90] =	vst v1  }
0x4c: {  	[tilespmem:s0+$0xA0] =	vst v1  }
0x4d: {  	[tilespmem:s0+$0xB0] =	vst v1  }
0x4e: {  	[tilespmem:s0+$0xC0] =	vst v1  }
0x4f: {  	[tilespmem:s0+$0xD0] =	vst v1  }
0x50: {  	[tilespmem:s0+$0xE0] =	vst v1  }
0x51: {  	[tilespmem:s0+$0xF0] =	vst v1  }
0x52: {  	[tilespmem:s0+$0xFFFFFF00] =	vst v1  }
0x53: {  	[tilespmem:s0+$0xFFFFFF10] =	vst v1  }
0x54: {  	[tilespmem:s0+$0xFFFFFF20] =	vst v1  }
0x55: {  	[tilespmem:s0+$0xFFFFFF30] =	vst v1  }
0x56: {  	[tilespmem:s0+$0xFFFFFF40] =	vst v1  }
0x57: {  	[tilespmem:s0+$0xFFFFFF50] =	vst v1  }
0x58: {  	[tilespmem:s0+$0xFFFFFF60] =	vst v1  }
0x59: {  	s2 =	simm.s32 $0x14340;
	s1 =	simm.s32 $0x0;
	[tilespmem:s0+$0xFFFFFF70] =	vst v1  }
.LBB2_2:
0x5a: {  	[tilespmem:s2+$0xFFFFFF80] =	vst v0;
	s0 =	sadd.s32 $0x200, s0  }
0x5b: {  	[tilespmem:s0+$0xFFFFFF80] =	vst v1  }
0x5c: {  	[tilespmem:s0+$0xFFFFFF90] =	vst v1  }
0x5d: {  	[tilespmem:s0+$0xFFFFFFA0] =	vst v1  }
0x5e: {  	[tilespmem:s0+$0xFFFFFFB0] =	vst v1  }
0x5f: {  	[tilespmem:s0+$0xFFFFFFC0] =	vst v1  }
0x60: {  	[tilespmem:s0+$0xFFFFFFD0] =	vst v1  }
0x61: {  	[tilespmem:s0+$0xFFFFFFE0] =	vst v1  }
0x62: {  	[tilespmem:s0+$0xFFFFFFF0] =	vst v1  }
0x63: {  	[tilespmem:s2+$0x0] =	vst v0  }
0x64: {  	[tilespmem:s0+$0x0] =	vst v1  }
0x65: {  	[tilespmem:s0+$0x10] =	vst v1  }
0x66: {  	[tilespmem:s0+$0x20] =	vst v1  }
0x67: {  	[tilespmem:s0+$0x30] =	vst v1  }
0x68: {  	[tilespmem:s0+$0x40] =	vst v1  }
0x69: {  	[tilespmem:s0+$0x50] =	vst v1  }
0x6a: {  	[tilespmem:s0+$0x60] =	vst v1  }
0x6b: {  	[tilespmem:s0+$0x70] =	vst v1  }
0x6c: {  	[tilespmem:s2+$0x80] =	vst v0  }
0x6d: {  	[tilespmem:s0+$0x80] =	vst v1  }
0x6e: {  	[tilespmem:s0+$0x90] =	vst v1  }
0x6f: {  	[tilespmem:s0+$0xA0] =	vst v1  }
0x70: {  	[tilespmem:s0+$0xB0] =	vst v1  }
0x71: {  	[tilespmem:s0+$0xC0] =	vst v1  }
0x72: {  	[tilespmem:s0+$0xD0] =	vst v1  }
0x73: {  	[tilespmem:s0+$0xE0] =	vst v1  }
0x74: {  	[tilespmem:s0+$0xF0] =	vst v1  }
0x75: {  	[tilespmem:s2+$0xFFFFFF00] =	vst v0  }
0x76: {  	[tilespmem:s0+$0xFFFFFF00] =	vst v1  }
0x77: {  	s1 =	sadd.s32 $0x4, s1;
	[tilespmem:s0+$0xFFFFFF10] =	vst v1  }
0x78: {  	p0 =	slt.u32 s1, $0x7C;
	[tilespmem:s0+$0xFFFFFF20] =	vst v1  }
.Ltmp0:
0x79: {  	[tilespmem:s0+$0xFFFFFF30] =	vst v1;
	(pc) =	sbr.rel @p0 .LBB2_2-.Ltmp0, $4  }
0x7a: {  	[tilespmem:s0+$0xFFFFFF40] =	vst v1  }
0x7b: {  	[tilespmem:s0+$0xFFFFFF50] =	vst v1  }
0x7c: {  	[tilespmem:s0+$0xFFFFFF60] =	vst v1  }
0x7d: {  	s2 =	sadd.s32 $0x200, s2;
	[tilespmem:s0+$0xFFFFFF70] =	vst v1  }
0x7e: {  	s14 =	simm.s32 $0x0;
	s0 =	rddreg [dreg:$0x5]  }
0x7f: {  	[tilespmem:s14], [sflag:$0x1] =	stream.linear.gather [hbm4b:s0+s14], $0x4000, $0x38;
	[tilespmem:$0x1C000] =	vst v63  }
0x80: {  	s31 =	rddreg [dreg:$0x6];
	s1 =	simm.s32 $0x4000  }
0x81: {  	[tilespmem:s1], [sflag:$0x2] =	stream.linear.gather [hbm4b:s31+s14], $0x4000, $0x38;
	[tilespmem:$0x1C000] =	vst v63  }
.LBB2_4:
0x82: {  	s0 =	simm.s32 $0x1  }
0x83: {  	_ =	swait.ge [sflag:s0], $0x4000  }
0x84: {  	[sflag:s0] =	ssyncset.done $0x0  }
0x85: {  	s30 =	simm.s32 $0x2;
	[sflag:s0] =	ssyncadd.s32 $0xFFFFC000  }
0x86: {  	_ =	swait.ge [sflag:s30], $0x4000  }
0x87: {  	[sflag:s30] =	ssyncset.done $0x0  }
0x88: {  	s31 =	simm.s32 $0x4080;
	[sflag:s30] =	ssyncadd.s32 $0xFFFFC000  }
0x89: {  	v14 =	vld [tilespmem:s31+$0x20]  }
0x8a: {  	v15 =	vld [tilespmem:s31+$0x0];
	_ =	sdelay $0x1  }
0x8b: {  	v16 =	vld [tilespmem:s31+$0x10];
	_ =	sdelay $0x1  }
0x8c: {  	v28 =	vadd.f32 $9.999999740e-06, v14;
	v14 =	vld [tilespmem:s31+$0xFFFFFF80]  }
0x8d: {  	v18 =	vadd.f32 $9.999999740e-06, v15  }
0x8e: {  	v15 =	vld [tilespmem:s31+$0x30];
	(xrf2) =	vadd.scan.msk.f32 $0xffff, v28  }
0x8f: {  	v23 =	vadd.f32 $9.999999740e-06, v16;
	(xrf2) =	vadd.scan.msk.f32 $0xffff, v18;
	_ =	sdelay $0x1  }
0x90: {  	(xrf2) =	vadd.scan.msk.f32 $0xffff, v23;
	v16 =	vadd.f32 $9.999999740e-06, v14  }
0x91: {  	v14 =	vld [tilespmem:s31+$0xFFFFFF90]  }
0x92: {  	v19 =	vadd.f32 $9.999999740e-06, v15;
	(xrf2) =	vadd.scan.msk.f32 $0xffff, v16  }
0x93: {  	v15 =	vld [tilespmem:s31+$0xFFFFFFA0]  }
0x94: {  	(xrf2) =	vadd.scan.msk.f32 $0xffff, v19  }
0x95: {  	v17 =	vld [tilespmem:s31+$0xFFFFFFB0]  }
0x96: {  	v33 =	vadd.f32 $9.999999740e-06, v14  }
0x97: {  	v29, _, _ =	vpop (xrf2)  }
0x98: {  	v25 =	vadd.f32 $9.999999740e-06, v15;
	v20, _, _ =	vpop (xrf2);
	(xrf2) =	vadd.scan.msk.f32 $0xffff, v33;
	_ =	sdelay $0x1  }
0x99: {  	v17 =	vadd.f32 $9.999999740e-06, v17;
	v34, _, _ =	vpop (xrf2);
	(xrf2) =	vadd.scan.msk.f32 $0xffff, v25  }
0x9a: {  	v35 =	vperm.xlane v20, v2;
	v14 =	vperm.xlane v34, v2  }
0x9b: {  	v21, _, _ =	vpop (xrf2);
	(xrf2) =	vadd.scan.msk.f32 $0xffff, v17  }
0x9c: {  	v15 =	vperm.xlane v29, v2;
	v32 =	vadd.f32 v14, v35  }
0x9d: {  	v27, _, _ =	vpop (xrf2)  }
0x9e: {  	v14 =	vperm.xlane v27, v2;
	v30 =	vadd.f32 v15, v32;
	_ =	sdelay $0x1  }
0x9f: {  	v14 =	vadd.f32 v14, v30  }
0xa0: {  	v24 =	vperm.xlane v21, v2;
	v22, _, _ =	vpop (xrf2)  }
0xa1: {  	(erf) = vrcp.f32 v14;
	v14 =	vperm.xlane v22, v2  }
0xa2: {  	v26, _, _ =	vpop (xrf2)  }
0xa3: {  	v36 =	vadd.f32 v14, v24;
	v14 =	vperm.xlane v26, v2  }
0xa4: {  	v37, _, _ =	vpop (xrf2)  }
0xa5: {  	v38 =	vadd.f32 v14, v36;
	v14 =	vperm.xlane v37, v2;
	_ =	sdelay $0x1  }
0xa6: {  	v14 =	vadd.f32 v14, v38;
	_ =	sdelay $0x1  }
0xa7: {  	(erf) = vrcp.f32 v14;
	_ =	sdelay $0x1  }
0xa8: {  	s3 =	simm.s32 $0x80;
	v14 =	vpop (erf)  }
0xa9: {  	v15 =	vld [tilespmem:s3+$0x30];
	v31 =	vmul.f32 $1.270000000e+02, v14;
	_ =	sdelay $0x1  }
0xaa: {  	v14 =	vld [tilespmem:s3+$0xFFFFFFB0];
	v39 =	vmul.f32 v31, v18;
	v18 =	vadd.f32 $0.0e+00, v20;
	_ =	sdelay $0x1  }
0xab: {  	v45 =	vadd.f32 $0.0e+00, v21;
	v29 =	vadd.f32 v32, v29  }
0xac: {  	v40 =	vperm.xlane v15, v2;
	vm0 =	vlt.f32 v39, $1.270000010e-03;
	v42 =	vmul.f32 v31, v18  }
0xad: {  	v21 =	vadd.f32 v36, v26;
	v29 =	vmul.f32 v31, v29;
	v20 =	vsel vm0, $0x42FE0000, v39;
	v18 =	vpop (erf)  }
0xae: {  	v26 =	vperm.xlane v14, v2;
	v53 =	vsub.f32 $1.280000000e+02, v42;
	v18 =	vmul.f32 $1.270000000e+02, v18  }
0xaf: {  	v0 =	vlaneseq.u32;
	v41 =	vld [tilespmem:s3+$0x0];
	v55 =	vperm.xlane v14, v4;
	(erf) = vrcp.f32 v20  }
0xb0: {  	s0 =	simm.s32 $0x10080;
	v43 =	vld [tilespmem:s3+$0x10];
	v46 =	vadd.f32 v24, v22;
	v22 =	vtrunc.f32 v53;
	v54 =	vmul.f32 v18, v16  }
0xb1: {  	v34 =	vadd.f32 v35, v34;
	v20 =	vld [tilespmem:s3+$0x20];
	[tilespmem:s0+$0x40] =	vst v40;
	v16 =	vcvt.f32.s32 v22;
	v56 =	vmul.f32 v18, v45  }
0xb2: {  	v39 =	vsub.f32 v42, v39;
	v44 =	vld [tilespmem:s3+$0x1];
	v45 =	vmul.f32 v31, v23;
	v33 =	vmul.f32 v18, v33  }
0xb3: {  	v22 =	vadd.f32 v38, v37;
	v63 =	vmul.f32 v18, v46;
	v50 =	vmul.f32 v18, v25  }
0xb4: {  	v17 =	vmul.f32 v18, v17;
	v21 =	vmul.f32 v18, v21;
	vm0 =	vlt.f32 v54, $1.270000010e-03  }
0xb5: {  	v16 =	vsub.s32 $0x80, v16;
	v47 =	vsub.f32 $1.280000000e+02, v56;
	v53 =	vsub.f32 v56, v54  }
0xb6: {  	v18 =	vmul.f32 v18, v22;
	v22 =	vsub.f32 $1.280000000e+02, v21;
	v21 =	vsub.f32 v21, v50  }
0xb7: {  	v24 =	vld [tilespmem:s3+$0xFFFFFF90];
	v57 =	vsel vm0, $0x42FE0000, v54;
	v44 =	vsub.f32 v44, v41;
	vm0 =	vlt.s32 v16, $0x7F  }
0xb8: {  	v40 =	vld [tilespmem:s3+$0xFFFFFF80];
	(erf) = vrcp.f32 v57;
	v58 =	vnsel vm0, $0x7F, v16;
	v47 =	vtrunc.f32 v47  }
0xb9: {  	v16 =	vld [tilespmem:s3+$0xFFFFFFA0];
	[tilespmem:s0+$0xFFFFFFC0] =	vst v26;
	vm0 =	vlt.f32 v45, $1.270000010e-03;
	v59 =	vand.u32 $0xFFFFFF80, v58;
	v26 =	vand.u32 $0x7F, v58  }
0xba: {  	s4 =	simm.s32 $0x80;
	v23 =	vld [tilespmem:s3+$0xFFFFFF81];
	v60 =	vcvt.f32.s32 v47;
	v62 =	vsel vm0, $0x42FE0000, v45;
	v47 =	vsub.f32 v63, v33;
	v48 =	vpop (erf)  }
0xbb: {  	s5 =	simm.s32 $0x4180;
	v42 =	vadd.s32 s4, v59;
	(erf) = vrcp.f32 v62;
	v44 =	vmul.f32 v48, v44  }
0xbc: {  	v58 =	vld [tilespmem:s5+$0x0];
	v42 =	vor.u32 v26, v42;
	v26 =	vsub.f32 v55, v14;
	v37 =	vsub.s32 $0x80, v60  }
0xbd: {  	s1 =	simm.s32 $0x14080;
	v55 =	vsub.f32 $1.280000000e+02, v63;
	vm0 =	vlt.s32 v37, $0x7F;
	v39 =	vmul.f32 v44, v39  }
0xbe: {  	[tilespmem:s1+$0x0] =	vst v44;
	v44 =	vmul.f32 v31, v34;
	v54 =	vnsel vm0, $0x7F, v37;
	vm0 =	vlt.f32 v33, $1.270000010e-03  }
0xbf: {  	v52 =	vld [tilespmem:s5+$0x20];
	v63 =	vtrunc.f32 v55;
	v23 =	vsub.f32 v23, v40;
	v61 =	vsub.f32 v41, v39  }
0xc0: {  	v62 =	vld [tilespmem:s5+$0xFFFFFF80];
	v59 =	vand.u32 $0xFFFFFF80, v54;
	v60 =	vsel vm0, $0x42FE0000, v33;
	v56 =	vsub.f32 $1.280000000e+02, v44  }
0xc1: {  	v35 =	vand.u32 $0x7F, v54;
	v36 =	vadd.f32 $9.999999740e-06, v58;
	(erf) = vrcp.f32 v60;
	[tilespmem:s0+$0x0] =	vst v61;
	v57 =	vpop (erf);
	v61 =	vld [tilespmem:s5+$0x10]  }
0xc2: {  	s2 =	simm.s32 $0x0;
	v54 =	vsub.f32 v44, v45;
	v37 =	vtrunc.f32 v56;
	v56 =	vld [tilespmem:s5+$0xFFFFFF90];
	v38 =	vmul.f32 v57, v23  }
0xc3: {  	v45 =	vmul.f32 v31, v28;
	[tilespmem:v42+s13+$0x0] =	vst.idx.add.s32.msk $0xffff, v3;
	v23 =	vadd.s32 s2, v59;
	v37 =	vcvt.f32.s32 v37  }
0xc4: {  	v42 =	vld [tilespmem:s3+$0x11];
	v35 =	vor.u32 v35, v23;
	v23 =	vadd.f32 $9.999999740e-06, v52;
	v34 =	vmul.f32 v38, v53  }
0xc5: {  	v39 =	vcvt.f32.s32 v63;
	v28 =	vadd.f32 $9.999999740e-06, v62;
	v57 =	vld [tilespmem:s5+$0xFFFFFFA0];
	v37 =	vsub.s32 $0x80, v37  }
0xc6: {  	v53 =	vld [tilespmem:s5+$0x30];
	vm0 =	vlt.s32 v37, $0x7F;
	(xrf2) =	vadd.scan.msk.f32 $0xffff, v23;
	v40 =	vsub.f32 v40, v34;
	v34 =	vadd.f32 $9.999999740e-06, v61  }
0xc7: {  	v37 =	vnsel vm0, $0x7F, v37;
	(xrf2) =	vadd.scan.msk.f32 $0xffff, v36;
	vm0 =	vlt.f32 v45, $1.270000010e-03;
	v32 =	vadd.f32 $9.999999740e-06, v56  }
0xc8: {  	[tilespmem:s1+$0xFFFFFF80] =	vst v38;
	v61 =	vperm.xlane v15, v4;
	v55 =	vand.u32 $0xFFFFFF80, v37;
	v37 =	vand.u32 $0x7F, v37  }
0xc9: {  	v59 =	vsel vm0, $0x42FE0000, v45;
	v51 =	vsub.f32 v42, v43;
	v44 =	vadd.s32 s4, v55;
	(xrf2) =	vadd.scan.msk.f32 $0xffff, v34  }
0xca: {  	v49 =	vld [tilespmem:s5+$0xFFFFFFB0];
	v52 =	vpop (erf);
	v33 =	vadd.f32 $9.999999740e-06, v57;
	[tilespmem:s0+$0xFFFFFF80] =	vst v40;
	(erf) = vrcp.f32 v59;
	v37 =	vor.u32 v37, v44  }
0xcb: {  	v41 =	vadd.f32 $9.999999740e-06, v53;
	(xrf2) =	vadd.scan.msk.f32 $0xffff, v28;
	v42 =	vmul.f32 v51, v52;
	v51 =	vmul.f32 v31, v19  }
0xcc: {  	[tilespmem:v35+s13+$0x0] =	vst.idx.add.s32.msk $0xffff, v3;
	v52 =	vsub.s32 $0x80, v39;
	v19 =	vadd.f32 v30, v27;
	v27 =	vsub.f32 $1.280000000e+02, v29  }
0xcd: {  	v25 =	vld [tilespmem:s3+$0xFFFFFF91];
	v29 =	vsub.f32 v29, v45;
	vm1 =	vlt.s32 v52, $0x7F;
	v58 =	vmul.f32 v42, v54  }
0xce: {  	(xrf2) =	vadd.scan.msk.f32 $0xffff, v41;
	vm0 =	vlt.f32 v51, $1.270000010e-03;
	v31 =	vmul.f32 v31, v19;
	v27 =	vtrunc.f32 v27  }
0xcf: {  	v19 =	vadd.f32 $9.999999740e-06, v49;
	v30 =	vsel vm0, $0x42FE0000, v51;
	v27 =	vcvt.f32.s32 v27  }
0xd0: {  	[tilespmem:s1+$0x10] =	vst v42;
	vm0 =	veq.s32 v0, $0xF;
	v60 =	vsub.f32 v43, v58;
	(erf) = vrcp.f32 v30;
	v42, _, _ =	vpop (xrf2)  }
0xd1: {  	v30 =	vsub.f32 v61, v15;
	v62 =	vsub.f32 $1.280000000e+02, v31;
	v61 =	vnsel vm1, $0x7F, v52;
	v48, _, _ =	vpop (xrf2);
	(xrf2) =	vadd.scan.msk.f32 $0xffff, v32  }
0xd2: {  	vm1 =	vlt.f32 v50, $1.270000010e-03;
	v25 =	vsub.f32 v25, v24;
	v27 =	vsub.s32 $0x80, v27;
	[tilespmem:s0+$0x10] =	vst v60  }
0xd3: {  	v63 =	vperm.xlane v42, v2;
	v30 =	vsel vm0, $0x0, v30;
	[tilespmem:v37+s13+$0x0] =	vst.idx.add.s32.msk $0xffff, v3;
	v35, _, _ =	vpop (xrf2);
	(xrf2) =	vadd.scan.msk.f32 $0xffff, v33  }
0xd4: {  	v49 =	vpop (erf);
	v39 =	vtrunc.f32 v62;
	vm2 =	vlt.s32 v27, $0x7F;
	v38 =	vperm.xlane v48, v2;
	v37 =	vld [tilespmem:s3+$0x21]  }
0xd5: {  	v39 =	vcvt.f32.s32 v39;
	v27 =	vnsel vm2, $0x7F, v27;
	v57 =	vperm.xlane v35, v2;
	v54, _, _ =	vpop (xrf2);
	(xrf2) =	vadd.scan.msk.f32 $0xffff, v19  }
0xd6: {  	v25 =	vmul.f32 v25, v49;
	v59 =	vand.u32 $0xFFFFFF80, v27;
	v27 =	vand.u32 $0x7F, v27  }
0xd7: {  	v53 =	vpop (erf);
	v39 =	vsub.s32 $0x80, v39;
	v43 =	vadd.s32 s4, v59;
	v46 =	vadd.f32 v57, v38  }
0xd8: {  	v47 =	vmul.f32 v25, v47;
	v35 =	vadd.f32 v38, v35;
	vm2 =	vlt.s32 v39, $0x7F;
	v44, _, _ =	vpop (xrf2)  }
0xd9: {  	v58 =	vperm.xlane v44, v2;
	v37 =	vsub.f32 v37, v20;
	v45 =	vadd.f32 v63, v46;
	v60 =	vpop (erf)  }
0xda: {  	v43 =	vor.u32 v27, v43;
	v27 =	vnsel vm2, $0x7F, v39;
	v39 =	vmul.f32 v30, v60  }
0xdb: {  	v30 =	vsub.f32 v31, v51;
	v40 =	vmul.f32 v37, v53;
	v37 =	vadd.f32 v58, v45;
	v31, _, _ =	vpop (xrf2)  }
0xdc: {  	s6 =	simm.s32 $0x180;
	vm2 =	vlt.f32 v17, $1.270000010e-03;
	v51 =	vperm.xlane v54, v2;
	v62 =	vperm.xlane v31, v2  }
0xdd: {  	[tilespmem:s1+$0xFFFFFF90] =	vst v25;
	v25 =	vld [tilespmem:s6+$0x30];
	v24 =	vsub.f32 v24, v47;
	v59 =	vsel vm2, $0x42FE0000, v17;
	(erf) = vrcp.f32 v37;
	v55, _, _ =	vpop (xrf2)  }
0xde: {  	v60 =	vand.u32 $0xFFFFFF80, v61;
	v52 =	vadd.f32 v62, v51;
	v56 =	vperm.xlane v55, v2  }
0xdf: {  	v63 =	vand.u32 $0xFFFFFF80, v27;
	v49 =	vadd.s32 s2, v60;
	v37 =	vand.u32 $0x7F, v61;
	v57, _, _ =	vpop (xrf2)  }
0xe0: {  	v49 =	vor.u32 v37, v49;
	v58 =	vperm.xlane v57, v2;
	v56 =	vadd.f32 v56, v52  }
0xe1: {  	v27 =	vand.u32 $0x7F, v27;
	v42 =	vadd.f32 v46, v42;
	v61 =	vsel vm1, $0x42FE0000, v50  }
0xe2: {  	v60 =	vperm.xlane v25, v2;
	(erf) = vrcp.f32 v61;
	v62 =	vadd.f32 v58, v56  }
0xe3: {  	v53 =	vadd.s32 s4, v63;
	v30 =	vmul.f32 v39, v30;
	(erf) = vrcp.f32 v59  }
0xe4: {  	[tilespmem:s0+$0xFFFFFF90] =	vst v24;
	v47 =	vor.u32 v27, v53;
	v27 =	vsub.f32 $1.280000000e+02, v18;
	(erf) = vrcp.f32 v62  }
0xe5: {  	v24 =	vsel vm0, $0x0, v26;
	v45 =	vadd.f32 v45, v44;
	v29 =	vmul.f32 v40, v29;
	[tilespmem:v49+s13+$0x0] =	vst.idx.add.s32.msk $0xffff, v3  }
0xe6: {  	v53 =	vsub.f32 v15, v30;
	v27 =	vtrunc.f32 v27;
	v59 =	vtrunc.f32 v22;
	v26 =	vld [tilespmem:s3+$0xFFFFFFA1];
	v63 =	vpop (erf)  }
0xe7: {  	v58 =	vsub.f32 v20, v29;
	v29 =	vadd.f32 $0.0e+00, v48;
	v37 =	vmul.f32 $1.270000000e+02, v63  }
0xe8: {  	v15 =	vld [tilespmem:s6+$0xFFFFFFB0];
	v22 =	vadd.f32 v56, v57;
	v56 =	vsub.f32 v18, v17;
	v18 =	vcvt.f32.s32 v27  }
0xe9: {  	v51 =	vadd.f32 v51, v31;
	v20 =	vadd.f32 v52, v55;
	v52 =	vld [tilespmem:s6+$0x0];
	v31 =	vmul.f32 v37, v36  }
0xea: {  	s4 =	simm.s32 $0x10180;
	[tilespmem:s1+$0x20] =	vst v40;
	v30 =	vadd.f32 $0.0e+00, v54;
	v48 =	vld [tilespmem:s6+$0x10];
	v49 =	vsub.s32 $0x80, v18;
	v55 =	vmul.f32 v37, v29  }
0xeb: {  	v62 =	vpop (erf);
	v29 =	vcvt.f32.s32 v59;
	v36 =	vld [tilespmem:s6+$0x20];
	[tilespmem:s4+$0x40] =	vst v60;
	v26 =	vsub.f32 v26, v16;
	vm1 =	vlt.f32 v31, $1.270000010e-03  }
0xec: {  	[tilespmem:s0+$0x20] =	vst v58;
	v63 =	vpop (erf);
	v34 =	vmul.f32 v37, v34;
	v46 =	vmul.f32 v37, v42;
	v57 =	vld [tilespmem:s6+$0x1];
	v61 =	vsel vm1, $0x42FE0000, v31  }
0xed: {  	s9 =	simm.s32 $0x4280;
	[tilespmem:v43+s13+$0x0] =	vst.idx.add.s32.msk $0xffff, v3;
	v60 =	vsub.f32 $1.280000000e+02, v55;
	v54 =	vmul.f32 v26, v62;
	(erf) = vrcp.f32 v61;
	v17 =	vpop (erf)  }
0xee: {  	vm2 =	vlt.s32 v49, $0x7F;
	[tilespmem:s1+$0x30] =	vst v39;
	v39 =	vld [tilespmem:s9+$0x10];
	v26 =	vperm.xlane v15, v2;
	v27 =	vmul.f32 $1.270000000e+02, v17  }
0xef: {  	v29 =	vsub.s32 $0x80, v29;
	v17 =	vmul.f32 v24, v63;
	v24 =	vtrunc.f32 v60  }
0xf0: {  	v55 =	vsub.f32 v55, v31;
	vm1 =	vlt.s32 v29, $0x7F;
	v18 =	vcvt.f32.s32 v24  }
0xf1: {  	v57 =	vsub.f32 v57, v52;
	v50 =	vmul.f32 v27, v28;
	v62 =	vmul.f32 v27, v30  }
0xf2: {  	v24 =	vnsel vm1, $0x7F, v29;
	v40 =	vmul.f32 v27, v51;
	v38 =	vmul.f32 v27, v33  }
0xf3: {  	v33 =	vadd.f32 $9.999999740e-06, v39;
	v28 =	vsub.s32 $0x80, v18;
	vm1 =	vlt.f32 v50, $1.270000010e-03  }
0xf4: {  	v59 =	vld [tilespmem:s6+$0xFFFFFF80];
	v63 =	vsub.f32 $1.280000000e+02, v62;
	v60 =	vsel vm1, $0x42FE0000, v50;
	vm1 =	vlt.s32 v28, $0x7F  }
0xf5: {  	v29 =	vld [tilespmem:s6+$0xFFFFFF90];
	v50 =	vsub.f32 v62, v50;
	(erf) = vrcp.f32 v60;
	v28 =	vnsel vm1, $0x7F, v28  }
0xf6: {  	s10 =	simm.s32 $0x180;
	v18 =	vld [tilespmem:s6+$0xFFFFFFA0];
	[tilespmem:s4+$0xFFFFFFC0] =	vst v26;
	v60 =	vperm.xlane v15, v4;
	v61 =	vpop (erf);
	v26 =	vand.u32 $0xFFFFFF80, v28;
	v28 =	vand.u32 $0x7F, v28  }
0xf7: {  	v57 =	vmul.f32 v61, v57;
	v30 =	vadd.s32 s10, v26;
	v26 =	vnsel vm2, $0x7F, v49  }
0xf8: {  	v61 =	vld [tilespmem:s6+$0xFFFFFF81];
	v49 =	vor.u32 v28, v30;
	v30 =	vmul.f32 v54, v21;
	v21 =	vtrunc.f32 v63  }
0xf9: {  	vm1 =	vlt.f32 v34, $1.270000010e-03;
	v21 =	vcvt.f32.s32 v21;
	v55 =	vmul.f32 v57, v55  }
0xfa: {  	v31 =	vsub.f32 v60, v15;
	v28 =	vmul.f32 v17, v56;
	v63 =	vsel vm1, $0x42FE0000, v34  }
0xfb: {  	s3 =	simm.s32 $0x14180;
	v21 =	vsub.s32 $0x80, v21;
	v62 =	vsub.f32 v52, v55;
	v55 =	vmul.f32 v37, v35  }
0xfc: {  	v56 =	vmul.f32 v27, v32;
	[tilespmem:s3+$0x0] =	vst v57;
	(erf) = vrcp.f32 v63;
	v52 =	vld [tilespmem:s9+$0x20];
	vm1 =	vlt.s32 v21, $0x7F  }
0xfd: {  	v57 =	vld [tilespmem:s9+$0x0];
	v61 =	vsub.f32 v61, v59;
	v21 =	vnsel vm1, $0x7F, v21;
	[tilespmem:s4+$0x0] =	vst v62;
	v43 =	vsub.f32 $1.280000000e+02, v55  }
0xfe: {  	vm1 =	vlt.f32 v56, $1.270000010e-03;
	v62 =	vsub.f32 $1.280000000e+02, v40;
	v34 =	vsub.f32 v55, v34;
	v60 =	vpop (erf);
	[tilespmem:v49+s13+$0x0] =	vst.idx.add.s32.msk $0xffff, v3  }
0xff: {  	s7 =	simm.s32 $0x100;
	v58 =	vand.u32 $0xFFFFFF80, v21;
	v21 =	vand.u32 $0x7F, v21;
	v49 =	vmul.f32 v60, v61;
	v60 =	vld [tilespmem:s6+$0x11]  }
0x100: {  	v51 =	vsel vm1, $0x42FE0000, v56;
	v61 =	vadd.s32 s7, v58;
	v43 =	vtrunc.f32 v43  }
0x101: {  	v58 =	vor.u32 v21, v61;
	v21 =	vadd.f32 $9.999999740e-06, v52;
	v63 =	vcvt.f32.s32 v43  }
0x102: {  	[tilespmem:s1+$0xFFFFFFA0] =	vst v54;
	v55 =	vmul.f32 v37, v23;
	(erf) = vrcp.f32 v51;
	v43 =	vsub.f32 v40, v56  }
0x103: {  	v54 =	vld [tilespmem:s9+$0xFFFFFF90];
	v56 =	vtrunc.f32 v62;
	v50 =	vmul.f32 v49, v50;
	v51 =	vsub.s32 $0x80, v63;
	(xrf2) =	vadd.scan.msk.f32 $0xffff, v21  }
0x104: {  	[tilespmem:s0+$0x30] =	vst v53;
	v52 =	vld [tilespmem:s9+$0xFFFFFF80];
	v40 =	vadd.f32 $9.999999740e-06, v57;
	vm1 =	vlt.s32 v51, $0x7F;
	v62 =	vsub.f32 v60, v48  }
0x105: {  	[tilespmem:v47+s13+$0x0] =	vst.idx.add.s32.msk $0xffff, v3;
	v61 =	vcvt.f32.s32 v56;
	v50 =	vsub.f32 v59, v50;
	v59 =	vpop (erf);
	v63 =	vnsel vm1, $0x7F, v51  }
0x106: {  	[tilespmem:s3+$0xFFFFFF80] =	vst v49;
	(xrf2) =	vadd.scan.msk.f32 $0xffff, v40;
	v60 =	vand.u32 $0xFFFFFF80, v63;
	v56 =	vmul.f32 v62, v59  }
0x107: {  	v47 =	vsub.s32 $0x80, v61;
	v51 =	vld [tilespmem:s9+$0xFFFFFFA0];
	[tilespmem:s4+$0xFFFFFF80] =	vst v50;
	v61 =	vand.u32 $0x7F, v63;
	v49 =	vadd.s32 s10, v60  }
0x108: {  	[tilespmem:v58+s13+$0x0] =	vst.idx.add.s32.msk $0xffff, v3;
	v53 =	vor.u32 v61, v49;
	v23 =	vmul.f32 v56, v34  }
0x109: {  	vm1 =	vlt.f32 v55, $1.270000010e-03;
	(xrf2) =	vadd.scan.msk.f32 $0xffff, v33;
	v39 =	vadd.f32 $9.999999740e-06, v52;
	v34 =	vadd.f32 $9.999999740e-06, v54;
	v54 =	vld [tilespmem:s9+$0x30]  }
0x10a: {  	v63 =	vsel vm1, $0x42FE0000, v55;
	v52 =	vmul.f32 v37, v41;
	v49 =	vld [tilespmem:s9+$0xFFFFFFB0];
	v62 =	vsub.f32 v48, v23  }
0x10b: {  	s5 =	simm.s32 $0x10180;
	v32 =	vand.u32 $0xFFFFFF80, v24;
	v35 =	vand.u32 $0xFFFFFF80, v26;
	(erf) = vrcp.f32 v63;
	[tilespmem:s3+$0x10] =	vst v56;
	v48 =	vld [tilespmem:s6+$0xFFFFFF91]  }
0x10c: {  	s8 =	simm.s32 $0x4;
	s11 =	simm.s32 $0x6;
	(xrf2) =	vadd.scan.msk.f32 $0xffff, v39;
	vm1 =	vlt.f32 v52, $1.270000010e-03;
	v23 =	vadd.f32 $9.999999740e-06, v51;
	v51 =	vpop (erf);
	[tilespmem:s4+$0x10] =	vst v62  }
.LBB2_5:
0x10d: {  	p0 =	slt.u32 s11, $0x7E;
	v42, _, _ =	vpop (xrf2);
	[tilespmem:v53+s13+$0x0] =	vst.idx.add.s32.msk $0xffff, v3;
	v44 =	vsub.f32 $1.280000000e+02, v46;
	v50 =	vsel vm1, $0x42FE0000, v52;
	v53 =	vperm.xlane v25, v4  }
0x10e: {  	v41 =	vadd.f32 $9.999999740e-06, v54;
	v54 =	vld [tilespmem:s6+$0x21];
	v37 =	vmul.f32 v37, v45;
	(erf) = vrcp.f32 v50  }
0x10f: {  	v56 =	vadd.f32 $9.999999740e-06, v49;
	v44 =	vtrunc.f32 v44;
	v45 =	vsub.f32 v53, v25  }
0x110: {  	v53 =	vsub.f32 v48, v29;
	v50, _, _ =	vpop (xrf2);
	(xrf2) =	vadd.scan.msk.f32 $0xffff, v41;
	v44 =	vcvt.f32.s32 v44;
	v0 =	vsub.f32 $1.280000000e+02, v37  }
0x111: {  	vm1 =	vlt.s32 v47, $0x7F;
	v57 =	vperm.xlane v42, v2;
	v45 =	vsel vm0, $0x0, v45  }
0x112: {  	v48 =	vperm.xlane v50, v2;
	v44 =	vsub.s32 $0x80, v44;
	v58 =	vtrunc.f32 v0  }
0x113: {  	(xrf2) =	vadd.scan.msk.f32 $0xffff, v34;
	v49, _, _ =	vpop (xrf2);
	v54 =	vsub.f32 v54, v36;
	vm2 =	vlt.s32 v44, $0x7F;
	v58 =	vcvt.f32.s32 v58  }
0x114: {  	v46 =	vsub.f32 v46, v55;
	v59 =	vperm.xlane v49, v2;
	v44 =	vnsel vm2, $0x7F, v44;
	v55 =	vpop (erf)  }
0x115: {  	v54 =	vmul.f32 v54, v55;
	v55 =	vand.u32 $0xFFFFFF80, v44;
	v0 =	vsub.s32 $0x80, v58  }
0x116: {  	v44 =	vand.u32 $0x7F, v44;
	v60, _, _ =	vpop (xrf2);
	(xrf2) =	vadd.scan.msk.f32 $0xffff, v23;
	v55 =	vadd.s32 s10, v55;
	vm2 =	vlt.s32 v0, $0x7F  }
0x117: {  	v46 =	vmul.f32 v54, v46;
	v55 =	vor.u32 v44, v55;
	v44 =	vnsel vm2, $0x7F, v0;
	v58 =	vpop (erf)  }
0x118: {  	v37 =	vsub.f32 v37, v52;
	v58 =	vmul.f32 v45, v58;
	v45 =	vand.u32 $0xFFFFFF80, v44  }
0x119: {  	v52 =	vand.u32 $0x7F, v44;
	(xrf2) =	vadd.scan.msk.f32 $0xffff, v56;
	v36 =	vsub.f32 v36, v46;
	v45 =	vadd.s32 s10, v45  }
0x11a: {  	v46 =	vadd.f32 v59, v48;
	v44, _, _ =	vpop (xrf2);
	[tilespmem:s3+$0x20] =	vst v54;
	v0 =	vmul.f32 v58, v37;
	v54 =	vor.u32 v52, v45  }
0x11b: {  	v59 =	vperm.xlane v60, v2;
	v52 =	vadd.f32 $0.0e+00, v60;
	v60 =	vperm.xlane v44, v2;
	[tilespmem:s4+$0x20] =	vst v36  }
0x11c: {  	v45 =	vadd.f32 v57, v46;
	v36 =	vnsel vm1, $0x7F, v47;
	[tilespmem:v55+s13+$0x0] =	vst.idx.add.s32.msk $0xffff, v3;
	v25 =	vsub.f32 v25, v0  }
0x11d: {  	v47 =	vmul.f32 v53, v51;
	v53 =	vand.u32 $0xFFFFFF80, v36;
	v55 =	vmul.f32 v27, v19;
	v37, _, _ =	vpop (xrf2);
	[tilespmem:s3+$0x30] =	vst v58  }
0x11e: {  	v57 =	vperm.xlane v37, v2;
	v51 =	vadd.f32 v59, v37;
	v37 =	vadd.f32 v60, v45;
	[tilespmem:s4+$0x30] =	vst v25  }
0x11f: {  	vm1 =	vlt.f32 v38, $1.270000010e-03;
	v19 =	vmovc v56;
	v25 =	vmul.f32 v47, v43;
	vm2 =	vlt.f32 v55, $1.270000010e-03;
	[tilespmem:v54+s13+$0x0] =	vst.idx.add.s32.msk $0xffff, v3  }
0x120: {  	v43 =	vadd.f32 v57, v59;
	v54, _, _ =	vpop (xrf2);
	(erf) = vrcp.f32 v37;
	[tilespmem:s3+$0xFFFFFF90] =	vst v47;
	v37 =	vadd.s32 s7, v53  }
0x121: {  	v25 =	vsub.f32 v29, v25;
	v29 =	vand.u32 $0x7F, v36;
	v47 =	vperm.xlane v54, v2  }
0x122: {  	v36 =	vsel vm1, $0x42FE0000, v38;
	v29 =	vor.u32 v29, v37;
	v37 =	vsel vm2, $0x42FE0000, v55  }
0x123: {  	v47 =	vadd.f32 v47, v43;
	v43 =	vadd.f32 v43, v54;
	v53, _, _ =	vpop (xrf2);
	[tilespmem:s4+$0xFFFFFF90] =	vst v25;
	(erf) = vrcp.f32 v36  }
0x124: {  	v31 =	vsel vm0, $0x0, v31;
	v25 =	vperm.xlane v53, v2;
	(erf) = vrcp.f32 v37  }
0x125: {  	v36 =	vmul.f32 v27, v20;
	v27 =	vmul.f32 v27, v22;
	v22 =	vadd.f32 v47, v53;
	v20 =	vmovc v43  }
0x126: {  	v30 =	vsub.f32 v16, v30;
	v32 =	vadd.s32 s2, v32;
	v16 =	vmovc v18;
	v25 =	vadd.f32 v25, v47  }
0x127: {  	v35 =	vadd.s32 s2, v35;
	s2 =	smov.u32 s7;
	v18 =	vsub.f32 $1.280000000e+02, v36;
	[tilespmem:v29+s13+$0x0] =	vst.idx.add.s32.msk $0xffff, v3;
	v29 =	vsub.f32 $1.280000000e+02, v27  }
0x128: {  	v38 =	vsub.f32 v36, v38;
	v53 =	vsub.f32 v27, v55;
	(erf) = vrcp.f32 v25;
	v43 =	vld [tilespmem:s6+$0xFFFFFFA1];
	[tilespmem:s0+$0xFFFFFFA0] =	vst v30  }
0x129: {  	v54 =	vsub.f32 v14, v28;
	v18 =	vtrunc.f32 v18;
	s6 =	sadd.s32 $0x100, s6;
	v27 =	vpop (erf);
	v29 =	vtrunc.f32 v29  }
0x12a: {  	v24 =	vand.u32 $0x7F, v24;
	v14 =	vmovc v15;
	v18 =	vcvt.f32.s32 v18;
	v25 =	vld [tilespmem:s6+$0x30];
	v37 =	vmul.f32 $1.270000000e+02, v27  }
0x12b: {  	v55 =	vor.u32 v24, v32;
	v24 =	vand.u32 $0x7F, v26;
	v0 =	vcvt.f32.s32 v29;
	v15 =	vld [tilespmem:s6+$0xFFFFFFB0]  }
0x12c: {  	v56 =	vor.u32 v24, v35;
	v26 =	vsub.s32 $0x80, v18;
	v47 =	vld [tilespmem:s6+$0xFFFFFF80];
	v40 =	vmul.f32 v37, v40;
	v28 =	vpop (erf)  }
0x12d: {  	vm1 =	vlt.s32 v26, $0x7F;
	v32 =	vsub.s32 $0x80, v0;
	v29 =	vld [tilespmem:s6+$0xFFFFFF90];
	v24 =	vsub.f32 v43, v16;
	v27 =	vpop (erf)  }
0x12e: {  	v30 =	vadd.f32 $0.0e+00, v50;
	v18 =	vld [tilespmem:s6+$0xFFFFFFA0];
	vm2 =	vlt.f32 v40, $1.270000010e-03;
	v43 =	vmul.f32 v31, v27  }
0x12f: {  	v31 =	vperm.xlane v25, v2;
	v0 =	vsel vm2, $0x42FE0000, v40;
	v28 =	vmul.f32 v24, v28  }
0x130: {  	v58 =	vmul.f32 v37, v30;
	vm2 =	vlt.s32 v32, $0x7F;
	v57 =	vld [tilespmem:s6+$0x0];
	(erf) = vrcp.f32 v0  }
0x131: {  	s4 =	sadd.s32 $0x100, s4;
	v24 =	vnsel vm1, $0x7F, v26;
	v35 =	vperm.xlane v15, v2;
	v59 =	vperm.xlane v15, v4;
	v50 =	vld [tilespmem:s6+$0x10];
	v27 =	vpop (erf);
	[tilespmem:s3+$0xFFFFFFA0] =	vst v28  }
0x132: {  	v60 =	vsub.f32 $1.280000000e+02, v58;
	v30 =	vmul.f32 v28, v38;
	v27 =	vmul.f32 $1.270000000e+02, v27;
	v36 =	vld [tilespmem:s6+$0x20];
	[tilespmem:s4+$0x40] =	vst v31  }
0x133: {  	v26 =	vnsel vm2, $0x7F, v32;
	v28 =	vmul.f32 v43, v53;
	v31 =	vsub.f32 v59, v15;
	[tilespmem:s4+$0xFFFFFFC0] =	vst v35;
	v38 =	vld [tilespmem:s6+$0x1]  }
0x134: {  	v32 =	vand.u32 $0xFFFFFF80, v24;
	v35 =	vtrunc.f32 v60;
	v39 =	vmul.f32 v27, v39;
	v53 =	vld [tilespmem:s6+$0xFFFFFF81]  }
0x135: {  	v52 =	vmul.f32 v27, v52;
	v59 =	vcvt.f32.s32 v35;
	v35 =	vand.u32 $0xFFFFFF80, v26;
	[tilespmem:v55+s13+$0x0] =	vst.idx.add.s32.msk $0xffff, v3  }
0x136: {  	v34 =	vmul.f32 v27, v34;
	v51 =	vmul.f32 v27, v51;
	vm1 =	vlt.f32 v39, $1.270000010e-03;
	[tilespmem:s1+$0xFFFFFFB0] =	vst v17;
	v17 =	vmovc v43;
	s1 =	smov.u32 s3  }
0x137: {  	v0 =	vsub.f32 $1.280000000e+02, v52;
	v59 =	vsub.s32 $0x80, v59;
	v43 =	vsel vm1, $0x42FE0000, v39;
	[tilespmem:s0+$0xFFFFFFB0] =	vst v54;
	s0 =	smov.u32 s5;
	s5 =	smov.u32 s4  }
0x138: {  	vm1 =	vlt.s32 v59, $0x7F;
	v38 =	vsub.f32 v38, v57;
	(erf) = vrcp.f32 v43;
	[tilespmem:v56+s13+$0x0] =	vst.idx.add.s32.msk $0xffff, v3  }
0x139: {  	s7 =	sshll.u32 s8, $0x7;
	s8 =	smov.u32 s11;
	v54 =	vnsel vm1, $0x7F, v59;
	v43 =	vsub.f32 v53, v47;
	v53 =	vtrunc.f32 v0;
	v55 =	vpop (erf)  }
0x13a: {  	s10 =	sadd.s32 $0x80, s7;
	v40 =	vsub.f32 v58, v40;
	v38 =	vmul.f32 v55, v38;
	v55 =	vand.u32 $0xFFFFFF80, v54  }
0x13b: {  	v56 =	vmul.f32 v37, v33;
	v54 =	vand.u32 $0x7F, v54;
	v55 =	vadd.s32 s10, v55  }
0x13c: {  	v33 =	vcvt.f32.s32 v53;
	v40 =	vmul.f32 v38, v40;
	v53 =	vor.u32 v54, v55  }
0x13d: {  	v48 =	vadd.f32 v48, v49;
	v39 =	vsub.f32 v52, v39;
	vm1 =	vlt.f32 v56, $1.270000010e-03  }
0x13e: {  	s9 =	sadd.s32 $0x100, s9;
	s3 =	sadd.s32 $0x100, s3;
	v49 =	vsel vm1, $0x42FE0000, v56;
	v33 =	vsub.s32 $0x80, v33;
	v40 =	vsub.f32 v57, v40  }
0x13f: {  	v48 =	vmul.f32 v37, v48;
	vm1 =	vlt.s32 v33, $0x7F;
	v52 =	vld [tilespmem:s9+$0x20];
	[tilespmem:s3+$0x0] =	vst v38;
	(erf) = vrcp.f32 v49  }
0x140: {  	v33 =	vnsel vm1, $0x7F, v33;
	vm1 =	vlt.f32 v34, $1.270000010e-03;
	v38 =	vsub.f32 $1.280000000e+02, v51;
	v54 =	vld [tilespmem:s9+$0x0];
	[tilespmem:s4+$0x0] =	vst v40  }
0x141: {  	v49 =	vsub.f32 $1.280000000e+02, v48;
	v40 =	vand.u32 $0xFFFFFF80, v33;
	v33 =	vand.u32 $0x7F, v33;
	[tilespmem:v53+s13+$0x0] =	vst.idx.add.s32.msk $0xffff, v3;
	v53 =	vpop (erf)  }
0x142: {  	v40 =	vadd.s32 s7, v40;
	v43 =	vmul.f32 v53, v43;
	v53 =	vsel vm1, $0x42FE0000, v34;
	v55 =	vld [tilespmem:s6+$0x11]  }
0x143: {  	v58 =	vor.u32 v33, v40;
	v33 =	vtrunc.f32 v49;
	v57 =	vld [tilespmem:s9+$0x10];
	(erf) = vrcp.f32 v53  }
0x144: {  	v33 =	vcvt.f32.s32 v33;
	v59 =	vld [tilespmem:s9+$0xFFFFFF90];
	v52 =	vadd.f32 $9.999999740e-06, v52;
	[tilespmem:s3+$0xFFFFFF80] =	vst v43;
	v39 =	vmul.f32 v43, v39  }
0x145: {  	v43 =	vsub.f32 v51, v34;
	v34 =	vtrunc.f32 v38;
	v38 =	vmul.f32 v27, v23;
	v53 =	vld [tilespmem:s9+$0xFFFFFF80]  }
0x146: {  	v34 =	vcvt.f32.s32 v34;
	v51 =	vsub.s32 $0x80, v33;
	v23 =	vld [tilespmem:s9+$0xFFFFFFA0];
	(xrf2) =	vadd.scan.msk.f32 $0xffff, v52;
	v0 =	vsub.f32 v47, v39  }
0x147: {  	v40 =	vadd.f32 $9.999999740e-06, v54;
	vm1 =	vlt.s32 v51, $0x7F;
	v49 =	vld [tilespmem:s9+$0xFFFFFFB0];
	v54 =	vsub.f32 v55, v50  }
0x148: {  	v47 =	vsub.s32 $0x80, v34;
	v34 =	vnsel vm1, $0x7F, v51;
	v33 =	vadd.f32 $9.999999740e-06, v57;
	[tilespmem:s4+$0xFFFFFF80] =	vst v0;
	v39 =	vpop (erf)  }
0x149: {  	v0 =	vsub.f32 v48, v56;
	(xrf2) =	vadd.scan.msk.f32 $0xffff, v40;
	v57 =	vmul.f32 v54, v39;
	v39 =	vand.u32 $0xFFFFFF80, v34  }
0x14a: {  	v55 =	vmul.f32 v37, v21;
	v21 =	vmovc v52;
	v34 =	vand.u32 $0x7F, v34;
	[tilespmem:v58+s13+$0x0] =	vst.idx.add.s32.msk $0xffff, v3;
	v54 =	vadd.s32 s10, v39  }
.Ltmp1:
0x14b: {  	v39 =	vadd.f32 $9.999999740e-06, v53;
	v48 =	vld [tilespmem:s6+$0xFFFFFF91];
	v52 =	vmul.f32 v57, v0;
	v53 =	vor.u32 v34, v54;
	(pc) =	sbr.rel @p0 .LBB2_5-.Ltmp1, $4  }
0x14c: {  	v42 =	vadd.f32 v46, v42;
	vm1 =	vlt.f32 v55, $1.270000010e-03;
	v34 =	vadd.f32 $9.999999740e-06, v59;
	v54 =	vld [tilespmem:s9+$0x30];
	(xrf2) =	vadd.scan.msk.f32 $0xffff, v33;
	v51 =	vpop (erf)  }
0x14d: {  	v56 =	vsel vm1, $0x42FE0000, v55;
	v50 =	vsub.f32 v50, v52;
	v52 =	vmul.f32 v37, v41  }
0x14e: {  	v46 =	vmul.f32 v37, v42;
	v23 =	vadd.f32 $9.999999740e-06, v23;
	[tilespmem:s3+$0x10] =	vst v57;
	(erf) = vrcp.f32 v56  }
0x14f: {  	v45 =	vadd.f32 v45, v44;
	s11 =	sadd.s32 $0x2, s11;
	(xrf2) =	vadd.scan.msk.f32 $0xffff, v39;
	[tilespmem:s4+$0x10] =	vst v50;
	vm1 =	vlt.f32 v52, $1.270000010e-03  }
0x150: {  	_ = 	snop  }
0x151: {  	v42 =	vadd.f32 $9.999999740e-06, v54;
	_ =	sdelay $0x1  }
0x152: {  	(xrf2) =	vadd.scan.msk.f32 $0xffff, v42;
	_ =	sdelay $0x3  }
0x153: {  	v44, _, _ =	vpop (xrf2);
	v41 =	vsel vm1, $0x42FE0000, v52;
	[tilespmem:v53+s13+$0x0] =	vst.idx.add.s32.msk $0xffff, v3;
	v50 =	vsub.f32 $1.280000000e+02, v46;
	(xrf2) =	vadd.scan.msk.f32 $0xffff, v34  }
0x154: {  	v57 =	vperm.xlane v25, v4;
	v61 =	vsub.f32 v48, v29;
	v0 =	vlaneseq.u32;
	v58 =	vld [tilespmem:s6+$0x21];
	v56, _, _ =	vpop (xrf2)  }
0x155: {  	(erf) = vrcp.f32 v41;
	v41 =	vadd.f32 $9.999999740e-06, v49;
	v59 =	vmul.f32 v37, v45;
	v53, _, _ =	vpop (xrf2)  }
0x156: {  	vm0 =	veq.s32 v0, $0xF;
	v54 =	vperm.xlane v56, v2;
	(xrf2) =	vadd.scan.msk.f32 $0xffff, v23;
	v49 =	vperm.xlane v53, v2  }
0x157: {  	v37 =	vtrunc.f32 v50;
	v45 =	vsub.f32 v57, v25;
	v62 =	vsub.f32 $1.280000000e+02, v59  }
0x158: {  	v57 =	vperm.xlane v44, v2;
	v37 =	vcvt.f32.s32 v37;
	(xrf2) =	vadd.scan.msk.f32 $0xffff, v41;
	v60, _, _ =	vpop (xrf2);
	v50 =	vadd.f32 v49, v54  }
0x159: {  	v63 =	vsel vm0, $0x0, v45;
	v62 =	vtrunc.f32 v62;
	v58 =	vsub.f32 v58, v36;
	v48, _, _ =	vpop (xrf2)  }
0x15a: {  	v37 =	vsub.s32 $0x80, v37;
	v49 =	vadd.f32 v57, v50;
	v45 =	vperm.xlane v48, v2  }
0x15b: {  	v46 =	vsub.f32 v46, v55;
	vm7 =	vlt.f32 v38, $1.270000010e-03;
	vm6 =	vlt.s32 v37, $0x7F  }
0x15c: {  	v37 =	vnsel vm6, $0x7F, v37;
	v57 =	vcvt.f32.s32 v62;
	v62 =	vpop (erf);
	v5 =	vadd.f32 v45, v49  }
0x15d: {  	vm9 =	vlt.s32 v47, $0x7F;
	v45 =	vmul.f32 v58, v62;
	v62 =	vand.u32 $0xFFFFFF80, v37;
	v58, _, _ =	vpop (xrf2)  }
0x15e: {  	v37 =	vand.u32 $0x7F, v37;
	v0 =	vperm.xlane v58, v2;
	(erf) = vrcp.f32 v5  }
0x15f: {  	v55 =	vpop (erf);
	v5 =	vadd.s32 s10, v62;
	v62 =	vperm.xlane v60, v2;
	v46 =	vmul.f32 v45, v46  }
0x160: {  	v59 =	vsub.f32 v59, v52;
	v5 =	vor.u32 v37, v5;
	v37 =	vmul.f32 v63, v55;
	v55, _, _ =	vpop (xrf2)  }
0x161: {  	[tilespmem:$0x1FFE0] =	vst v5;
	v5 =	vadd.f32 v0, v62;
	v52 =	vperm.xlane v55, v2;
	v0 =	vsub.f32 v36, v46  }
0x162: {  	v61 =	vmul.f32 v61, v51;
	v57 =	vsub.s32 $0x80, v57;
	v46 =	vmul.f32 v27, v19;
	v63, _, _ =	vpop (xrf2)  }
0x163: {  	vm2 =	vlt.s32 v57, $0x7F;
	v36 =	vperm.xlane v63, v2;
	[tilespmem:$0x1FFD0] =	vst v0;
	v0 =	vadd.f32 v52, v5  }
0x164: {  	v57 =	vnsel vm2, $0x7F, v57;
	v19 =	vsel vm7, $0x42FE0000, v38;
	vm8 =	vlt.f32 v46, $1.270000010e-03  }
0x165: {  	(erf) = vrcp.f32 v19;
	v19 =	vsel vm8, $0x42FE0000, v46;
	v52 =	vadd.f32 v36, v0  }
0x166: {  	v59 =	vmul.f32 v37, v59;
	(erf) = vrcp.f32 v19;
	v19 =	vand.u32 $0xFFFFFF80, v57  }
0x167: {  	s24 =	sadd.s32 $0x100, s6;
	v57 =	vand.u32 $0x7F, v57;
	v19 =	vadd.s32 s10, v19;
	(erf) = vrcp.f32 v52;
	v36 =	vpop (erf)  }
0x168: {  	v47 =	vnsel vm9, $0x7F, v47;
	v51 =	vor.u32 v57, v19;
	v19 =	vld [tilespmem:s24+$0x30];
	v52 =	vmul.f32 $1.270000000e+02, v36  }
0x169: {  	v58 =	vadd.f32 v62, v58;
	v59 =	vsub.f32 v25, v59;
	v36 =	vmul.f32 v61, v43  }
0x16a: {  	v25 =	vand.u32 $0xFFFFFF80, v47;
	v0 =	vadd.f32 v0, v63;
	v43 =	vmul.f32 v52, v40  }
0x16b: {  	v25 =	vadd.s32 s7, v25;
	v57 =	vadd.f32 $0.0e+00, v60;
	v60 =	vsub.f32 v29, v36  }
0x16c: {  	v29 =	vand.u32 $0x7F, v47;
	v40 =	vadd.f32 $0.0e+00, v56;
	vm10 =	vlt.f32 v43, $1.270000010e-03  }
0x16d: {  	v56 =	vld [tilespmem:s24+$0x0];
	v62 =	vor.u32 v29, v25;
	v29 =	vperm.xlane v19, v2;
	v36 =	vsel vm10, $0x42FE0000, v43  }
0x16e: {  	v30 =	vsub.f32 v16, v30;
	v47 =	vld [tilespmem:s24+$0x10];
	[tilespmem:$0x1FFF0] =	vst v0;
	v25 =	vpop (erf);
	v63 =	vmul.f32 v52, v40;
	(erf) = vrcp.f32 v36  }
0x16f: {  	s9 =	sadd.s32 $0x100, s4;
	v24 =	vand.u32 $0x7F, v24;
	v0 =	vmul.f32 v27, v20;
	v16 =	vld [tilespmem:s24+$0xFFFFFFB0];
	v36 =	vadd.f32 v5, v55;
	v55 =	vpop (erf)  }
0x170: {  	v40 =	vld [tilespmem:s24+$0x20];
	[tilespmem:s9+$0x40] =	vst v29;
	v5 =	vmul.f32 v27, v22;
	v27 =	vsub.f32 v14, v28;
	v14 =	vsub.f32 $1.280000000e+02, v63;
	v20 =	vpop (erf)  }
0x171: {  	v29 =	vsel vm0, $0x0, v31;
	v28 =	vadd.s32 s2, v32;
	v22 =	vmul.f32 $1.270000000e+02, v20;
	v20 =	vld [tilespmem:s24+$0x1]  }
0x172: {  	v31 =	vadd.s32 s2, v35;
	v28 =	vor.u32 v24, v28;
	v14 =	vtrunc.f32 v14  }
0x173: {  	v24 =	vand.u32 $0x7F, v26;
	v14 =	vcvt.f32.s32 v14;
	v32 =	vmul.f32 v22, v39  }
0x174: {  	v33 =	vmul.f32 v52, v33;
	[tilespmem:s3+$0xFFFFFF90] =	vst v61;
	v24 =	vor.u32 v24, v31  }
0x175: {  	[tilespmem:s4+$0xFFFFFF90] =	vst v60;
	v35 =	vld [tilespmem:s24+$0xFFFFFF80];
	v31 =	vperm.xlane v16, v2;
	v14 =	vsub.s32 $0x80, v14;
	vm11 =	vlt.f32 v32, $1.270000010e-03  }
0x176: {  	[tilespmem:v62+s13+$0x0] =	vst.idx.add.s32.msk $0xffff, v3;
	vm12 =	vlt.s32 v14, $0x7F;
	v26 =	vsel vm11, $0x42FE0000, v32;
	v20 =	vsub.f32 v20, v56  }
0x177: {  	s25 =	sshll.u32 s8, $0x7;
	v39 =	vmul.f32 v22, v57;
	v60 =	vnsel vm12, $0x7F, v14;
	v14 =	vld [tilespmem:s24+$0xFFFFFFA0];
	(erf) = vrcp.f32 v26;
	v57 =	vpop (erf)  }
0x178: {  	s8 =	sadd.s32 $0x80, s25;
	v26 =	vld [tilespmem:s24+$0xFFFFFF90];
	v61 =	vand.u32 $0xFFFFFF80, v60;
	v57 =	vmul.f32 v57, v20;
	v20 =	vsub.f32 v63, v43  }
0x179: {  	v60 =	vand.u32 $0x7F, v60;
	[tilespmem:s9+$0xFFFFFFC0] =	vst v31;
	v31 =	vld [tilespmem:s6+$0xFFFFFFA1];
	v61 =	vadd.s32 s8, v61;
	v43 =	vsub.f32 $1.280000000e+02, v39  }
0x17a: {  	v62 =	vmul.f32 v57, v20;
	v20 =	vmul.f32 v29, v55;
	v29 =	vor.u32 v60, v61;
	v61 =	vld [tilespmem:s24+$0xFFFFFF81]  }
0x17b: {  	v53 =	vadd.f32 v54, v53  }
0x17c: {  	s26 =	sadd.s32 $0x100, s3;
	vm13 =	vlt.f32 v33, $1.270000010e-03;
	v43 =	vtrunc.f32 v43;
	v63 =	vsub.f32 v56, v62  }
0x17d: {  	v60 =	vsel vm13, $0x42FE0000, v33;
	[tilespmem:s26+$0x0] =	vst v57;
	v43 =	vcvt.f32.s32 v43  }
0x17e: {  	v53 =	vmul.f32 v52, v53;
	(erf) = vrcp.f32 v60;
	v31 =	vsub.f32 v31, v18;
	[tilespmem:s9+$0x0] =	vst v63  }
0x17f: {  	v38 =	vsub.f32 v0, v38;
	v43 =	vsub.s32 $0x80, v43;
	[tilespmem:v29+s13+$0x0] =	vst.idx.add.s32.msk $0xffff, v3;
	v29 =	vsub.f32 v61, v35  }
0x180: {  	v0 =	vsub.f32 $1.280000000e+02, v0;
	v25 =	vmul.f32 v31, v25;
	vm14 =	vlt.s32 v43, $0x7F;
	v62 =	vpop (erf)  }
0x181: {  	v31 =	vsub.f32 v39, v32;
	v61 =	vnsel vm14, $0x7F, v43;
	v63 =	vld [tilespmem:s24+$0x11];
	v29 =	vmul.f32 v62, v29  }
0x182: {  	v0 =	vtrunc.f32 v0;
	v57 =	vsub.f32 $1.280000000e+02, v53;
	v56 =	vand.u32 $0xFFFFFF80, v61  }
0x183: {  	v32 =	vand.u32 $0x7F, v61;
	v39 =	vadd.s32 s25, v56;
	v31 =	vmul.f32 v29, v31  }
0x184: {  	v0 =	vcvt.f32.s32 v0;
	v39 =	vor.u32 v32, v39;
	v32 =	vtrunc.f32 v57  }
0x185: {  	v32 =	vcvt.f32.s32 v32  }
0x186: {  	v46 =	vsub.f32 v5, v46;
	v0 =	vsub.s32 $0x80, v0;
	v43 =	vsub.f32 v63, v47  }
0x187: {  	vm15 =	vlt.s32 v0, $0x7F;
	v35 =	vsub.f32 v35, v31;
	v61 =	vsub.s32 $0x80, v32;
	v31 =	vpop (erf)  }
0x188: {  	v34 =	vmul.f32 v22, v34;
	vm5 =	vlt.s32 v61, $0x7F;
	v43 =	vmul.f32 v43, v31  }
0x189: {  	v31 =	vnsel vm15, $0x7F, v0;
	v0 =	vmul.f32 v25, v38;
	v38 =	vnsel vm5, $0x7F, v61  }
0x18a: {  	vm6 =	vlt.f32 v34, $1.270000010e-03;
	v33 =	vsub.f32 v53, v33;
	v62 =	vand.u32 $0xFFFFFF80, v38  }
0x18b: {  	[tilespmem:s26+$0xFFFFFF80] =	vst v29;
	v29 =	vsel vm6, $0x42FE0000, v34;
	v38 =	vand.u32 $0x7F, v38;
	v53 =	vadd.s32 s8, v62  }
0x18c: {  	[tilespmem:s3+$0x20] =	vst v45;
	(erf) = vrcp.f32 v29;
	v33 =	vmul.f32 v43, v33;
	v38 =	vor.u32 v38, v53  }
0x18d: {  	v32 =	vmul.f32 v20, v46;
	v46 =	vmul.f32 v22, v58;
	[tilespmem:s9+$0xFFFFFF80] =	vst v35  }
0x18e: {  	[tilespmem:v39+s13+$0x0] =	vst.idx.add.s32.msk $0xffff, v3;
	v33 =	vsub.f32 v47, v33  }
0x18f: {  	v21 =	vmul.f32 v52, v21;
	v63 =	vsub.f32 $1.280000000e+02, v46;
	v58 =	vld [tilespmem:s24+$0xFFFFFF91];
	[tilespmem:s26+$0x10] =	vst v43  }
0x190: {  	v42 =	vmul.f32 v52, v42;
	v60 =	vperm.xlane v16, v4;
	[tilespmem:s9+$0x10] =	vst v33  }
0x191: {  	vm7 =	vlt.f32 v21, $1.270000010e-03;
	v5 =	vsub.f32 $1.280000000e+02, v5;
	v57 =	vtrunc.f32 v63;
	[tilespmem:v38+s13+$0x0] =	vst.idx.add.s32.msk $0xffff, v3  }
0x192: {  	v54 =	vsub.f32 v60, v16;
	v56 =	vsel vm7, $0x42FE0000, v21;
	v60 =	vcvt.f32.s32 v57;
	v57 =	vld [tilespmem:$0x1FFD0]  }
0x193: {  	vm8 =	vlt.f32 v42, $1.270000010e-03;
	v5 =	vtrunc.f32 v5  }
0x194: {  	v23 =	vmul.f32 v22, v23;
	v29 =	vadd.f32 v50, v44;
	v44 =	vsub.f32 v58, v26  }
0x195: {  	v5 =	vcvt.f32.s32 v5;
	(erf) = vrcp.f32 v56;
	v56 =	vpop (erf);
	v33 =	vsub.s32 $0x80, v60  }
0x196: {  	v34 =	vsub.f32 v46, v34;
	vm9 =	vlt.s32 v33, $0x7F;
	v44 =	vmul.f32 v44, v56  }
0x197: {  	v5 =	vsub.s32 $0x80, v5;
	v61 =	vadd.f32 v49, v48;
	v33 =	vnsel vm9, $0x7F, v33;
	[tilespmem:s4+$0x20] =	vst v57  }
0x198: {  	v29 =	vmul.f32 v52, v29;
	v49 =	vand.u32 $0xFFFFFF80, v33;
	v34 =	vmul.f32 v44, v34;
	v60 =	vld [tilespmem:$0x1FFE0];
	[tilespmem:s0+$0xFFFFFFA0] =	vst v30  }
0x199: {  	v43 =	vmul.f32 v52, v61;
	v33 =	vand.u32 $0x7F, v33;
	v30 =	vadd.s32 s25, v49;
	[tilespmem:s3+$0xFFFFFFA0] =	vst v25  }
0x19a: {  	v52 =	vsel vm8, $0x42FE0000, v42;
	v26 =	vsub.f32 v26, v34;
	[tilespmem:s26+$0xFFFFFF90] =	vst v44;
	v30 =	vor.u32 v33, v30  }
0x19b: {  	vm4 =	vlt.s32 v5, $0x7F;
	v62 =	vsub.f32 $1.280000000e+02, v29;
	(erf) = vrcp.f32 v52;
	[tilespmem:v28+s13+$0x0] =	vst.idx.add.s32.msk $0xffff, v3  }
0x19c: {  	vm12 =	vlt.f32 v23, $1.270000010e-03;
	v5 =	vnsel vm4, $0x7F, v5;
	[tilespmem:s9+$0xFFFFFF90] =	vst v26  }
0x19d: {  	v53 =	vperm.xlane v19, v4;
	v55 =	vsub.f32 $1.280000000e+02, v43;
	v38 =	vtrunc.f32 v62;
	v63 =	vld [tilespmem:s24+$0x21];
	[tilespmem:s1+$0xFFFFFFB0] =	vst v17  }
0x19e: {  	v21 =	vsub.f32 v29, v21;
	v39 =	vand.u32 $0xFFFFFF80, v31;
	v38 =	vcvt.f32.s32 v38;
	[tilespmem:s0+$0xFFFFFFB0] =	vst v27  }
0x19f: {  	v52 =	vsel vm12, $0x42FE0000, v23;
	v48 =	vsub.f32 v53, v19;
	v47 =	vtrunc.f32 v55;
	[tilespmem:v30+s13+$0x0] =	vst.idx.add.s32.msk $0xffff, v3  }
0x1a0: {  	v53 =	vmul.f32 v22, v41;
	v47 =	vcvt.f32.s32 v47;
	v38 =	vsub.s32 $0x80, v38;
	[tilespmem:v60+s13+$0x0] =	vst.idx.add.s32.msk $0xffff, v3  }
0x1a1: {  	(erf) = vrcp.f32 v52;
	v48 =	vsel vm0, $0x0, v48;
	vm10 =	vlt.s32 v38, $0x7F;
	[tilespmem:s3+$0x30] =	vst v37  }
0x1a2: {  	v29 =	vnsel vm10, $0x7F, v38;
	v46 =	vsub.f32 v63, v40;
	v63 =	vsub.s32 $0x80, v47;
	[tilespmem:s4+$0x30] =	vst v59  }
0x1a3: {  	v58 =	vpop (erf);
	vm13 =	vlt.f32 v53, $1.270000010e-03;
	v62 =	vand.u32 $0xFFFFFF80, v29;
	vm11 =	vlt.s32 v63, $0x7F;
	[tilespmem:v51+s13+$0x0] =	vst.idx.add.s32.msk $0xffff, v3  }
0x1a4: {  	v50 =	vpop (erf);
	v29 =	vand.u32 $0x7F, v29;
	v61 =	vmul.f32 v46, v58;
	v25 =	vnsel vm11, $0x7F, v63;
	v27 =	vld [tilespmem:$0x1FFF0]  }
0x1a5: {  	v28 =	vmul.f32 v48, v50;
	v26 =	vmul.f32 v22, v36;
	v17 =	vand.u32 $0xFFFFFF80, v25  }
0x1a6: {  	v25 =	vand.u32 $0x7F, v25;
	v21 =	vmul.f32 v61, v21;
	v17 =	vadd.s32 s8, v17  }
0x1a7: {  	v17 =	vor.u32 v25, v17;
	v37 =	vadd.s32 s8, v62;
	v51 =	vsub.f32 v43, v42  }
0x1a8: {  	v25 =	vsel vm13, $0x42FE0000, v53;
	v21 =	vsub.f32 v40, v21;
	v29 =	vor.u32 v29, v37  }
0x1a9: {  	v30 =	vld [tilespmem:s24+$0xFFFFFFA1];
	v33 =	vmul.f32 v28, v51;
	v22 =	vmul.f32 v22, v27;
	v27 =	vsub.f32 $1.280000000e+02, v26  }
0x1aa: {  	v0 =	vsub.f32 v18, v0;
	v23 =	vsub.f32 v26, v23;
	(erf) = vrcp.f32 v25;
	[tilespmem:s26+$0x20] =	vst v61  }
0x1ab: {  	[tilespmem:s9+$0x20] =	vst v21;
	v21 =	vadd.s32 s7, v39;
	v19 =	vsub.f32 v19, v33;
	v25 =	vtrunc.f32 v27  }
0x1ac: {  	[tilespmem:v24+s13+$0x0] =	vst.idx.add.s32.msk $0xffff, v3;
	v26 =	vand.u32 $0x7F, v31;
	v18 =	vsub.f32 $1.280000000e+02, v22;
	v25 =	vcvt.f32.s32 v25  }
0x1ad: {  	v35 =	vand.u32 $0xFFFFFF80, v5;
	v15 =	vsub.f32 v15, v32;
	[tilespmem:v29+s13+$0x0] =	vst.idx.add.s32.msk $0xffff, v3;
	v21 =	vor.u32 v26, v21  }
0x1ae: {  	[tilespmem:s26+$0x30] =	vst v28;
	v26 =	vsub.f32 v30, v14;
	v18 =	vtrunc.f32 v18;
	v25 =	vsub.s32 $0x80, v25  }
0x1af: {  	v5 =	vand.u32 $0x7F, v5;
	[tilespmem:s9+$0x30] =	vst v19;
	v19 =	vpop (erf);
	v18 =	vcvt.f32.s32 v18;
	vm14 =	vlt.s32 v25, $0x7F  }
0x1b0: {  	[tilespmem:v17+s13+$0x0] =	vst.idx.add.s32.msk $0xffff, v3;
	v27 =	vadd.s32 s7, v35;
	v17 =	vmul.f32 v26, v19;
	v19 =	vnsel vm14, $0x7F, v25  }
0x1b1: {  	[tilespmem:s5+$0xFFFFFFA0] =	vst v0;
	v0 =	vor.u32 v5, v27;
	v5 =	vsub.s32 $0x80, v18;
	v18 =	vand.u32 $0xFFFFFF80, v19  }
0x1b2: {  	v24 =	vsel vm0, $0x0, v54;
	[tilespmem:s26+$0xFFFFFFA0] =	vst v17;
	v19 =	vand.u32 $0x7F, v19;
	v18 =	vadd.s32 s25, v18  }
0x1b3: {  	v17 =	vmul.f32 v17, v23;
	[tilespmem:v21+s13+$0x0] =	vst.idx.add.s32.msk $0xffff, v3;
	vm15 =	vlt.s32 v5, $0x7F;
	v25 =	vpop (erf);
	v18 =	vor.u32 v19, v18  }
0x1b4: {  	[tilespmem:s3+$0xFFFFFFB0] =	vst v20;
	v5 =	vnsel vm15, $0x7F, v5;
	v21 =	vmul.f32 v24, v25;
	v19 =	vsub.f32 v22, v53  }
0x1b5: {  	v14 =	vsub.f32 v14, v17;
	[tilespmem:s5+$0xFFFFFFB0] =	vst v15;
	v22 =	vand.u32 $0xFFFFFF80, v5  }
0x1b6: {  	[tilespmem:v0+s13+$0x0] =	vst.idx.add.s32.msk $0xffff, v3;
	v5 =	vand.u32 $0x7F, v5;
	v15 =	vadd.s32 s25, v22;
	v17 =	vmul.f32 v21, v19  }
0x1b7: {  	[tilespmem:s9+$0xFFFFFFA0] =	vst v14;
	v0 =	vor.u32 v5, v15  }
0x1b8: {  	v5 =	vsub.f32 v16, v17;
	[tilespmem:v18+s13+$0x0] =	vst.idx.add.s32.msk $0xffff, v3  }
0x1b9: {  	[tilespmem:s26+$0xFFFFFFB0] =	vst v21  }
0x1ba: {  	s8 =	sshll.u32 s14, $0xC;
	[tilespmem:s9+$0xFFFFFFB0] =	vst v5  }
0x1bb: {  	[dreg:$0xe] =	wrdreg s8  }
0x1bc: {  	s0 =	rddreg [dreg:$0x7];
	[tilespmem:v0+s13+$0x0] =	vst.idx.add.s32.msk $0xffff, v3  }
0x1bd: {  	s1 =	sadd.s32 s0, s8;
	s10 =	rddreg [dreg:$0x3]  }
0x1be: {  	p0 =	seq.s32 s14, $0x0;
	s11 =	rddreg [dreg:$0x4];
	s0 =	sadd.s32 s10, s1  }
0x1bf: {  	[tilespmem:s12], [sflag:$0x1] =	stream.linear.gather [hbm4b:s0+s12], $0x4000, $0x38;
	[tilespmem:$0x1C000] =	vst v63  }
0x1c0: {  	s13 =	simm.s32 $0x4000;
	[dreg:$0xd] =	wrdreg s1;
	s0 =	sadd.s32 s11, s1  }
0x1c1: {  	[tilespmem:s13], [sflag:$0x2] =	stream.linear.gather [hbm4b:s0+s12], $0x4000, $0x38;
	[tilespmem:$0x1C000] =	vst v63  }
0x1c2: {  	[dreg:$0xc] =	wrdreg s14;
	s0 =	simm.s32 @!p0 $0x3  }
0x1c3: {  	_ =	swait.ge @!p0 [sflag:s0], $0x4000  }
0x1c4: {  	[sflag:s0] =	ssyncset.done @!p0 $0x0  }
0x1c5: {  	s15 =	simm.s32 $0x18080;
	[sflag:s0] =	ssyncadd.s32 @!p0 $0xFFFFC000  }
0x1c6: {  	v0 =	vld [tilespmem:s15+$0x0];
	_ =	sdelay $0x4  }
0x1c7: {  	(xrf0) =	vadd.scan.msk.s32 $0xffff, v0;
	_ =	sdelay $0x2  }
0x1c8: {  	v0 =	vld [tilespmem:s15+$0xFFFFFF80];
	_ =	sdelay $0x2  }
0x1c9: {  	v5, _, _ =	vpop (xrf0)  }
0x1ca: {  	s21 =	simm.s32 $0x80;
	v14 =	vand.u32 $0xFFFFFF80, v5  }
0x1cb: {  	(xrf0) =	vadd.scan.msk.s32 $0xffff, v0;
	v0 =	vand.u32 $0x7F, v5;
	v14 =	vadd.s32 s21, v14  }
0x1cc: {  	v0 =	vor.u32 v0, v14;
	_ =	sdelay $0x3  }
0x1cd: {  	[tilespmem:s15+$0x0] =	vst v1  }
0x1ce: {  	v14, _, _ =	vpop (xrf0);
	v15 =	vld.idx.msk [tilespmem:v0+s17+$0x0], $0xffff  }
0x1cf: {  	s23 =	simm.s32 $0x0;
	v16 =	vand.u32 $0xFFFFFF80, v14  }
0x1d0: {  	v17 =	vand.u32 $0x7F, v14;
	v16 =	vadd.s32 s23, v16;
	v0 =	vld.idx.msk [tilespmem:v0+s16+$0x0], $0xffff  }
0x1d1: {  	v16 =	vor.u32 v17, v16;
	_ =	sdelay $0x1  }
0x1d2: {  	v15 =	vmul.f32 v6, v15;
	_ =	sdelay $0x1  }
0x1d3: {  	[tilespmem:s15+$0xFFFFFF80] =	vst v1;
	v0 =	vadd.f32 v15, v0  }
0x1d4: {  	s26 =	simm.s32 $0x8080;
	v15 =	vld.idx.msk [tilespmem:v16+s17+$0x0], $0xffff  }
0x1d5: {  	v16 =	vld.idx.msk [tilespmem:v16+s16+$0x0], $0xffff;
	[tilespmem:s26+$0x0] =	vst v0  }
0x1d6: {  	v0 =	vld [tilespmem:s15+$0x10];
	_ =	sdelay $0x2  }
0x1d7: {  	v15 =	vmul.f32 v6, v15;
	_ =	sdelay $0x1  }
0x1d8: {  	v15 =	vadd.f32 v15, v16;
	(xrf0) =	vadd.scan.msk.s32 $0xffff, v0;
	_ =	sdelay $0x1  }
0x1d9: {  	[tilespmem:s26+$0xFFFFFF80] =	vst v15  }
0x1da: {  	v0 =	vld [tilespmem:s15+$0xFFFFFF90];
	_ =	sdelay $0x1  }
0x1db: {  	v5 =	vperm.xlane v5, v2  }
0x1dc: {  	v15, _, _ =	vpop (xrf0)  }
0x1dd: {  	v16 =	vadd.s32 v5, v15  }
0x1de: {  	(xrf0) =	vadd.scan.msk.s32 $0xffff, v0;
	v0 =	vand.u32 $0xFFFFFF80, v16  }
0x1df: {  	v16 =	vand.u32 $0x7F, v16;
	v0 =	vadd.s32 s21, v0  }
0x1e0: {  	v0 =	vor.u32 v16, v0;
	_ =	sdelay $0x1  }
0x1e1: {  	s29 =	simm.s32 $0x18180  }
0x1e2: {  	v14 =	vperm.xlane v14, v2;
	v16 =	vld [tilespmem:s29+$0x0]  }
0x1e3: {  	[tilespmem:s15+$0x10] =	vst v1;
	v17, _, _ =	vpop (xrf0)  }
0x1e4: {  	v18 =	vadd.s32 v14, v17;
	v19 =	vld.idx.msk [tilespmem:v0+s17+$0x0], $0xffff  }
0x1e5: {  	v20 =	vand.u32 $0xFFFFFF80, v18  }
0x1e6: {  	v18 =	vand.u32 $0x7F, v18;
	v0 =	vld.idx.msk [tilespmem:v0+s16+$0x0], $0xffff;
	v20 =	vadd.s32 s23, v20  }
0x1e7: {  	(xrf0) =	vadd.scan.msk.s32 $0xffff, v16;
	v18 =	vor.u32 v18, v20  }
0x1e8: {  	v16 =	vld [tilespmem:s29+$0xFFFFFF80]  }
0x1e9: {  	v19 =	vmul.f32 v7, v19;
	_ =	sdelay $0x1  }
0x1ea: {  	[tilespmem:s15+$0xFFFFFF90] =	vst v1;
	v0 =	vadd.f32 v19, v0  }
0x1eb: {  	[tilespmem:s29+$0xFFFFFF80] =	vst v1;
	v19 =	vld.idx.msk [tilespmem:v18+s17+$0x0], $0xffff  }
0x1ec: {  	(xrf0) =	vadd.scan.msk.s32 $0xffff, v16;
	v16 =	vld.idx.msk [tilespmem:v18+s16+$0x0], $0xffff;
	v18, _, _ =	vpop (xrf0);
	[tilespmem:s26+$0x10] =	vst v0  }
0x1ed: {  	v0 =	vld [tilespmem:s15+$0x20]  }
0x1ee: {  	s24 =	simm.s32 $0x180;
	v20 =	vand.u32 $0xFFFFFF80, v18  }
0x1ef: {  	v21 =	vand.u32 $0x7F, v18;
	v20 =	vadd.s32 s24, v20  }
0x1f0: {  	v20 =	vor.u32 v21, v20;
	_ =	sdelay $0x1  }
0x1f1: {  	(xrf0) =	vadd.scan.msk.s32 $0xffff, v0;
	_ =	sdelay $0x1  }
0x1f2: {  	v15 =	vperm.xlane v15, v2;
	[tilespmem:s29+$0x0] =	vst v1  }
0x1f3: {  	v0 =	vld.idx.msk [tilespmem:v20+s17+$0x0], $0xffff  }
0x1f4: {  	v21, _, _ =	vpop (xrf0)  }
0x1f5: {  	s0 =	simm.s32 $0x100;
	v5 =	vadd.s32 v5, v15;
	v22 =	vand.u32 $0xFFFFFF80, v21;
	v20 =	vld.idx.msk [tilespmem:v20+s16+$0x0], $0xffff  }
0x1f6: {  	v19 =	vmul.f32 v7, v19;
	v23 =	vand.u32 $0x7F, v21;
	v22 =	vadd.s32 s0, v22;
	v15, _, _ =	vpop (xrf0)  }
0x1f7: {  	v22 =	vor.u32 v23, v22;
	v23 =	vadd.s32 v5, v15  }
0x1f8: {  	v16 =	vadd.f32 v19, v16;
	v0 =	vmul.f32 v6, v0;
	v19 =	vand.u32 $0xFFFFFF80, v23  }
0x1f9: {  	v23 =	vand.u32 $0x7F, v23;
	v19 =	vadd.s32 s21, v19  }
0x1fa: {  	[tilespmem:s26+$0xFFFFFF90] =	vst v16;
	v0 =	vadd.f32 v0, v20;
	v16 =	vor.u32 v23, v19  }
0x1fb: {  	s28 =	simm.s32 $0x8180;
	v19 =	vld [tilespmem:s15+$0xFFFFFFA0]  }
0x1fc: {  	v20 =	vld.idx.msk [tilespmem:v22+s17+$0x0], $0xffff;
	[tilespmem:s28+$0x0] =	vst v0  }
0x1fd: {  	v0 =	vld [tilespmem:s29+$0x10]  }
0x1fe: {  	[tilespmem:s15+$0x20] =	vst v1;
	v22 =	vld.idx.msk [tilespmem:v22+s16+$0x0], $0xffff  }
0x1ff: {  	v23 =	vld.idx.msk [tilespmem:v16+s17+$0x0], $0xffff  }
0x200: {  	(xrf0) =	vadd.scan.msk.s32 $0xffff, v19  }
0x201: {  	v16 =	vld.idx.msk [tilespmem:v16+s16+$0x0], $0xffff  }
0x202: {  	v19 =	vmul.f32 v6, v20;
	(xrf0) =	vadd.scan.msk.s32 $0xffff, v0;
	_ =	sdelay $0x1  }
0x203: {  	v0 =	vperm.xlane v17, v2;
	v17 =	vadd.f32 v19, v22;
	v19 =	vmul.f32 v8, v23;
	_ =	sdelay $0x1  }
0x204: {  	v0 =	vadd.s32 v14, v0;
	[tilespmem:s28+$0xFFFFFF80] =	vst v17;
	v14, _, _ =	vpop (xrf0);
	v16 =	vadd.f32 v19, v16  }
0x205: {  	v18 =	vperm.xlane v18, v2;
	v17 =	vadd.s32 v0, v14;
	v19 =	vld [tilespmem:s29+$0xFFFFFF90]  }
0x206: {  	v22, _, _ =	vpop (xrf0);
	v20 =	vand.u32 $0xFFFFFF80, v17;
	[tilespmem:s26+$0x20] =	vst v16  }
0x207: {  	v16 =	vand.u32 $0x7F, v17;
	v17 =	vadd.s32 s23, v20;
	v20 =	vadd.s32 v18, v22;
	v23 =	vld [tilespmem:s15+$0x30]  }
0x208: {  	v16 =	vor.u32 v16, v17;
	v17 =	vand.u32 $0xFFFFFF80, v20  }
0x209: {  	v20 =	vand.u32 $0x7F, v20;
	v17 =	vadd.s32 s24, v17  }
0x20a: {  	(xrf0) =	vadd.scan.msk.s32 $0xffff, v19;
	v17 =	vor.u32 v20, v17;
	_ =	sdelay $0x1  }
0x20b: {  	[tilespmem:s15+$0xFFFFFFA0] =	vst v1;
	(xrf0) =	vadd.scan.msk.s32 $0xffff, v23  }
0x20c: {  	s31 =	simm.s32 $0x18280;
	v19 =	vld.idx.msk [tilespmem:v16+s17+$0x0], $0xffff  }
0x20d: {  	v15 =	vperm.xlane v15, v2;
	[tilespmem:s29+$0x10] =	vst v1;
	v20 =	vld [tilespmem:s31+$0x0]  }
0x20e: {  	v21 =	vperm.xlane v21, v2;
	v23 =	vld.idx.msk [tilespmem:v17+s17+$0x0], $0xffff  }
0x20f: {  	v16 =	vld.idx.msk [tilespmem:v16+s16+$0x0], $0xffff;
	v24, _, _ =	vpop (xrf0)  }
0x210: {  	v17 =	vld.idx.msk [tilespmem:v17+s16+$0x0], $0xffff;
	v25 =	vadd.s32 v21, v24  }
0x211: {  	v5 =	vadd.s32 v5, v15;
	v19 =	vmul.f32 v8, v19;
	v26 =	vand.u32 $0xFFFFFF80, v25;
	v15, _, _ =	vpop (xrf0)  }
0x212: {  	(xrf0) =	vadd.scan.msk.s32 $0xffff, v20;
	v25 =	vand.u32 $0x7F, v25;
	v26 =	vadd.s32 s0, v26;
	v20 =	vadd.s32 v5, v15  }
0x213: {  	v25 =	vor.u32 v25, v26;
	v23 =	vmul.f32 v7, v23;
	v26 =	vand.u32 $0xFFFFFF80, v20  }
0x214: {  	v16 =	vadd.f32 v19, v16;
	v19 =	vand.u32 $0x7F, v20;
	v20 =	vadd.s32 s21, v26  }
0x215: {  	v26 =	vld [tilespmem:s31+$0xFFFFFF80];
	v17 =	vadd.f32 v23, v17;
	v19 =	vor.u32 v19, v20  }
0x216: {  	[tilespmem:s26+$0xFFFFFFA0] =	vst v16  }
0x217: {  	v16 =	vld [tilespmem:s15+$0xFFFFFFB0];
	[tilespmem:s28+$0x10] =	vst v17  }
0x218: {  	[tilespmem:s29+$0xFFFFFF90] =	vst v1;
	v20 =	vld [tilespmem:s29+$0x20]  }
0x219: {  	[tilespmem:s15+$0x30] =	vst v1;
	v23 =	vld.idx.msk [tilespmem:v25+s17+$0x0], $0xffff;
	v17, _, _ =	vpop (xrf0)  }
0x21a: {  	s25 =	simm.s32 $0x280;
	v27 =	vand.u32 $0xFFFFFF80, v17;
	(xrf0) =	vadd.scan.msk.s32 $0xffff, v26;
	v28 =	vld.idx.msk [tilespmem:v19+s17+$0x0], $0xffff  }
0x21b: {  	v25 =	vld.idx.msk [tilespmem:v25+s16+$0x0], $0xffff;
	v26 =	vand.u32 $0x7F, v17;
	v27 =	vadd.s32 s25, v27  }
0x21c: {  	(xrf0) =	vadd.scan.msk.s32 $0xffff, v16;
	v16 =	vld.idx.msk [tilespmem:v19+s16+$0x0], $0xffff;
	v26 =	vor.u32 v26, v27  }
0x21d: {  	(xrf0) =	vadd.scan.msk.s32 $0xffff, v20  }
0x21e: {  	v19 =	vmul.f32 v7, v23  }
0x21f: {  	v22 =	vperm.xlane v22, v2;
	v20 =	vmul.f32 v9, v28  }
0x220: {  	[tilespmem:s31+$0x0] =	vst v1;
	v19 =	vadd.f32 v19, v25;
	v23, _, _ =	vpop (xrf0)  }
0x221: {  	s3 =	simm.s32 $0x200;
	v25 =	vld.idx.msk [tilespmem:v26+s17+$0x0], $0xffff;
	v27 =	vand.u32 $0xFFFFFF80, v23;
	v16 =	vadd.f32 v20, v16  }
0x222: {  	v28, _, _ =	vpop (xrf0);
	[tilespmem:s28+$0xFFFFFF90] =	vst v19;
	v19 =	vld.idx.msk [tilespmem:v26+s16+$0x0], $0xffff;
	v20 =	vand.u32 $0x7F, v23;
	v27 =	vadd.s32 s3, v27  }
0x223: {  	v18 =	vadd.s32 v18, v22;
	v26 =	vld [tilespmem:s29+$0xFFFFFFA0];
	v20 =	vor.u32 v20, v27;
	v22, _, _ =	vpop (xrf0);
	[tilespmem:s26+$0x30] =	vst v16  }
0x224: {  	v16 =	vadd.s32 v18, v22;
	v27 =	vld [tilespmem:s15+$0x40]  }
0x225: {  	v14 =	vperm.xlane v14, v2;
	v29 =	vand.u32 $0xFFFFFF80, v16  }
0x226: {  	v16 =	vand.u32 $0x7F, v16;
	v25 =	vmul.f32 v6, v25;
	v29 =	vadd.s32 s24, v29  }
0x227: {  	[tilespmem:s31+$0xFFFFFF80] =	vst v1;
	v29 =	vor.u32 v16, v29  }
0x228: {  	v0 =	vadd.s32 v0, v14;
	(xrf0) =	vadd.scan.msk.s32 $0xffff, v26;
	v16 =	vadd.f32 v25, v19;
	v14 =	vld.idx.msk [tilespmem:v20+s17+$0x0], $0xffff  }
0x229: {  	s30 =	simm.s32 $0x8280;
	v19 =	vadd.s32 v0, v28;
	(xrf0) =	vadd.scan.msk.s32 $0xffff, v27  }
0x22a: {  	v20 =	vld.idx.msk [tilespmem:v20+s16+$0x0], $0xffff;
	[tilespmem:s30+$0x0] =	vst v16;
	v16 =	vand.u32 $0xFFFFFF80, v19  }
0x22b: {  	[tilespmem:s29+$0x20] =	vst v1;
	v19 =	vand.u32 $0x7F, v19;
	v25 =	vld [tilespmem:s31+$0x10];
	v16 =	vadd.s32 s23, v16  }
0x22c: {  	v24 =	vperm.xlane v24, v2;
	v19 =	vor.u32 v19, v16;
	v26 =	vld.idx.msk [tilespmem:v29+s17+$0x0], $0xffff  }
0x22d: {  	v15 =	vperm.xlane v15, v2;
	v14 =	vmul.f32 v6, v14  }
0x22e: {  	v16 =	vadd.s32 v21, v24;
	v24 =	vld.idx.msk [tilespmem:v29+s16+$0x0], $0xffff;
	v21, _, _ =	vpop (xrf0)  }
0x22f: {  	v5 =	vadd.s32 v5, v15;
	[tilespmem:s15+$0xFFFFFFB0] =	vst v1;
	v14 =	vadd.f32 v14, v20;
	v20 =	vadd.s32 v16, v21;
	v27, _, _ =	vpop (xrf0)  }
0x230: {  	(xrf0) =	vadd.scan.msk.s32 $0xffff, v25;
	v15 =	vand.u32 $0xFFFFFF80, v20;
	v20 =	vand.u32 $0x7F, v20;
	v25 =	vadd.s32 v5, v27  }
0x231: {  	v29 =	vld.idx.msk [tilespmem:v19+s17+$0x0], $0xffff;
	v15 =	vadd.s32 s0, v15;
	v26 =	vmul.f32 v8, v26;
	v30 =	vand.u32 $0xFFFFFF80, v25  }
0x232: {  	[tilespmem:s30+$0xFFFFFF80] =	vst v14;
	v14 =	vor.u32 v20, v15;
	v15 =	vand.u32 $0x7F, v25;
	v20 =	vadd.s32 s21, v30  }
0x233: {  	v25 =	vld [tilespmem:s31+$0xFFFFFF90];
	v15 =	vor.u32 v15, v20;
	v20 =	vadd.f32 v26, v24  }
0x234: {  	v19 =	vld.idx.msk [tilespmem:v19+s16+$0x0], $0xffff  }
0x235: {  	v17 =	vperm.xlane v17, v2;
	[tilespmem:s28+$0x20] =	vst v20  }
0x236: {  	v24, _, _ =	vpop (xrf0);
	v20 =	vmul.f32 v9, v29;
	v29 =	vld [tilespmem:s29+$0x30]  }
0x237: {  	[tilespmem:s29+$0xFFFFFFA0] =	vst v1;
	v26 =	vadd.s32 v17, v24  }
0x238: {  	[tilespmem:s15+$0x40] =	vst v1;
	v30 =	vld.idx.msk [tilespmem:v14+s17+$0x0], $0xffff;
	(xrf0) =	vadd.scan.msk.s32 $0xffff, v25;
	v31 =	vand.u32 $0xFFFFFF80, v26  }
0x239: {  	v19 =	vadd.f32 v20, v19;
	v20 =	vand.u32 $0x7F, v26;
	v25 =	vld.idx.msk [tilespmem:v15+s17+$0x0], $0xffff;
	v26 =	vadd.s32 s25, v31  }
0x23a: {  	v14 =	vld.idx.msk [tilespmem:v14+s16+$0x0], $0xffff;
	v20 =	vor.u32 v20, v26  }
0x23b: {  	v15 =	vld.idx.msk [tilespmem:v15+s16+$0x0], $0xffff;
	[tilespmem:s26+$0xFFFFFFB0] =	vst v19;
	(xrf0) =	vadd.scan.msk.s32 $0xffff, v29  }
0x23c: {  	v23 =	vperm.xlane v23, v2;
	v19 =	vld [tilespmem:s15+$0xFFFFFFC0]  }
0x23d: {  	s6 =	simm.s32 $0x18380;
	v22 =	vperm.xlane v22, v2;
	v26 =	vmul.f32 v8, v30  }
0x23e: {  	[tilespmem:s31+$0x10] =	vst v1;
	v29 =	vld [tilespmem:s6+$0x0];
	v30, _, _ =	vpop (xrf0);
	v25 =	vmul.f32 v10, v25  }
0x23f: {  	v14 =	vadd.f32 v26, v14;
	v26 =	vadd.s32 v23, v30;
	v31 =	vld.idx.msk [tilespmem:v20+s17+$0x0], $0xffff  }
0x240: {  	v54 =	vld [tilespmem:s6+$0xFFFFFF80];
	v18 =	vadd.s32 v18, v22;
	v15 =	vadd.f32 v25, v15;
	v25 =	vand.u32 $0xFFFFFF80, v26  }
0x241: {  	(xrf0) =	vadd.scan.msk.s32 $0xffff, v19;
	v19 =	vld.idx.msk [tilespmem:v20+s16+$0x0], $0xffff;
	[tilespmem:s28+$0xFFFFFFA0] =	vst v14;
	v14 =	vand.u32 $0x7F, v26;
	v20 =	vadd.s32 s3, v25;
	v22, _, _ =	vpop (xrf0)  }
0x242: {  	v25 =	vld [tilespmem:s29+$0xFFFFFFB0];
	v20 =	vor.u32 v14, v20;
	v14 =	vadd.s32 v18, v22  }
0x243: {  	[tilespmem:s26+$0x40] =	vst v15;
	v15 =	vand.u32 $0xFFFFFF80, v14  }
0x244: {  	(xrf0) =	vadd.scan.msk.s32 $0xffff, v29;
	v26 =	vld [tilespmem:s15+$0x50];
	v29 =	vmul.f32 v7, v31;
	v15 =	vadd.s32 s24, v15  }
0x245: {  	v28 =	vperm.xlane v28, v2  }
0x246: {  	[tilespmem:s31+$0xFFFFFF90] =	vst v1;
	(xrf0) =	vadd.scan.msk.s32 $0xffff, v54;
	v14 =	vand.u32 $0x7F, v14;
	v19 =	vadd.f32 v29, v19  }
0x247: {  	v31 =	vor.u32 v14, v15;
	v14 =	vadd.s32 v0, v28;
	(xrf0) =	vadd.scan.msk.s32 $0xffff, v25;
	v25 =	vld.idx.msk [tilespmem:v20+s17+$0x0], $0xffff;
	v15, _, _ =	vpop (xrf0)  }
0x248: {  	v20 =	vld.idx.msk [tilespmem:v20+s16+$0x0], $0xffff;
	[tilespmem:s30+$0x10] =	vst v19;
	v0 =	vadd.s32 v14, v15  }
0x249: {  	(xrf0) =	vadd.scan.msk.s32 $0xffff, v26;
	v28 =	vld [tilespmem:s31+$0x20];
	v19 =	vand.u32 $0xFFFFFF80, v0  }
0x24a: {  	v26, _, _ =	vpop (xrf0);
	v0 =	vand.u32 $0x7F, v0;
	v19 =	vadd.s32 s23, v19  }
0x24b: {  	s20 =	simm.s32 $0x380;
	[tilespmem:s29+$0x30] =	vst v1;
	v29 =	vand.u32 $0xFFFFFF80, v26;
	v0 =	vor.u32 v0, v19  }
0x24c: {  	v29 =	vadd.s32 s20, v29;
	v55 =	vld.idx.msk [tilespmem:v31+s17+$0x0], $0xffff;
	v19 =	vand.u32 $0x7F, v26;
	v25 =	vmul.f32 v7, v25  }
0x24d: {  	v27 =	vperm.xlane v27, v2;
	v56, _, _ =	vpop (xrf0);
	v19 =	vor.u32 v19, v29  }
0x24e: {  	s11 =	simm.s32 $0x300;
	v21 =	vperm.xlane v21, v2;
	v57 =	vand.u32 $0xFFFFFF80, v56;
	v29 =	vld.idx.msk [tilespmem:v31+s16+$0x0], $0xffff;
	v31, _, _ =	vpop (xrf0);
	(xrf0) =	vadd.scan.msk.s32 $0xffff, v28;
	v20 =	vadd.f32 v25, v20  }
0x24f: {  	v5 =	vadd.s32 v5, v27;
	[tilespmem:s15+$0xFFFFFFC0] =	vst v1;
	v27 =	vand.u32 $0x7F, v56;
	v58, _, _ =	vpop (xrf0);
	v28 =	vadd.s32 s11, v57  }
0x250: {  	v25 =	vadd.s32 v5, v58;
	v27 =	vor.u32 v27, v28;
	[tilespmem:s30+$0xFFFFFF90] =	vst v20;
	v59 =	vld.idx.msk [tilespmem:v0+s17+$0x0], $0xffff  }
0x251: {  	v21 =	vadd.s32 v16, v21;
	[tilespmem:s6+$0x0] =	vst v1;
	v60 =	vand.u32 $0xFFFFFF80, v25;
	v32 =	vmul.f32 v9, v55;
	v61 =	vld [tilespmem:s31+$0xFFFFFFA0]  }
0x252: {  	v24 =	vperm.xlane v24, v2;
	v20 =	vand.u32 $0x7F, v25;
	v25 =	vadd.s32 s21, v60;
	v28 =	vld.idx.msk [tilespmem:v19+s17+$0x0], $0xffff  }
0x253: {  	v20 =	vor.u32 v20, v25;
	v25 =	vadd.f32 v32, v29;
	v16 =	vld.idx.msk [tilespmem:v19+s16+$0x0], $0xffff;
	v19 =	vadd.s32 v21, v31  }
0x254: {  	[tilespmem:s6+$0xFFFFFF80] =	vst v1;
	v24 =	vadd.s32 v17, v24;
	v0 =	vld.idx.msk [tilespmem:v0+s16+$0x0], $0xffff;
	v17 =	vand.u32 $0xFFFFFF80, v19;
	v29, _, _ =	vpop (xrf0)  }
0x255: {  	v19 =	vand.u32 $0x7F, v19;
	[tilespmem:s28+$0x30] =	vst v25;
	v17 =	vadd.s32 s0, v17;
	v63 =	vld.idx.msk [tilespmem:v27+s17+$0x0], $0xffff;
	v25 =	vadd.s32 v24, v29  }
0x256: {  	v62 =	vld [tilespmem:s29+$0x40];
	v17 =	vor.u32 v19, v17;
	v40 =	vand.u32 $0xFFFFFF80, v25  }
0x257: {  	[tilespmem:s15+$0x50] =	vst v1;
	v27 =	vld.idx.msk [tilespmem:v27+s16+$0x0], $0xffff;
	v19 =	vand.u32 $0x7F, v25;
	v28 =	vmul.f32 v6, v28;
	v25 =	vadd.s32 s25, v40  }
0x258: {  	(xrf0) =	vadd.scan.msk.s32 $0xffff, v61;
	v41 =	vld.idx.msk [tilespmem:v20+s17+$0x0], $0xffff;
	v25 =	vor.u32 v19, v25  }
0x259: {  	v16 =	vadd.f32 v28, v16  }
0x25a: {  	s7 =	simm.s32 $0x8380;
	[tilespmem:s29+$0xFFFFFFB0] =	vst v1;
	v20 =	vld.idx.msk [tilespmem:v20+s16+$0x0], $0xffff;
	v19 =	vmul.f32 v10, v59  }
0x25b: {  	v28 =	vmul.f32 v6, v63;
	(xrf0) =	vadd.scan.msk.s32 $0xffff, v62;
	v42 =	vld.idx.msk [tilespmem:v17+s17+$0x0], $0xffff;
	[tilespmem:s7+$0x0] =	vst v16;
	v16 =	vperm.xlane v30, v2  }
0x25c: {  	[tilespmem:s31+$0x20] =	vst v1;
	v0 =	vadd.f32 v19, v0;
	v30 =	vld [tilespmem:s6+$0x10]  }
0x25d: {  	v19 =	vadd.s32 v23, v16;
	v16 =	vmul.f32 v11, v41;
	v23 =	vadd.f32 v28, v27;
	v27 =	vld.idx.msk [tilespmem:v25+s17+$0x0], $0xffff  }
0x25e: {  	v22 =	vperm.xlane v22, v2;
	v43, _, _ =	vpop (xrf0);
	[tilespmem:s26+$0xFFFFFFC0] =	vst v0;
	v0 =	vld.idx.msk [tilespmem:v17+s16+$0x0], $0xffff  }
0x25f: {  	v17 =	vadd.s32 v19, v43;
	v16 =	vadd.f32 v16, v20;
	v20 =	vld.idx.msk [tilespmem:v25+s16+$0x0], $0xffff  }
0x260: {  	v36 =	vadd.s32 v18, v22;
	v28 =	vand.u32 $0xFFFFFF80, v17;
	[tilespmem:s7+$0xFFFFFF80] =	vst v23;
	v23 =	vld [tilespmem:s15+$0xFFFFFFD0]  }
0x261: {  	v17 =	vand.u32 $0x7F, v17;
	v25 =	vadd.s32 s3, v28;
	v44, _, _ =	vpop (xrf0);
	v18 =	vld [tilespmem:s6+$0xFFFFFF90];
	(xrf0) =	vadd.scan.msk.s32 $0xffff, v30;
	[tilespmem:s26+$0x50] =	vst v16  }
0x262: {  	v17 =	vor.u32 v17, v25;
	v16 =	vadd.s32 v36, v44;
	v25 =	vld [tilespmem:s15+$0x60];
	v27 =	vmul.f32 v8, v27  }
0x263: {  	v22 =	vand.u32 $0xFFFFFF80, v16  }
0x264: {  	v16 =	vand.u32 $0x7F, v16;
	v22 =	vadd.s32 s24, v22;
	v20 =	vadd.f32 v27, v20  }
0x265: {  	v16 =	vor.u32 v16, v22;
	(xrf0) =	vadd.scan.msk.s32 $0xffff, v23  }
0x266: {  	v28 =	vmul.f32 v9, v42;
	v22 =	vperm.xlane v26, v2;
	(xrf0) =	vadd.scan.msk.s32 $0xffff, v18;
	[tilespmem:s30+$0x20] =	vst v20  }
0x267: {  	[tilespmem:s31+$0xFFFFFFA0] =	vst v1;
	v27, _, _ =	vpop (xrf0);
	(xrf0) =	vadd.scan.msk.s32 $0xffff, v25;
	v25 =	vld [tilespmem:s31+$0x30]  }
0x268: {  	v0 =	vadd.f32 v28, v0;
	v23 =	vperm.xlane v15, v2;
	v18 =	vld.idx.msk [tilespmem:v17+s17+$0x0], $0xffff;
	v20 =	vadd.s32 v22, v27  }
0x269: {  	[tilespmem:s29+$0x40] =	vst v1;
	v26 =	vld.idx.msk [tilespmem:v17+s16+$0x0], $0xffff;
	v17 =	vand.u32 $0xFFFFFF80, v20  }
0x26a: {  	[tilespmem:s28+$0xFFFFFFB0] =	vst v0;
	v0 =	vand.u32 $0x7F, v20;
	v28 =	vld.idx.msk [tilespmem:v16+s17+$0x0], $0xffff;
	v17 =	vadd.s32 s20, v17  }
0x26b: {  	v29 =	vperm.xlane v29, v2;
	v30 =	vld [tilespmem:s29+$0xFFFFFFC0];
	v15, _, _ =	vpop (xrf0);
	v0 =	vor.u32 v0, v17;
	v17 =	vperm.xlane v58, v2  }
0x26c: {  	v14 =	vadd.s32 v14, v23;
	v20 =	vperm.xlane v56, v2;
	v49 =	vld.idx.msk [tilespmem:v16+s16+$0x0], $0xffff;
	v23, _, _ =	vpop (xrf0);
	(xrf0) =	vadd.scan.msk.s32 $0xffff, v25  }
0x26d: {  	s22 =	simm.s32 $0x18480;
	v31 =	vperm.xlane v31, v2;
	v24 =	vadd.s32 v24, v29  }
0x26e: {  	v51 =	vld [tilespmem:s22+$0x0];
	v18 =	vmul.f32 v8, v18;
	v54 =	vadd.s32 v14, v15;
	v25 =	vadd.s32 v20, v23  }
0x26f: {  	[tilespmem:s6+$0x10] =	vst v1;
	v16 =	vadd.s32 v5, v17;
	v5 =	vand.u32 $0xFFFFFF80, v25;
	v28 =	vmul.f32 v10, v28;
	v17, _, _ =	vpop (xrf0)  }
0x270: {  	v18 =	vadd.f32 v18, v26;
	v25 =	vand.u32 $0x7F, v25;
	(xrf0) =	vadd.scan.msk.s32 $0xffff, v30;
	v30 =	vld [tilespmem:s22+$0xFFFFFF80];
	v50 =	vadd.s32 v16, v17  }
0x271: {  	v5 =	vadd.s32 s11, v5;
	v53 =	vld.idx.msk [tilespmem:v0+s17+$0x0], $0xffff;
	v28 =	vadd.f32 v28, v49;
	v52 =	vand.u32 $0xFFFFFF80, v50  }
0x272: {  	[tilespmem:s30+$0xFFFFFFA0] =	vst v18;
	v5 =	vor.u32 v25, v5;
	v0 =	vld.idx.msk [tilespmem:v0+s16+$0x0], $0xffff;
	v33 =	vand.u32 $0x7F, v50;
	v26 =	vadd.s32 s21, v52;
	v29, _, _ =	vpop (xrf0)  }
0x273: {  	v55 =	vld [tilespmem:s31+$0xFFFFFFB0];
	(xrf0) =	vadd.scan.msk.s32 $0xffff, v51;
	[tilespmem:s28+$0x40] =	vst v28;
	v26 =	vor.u32 v33, v26;
	v25 =	vadd.s32 v24, v29  }
0x274: {  	v18 =	vadd.s32 v21, v31;
	v21 =	vand.u32 $0xFFFFFF80, v54;
	v28 =	vld [tilespmem:s29+$0x50]  }
0x275: {  	[tilespmem:s6+$0xFFFFFF90] =	vst v1;
	v31 =	vand.u32 $0x7F, v54;
	v21 =	vadd.s32 s23, v21  }
0x276: {  	[tilespmem:s15+$0x60] =	vst v1;
	v31 =	vor.u32 v31, v21;
	v56 =	vand.u32 $0xFFFFFF80, v25;
	v58 =	vand.u32 $0x7F, v25;
	v25, _, _ =	vpop (xrf0)  }
0x277: {  	(xrf0) =	vadd.scan.msk.s32 $0xffff, v30;
	v60 =	vld.idx.msk [tilespmem:v5+s17+$0x0], $0xffff;
	v57 =	vmul.f32 v7, v53;
	v32 =	vadd.s32 s25, v56;
	v59 =	vadd.s32 v18, v25  }
0x278: {  	(xrf0) =	vadd.scan.msk.s32 $0xffff, v55;
	v30 =	vor.u32 v58, v32;
	v21 =	vld.idx.msk [tilespmem:v26+s17+$0x0], $0xffff;
	v61 =	vand.u32 $0xFFFFFF80, v59  }
0x279: {  	v5 =	vld.idx.msk [tilespmem:v5+s16+$0x0], $0xffff;
	v0 =	vadd.f32 v57, v0;
	v35, _, _ =	vpop (xrf0);
	(xrf0) =	vadd.scan.msk.s32 $0xffff, v28;
	v28 =	vand.u32 $0x7F, v59;
	v62 =	vadd.s32 s0, v61  }
0x27a: {  	s19 =	simm.s32 $0x480;
	[tilespmem:s15+$0xFFFFFFD0] =	vst v1;
	v26 =	vld.idx.msk [tilespmem:v26+s16+$0x0], $0xffff;
	v32 =	vor.u32 v28, v62;
	v28 =	vand.u32 $0xFFFFFF80, v35  }
0x27b: {  	v48 =	vld.idx.msk [tilespmem:v31+s17+$0x0], $0xffff;
	v45 =	vand.u32 $0x7F, v35;
	[tilespmem:s7+$0x10] =	vst v0;
	v0 =	vperm.xlane v43, v2;
	v46 =	vadd.s32 s19, v28  }
0x27c: {  	[tilespmem:s31+$0x30] =	vst v1;
	v63 =	vld [tilespmem:s6+$0x20];
	v34 =	vor.u32 v45, v46  }
0x27d: {  	v47 =	vld.idx.msk [tilespmem:v30+s17+$0x0], $0xffff;
	v19 =	vadd.s32 v19, v0;
	v0 =	vmul.f32 v7, v60;
	v21 =	vmul.f32 v12, v21  }
0x27e: {  	[tilespmem:s29+$0xFFFFFFC0] =	vst v1;
	v30 =	vld.idx.msk [tilespmem:v30+s16+$0x0], $0xffff  }
0x27f: {  	v37 =	vperm.xlane v44, v2;
	v0 =	vadd.f32 v0, v5;
	v49 =	vadd.f32 v21, v26;
	v5 =	vld.idx.msk [tilespmem:v32+s17+$0x0], $0xffff  }
0x280: {  	[tilespmem:s22+$0x0] =	vst v1;
	v28, _, _ =	vpop (xrf0);
	v32 =	vld.idx.msk [tilespmem:v32+s16+$0x0], $0xffff  }
0x281: {  	s18 =	simm.s32 $0x400;
	v50 =	vand.u32 $0xFFFFFF80, v28;
	v51 =	vand.u32 $0x7F, v28;
	v26 =	vadd.s32 v36, v37;
	v21, _, _ =	vpop (xrf0);
	[tilespmem:s26+$0x60] =	vst v49;
	v55 =	vld.idx.msk [tilespmem:v34+s17+$0x0], $0xffff  }
0x282: {  	v53 =	vadd.s32 s18, v50;
	[tilespmem:s7+$0xFFFFFF90] =	vst v0;
	v40 =	vmul.f32 v9, v47;
	v36, _, _ =	vpop (xrf0);
	(xrf0) =	vadd.scan.msk.s32 $0xffff, v63;
	v38 =	vld [tilespmem:s15+$0x70]  }
0x283: {  	v27 =	vperm.xlane v27, v2;
	v37 =	vor.u32 v51, v53;
	v58 =	vld [tilespmem:s6+$0xFFFFFFA0];
	v52 =	vadd.s32 v26, v36  }
0x284: {  	v34 =	vld.idx.msk [tilespmem:v34+s16+$0x0], $0xffff;
	v57 =	vadd.s32 v19, v21;
	v30 =	vadd.f32 v40, v30;
	v54 =	vand.u32 $0xFFFFFF80, v52  }
0x285: {  	[tilespmem:s22+$0xFFFFFF80] =	vst v1;
	v31 =	vld.idx.msk [tilespmem:v31+s16+$0x0], $0xffff;
	v39 =	vand.u32 $0x7F, v57;
	v0 =	vand.u32 $0x7F, v52;
	v56 =	vadd.s32 s24, v54  }
0x286: {  	v27 =	vadd.s32 v22, v27;
	v59 =	vand.u32 $0xFFFFFF80, v57;
	[tilespmem:s30+$0x30] =	vst v30;
	v0 =	vor.u32 v0, v56  }
0x287: {  	v33 =	vadd.s32 s3, v59;
	v5 =	vmul.f32 v10, v5;
	v22 =	vld [tilespmem:s31+$0x40];
	v62 =	vmul.f32 v6, v55;
	(xrf0) =	vadd.scan.msk.s32 $0xffff, v38  }
0x288: {  	v46 =	vmul.f32 v11, v48;
	v30 =	vor.u32 v39, v33;
	v60 =	vld.idx.msk [tilespmem:v37+s17+$0x0], $0xffff;
	v39, _, _ =	vpop (xrf0);
	(xrf0) =	vadd.scan.msk.s32 $0xffff, v58  }
0x289: {  	v5 =	vadd.f32 v5, v32;
	v34 =	vadd.f32 v62, v34;
	v61 =	vadd.s32 v27, v39  }
0x28a: {  	s1 =	simm.s32 $0x8480;
	[tilespmem:s29+$0x50] =	vst v1;
	v31 =	vadd.f32 v46, v31;
	v37 =	vld.idx.msk [tilespmem:v37+s16+$0x0], $0xffff;
	v63 =	vand.u32 $0xFFFFFF80, v61  }
0x28b: {  	v38 =	vand.u32 $0x7F, v61;
	[tilespmem:s1+$0x0] =	vst v34;
	v45 =	vld.idx.msk [tilespmem:v0+s17+$0x0], $0xffff;
	v42 =	vadd.s32 s20, v63  }
0x28c: {  	[tilespmem:s26+$0xFFFFFFD0] =	vst v31;
	(xrf0) =	vadd.scan.msk.s32 $0xffff, v22;
	v22 =	vperm.xlane v23, v2;
	v34 =	vld [tilespmem:s22+$0x10];
	v38 =	vor.u32 v38, v42  }
0x28d: {  	[tilespmem:s28+$0xFFFFFFC0] =	vst v5;
	v23 =	vmul.f32 v6, v60;
	v0 =	vld.idx.msk [tilespmem:v0+s16+$0x0], $0xffff;
	v5, _, _ =	vpop (xrf0)  }
0x28e: {  	[tilespmem:s31+$0xFFFFFFB0] =	vst v1;
	v51 =	vld [tilespmem:s15+$0xFFFFFFE0];
	v20 =	vadd.s32 v20, v22;
	v32, _, _ =	vpop (xrf0)  }
0x28f: {  	v47 =	vld.idx.msk [tilespmem:v30+s17+$0x0], $0xffff;
	v23 =	vadd.f32 v23, v37;
	v31 =	vadd.s32 v20, v32  }
0x290: {  	v29 =	vperm.xlane v29, v2;
	[tilespmem:s6+$0x20] =	vst v1;
	v22 =	vld [tilespmem:s29+$0xFFFFFFD0];
	v48 =	vmul.f32 v11, v45;
	v50 =	vand.u32 $0xFFFFFF80, v31  }
0x291: {  	[tilespmem:s1+$0xFFFFFF80] =	vst v23;
	v23 =	vand.u32 $0x7F, v31;
	(xrf0) =	vadd.scan.msk.s32 $0xffff, v34;
	v49 =	vld.idx.msk [tilespmem:v38+s17+$0x0], $0xffff;
	v31 =	vadd.s32 s11, v50  }
0x292: {  	v24 =	vadd.s32 v24, v29;
	v29 =	vld [tilespmem:s22+$0xFFFFFF90];
	v0 =	vadd.f32 v48, v0;
	v23 =	vor.u32 v23, v31  }
0x293: {  	[tilespmem:s6+$0xFFFFFFA0] =	vst v1;
	v33, _, _ =	vpop (xrf0);
	v38 =	vld.idx.msk [tilespmem:v38+s16+$0x0], $0xffff  }
0x294: {  	v25 =	vperm.xlane v25, v2;
	v30 =	vld.idx.msk [tilespmem:v30+s16+$0x0], $0xffff;
	[tilespmem:s28+$0x50] =	vst v0;
	v0 =	vadd.s32 v24, v33  }
0x295: {  	v54 =	vperm.xlane v17, v2;
	(xrf0) =	vadd.scan.msk.s32 $0xffff, v22;
	v22 =	vperm.xlane v35, v2;
	v31 =	vld [tilespmem:s29+$0x60];
	v52 =	vand.u32 $0xFFFFFF80, v0  }
0x296: {  	(xrf0) =	vadd.scan.msk.s32 $0xffff, v51;
	v0 =	vand.u32 $0x7F, v0;
	v37 =	vmul.f32 v8, v49;
	v34 =	vadd.s32 s25, v52  }
0x297: {  	v53 =	vmul.f32 v9, v47;
	(xrf0) =	vadd.scan.msk.s32 $0xffff, v29;
	v29, _, _ =	vpop (xrf0);
	v0 =	vor.u32 v0, v34;
	v55 =	vld.idx.msk [tilespmem:v23+s17+$0x0], $0xffff  }
0x298: {  	v17 =	vadd.s32 v18, v25;
	v56 =	vld.idx.msk [tilespmem:v23+s16+$0x0], $0xffff;
	v23 =	vadd.s32 v22, v29;
	v37 =	vadd.f32 v37, v38  }
0x299: {  	[tilespmem:s31+$0x40] =	vst v1;
	v16 =	vadd.s32 v16, v54;
	v30 =	vadd.f32 v53, v30;
	v18 =	vand.u32 $0xFFFFFF80, v23  }
0x29a: {  	v5 =	vadd.s32 v5, v16;
	v16 =	vand.u32 $0x7F, v23;
	(xrf0) =	vadd.scan.msk.s32 $0xffff, v31;
	[tilespmem:s7+$0x20] =	vst v37  }
0x29b: {  	[tilespmem:s30+$0xFFFFFFB0] =	vst v30;
	v30 =	vperm.xlane v36, v2;
	v25 =	vld [tilespmem:s6+$0x30]  }
0x29c: {  	v34 =	vperm.xlane v28, v2;
	v28 =	vand.u32 $0xFFFFFF80, v5;
	v23 =	vadd.s32 s19, v18;
	v18, _, _ =	vpop (xrf0);
	v31 =	vld.idx.msk [tilespmem:v0+s17+$0x0], $0xffff  }
0x29d: {  	v57 =	vld [tilespmem:s31+$0xFFFFFFC0];
	v5 =	vand.u32 $0x7F, v5;
	v58 =	vor.u32 v16, v23;
	v23 =	vadd.s32 s21, v28;
	v16, _, _ =	vpop (xrf0)  }
0x29e: {  	v28 =	vor.u32 v5, v23;
	v0 =	vld.idx.msk [tilespmem:v0+s16+$0x0], $0xffff;
	v38 =	vmul.f32 v8, v55;
	v36, _, _ =	vpop (xrf0)  }
0x29f: {  	s12 =	simm.s32 $0x18580;
	v23 =	vadd.s32 v26, v30;
	v5 =	vadd.s32 v17, v18;
	v59 =	vadd.s32 v34, v36  }
0x2a0: {  	v60 =	vld [tilespmem:s12+$0x0];
	v38 =	vadd.f32 v38, v56;
	v41 =	vand.u32 $0x7F, v59;
	v30, _, _ =	vpop (xrf0);
	(xrf0) =	vadd.scan.msk.s32 $0xffff, v25;
	v25 =	vand.u32 $0xFFFFFF80, v59  }
0x2a1: {  	[tilespmem:s22+$0x10] =	vst v1;
	v26 =	vadd.s32 v23, v30;
	v31 =	vmul.f32 v10, v31;
	v25 =	vadd.s32 s18, v25  }
0x2a2: {  	[tilespmem:s15+$0x70] =	vst v1;
	v62 =	vld.idx.msk [tilespmem:v58+s17+$0x0], $0xffff;
	v61 =	vand.u32 $0xFFFFFF80, v26;
	v26 =	vand.u32 $0x7F, v26;
	v25 =	vor.u32 v41, v25  }
0x2a3: {  	v45 =	vld [tilespmem:s12+$0xFFFFFF80];
	(xrf0) =	vadd.scan.msk.s32 $0xffff, v57;
	v63 =	vadd.s32 s24, v61;
	v0 =	vadd.f32 v31, v0;
	v31 =	vand.u32 $0xFFFFFF80, v5  }
0x2a4: {  	v37 =	vld.idx.msk [tilespmem:v58+s16+$0x0], $0xffff;
	[tilespmem:s7+$0xFFFFFFA0] =	vst v38;
	v35 =	vor.u32 v26, v63;
	v26 =	vperm.xlane v39, v2  }
0x2a5: {  	v15 =	vperm.xlane v15, v2;
	v38 =	vld [tilespmem:s6+$0xFFFFFFB0];
	(xrf0) =	vadd.scan.msk.s32 $0xffff, v60;
	[tilespmem:s30+$0x40] =	vst v0;
	v0 =	vperm.xlane v21, v2  }
0x2a6: {  	[tilespmem:s22+$0xFFFFFF90] =	vst v1;
	v5 =	vand.u32 $0x7F, v5;
	v21 =	vadd.s32 s0, v31;
	v26 =	vadd.s32 v27, v26;
	v31, _, _ =	vpop (xrf0);
	v27 =	vld [tilespmem:s31+$0x50]  }
0x2a7: {  	v47 =	vmul.f32 v7, v62;
	v46 =	vadd.s32 v26, v31;
	v19 =	vadd.s32 v19, v0;
	v0 =	vld.idx.msk [tilespmem:v28+s17+$0x0], $0xffff  }
0x2a8: {  	v5 =	vor.u32 v5, v21;
	v52 =	vld.idx.msk [tilespmem:v25+s17+$0x0], $0xffff;
	v48 =	vand.u32 $0xFFFFFF80, v46  }
0x2a9: {  	(xrf0) =	vadd.scan.msk.s32 $0xffff, v45;
	v37 =	vadd.f32 v47, v37;
	v56 =	vld.idx.msk [tilespmem:v25+s16+$0x0], $0xffff;
	v21, _, _ =	vpop (xrf0);
	v39 =	vand.u32 $0x7F, v46;
	v50 =	vadd.s32 s20, v48  }
0x2aa: {  	[tilespmem:s29+$0x60] =	vst v1;
	v28 =	vld.idx.msk [tilespmem:v28+s16+$0x0], $0xffff;
	v51 =	vadd.s32 v19, v21;
	v39 =	vor.u32 v39, v50  }
0x2ab: {  	v14 =	vadd.s32 v14, v15;
	(xrf0) =	vadd.scan.msk.s32 $0xffff, v38;
	[tilespmem:s1+$0x10] =	vst v37;
	v49 =	vld.idx.msk [tilespmem:v35+s17+$0x0], $0xffff;
	v15, _, _ =	vpop (xrf0);
	v53 =	vand.u32 $0xFFFFFF80, v51  }
0x2ac: {  	s9 =	simm.s32 $0x580;
	v35 =	vld.idx.msk [tilespmem:v35+s16+$0x0], $0xffff;
	v25 =	vand.u32 $0xFFFFFF80, v15;
	(xrf0) =	vadd.scan.msk.s32 $0xffff, v27;
	v27 =	vand.u32 $0x7F, v51;
	v54 =	vadd.s32 s3, v53  }
0x2ad: {  	[tilespmem:s29+$0xFFFFFFD0] =	vst v1;
	v55 =	vld [tilespmem:s22+$0x20];
	v58 =	vand.u32 $0x7F, v15;
	v59 =	vadd.s32 s9, v25;
	v37 =	vor.u32 v27, v54  }
0x2ae: {  	[tilespmem:s6+$0x30] =	vst v1;
	v44 =	vld.idx.msk [tilespmem:v5+s17+$0x0], $0xffff;
	v43 =	vor.u32 v58, v59  }
0x2af: {  	v42 =	vmul.f32 v7, v52;
	v25, _, _ =	vpop (xrf0);
	v60 =	vld.idx.msk [tilespmem:v39+s17+$0x0], $0xffff  }
0x2b0: {  	s8 =	simm.s32 $0x500;
	[tilespmem:s12+$0x0] =	vst v1;
	v61 =	vperm.xlane v33, v2;
	v5 =	vld.idx.msk [tilespmem:v5+s16+$0x0], $0xffff;
	v27 =	vmul.f32 v12, v49;
	v62 =	vand.u32 $0xFFFFFF80, v25  }
0x2b1: {  	[tilespmem:s31+$0xFFFFFFC0] =	vst v1;
	v57 =	vperm.xlane v32, v2;
	v33, _, _ =	vpop (xrf0);
	v40 =	vadd.f32 v42, v56;
	v39 =	vld.idx.msk [tilespmem:v39+s16+$0x0], $0xffff;
	v63 =	vadd.s32 s8, v62  }
0x2b2: {  	(xrf0) =	vadd.scan.msk.s32 $0xffff, v55;
	v35 =	vadd.f32 v27, v35;
	v27 =	vadd.s32 v24, v61;
	v24 =	vand.u32 $0x7F, v25;
	v32, _, _ =	vpop (xrf0);
	v48 =	vld.idx.msk [tilespmem:v37+s17+$0x0], $0xffff  }
0x2b3: {  	[tilespmem:s1+$0xFFFFFF90] =	vst v40;
	v38 =	vor.u32 v24, v63;
	v51 =	vld.idx.msk [tilespmem:v43+s17+$0x0], $0xffff;
	v49 =	vadd.s32 v27, v32  }
0x2b4: {  	v40 =	vadd.s32 v20, v57;
	v52 =	vld [tilespmem:s22+$0xFFFFFFA0];
	[tilespmem:s28+$0x60] =	vst v35;
	v24 =	vand.u32 $0xFFFFFF80, v49;
	v45 =	vmul.f32 v9, v60  }
0x2b5: {  	v20 =	vperm.xlane v36, v2;
	v50 =	vld [tilespmem:s29+$0x70];
	v35 =	vand.u32 $0x7F, v49;
	v24 =	vadd.s32 s25, v24  }
0x2b6: {  	v53 =	vld.idx.msk [tilespmem:v43+s16+$0x0], $0xffff;
	v35 =	vor.u32 v35, v24;
	v24 =	vperm.xlane v29, v2;
	v39 =	vadd.f32 v45, v39  }
0x2b7: {  	[tilespmem:s12+$0xFFFFFF80] =	vst v1;
	v18 =	vperm.xlane v18, v2;
	v44 =	vmul.f32 v11, v44;
	v37 =	vld.idx.msk [tilespmem:v37+s16+$0x0], $0xffff  }
0x2b8: {  	v29, _, _ =	vpop (xrf0);
	v24 =	vadd.s32 v22, v24;
	v22 =	vadd.s32 v34, v20;
	v20 =	vld.idx.msk [tilespmem:v38+s17+$0x0], $0xffff;
	[tilespmem:s7+$0x30] =	vst v39  }
0x2b9: {  	v30 =	vperm.xlane v30, v2;
	[tilespmem:s31+$0x50] =	vst v1;
	v59 =	vmul.f32 v6, v51;
	v54 =	vadd.s32 v24, v29;
	v57 =	vld [tilespmem:s6+$0x40]  }
0x2ba: {  	v5 =	vadd.f32 v44, v5;
	v56 =	vmul.f32 v10, v48;
	v38 =	vld.idx.msk [tilespmem:v38+s16+$0x0], $0xffff;
	(xrf0) =	vadd.scan.msk.s32 $0xffff, v50;
	v58 =	vand.u32 $0xFFFFFF80, v54  }
0x2bb: {  	v63 =	vadd.f32 v59, v53;
	v34 =	vand.u32 $0x7F, v54;
	(xrf0) =	vadd.scan.msk.s32 $0xffff, v52;
	v60 =	vld.idx.msk [tilespmem:v35+s17+$0x0], $0xffff;
	v46 =	vadd.s32 s19, v58  }
0x2bc: {  	s21 =	simm.s32 $0x8580;
	v31 =	vperm.xlane v31, v2;
	v55 =	vadd.s32 v40, v33;
	[tilespmem:s28+$0xFFFFFFD0] =	vst v5;
	v34 =	vor.u32 v34, v46  }
0x2bd: {  	v21 =	vperm.xlane v21, v2;
	v62 =	vand.u32 $0xFFFFFF80, v55;
	v37 =	vadd.f32 v56, v37;
	v35 =	vld.idx.msk [tilespmem:v35+s16+$0x0], $0xffff;
	[tilespmem:s21+$0x0] =	vst v63  }
0x2be: {  	v39 =	vand.u32 $0x7F, v55;
	v46 =	vadd.s32 s11, v62;
	v50 =	vld [tilespmem:s12+$0x10];
	v20 =	vmul.f32 v6, v20;
	(xrf0) =	vadd.scan.msk.s32 $0xffff, v57  }
0x2bf: {  	v21 =	vadd.s32 v19, v21;
	v61 =	vadd.s32 v14, v16;
	v52 =	vld [tilespmem:s29+$0xFFFFFFE0];
	[tilespmem:s30+$0xFFFFFFC0] =	vst v37;
	v39 =	vor.u32 v39, v46  }
0x2c0: {  	[tilespmem:s22+$0x20] =	vst v1;
	v5 =	vadd.s32 v23, v30;
	v48 =	vld [tilespmem:s31+$0xFFFFFFD0];
	v23, _, _ =	vpop (xrf0);
	v20 =	vadd.f32 v20, v38;
	v51 =	vmul.f32 v11, v60  }
0x2c1: {  	[tilespmem:s6+$0xFFFFFFB0] =	vst v1;
	v43 =	vand.u32 $0x7F, v61;
	v49 =	vand.u32 $0xFFFFFF80, v61;
	v5 =	vadd.s32 v23, v5;
	v42, _, _ =	vpop (xrf0);
	v30 =	vld.idx.msk [tilespmem:v34+s17+$0x0], $0xffff  }
0x2c2: {  	v37 =	vadd.s32 s23, v49;
	[tilespmem:s21+$0xFFFFFF80] =	vst v20;
	v20 =	vld.idx.msk [tilespmem:v34+s16+$0x0], $0xffff;
	v55 =	vadd.s32 v22, v42;
	v23 =	vadd.f32 v51, v35  }
0x2c3: {  	v0 =	vmul.f32 v13, v0;
	v37 =	vor.u32 v43, v37;
	(xrf0) =	vadd.scan.msk.s32 $0xffff, v50;
	v56 =	vld [tilespmem:s12+$0xFFFFFF90];
	v57 =	vand.u32 $0xFFFFFF80, v55  }
0x2c4: {  	v58 =	vld.idx.msk [tilespmem:v39+s17+$0x0], $0xffff;
	v38 =	vand.u32 $0x7F, v55;
	v34 =	vadd.s32 s18, v57;
	[tilespmem:s30+$0x50] =	vst v23;
	v23 =	vadd.s32 v26, v31;
	v31, _, _ =	vpop (xrf0)  }
0x2c5: {  	[tilespmem:s15+$0xFFFFFFE0] =	vst v1;
	v0 =	vadd.f32 v0, v28;
	v34 =	vor.u32 v38, v34;
	v26 =	vld [tilespmem:s31+$0x60];
	v59 =	vadd.s32 v23, v31  }
0x2c6: {  	v16 =	vperm.xlane v16, v2;
	[tilespmem:s22+$0xFFFFFFA0] =	vst v1;
	v30 =	vmul.f32 v8, v30;
	v28 =	vand.u32 $0xFFFFFF80, v59  }
0x2c7: {  	v32 =	vperm.xlane v32, v2;
	(xrf0) =	vadd.scan.msk.s32 $0xffff, v48;
	v60 =	vld.idx.msk [tilespmem:v39+s16+$0x0], $0xffff;
	v61 =	vand.u32 $0x7F, v59;
	v28 =	vadd.s32 s20, v28  }
0x2c8: {  	v53 =	vand.u32 $0xFFFFFF80, v5;
	v63 =	vld.idx.msk [tilespmem:v37+s17+$0x0], $0xffff;
	(xrf0) =	vadd.scan.msk.s32 $0xffff, v52;
	v30 =	vadd.f32 v30, v20;
	v62 =	vor.u32 v61, v28  }
0x2c9: {  	v5 =	vand.u32 $0x7F, v5;
	v37 =	vld.idx.msk [tilespmem:v37+s16+$0x0], $0xffff;
	v54 =	vadd.s32 s24, v53;
	(xrf0) =	vadd.scan.msk.s32 $0xffff, v56;
	v20 =	vperm.xlane v15, v2  }
0x2ca: {  	v15 =	vadd.s32 v17, v18;
	v17 =	vmul.f32 v9, v58;
	v19 =	vld.idx.msk [tilespmem:v34+s17+$0x0], $0xffff;
	(xrf0) =	vadd.scan.msk.s32 $0xffff, v26;
	[tilespmem:s1+$0x20] =	vst v30;
	v28, _, _ =	vpop (xrf0)  }
0x2cb: {  	v26 =	vperm.xlane v33, v2;
	v33 =	vperm.xlane v25, v2;
	v25 =	vld.idx.msk [tilespmem:v34+s16+$0x0], $0xffff;
	v18 =	vadd.s32 v20, v28  }
0x2cc: {  	[tilespmem:s6+$0x40] =	vst v1;
	v5 =	vor.u32 v5, v54;
	v36 =	vadd.f32 v17, v60;
	v48 =	vld [tilespmem:s22+$0x30]  }
0x2cd: {  	s10 =	simm.s32 $0x18680;
	[tilespmem:s26+$0x70] =	vst v0;
	v16 =	vadd.s32 v14, v16;
	v27 =	vadd.s32 v27, v32;
	v30, _, _ =	vpop (xrf0);
	v17 =	vand.u32 $0xFFFFFF80, v18;
	v50 =	vld.idx.msk [tilespmem:v62+s17+$0x0], $0xffff  }
0x2ce: {  	v14 =	vmul.f32 v12, v63;
	v56 =	vld [tilespmem:s10+$0x0];
	[tilespmem:s7+$0xFFFFFFB0] =	vst v36;
	v49 =	vand.u32 $0x7F, v18;
	v17 =	vadd.s32 s9, v17;
	v18, _, _ =	vpop (xrf0)  }
0x2cf: {  	v19 =	vmul.f32 v8, v19;
	v51 =	vor.u32 v49, v17;
	v17 =	vadd.s32 v40, v26;
	v26 =	vld.idx.msk [tilespmem:v62+s16+$0x0], $0xffff;
	v43, _, _ =	vpop (xrf0)  }
0x2d0: {  	[tilespmem:s29+$0x70] =	vst v1;
	v29 =	vperm.xlane v29, v2;
	v14 =	vadd.f32 v14, v37;
	v52 =	vld [tilespmem:s6+$0xFFFFFFC0];
	v54 =	vadd.s32 v21, v30;
	v32, _, _ =	vpop (xrf0)  }
0x2d1: {  	[tilespmem:s12+$0x10] =	vst v1;
	v39 =	vld.idx.msk [tilespmem:v5+s17+$0x0], $0xffff;
	v38 =	vand.u32 $0x7F, v54;
	v19 =	vadd.f32 v19, v25;
	v53 =	vadd.s32 v27, v32  }
0x2d2: {  	v0 =	vld.idx.msk [tilespmem:v5+s16+$0x0], $0xffff;
	(xrf0) =	vadd.scan.msk.s32 $0xffff, v48;
	v57 =	vadd.s32 v33, v43;
	v55 =	vand.u32 $0xFFFFFF80, v53;
	v44 =	vmul.f32 v10, v50  }
0x2d3: {  	v61 =	vld [tilespmem:s10+$0xFFFFFF80];
	[tilespmem:s1+$0xFFFFFFA0] =	vst v19;
	v19 =	vand.u32 $0xFFFFFF80, v54;
	v36 =	vand.u32 $0x7F, v53;
	v40 =	vadd.s32 s25, v55  }
0x2d4: {  	[tilespmem:s31+$0xFFFFFFD0] =	vst v1;
	v63 =	vld [tilespmem:s22+$0xFFFFFFB0];
	v47 =	vadd.s32 s3, v19;
	v25 =	vor.u32 v36, v40;
	v26 =	vadd.f32 v44, v26  }
0x2d5: {  	[tilespmem:s12+$0xFFFFFF90] =	vst v1;
	v59 =	vand.u32 $0xFFFFFF80, v57;
	(xrf0) =	vadd.scan.msk.s32 $0xffff, v52;
	v58 =	vld.idx.msk [tilespmem:v51+s17+$0x0], $0xffff;
	v38 =	vor.u32 v38, v47  }
0x2d6: {  	[tilespmem:s26+$0xFFFFFFE0] =	vst v14;
	v5 =	vmul.f32 v13, v39;
	v60 =	vand.u32 $0x7F, v57;
	v34 =	vld.idx.msk [tilespmem:v51+s16+$0x0], $0xffff;
	v36 =	vadd.s32 s8, v59  }
0x2d7: {  	v62 =	vperm.xlane v42, v2;
	v53 =	vadd.s32 v15, v18;
	v47 =	vld [tilespmem:s15+$0xFFFFFFF0];
	v36 =	vor.u32 v60, v36;
	[tilespmem:s7+$0x40] =	vst v26  }
0x2d8: {  	[tilespmem:s31+$0x60] =	vst v1;
	v0 =	vadd.f32 v5, v0;
	v19 =	vadd.s32 v24, v29;
	v55 =	vand.u32 $0xFFFFFF80, v53;
	v24 =	vld [tilespmem:s6+$0x50];
	v26, _, _ =	vpop (xrf0)  }
0x2d9: {  	(xrf0) =	vadd.scan.msk.s32 $0xffff, v56;
	v29 =	vadd.s32 v22, v62;
	v14 =	vadd.s32 s0, v55;
	v48 =	vadd.s32 v19, v26;
	v49 =	vld.idx.msk [tilespmem:v25+s17+$0x0], $0xffff  }
0x2da: {  	v50 =	vmul.f32 v7, v58;
	(xrf0) =	vadd.scan.msk.s32 $0xffff, v61;
	v40 =	vld.idx.msk [tilespmem:v38+s17+$0x0], $0xffff;
	v61 =	vand.u32 $0x7F, v53;
	v22 =	vand.u32 $0xFFFFFF80, v48  }
0x2db: {  	v52 =	vld.idx.msk [tilespmem:v25+s16+$0x0], $0xffff;
	v46, _, _ =	vpop (xrf0);
	(xrf0) =	vadd.scan.msk.s32 $0xffff, v63;
	v5 =	vor.u32 v61, v14;
	v51 =	vand.u32 $0x7F, v48;
	v22 =	vadd.s32 s19, v22  }
0x2dc: {  	v54 =	vld.idx.msk [tilespmem:v36+s17+$0x0], $0xffff;
	v25 =	vadd.s32 v17, v46;
	v34 =	vadd.f32 v50, v34;
	v22 =	vor.u32 v51, v22  }
0x2dd: {  	v38 =	vld.idx.msk [tilespmem:v38+s16+$0x0], $0xffff;
	v56 =	vand.u32 $0xFFFFFF80, v25;
	v57 =	vand.u32 $0x7F, v25;
	(xrf0) =	vadd.scan.msk.s32 $0xffff, v24  }
0x2de: {  	v36 =	vld.idx.msk [tilespmem:v36+s16+$0x0], $0xffff;
	v39 =	vadd.s32 s11, v56;
	[tilespmem:s21+$0x10] =	vst v34;
	v56 =	vperm.xlane v43, v2;
	v24 =	vmul.f32 v12, v49  }
0x2df: {  	[tilespmem:s29+$0xFFFFFFE0] =	vst v1;
	v31 =	vperm.xlane v31, v2;
	v25, _, _ =	vpop (xrf0);
	v58 =	vor.u32 v57, v39;
	v60 =	vld [tilespmem:s12+$0x20]  }
0x2e0: {  	s4 =	simm.s32 $0x680;
	[tilespmem:s22+$0x30] =	vst v1;
	v59 =	vand.u32 $0xFFFFFF80, v25;
	v39 =	vadd.s32 v33, v56;
	v33 =	vld.idx.msk [tilespmem:v5+s16+$0x0], $0xffff;
	v24 =	vadd.f32 v24, v52  }
0x2e1: {  	v62 =	vand.u32 $0x7F, v25;
	v35, _, _ =	vpop (xrf0);
	v34 =	vadd.s32 s4, v59;
	v14 =	vmul.f32 v7, v54;
	v63 =	vld.idx.msk [tilespmem:v22+s17+$0x0], $0xffff  }
0x2e2: {  	s2 =	simm.s32 $0x600;
	v53 =	vand.u32 $0x7F, v35;
	v42 =	vor.u32 v62, v34;
	v52 =	vand.u32 $0xFFFFFF80, v35;
	v54 =	vld.idx.msk [tilespmem:v22+s16+$0x0], $0xffff;
	[tilespmem:s30+$0x60] =	vst v24  }
0x2e3: {  	[tilespmem:s6+$0xFFFFFFC0] =	vst v1;
	v41, _, _ =	vpop (xrf0);
	v22 =	vadd.s32 v23, v31;
	v23 =	vadd.s32 s2, v52;
	v14 =	vadd.f32 v14, v36;
	v24 =	vld [tilespmem:s31+$0x70]  }
0x2e4: {  	v28 =	vperm.xlane v28, v2;
	v18 =	vperm.xlane v18, v2;
	v34, _, _ =	vpop (xrf0);
	v31 =	vld.idx.msk [tilespmem:v58+s17+$0x0], $0xffff;
	v23 =	vor.u32 v53, v23  }
0x2e5: {  	v61 =	vperm.xlane v30, v2;
	(xrf0) =	vadd.scan.msk.s32 $0xffff, v60;
	v37 =	vld.idx.msk [tilespmem:v58+s16+$0x0], $0xffff;
	v55 =	vadd.s32 v22, v34;
	[tilespmem:s21+$0xFFFFFF90] =	vst v14  }
0x2e6: {  	[tilespmem:s10+$0x0] =	vst v1;
	v59 =	vadd.s32 v29, v41;
	v57 =	vand.u32 $0xFFFFFF80, v55;
	v60 =	vld [tilespmem:s12+$0xFFFFFFA0];
	v14 =	vmul.f32 v9, v63  }
0x2e7: {  	[tilespmem:s10+$0xFFFFFF80] =	vst v1;
	v30 =	vand.u32 $0x7F, v59;
	v36 =	vand.u32 $0x7F, v55;
	v58 =	vld.idx.msk [tilespmem:v42+s17+$0x0], $0xffff;
	v43 =	vadd.s32 s20, v57  }
0x2e8: {  	v62 =	vld.idx.msk [tilespmem:v42+s16+$0x0], $0xffff;
	v36 =	vor.u32 v36, v43;
	(xrf0) =	vadd.scan.msk.s32 $0xffff, v24;
	v24 =	vand.u32 $0xFFFFFF80, v59;
	v14 =	vadd.f32 v14, v54  }
0x2e9: {  	[tilespmem:s28+$0x70] =	vst v0;
	v15 =	vadd.s32 v15, v18;
	v0 =	vmul.f32 v11, v40;
	v52 =	vld.idx.msk [tilespmem:v23+s17+$0x0], $0xffff;
	v24 =	vadd.s32 s18, v24  }
0x2ea: {  	v63 =	vor.u32 v30, v24;
	v24 =	vadd.s32 v20, v28;
	[tilespmem:s1+$0x30] =	vst v14;
	v28 =	vperm.xlane v32, v2  }
0x2eb: {  	v26 =	vperm.xlane v26, v2;
	v0 =	vadd.f32 v0, v38;
	(xrf0) =	vadd.scan.msk.s32 $0xffff, v47;
	v30, _, _ =	vpop (xrf0);
	v14 =	vadd.s32 v21, v61;
	v21 =	vld [tilespmem:s22+$0x40]  }
0x2ec: {  	[tilespmem:s6+$0x50] =	vst v1;
	v31 =	vmul.f32 v10, v31;
	v23 =	vld.idx.msk [tilespmem:v23+s16+$0x0], $0xffff;
	(xrf0) =	vadd.scan.msk.s32 $0xffff, v60;
	v20 =	vadd.s32 v24, v30  }
0x2ed: {  	[tilespmem:s30+$0xFFFFFFD0] =	vst v0;
	v59 =	vperm.xlane v46, v2;
	v53 =	vmul.f32 v6, v58;
	v55 =	vld.idx.msk [tilespmem:v36+s17+$0x0], $0xffff;
	v54 =	vand.u32 $0xFFFFFF80, v20  }
0x2ee: {  	[tilespmem:s22+$0xFFFFFFB0] =	vst v1;
	v50 =	vld [tilespmem:s31+$0xFFFFFFE0];
	v20 =	vand.u32 $0x7F, v20;
	v27 =	vadd.s32 v27, v28;
	v56 =	vadd.s32 s9, v54;
	v28, _, _ =	vpop (xrf0)  }
0x2ef: {  	v36 =	vld.idx.msk [tilespmem:v36+s16+$0x0], $0xffff;
	v20 =	vor.u32 v20, v56;
	v27 =	vadd.s32 v28, v27;
	v28 =	vadd.f32 v53, v62  }
0x2f0: {  	s24 =	simm.s32 $0x8680;
	v41 =	vperm.xlane v41, v2;
	v61 =	vmul.f32 v6, v52;
	v57 =	vld.idx.msk [tilespmem:v63+s17+$0x0], $0xffff;
	(xrf0) =	vadd.scan.msk.s32 $0xffff, v21  }
0x2f1: {  	v31 =	vadd.f32 v31, v37;
	v60 =	vld.idx.msk [tilespmem:v63+s16+$0x0], $0xffff;
	v21 =	vadd.s32 v17, v59;
	v17, _, _ =	vpop (xrf0);
	[tilespmem:s24+$0x0] =	vst v28  }
0x2f2: {  	[tilespmem:s12+$0x20] =	vst v1;
	v32 =	vadd.f32 v61, v23;
	v58 =	vand.u32 $0xFFFFFF80, v27;
	v28 =	vmul.f32 v11, v55;
	v0, _, _ =	vpop (xrf0);
	v63 =	vld [tilespmem:s10+$0x10]  }
0x2f3: {  	v43 =	vld.idx.msk [tilespmem:v5+s17+$0x0], $0xffff;
	[tilespmem:s7+$0xFFFFFFC0] =	vst v31;
	v27 =	vand.u32 $0x7F, v27;
	v31 =	vadd.s32 s25, v58;
	v49 =	vadd.s32 v39, v0  }
0x2f4: {  	v31 =	vor.u32 v27, v31;
	v48 =	vld.idx.msk [tilespmem:v20+s17+$0x0], $0xffff;
	v27 =	vadd.f32 v28, v36;
	v28 =	vand.u32 $0xFFFFFF80, v49  }
0x2f5: {  	v23 =	vadd.s32 v29, v41;
	v62 =	vld [tilespmem:s6+$0xFFFFFFD0];
	v18 =	vand.u32 $0x7F, v49;
	v28 =	vadd.s32 s8, v28  }
0x2f6: {  	[tilespmem:s24+$0xFFFFFF80] =	vst v32;
	v20 =	vld.idx.msk [tilespmem:v20+s16+$0x0], $0xffff;
	v18 =	vor.u32 v18, v28;
	v28 =	vadd.s32 v19, v26;
	v32, _, _ =	vpop (xrf0)  }
0x2f7: {  	v29 =	vld [tilespmem:s10+$0xFFFFFF90];
	v16 =	vadd.s32 v17, v16;
	[tilespmem:s7+$0x50] =	vst v27;
	(xrf0) =	vadd.scan.msk.s32 $0xffff, v63;
	v17 =	vadd.s32 v28, v32  }
0x2f8: {  	[tilespmem:s31+$0x70] =	vst v1;
	v0 =	vperm.xlane v0, v2;
	v19 =	vld [tilespmem:s6+$0x60];
	v26 =	vand.u32 $0xFFFFFF80, v17  }
0x2f9: {  	[tilespmem:s15+$0xFFFFFFF0] =	vst v1;
	v51 =	vld.idx.msk [tilespmem:v31+s17+$0x0], $0xffff;
	v52 =	vmul.f32 v8, v48;
	v17 =	vand.u32 $0x7F, v17;
	v26 =	vadd.s32 s19, v26  }
0x2fa: {  	v53 =	vmul.f32 v9, v57;
	(xrf0) =	vadd.scan.msk.s32 $0xffff, v62;
	v5 =	vor.u32 v17, v26;
	v17 =	vld.idx.msk [tilespmem:v31+s16+$0x0], $0xffff;
	v31 =	vand.u32 $0xFFFFFF80, v16  }
0x2fb: {  	v25 =	vperm.xlane v25, v2;
	[tilespmem:s12+$0xFFFFFFA0] =	vst v1;
	(xrf0) =	vadd.scan.msk.s32 $0xffff, v50;
	v20 =	vadd.f32 v52, v20  }
0x2fc: {  	[tilespmem:s31+$0xFFFFFFE0] =	vst v1;
	(xrf0) =	vadd.scan.msk.s32 $0xffff, v29;
	v29 =	vadd.f32 v53, v60;
	v54 =	vld.idx.msk [tilespmem:v18+s17+$0x0], $0xffff;
	v26 =	vadd.s32 v39, v0  }
0x2fd: {  	v0 =	vand.u32 $0x7F, v16;
	v55 =	vld.idx.msk [tilespmem:v18+s16+$0x0], $0xffff;
	(xrf0) =	vadd.scan.msk.s32 $0xffff, v19;
	v16 =	vadd.s32 s23, v31;
	[tilespmem:s21+$0x20] =	vst v20;
	v31, _, _ =	vpop (xrf0)  }
0x2fe: {  	[tilespmem:s1+$0xFFFFFFB0] =	vst v29;
	v0 =	vor.u32 v0, v16;
	v56 =	vld [tilespmem:s12+$0x30];
	v16 =	vadd.s32 v25, v31  }
0x2ff: {  	[tilespmem:s22+$0x40] =	vst v1;
	v18 =	vmul.f32 v13, v51;
	v57 =	vld [tilespmem:s22+$0xFFFFFFC0];
	v19 =	vand.u32 $0xFFFFFF80, v16;
	v16 =	vand.u32 $0x7F, v16  }
0x300: {  	v35 =	vperm.xlane v35, v2;
	v34 =	vperm.xlane v34, v2;
	[tilespmem:s6+$0xFFFFFFD0] =	vst v1;
	v29, _, _ =	vpop (xrf0);
	v58 =	vld.idx.msk [tilespmem:v5+s17+$0x0], $0xffff;
	v19 =	vadd.s32 s4, v19  }
0x301: {  	[tilespmem:s10+$0xFFFFFF90] =	vst v1;
	v27 =	vmul.f32 v12, v43;
	v36 =	vadd.s32 v21, v29;
	v20, _, _ =	vpop (xrf0);
	v17 =	vadd.f32 v18, v17  }
0x302: {  	[tilespmem:s10+$0x10] =	vst v1;
	v59 =	vmul.f32 v8, v54;
	v18 =	vadd.s32 v22, v34;
	v38 =	vor.u32 v16, v19;
	v16, _, _ =	vpop (xrf0)  }
0x303: {  	s13 =	simm.s32 $0x18780;
	v40 =	vld.idx.msk [tilespmem:v5+s16+$0x0], $0xffff;
	v37 =	vand.u32 $0xFFFFFF80, v36;
	[tilespmem:s30+$0x70] =	vst v17;
	v5 =	vadd.s32 v35, v16;
	v16 =	vperm.xlane v16, v2;
	v19, _, _ =	vpop (xrf0)  }
0x304: {  	v41 =	vld [tilespmem:s13+$0x0];
	(xrf0) =	vadd.scan.msk.s32 $0xffff, v56;
	v60 =	vand.u32 $0xFFFFFF80, v5;
	v5 =	vand.u32 $0x7F, v5;
	v61 =	vadd.s32 v18, v19  }
0x305: {  	v17 =	vld.idx.msk [tilespmem:v0+s17+$0x0], $0xffff;
	(xrf0) =	vadd.scan.msk.s32 $0xffff, v57;
	v42 =	vmul.f32 v10, v58;
	v22 =	vadd.s32 v35, v16;
	v62 =	vand.u32 $0xFFFFFF80, v61  }
0x306: {  	[tilespmem:s22+$0xFFFFFFC0] =	vst v1;
	v34 =	vadd.s32 s2, v60;
	v16 =	vld.idx.msk [tilespmem:v0+s16+$0x0], $0xffff;
	v0 =	vand.u32 $0x7F, v61;
	v63 =	vadd.s32 s20, v62  }
0x307: {  	s5 =	simm.s32 $0x8680;
	s14 =	simm.s32 $0xE;
	s25 =	simm.s32 $0x10;
	v43 =	vadd.f32 v59, v55;
	v39 =	vor.u32 v5, v34;
	v35 =	vld.idx.msk [tilespmem:v38+s17+$0x0], $0xffff;
	v34 =	vor.u32 v0, v63  }
.LBB2_7:
0x308: {  	p0 =	slt.u32 s25, $0x7E;
	v0 =	vld [tilespmem:s13+$0xFFFFFF80];
	[tilespmem:s13+$0xFFFFFF80] =	vst v1;
	v5 =	vperm.xlane v30, v2;
	v30 =	vadd.f32 v42, v40;
	v40 =	vadd.s32 s11, v37  }
0x309: {  	v42 =	vperm.xlane v29, v2;
	v36 =	vand.u32 $0x7F, v36;
	v38 =	vld.idx.msk [tilespmem:v38+s16+$0x0], $0xffff;
	[tilespmem:s21+$0xFFFFFFA0] =	vst v43;
	v43 =	vadd.s32 v14, v20  }
0x30a: {  	v44 =	vld [tilespmem:s12+$0xFFFFFFB0];
	v29 =	vadd.s32 v24, v5;
	v37, _, _ =	vpop (xrf0);
	[tilespmem:s1+$0x40] =	vst v30;
	v5 =	vor.u32 v36, v40;
	v24 =	vand.u32 $0xFFFFFF80, v43  }
0x30b: {  	v40 =	vadd.s32 v21, v42;
	(xrf0) =	vadd.scan.msk.s32 $0xffff, v41;
	v30 =	vadd.s32 v29, v37;
	v36 =	vld [tilespmem:s22+$0x50];
	v41, _, _ =	vpop (xrf0);
	[tilespmem:s6+$0x60] =	vst v1  }
0x30c: {  	[tilespmem:s12+$0xFFFFFFB0] =	vst v1;
	v21 =	vand.u32 $0xFFFFFF80, v30;
	v42 =	vadd.s32 v23, v41;
	v41 =	vperm.xlane v41, v2;
	v45 =	vld.idx.msk [tilespmem:v34+s17+$0x0], $0xffff  }
0x30d: {  	v35 =	vmul.f32 v7, v35;
	v30 =	vand.u32 $0x7F, v30;
	(xrf0) =	vadd.scan.msk.s32 $0xffff, v0;
	v0 =	vld.idx.msk [tilespmem:v39+s17+$0x0], $0xffff;
	v21 =	vadd.s32 s9, v21  }
0x30e: {  	v46 =	vand.u32 $0xFFFFFF80, v42;
	v42 =	vand.u32 $0x7F, v42;
	v30 =	vor.u32 v30, v21;
	v34 =	vld.idx.msk [tilespmem:v34+s16+$0x0], $0xffff  }
0x30f: {  	v35 =	vadd.f32 v35, v38;
	v21 =	vadd.s32 v23, v41;
	v23 =	vadd.s32 s18, v46;
	v47 =	vld.idx.msk [tilespmem:v39+s16+$0x0], $0xffff;
	(xrf0) =	vadd.scan.msk.s32 $0xffff, v44  }
0x310: {  	v24 =	vadd.s32 s3, v24;
	v38 =	vand.u32 $0x7F, v43;
	v23 =	vor.u32 v42, v23;
	(xrf0) =	vadd.scan.msk.s32 $0xffff, v36;
	v41 =	vld.idx.msk [tilespmem:v5+s17+$0x0], $0xffff  }
0x311: {  	s23 =	sshll.u32 s14, $0x7;
	s14 =	smov.u32 s25;
	v39 =	vor.u32 v38, v24;
	v24 =	vadd.f32 v27, v33;
	v36, _, _ =	vpop (xrf0);
	[tilespmem:s24+$0x10] =	vst v35;
	v5 =	vld.idx.msk [tilespmem:v5+s16+$0x0], $0xffff  }
0x312: {  	s15 =	sadd.s32 $0x80, s23;
	v20 =	vperm.xlane v20, v2;
	v35 =	vmul.f32 v12, v45;
	v27 =	vand.u32 $0xFFFFFF80, v36;
	v33 =	vld [tilespmem:s10+$0x20];
	[tilespmem:s12+$0x30] =	vst v1  }
0x313: {  	v38 =	vand.u32 $0x7F, v36;
	v0 =	vmul.f32 v7, v0;
	v27 =	vadd.s32 s15, v27;
	v42, _, _ =	vpop (xrf0);
	v43 =	vld.idx.msk [tilespmem:v30+s17+$0x0], $0xffff;
	[tilespmem:s28+$0xFFFFFFE0] =	vst v24  }
0x314: {  	v24 =	vor.u32 v38, v27;
	v27 =	vperm.xlane v32, v2;
	v32 =	vadd.f32 v35, v34;
	v44 =	vld [tilespmem:s29+$0xFFFFFFF0];
	[tilespmem:s29+$0xFFFFFFF0] =	vst v1;
	s29 =	smov.u32 s31;
	s31 =	smov.u32 s6;
	s6 =	smov.u32 s22  }
0x315: {  	v34 =	vperm.xlane v42, v2;
	v35 =	vand.u32 $0xFFFFFF80, v42;
	v42 =	vand.u32 $0x7F, v42;
	s22 =	smov.u32 s12;
	s12 =	smov.u32 s10;
	s10 =	smov.u32 s13;
	v30 =	vld.idx.msk [tilespmem:v30+s16+$0x0], $0xffff;
	v45, _, _ =	vpop (xrf0)  }
0x316: {  	v0 =	vadd.f32 v0, v47;
	v46 =	vadd.s32 s23, v35;
	v47 =	vld.idx.msk [tilespmem:v23+s17+$0x0], $0xffff;
	v35 =	vadd.s32 v28, v27;
	v38, _, _ =	vpop (xrf0);
	[tilespmem:s7+$0x60] =	vst v32  }
0x317: {  	v27 =	vor.u32 v42, v46;
	v28 =	vadd.s32 v26, v45;
	(xrf0) =	vadd.scan.msk.s32 $0xffff, v33;
	v32 =	vadd.s32 v35, v38;
	v33 =	vld [tilespmem:s31+$0x70]  }
0x318: {  	v42 =	vand.u32 $0xFFFFFF80, v28;
	v28 =	vand.u32 $0x7F, v28;
	[tilespmem:s13+$0x0] =	vst v1;
	v46 =	vld.idx.msk [tilespmem:v23+s16+$0x0], $0xffff;
	v23 =	vand.u32 $0xFFFFFF80, v32  }
0x319: {  	v32 =	vand.u32 $0x7F, v32;
	v48 =	vld.idx.msk [tilespmem:v24+s17+$0x0], $0xffff;
	[tilespmem:s24+$0xFFFFFF90] =	vst v0;
	v0 =	vmul.f32 v9, v43;
	v23 =	vadd.s32 s19, v23  }
0x31a: {  	v45 =	vperm.xlane v45, v2;
	v42 =	vadd.s32 s8, v42;
	v43 =	vld [tilespmem:s12+$0xFFFFFFA0];
	[tilespmem:s12+$0xFFFFFFA0] =	vst v1;
	v32 =	vor.u32 v32, v23  }
0x31b: {  	v31 =	vperm.xlane v31, v2;
	v28 =	vor.u32 v28, v42;
	v0 =	vadd.f32 v0, v30;
	v42 =	vld.idx.msk [tilespmem:v39+s17+$0x0], $0xffff  }
0x31c: {  	v23 =	vadd.s32 v26, v45;
	v26 =	vmul.f32 v10, v47;
	v49 =	vld.idx.msk [tilespmem:v24+s16+$0x0], $0xffff;
	(xrf0) =	vadd.scan.msk.s32 $0xffff, v33  }
0x31d: {  	v24 =	vadd.s32 v25, v31;
	v33 =	vld.idx.msk [tilespmem:v27+s17+$0x0], $0xffff;
	v30, _, _ =	vpop (xrf0);
	[tilespmem:s21+$0x30] =	vst v0;
	v0 =	vmul.f32 v11, v41;
	(xrf0) =	vadd.scan.msk.s32 $0xffff, v44  }
0x31e: {  	v20 =	vadd.s32 v14, v20;
	v26 =	vadd.f32 v26, v46;
	v25 =	vadd.s32 v24, v30;
	v31 =	vld [tilespmem:s22+$0x40];
	[tilespmem:s6+$0x50] =	vst v1  }
0x31f: {  	v41 =	vmul.f32 v6, v48;
	v44 =	vand.u32 $0xFFFFFF80, v25;
	(xrf0) =	vadd.scan.msk.s32 $0xffff, v43;
	v43 =	vld.idx.msk [tilespmem:v32+s17+$0x0], $0xffff;
	v0 =	vadd.f32 v0, v5  }
0x320: {  	v14 =	vmovc v40;
	v25 =	vand.u32 $0x7F, v25;
	v5 =	vld.idx.msk [tilespmem:v27+s16+$0x0], $0xffff;
	v27 =	vadd.s32 s4, v44;
	[tilespmem:s1+$0xFFFFFFC0] =	vst v26;
	v44 =	vperm.xlane v19, v2  }
0x321: {  	v25 =	vor.u32 v25, v27;
	v26 =	vld.idx.msk [tilespmem:v32+s16+$0x0], $0xffff;
	[tilespmem:s7+$0xFFFFFFD0] =	vst v0;
	v27 =	vmul.f32 v12, v42  }
0x322: {  	v17 =	vmul.f32 v13, v17;
	v0 =	vadd.f32 v41, v49;
	v32 =	vld.idx.msk [tilespmem:v28+s17+$0x0], $0xffff;
	v18 =	vadd.s32 v18, v44;
	v19, _, _ =	vpop (xrf0)  }
0x323: {  	s24 =	sadd.s32 $0x100, s24;
	v33 =	vmul.f32 v6, v33;
	v40 =	vld.idx.msk [tilespmem:v28+s16+$0x0], $0xffff;
	(xrf0) =	vadd.scan.msk.s32 $0xffff, v31;
	v18 =	vadd.s32 v19, v18;
	v19, _, _ =	vpop (xrf0)  }
0x324: {  	v16 =	vadd.f32 v17, v16;
	[tilespmem:s24+$0x0] =	vst v0;
	v0 =	vld [tilespmem:s6+$0xFFFFFFD0];
	v28 =	vand.u32 $0xFFFFFF80, v18;
	v19 =	vadd.s32 v19, v15;
	v15 =	vmovc v20  }
0x325: {  	v31 =	vmul.f32 v11, v43;
	v18 =	vand.u32 $0x7F, v18;
	v17 =	vld [tilespmem:s13+$0x10];
	[tilespmem:s12+$0x20] =	vst v1;
	v20, _, _ =	vpop (xrf0);
	v28 =	vadd.s32 s20, v28;
	s20 =	smov.u32 s19;
	s19 =	smov.u32 s9;
	s9 =	smov.u32 s4  }
0x326: {  	v5 =	vadd.f32 v33, v5;
	s4 =	smov.u32 s15;
	v33 =	vadd.s32 v22, v20;
	v41 =	vld.idx.msk [tilespmem:v25+s17+$0x0], $0xffff;
	v18 =	vor.u32 v18, v28  }
0x327: {  	v37 =	vperm.xlane v37, v2;
	v26 =	vadd.f32 v31, v26;
	v28 =	vand.u32 $0xFFFFFF80, v33;
	[tilespmem:s6+$0xFFFFFFD0] =	vst v1;
	v31 =	vld [tilespmem:s31+$0xFFFFFFE0]  }
0x328: {  	[tilespmem:s24+$0xFFFFFF80] =	vst v5;
	v5 =	vperm.xlane v20, v2;
	v20 =	vand.u32 $0x7F, v33;
	v28 =	vadd.s32 s2, v28;
	v25 =	vld.idx.msk [tilespmem:v25+s16+$0x0], $0xffff  }
0x329: {  	v33 =	vmul.f32 v9, v32;
	v42 =	vld [tilespmem:s13+$0xFFFFFF90];
	v20 =	vor.u32 v20, v28;
	v28 =	vadd.s32 v29, v37;
	v32, _, _ =	vpop (xrf0);
	[tilespmem:s1+$0x50] =	vst v26  }
0x32a: {  	(xrf0) =	vadd.scan.msk.s32 $0xffff, v17;
	v26 =	vadd.s32 v22, v5;
	v5 =	vadd.s32 v28, v32;
	v17 =	vld [tilespmem:s6+$0x60];
	[tilespmem:s31+$0x70] =	vst v1  }
0x32b: {  	v22 =	vadd.f32 v33, v40;
	[tilespmem:s13+$0xFFFFFF90] =	vst v1;
	v29 =	vand.u32 $0xFFFFFF80, v5;
	(xrf0) =	vadd.scan.msk.s32 $0xffff, v0;
	v0 =	vld.idx.msk [tilespmem:v18+s17+$0x0], $0xffff  }
0x32c: {  	v37 =	vmul.f32 v8, v41;
	v5 =	vand.u32 $0x7F, v5;
	v29 =	vadd.s32 s19, v29;
	(xrf0) =	vadd.scan.msk.s32 $0xffff, v31;
	v33 =	vld.idx.msk [tilespmem:v39+s16+$0x0], $0xffff  }
0x32d: {  	[tilespmem:s21+$0xFFFFFFB0] =	vst v22;
	v5 =	vor.u32 v5, v29;
	v18 =	vld.idx.msk [tilespmem:v18+s16+$0x0], $0xffff;
	v22 =	vand.u32 $0xFFFFFF80, v19;
	v19 =	vand.u32 $0x7F, v19  }
0x32e: {  	v37 =	vadd.f32 v37, v25;
	(xrf0) =	vadd.scan.msk.s32 $0xffff, v42;
	v39 =	vld.idx.msk [tilespmem:v20+s17+$0x0], $0xffff;
	[tilespmem:s31+$0xFFFFFFE0] =	vst v1;
	v22 =	vadd.s32 s0, v22;
	s0 =	smov.u32 s3;
	s3 =	smov.u32 s11;
	s11 =	smov.u32 s18  }
0x32f: {  	v25 =	vperm.xlane v36, v2;
	s18 =	smov.u32 s8;
	s8 =	smov.u32 s2;
	s2 =	smov.u32 s23;
	v43 =	vld.idx.msk [tilespmem:v20+s16+$0x0], $0xffff;
	(xrf0) =	vadd.scan.msk.s32 $0xffff, v17;
	v41 =	vor.u32 v19, v22;
	[tilespmem:s26+$0xFFFFFFF0] =	vst v16  }
0x330: {  	s26 =	smov.u32 s28;
	s28 =	smov.u32 s30;
	s30 =	smov.u32 s7;
	v31, _, _ =	vpop (xrf0);
	[tilespmem:s5+$0x20] =	vst v37;
	v16 =	vld [tilespmem:s22+$0xFFFFFFC0]  }
0x331: {  	s7 =	smov.u32 s1;
	s1 =	smov.u32 s21;
	s21 =	smov.u32 s5;
	v0 =	vmul.f32 v13, v0;
	v17 =	vadd.s32 v25, v31;
	v22 =	vld [tilespmem:s12+$0x30];
	[tilespmem:s22+$0x40] =	vst v1;
	v29, _, _ =	vpop (xrf0)  }
0x332: {  	s5 =	smov.u32 s24;
	v19 =	vand.u32 $0xFFFFFF80, v17;
	v37 =	vand.u32 $0x7F, v17;
	[tilespmem:s22+$0xFFFFFFC0] =	vst v1;
	v42 =	vld.idx.msk [tilespmem:v5+s17+$0x0], $0xffff;
	v36 =	vadd.s32 v21, v29;
	v20, _, _ =	vpop (xrf0)  }
0x333: {  	v44 =	vperm.xlane v38, v2;
	v0 =	vadd.f32 v0, v18;
	v46 =	vadd.s32 s4, v19  }
0x334: {  	v45 =	vmul.f32 v8, v39;
	v38 =	vor.u32 v37, v46;
	v17, _, _ =	vpop (xrf0);
	v40 =	vld.idx.msk [tilespmem:v5+s16+$0x0], $0xffff;
	v37 =	vand.u32 $0xFFFFFF80, v36  }
.Ltmp2:
0x335: {  	v18 =	vadd.s32 v35, v44;
	v5 =	vadd.s32 v34, v17;
	v39 =	vperm.xlane v17, v2;
	v19, _, _ =	vpop (xrf0);
	[tilespmem:s30+$0x70] =	vst v0;
	(pc) =	sbr.rel @p0 .LBB2_7-.Ltmp2, $4  }
0x336: {  	v0 =	vand.u32 $0xFFFFFF80, v5;
	v5 =	vand.u32 $0x7F, v5;
	(xrf0) =	vadd.scan.msk.s32 $0xffff, v22;
	v35 =	vadd.s32 v18, v19;
	v17 =	vld.idx.msk [tilespmem:v41+s17+$0x0], $0xffff  }
0x337: {  	s13 =	sadd.s32 $0x100, s13;
	v22 =	vadd.s32 v34, v39;
	v0 =	vadd.s32 s2, v0;
	(xrf0) =	vadd.scan.msk.s32 $0xffff, v16;
	v34 =	vand.u32 $0xFFFFFF80, v35;
	v16 =	vld.idx.msk [tilespmem:v41+s16+$0x0], $0xffff  }
0x338: {  	v42 =	vmul.f32 v10, v42;
	v44 =	vand.u32 $0x7F, v35;
	v41 =	vld [tilespmem:s13+$0x0];
	[tilespmem:s10+$0x10] =	vst v1;
	v34 =	vadd.s32 s20, v34  }
0x339: {  	s25 =	sadd.s32 $0x2, s25;
	v43 =	vadd.f32 v45, v43;
	v39 =	vor.u32 v5, v0;
	v35 =	vld.idx.msk [tilespmem:v38+s17+$0x0], $0xffff;
	v34 =	vor.u32 v44, v34  }
0x33a: {  	_ = 	snop  }
0x33b: {  	v5 =	vadd.f32 v42, v40  }
0x33c: {  	v0 =	vld [tilespmem:s13+$0xFFFFFF80];
	[tilespmem:s21+$0xFFFFFFA0] =	vst v43  }
0x33d: {  	v52 =	vld [tilespmem:s12+$0xFFFFFFB0];
	[tilespmem:s1+$0x40] =	vst v5;
	(xrf0) =	vadd.scan.msk.s32 $0xffff, v41  }
0x33e: {  	v30 =	vperm.xlane v30, v2;
	v5 =	vld [tilespmem:s22+$0x50];
	_ =	sdelay $0x1  }
0x33f: {  	v38 =	vld.idx.msk [tilespmem:v38+s16+$0x0], $0xffff;
	[tilespmem:s6+$0x60] =	vst v1;
	v37 =	vadd.s32 s11, v37;
	v43 =	vadd.s32 v24, v30;
	v44, _, _ =	vpop (xrf0);
	v24 =	vand.u32 $0x7F, v36  }
0x340: {  	v53 =	vld.idx.msk [tilespmem:v34+s17+$0x0], $0xffff;
	v30 =	vadd.s32 v43, v44;
	v24 =	vor.u32 v24, v37;
	(xrf0) =	vadd.scan.msk.s32 $0xffff, v0  }
0x341: {  	v56 =	vand.u32 $0xFFFFFF80, v30;
	v0 =	vld.idx.msk [tilespmem:v34+s16+$0x0], $0xffff;
	v34, _, _ =	vpop (xrf0);
	(xrf0) =	vadd.scan.msk.s32 $0xffff, v52  }
0x342: {  	s14 =	sshll.u32 s14, $0x7;
	v35 =	vmul.f32 v7, v35;
	(xrf0) =	vadd.scan.msk.s32 $0xffff, v5;
	v5 =	vand.u32 $0x7F, v30;
	v30 =	vadd.s32 s9, v56;
	v37, _, _ =	vpop (xrf0)  }
0x343: {  	v54 =	vld.idx.msk [tilespmem:v39+s17+$0x0], $0xffff;
	[tilespmem:s13+$0xFFFFFF80] =	vst v1;
	s25 =	sadd.s32 $0x80, s14;
	v5 =	vor.u32 v5, v30;
	v30 =	vand.u32 $0xFFFFFF80, v37  }
0x344: {  	v55 =	vld.idx.msk [tilespmem:v39+s16+$0x0], $0xffff;
	[tilespmem:s12+$0xFFFFFFB0] =	vst v1;
	v35 =	vadd.f32 v35, v38;
	v57 =	vand.u32 $0x7F, v37;
	v30 =	vadd.s32 s25, v30  }
0x345: {  	v39 =	vld.idx.msk [tilespmem:v24+s17+$0x0], $0xffff;
	v30 =	vor.u32 v57, v30  }
0x346: {  	v41 =	vmul.f32 v12, v53;
	v40 =	vld.idx.msk [tilespmem:v24+s16+$0x0], $0xffff;
	[tilespmem:s24+$0x10] =	vst v35  }
0x347: {  	v27 =	vadd.f32 v27, v33;
	[tilespmem:s12+$0x30] =	vst v1;
	v24 =	vadd.s32 v23, v34;
	v47 =	vld [tilespmem:s10+$0x20]  }
0x348: {  	v42 =	vmul.f32 v7, v54;
	v0 =	vadd.f32 v41, v0;
	v45 =	vand.u32 $0xFFFFFF80, v24;
	v35, _, _ =	vpop (xrf0);
	v58 =	vld.idx.msk [tilespmem:v5+s17+$0x0], $0xffff  }
0x349: {  	[tilespmem:s13+$0x0] =	vst v1;
	v24 =	vand.u32 $0x7F, v24;
	v45 =	vadd.s32 s18, v45;
	v59 =	vand.u32 $0xFFFFFF80, v35;
	v5 =	vld.idx.msk [tilespmem:v5+s16+$0x0], $0xffff  }
0x34a: {  	[tilespmem:s28+$0xFFFFFFE0] =	vst v27;
	v27 =	vand.u32 $0x7F, v35;
	v24 =	vor.u32 v24, v45;
	v33 =	vadd.s32 s14, v59;
	v46 =	vld.idx.msk [tilespmem:v30+s17+$0x0], $0xffff  }
0x34b: {  	v36 =	vadd.f32 v42, v55;
	v62 =	vld [tilespmem:s29+$0xFFFFFFF0];
	v27 =	vor.u32 v27, v33  }
0x34c: {  	[tilespmem:s7+$0x60] =	vst v0;
	v30 =	vld.idx.msk [tilespmem:v30+s16+$0x0], $0xffff  }
0x34d: {  	v48 =	vperm.xlane v32, v2;
	[tilespmem:s24+$0xFFFFFF90] =	vst v36;
	v61 =	vld [tilespmem:s6+$0x70];
	(xrf0) =	vadd.scan.msk.s32 $0xffff, v47;
	v0 =	vmul.f32 v9, v58  }
0x34e: {  	v53 =	vld [tilespmem:s10+$0xFFFFFFA0];
	v32, _, _ =	vpop (xrf0)  }
0x34f: {  	v28 =	vadd.s32 v28, v48;
	v41, _, _ =	vpop (xrf0);
	v54 =	vld.idx.msk [tilespmem:v24+s17+$0x0], $0xffff;
	v0 =	vadd.f32 v0, v5;
	v5 =	vmul.f32 v6, v46  }
0x350: {  	v60 =	vadd.s32 v28, v41;
	v56 =	vld.idx.msk [tilespmem:v27+s17+$0x0], $0xffff  }
0x351: {  	v63 =	vand.u32 $0xFFFFFF80, v60;
	[tilespmem:s21+$0x30] =	vst v0;
	v0 =	vadd.f32 v5, v30;
	v30 =	vld.idx.msk [tilespmem:v24+s16+$0x0], $0xffff;
	v24 =	vperm.xlane v31, v2  }
0x352: {  	s15 =	sadd.s32 $0x100, s24;
	v51 =	vand.u32 $0x7F, v60;
	v52 =	vadd.s32 s19, v63;
	(xrf0) =	vadd.scan.msk.s32 $0xffff, v61;
	v5 =	vld [tilespmem:s12+$0x40]  }
0x353: {  	v33 =	vor.u32 v51, v52;
	(xrf0) =	vadd.scan.msk.s32 $0xffff, v62;
	v27 =	vld.idx.msk [tilespmem:v27+s16+$0x0], $0xffff;
	v45, _, _ =	vpop (xrf0);
	[tilespmem:s15+$0x0] =	vst v0;
	v38 =	vadd.s32 v25, v24  }
0x354: {  	(xrf0) =	vadd.scan.msk.s32 $0xffff, v53;
	v31 =	vld [tilespmem:s13+$0x10];
	v24 =	vadd.s32 v38, v45  }
0x355: {  	v25 =	vand.u32 $0xFFFFFF80, v24  }
0x356: {  	[tilespmem:s22+$0x50] =	vst v1;
	v58 =	vmul.f32 v11, v39;
	v0 =	vadd.s32 v26, v32;
	v24 =	vand.u32 $0x7F, v24  }
0x357: {  	v60 =	vmul.f32 v6, v56;
	v55 =	vand.u32 $0xFFFFFF80, v0;
	v0 =	vand.u32 $0x7F, v0;
	(xrf0) =	vadd.scan.msk.s32 $0xffff, v5  }
0x358: {  	v57 =	vld.idx.msk [tilespmem:v33+s17+$0x0], $0xffff;
	v36 =	vadd.s32 s8, v55;
	v5 =	vmul.f32 v10, v54;
	v59 =	vadd.s32 s4, v25;
	v25, _, _ =	vpop (xrf0)  }
0x359: {  	v27 =	vadd.f32 v60, v27;
	v0 =	vor.u32 v0, v36;
	(xrf0) =	vadd.scan.msk.s32 $0xffff, v31;
	v31 =	vor.u32 v24, v59;
	v24, _, _ =	vpop (xrf0)  }
0x35a: {  	v33 =	vld.idx.msk [tilespmem:v33+s16+$0x0], $0xffff;
	v36 =	vadd.f32 v58, v40;
	v5 =	vadd.f32 v5, v30;
	v30, _, _ =	vpop (xrf0)  }
0x35b: {  	v61 =	vperm.xlane v44, v2;
	[tilespmem:s15+$0xFFFFFF80] =	vst v27;
	v51 =	vadd.s32 v22, v30  }
0x35c: {  	v58 =	vld [tilespmem:s13+$0xFFFFFF90];
	[tilespmem:s7+$0xFFFFFFD0] =	vst v36;
	v39 =	vand.u32 $0x7F, v51  }
0x35d: {  	v63 =	vmul.f32 v11, v57;
	v40 =	vadd.s32 v43, v61;
	v56 =	vld [tilespmem:s6+$0xFFFFFFE0];
	[tilespmem:s1+$0xFFFFFFC0] =	vst v5;
	v5 =	vand.u32 $0xFFFFFF80, v51;
	v43, _, _ =	vpop (xrf0)  }
0x35e: {  	v48 =	vperm.xlane v37, v2;
	[tilespmem:s10+$0x20] =	vst v1;
	v62 =	vld.idx.msk [tilespmem:v0+s17+$0x0], $0xffff;
	v5 =	vadd.s32 s2, v5;
	v53 =	vadd.s32 v40, v43  }
0x35f: {  	v33 =	vadd.f32 v63, v33;
	v54 =	vld.idx.msk [tilespmem:v31+s17+$0x0], $0xffff;
	v5 =	vor.u32 v39, v5;
	v55 =	vand.u32 $0xFFFFFF80, v53;
	v39, _, _ =	vpop (xrf0)  }
0x360: {  	v52 =	vld [tilespmem:s22+$0xFFFFFFD0];
	v47 =	vand.u32 $0x7F, v53;
	v37 =	vadd.s32 s9, v55;
	v49 =	vadd.s32 v48, v39  }
0x361: {  	v27 =	vld.idx.msk [tilespmem:v31+s16+$0x0], $0xffff;
	v31 =	vor.u32 v47, v37;
	v57 =	vand.u32 $0xFFFFFF80, v49  }
0x362: {  	[tilespmem:s1+$0x50] =	vst v33;
	v0 =	vld.idx.msk [tilespmem:v0+s16+$0x0], $0xffff;
	v59 =	vand.u32 $0x7F, v49;
	v37 =	vadd.s32 s25, v57  }
0x363: {  	[tilespmem:s10+$0xFFFFFFA0] =	vst v1;
	v60 =	vld [tilespmem:s22+$0x60];
	v33 =	vor.u32 v59, v37  }
0x364: {  	v61 =	vld.idx.msk [tilespmem:v5+s17+$0x0], $0xffff;
	v36 =	vmul.f32 v8, v54  }
0x365: {  	[tilespmem:s12+$0x40] =	vst v1;
	v42 =	vmul.f32 v9, v62;
	v5 =	vld.idx.msk [tilespmem:v5+s16+$0x0], $0xffff  }
0x366: {  	(xrf0) =	vadd.scan.msk.s32 $0xffff, v52;
	v50 =	vld.idx.msk [tilespmem:v31+s17+$0x0], $0xffff;
	v27 =	vadd.f32 v36, v27  }
0x367: {  	[tilespmem:s13+$0x10] =	vst v1;
	(xrf0) =	vadd.scan.msk.s32 $0xffff, v56;
	v0 =	vadd.f32 v42, v0;
	v62 =	vld.idx.msk [tilespmem:v31+s16+$0x0], $0xffff  }
0x368: {  	(xrf0) =	vadd.scan.msk.s32 $0xffff, v58;
	v31 =	vadd.s32 v14, v20;
	[tilespmem:s5+$0x20] =	vst v27;
	v63 =	vld.idx.msk [tilespmem:v33+s17+$0x0], $0xffff  }
0x369: {  	[tilespmem:s21+$0xFFFFFFB0] =	vst v0;
	v51 =	vand.u32 $0xFFFFFF80, v31;
	v31 =	vand.u32 $0x7F, v31;
	v27 =	vmul.f32 v8, v61;
	v0 =	vld [tilespmem:s10+$0x30]  }
0x36a: {  	(xrf0) =	vadd.scan.msk.s32 $0xffff, v60;
	v33 =	vld.idx.msk [tilespmem:v33+s16+$0x0], $0xffff  }
0x36b: {  	v54 =	vld [tilespmem:s12+$0xFFFFFFC0];
	v52 =	vadd.s32 s3, v51;
	v53 =	vmul.f32 v10, v50;
	v5 =	vadd.f32 v27, v5  }
0x36c: {  	v34 =	vperm.xlane v34, v2;
	v41 =	vperm.xlane v41, v2;
	v37 =	vor.u32 v31, v52;
	v31, _, _ =	vpop (xrf0)  }
0x36d: {  	v42 =	vadd.f32 v53, v62;
	v27, _, _ =	vpop (xrf0);
	[tilespmem:s5+$0xFFFFFFA0] =	vst v5;
	v5 =	vperm.xlane v35, v2;
	v36 =	vmul.f32 v7, v63  }
0x36e: {  	v32 =	vperm.xlane v32, v2;
	v43 =	vperm.xlane v43, v2;
	v35, _, _ =	vpop (xrf0);
	(xrf0) =	vadd.scan.msk.s32 $0xffff, v0  }
0x36f: {  	v51 =	vperm.xlane v45, v2;
	v55 =	vld [tilespmem:s10+$0xFFFFFFB0];
	[tilespmem:s21+$0x40] =	vst v42;
	v57 =	vadd.s32 v5, v35;
	v36 =	vadd.f32 v36, v33  }
0x370: {  	(xrf0) =	vadd.scan.msk.s32 $0xffff, v54;
	v33 =	vadd.s32 v23, v34;
	v23 =	vadd.s32 v28, v41;
	v28, _, _ =	vpop (xrf0);
	v0 =	vld [tilespmem:s12+$0x50];
	v59 =	vand.u32 $0xFFFFFF80, v57  }
0x371: {  	v56 =	vld.idx.msk [tilespmem:v37+s17+$0x0], $0xffff;
	v62 =	vand.u32 $0x7F, v57;
	v58 =	vadd.s32 v23, v28;
	[tilespmem:s15+$0x10] =	vst v36;
	v36 =	vadd.s32 s14, v59  }
0x372: {  	v34 =	vadd.s32 v26, v32;
	v60 =	vand.u32 $0xFFFFFF80, v58;
	v61 =	vld [tilespmem:s13+$0x20];
	v52 =	vor.u32 v62, v36  }
0x373: {  	v26 =	vadd.s32 v33, v31;
	v63 =	vand.u32 $0x7F, v58;
	v50 =	vadd.s32 s19, v60  }
0x374: {  	v38 =	vadd.s32 v38, v51;
	v53 =	vand.u32 $0xFFFFFF80, v26;
	(xrf0) =	vadd.scan.msk.s32 $0xffff, v55;
	v42 =	vor.u32 v63, v50;
	v41, _, _ =	vpop (xrf0)  }
0x375: {  	v26 =	vand.u32 $0x7F, v26;
	v54 =	vadd.s32 s18, v53;
	(xrf0) =	vadd.scan.msk.s32 $0xffff, v0;
	v55 =	vadd.s32 v38, v41  }
0x376: {  	[tilespmem:s13+$0xFFFFFF90] =	vst v1;
	v26 =	vor.u32 v26, v54;
	v0 =	vmul.f32 v12, v56;
	v36, _, _ =	vpop (xrf0);
	v56 =	vld.idx.msk [tilespmem:v37+s16+$0x0], $0xffff;
	v57 =	vand.u32 $0xFFFFFF80, v55  }
0x377: {  	v58 =	vadd.s32 v34, v36;
	v45 =	vand.u32 $0x7F, v55;
	v37 =	vadd.s32 s4, v57;
	(xrf0) =	vadd.scan.msk.s32 $0xffff, v61;
	v49 =	vld.idx.msk [tilespmem:v52+s17+$0x0], $0xffff  }
0x378: {  	[tilespmem:s22+$0x60] =	vst v1;
	v60 =	vand.u32 $0xFFFFFF80, v58;
	v45 =	vor.u32 v45, v37;
	v32 =	vld.idx.msk [tilespmem:v52+s16+$0x0], $0xffff  }
0x379: {  	v39 =	vperm.xlane v39, v2;
	v44 =	vand.u32 $0x7F, v58;
	v50 =	vadd.s32 s8, v60;
	v59 =	vld.idx.msk [tilespmem:v42+s17+$0x0], $0xffff  }
0x37a: {  	[tilespmem:s22+$0xFFFFFFD0] =	vst v1;
	v42 =	vld.idx.msk [tilespmem:v42+s16+$0x0], $0xffff;
	v44 =	vor.u32 v44, v50;
	v37, _, _ =	vpop (xrf0)  }
0x37b: {  	v40 =	vadd.s32 v40, v43;
	v39 =	vadd.s32 v48, v39;
	v51 =	vld.idx.msk [tilespmem:v26+s17+$0x0], $0xffff;
	v43, _, _ =	vpop (xrf0)  }
0x37c: {  	[tilespmem:s10+$0x30] =	vst v1;
	v26 =	vld.idx.msk [tilespmem:v26+s16+$0x0], $0xffff;
	v0 =	vadd.f32 v0, v56;
	v61 =	vadd.s32 v40, v43  }
0x37d: {  	v62 =	vand.u32 $0xFFFFFF80, v61;
	v50 =	vand.u32 $0x7F, v61;
	v53 =	vld.idx.msk [tilespmem:v45+s17+$0x0], $0xffff;
	v49 =	vmul.f32 v7, v49;
	v48, _, _ =	vpop (xrf0)  }
0x37e: {  	[tilespmem:s12+$0xFFFFFFC0] =	vst v1;
	v45 =	vld.idx.msk [tilespmem:v45+s16+$0x0], $0xffff;
	v46 =	vadd.s32 s9, v62;
	v47 =	vmul.f32 v12, v59;
	v52 =	vadd.s32 v39, v48  }
0x37f: {  	[tilespmem:s30+$0xFFFFFFE0] =	vst v0;
	v56 =	vld.idx.msk [tilespmem:v44+s17+$0x0], $0xffff;
	v0 =	vor.u32 v50, v46;
	v32 =	vadd.f32 v49, v32;
	v63 =	vand.u32 $0xFFFFFF80, v52  }
0x380: {  	v44 =	vld.idx.msk [tilespmem:v44+s16+$0x0], $0xffff;
	v52 =	vand.u32 $0x7F, v52;
	v42 =	vadd.f32 v47, v42;
	v46 =	vadd.s32 s25, v63  }
0x381: {  	v50 =	vld [tilespmem:s31+$0xFFFFFFF0];
	[tilespmem:s15+$0xFFFFFF90] =	vst v32;
	v46 =	vor.u32 v52, v46  }
0x382: {  	[tilespmem:s1+$0x60] =	vst v42;
	v61 =	vld [tilespmem:s13+$0xFFFFFFA0]  }
0x383: {  	[tilespmem:s12+$0x50] =	vst v1;
	v53 =	vmul.f32 v9, v53;
	v59 =	vld [tilespmem:s22+$0x70]  }
0x384: {  	v52 =	vmul.f32 v10, v56;
	v57 =	vld.idx.msk [tilespmem:v0+s17+$0x0], $0xffff  }
0x385: {  	[tilespmem:s13+$0x20] =	vst v1;
	v60 =	vmul.f32 v11, v51;
	v0 =	vld.idx.msk [tilespmem:v0+s16+$0x0], $0xffff;
	v45 =	vadd.f32 v53, v45  }
0x386: {  	v44 =	vadd.f32 v52, v44;
	v58 =	vld.idx.msk [tilespmem:v46+s17+$0x0], $0xffff  }
0x387: {  	v26 =	vadd.f32 v60, v26;
	[tilespmem:s5+$0x30] =	vst v45;
	v46 =	vld.idx.msk [tilespmem:v46+s16+$0x0], $0xffff  }
0x388: {  	v63 =	vld [tilespmem:s10+$0x40];
	[tilespmem:s21+$0xFFFFFFC0] =	vst v44  }
0x389: {  	[tilespmem:s1+$0xFFFFFFD0] =	vst v26;
	v26 =	vld [tilespmem:s12+$0xFFFFFFD0];
	v62 =	vmul.f32 v11, v57  }
0x38a: {  	v29 =	vperm.xlane v29, v2;
	v30 =	vperm.xlane v30, v2;
	(xrf0) =	vadd.scan.msk.s32 $0xffff, v59  }
0x38b: {  	(xrf0) =	vadd.scan.msk.s32 $0xffff, v50;
	v0 =	vadd.f32 v62, v0;
	v45 =	vmul.f32 v8, v58  }
0x38c: {  	v21 =	vadd.s32 v21, v29;
	v44 =	vadd.s32 v22, v30;
	(xrf0) =	vadd.scan.msk.s32 $0xffff, v61  }
0x38d: {  	v22 =	vadd.s32 v21, v27;
	v50 =	vld [tilespmem:s22+$0xFFFFFFE0];
	(xrf0) =	vadd.scan.msk.s32 $0xffff, v63;
	[tilespmem:s21+$0x50] =	vst v0;
	v0 =	vadd.f32 v45, v46  }
0x38e: {  	v41 =	vperm.xlane v41, v2;
	v30 =	vadd.s32 v44, v37;
	(xrf0) =	vadd.scan.msk.s32 $0xffff, v26;
	v26 =	vand.u32 $0xFFFFFF80, v22;
	v52 =	vld [tilespmem:s12+$0x60]  }
0x38f: {  	v54 =	vand.u32 $0xFFFFFF80, v30;
	v22 =	vand.u32 $0x7F, v22;
	v53 =	vadd.s32 s11, v26;
	[tilespmem:s15+$0x20] =	vst v0  }
0x390: {  	v29, _, _ =	vpop (xrf0);
	v45 =	vor.u32 v22, v53;
	v22 =	vand.u32 $0x7F, v30;
	v30 =	vadd.s32 s2, v54;
	v0 =	vld [tilespmem:s13+$0x30]  }
0x391: {  	v35 =	vperm.xlane v35, v2;
	v26, _, _ =	vpop (xrf0);
	v55 =	vor.u32 v22, v30  }
0x392: {  	(xrf0) =	vadd.scan.msk.s32 $0xffff, v50;
	v42, _, _ =	vpop (xrf0)  }
0x393: {  	v5 =	vadd.s32 v5, v35;
	v38 =	vadd.s32 v38, v41;
	v41, _, _ =	vpop (xrf0);
	(xrf0) =	vadd.scan.msk.s32 $0xffff, v52  }
0x394: {  	[tilespmem:s10+$0xFFFFFFB0] =	vst v1;
	v22 =	vadd.s32 v5, v42;
	v30 =	vadd.s32 v38, v41  }
0x395: {  	v56 =	vand.u32 $0xFFFFFF80, v30;
	(xrf0) =	vadd.scan.msk.s32 $0xffff, v0;
	v0 =	vand.u32 $0xFFFFFF80, v22;
	v22 =	vand.u32 $0x7F, v22  }
0x396: {  	v32 =	vadd.s32 s4, v56;
	v49 =	vld.idx.msk [tilespmem:v55+s17+$0x0], $0xffff;
	v0 =	vadd.s32 s14, v0  }
0x397: {  	v43 =	vperm.xlane v43, v2;
	v35, _, _ =	vpop (xrf0);
	v30 =	vand.u32 $0x7F, v30;
	v0 =	vor.u32 v22, v0  }
0x398: {  	v47 =	vor.u32 v30, v32;
	v22, _, _ =	vpop (xrf0)  }
0x399: {  	v57 =	vperm.xlane v48, v2;
	v60 =	vld.idx.msk [tilespmem:v55+s16+$0x0], $0xffff;
	v30 =	vadd.s32 v40, v43;
	v32, _, _ =	vpop (xrf0)  }
0x39a: {  	[tilespmem:s6+$0xFFFFFFE0] =	vst v1;
	v58 =	vadd.s32 v30, v32  }
0x39b: {  	[tilespmem:s13+$0xFFFFFFA0] =	vst v1;
	v43 =	vld.idx.msk [tilespmem:v45+s17+$0x0], $0xffff;
	v40 =	vadd.s32 v39, v57;
	v49 =	vmul.f32 v9, v49;
	v59 =	vand.u32 $0xFFFFFF80, v58;
	v51, _, _ =	vpop (xrf0)  }
0x39c: {  	[tilespmem:s10+$0x40] =	vst v1;
	v61 =	vand.u32 $0x7F, v58;
	v62 =	vadd.s32 s9, v59;
	v63 =	vadd.s32 v40, v51;
	v56 =	vld.idx.msk [tilespmem:v0+s17+$0x0], $0xffff  }
0x39d: {  	v58 =	vld.idx.msk [tilespmem:v47+s17+$0x0], $0xffff;
	v46 =	vor.u32 v61, v62;
	v57 =	vand.u32 $0xFFFFFF80, v63  }
0x39e: {  	v39 =	vadd.f32 v49, v60;
	v0 =	vld.idx.msk [tilespmem:v0+s16+$0x0], $0xffff;
	v50 =	vand.u32 $0x7F, v63;
	v48 =	vadd.s32 s25, v57  }
0x39f: {  	v47 =	vld.idx.msk [tilespmem:v47+s16+$0x0], $0xffff;
	v48 =	vor.u32 v50, v48  }
0x3a0: {  	v45 =	vld.idx.msk [tilespmem:v45+s16+$0x0], $0xffff;
	[tilespmem:s5+$0xFFFFFFB0] =	vst v39  }
0x3a1: {  	[tilespmem:s12+$0x60] =	vst v1;
	v63 =	vld [tilespmem:s10+$0xFFFFFFC0];
	v59 =	vmul.f32 v8, v56  }
0x3a2: {  	v61 =	vmul.f32 v10, v58;
	v60 =	vld.idx.msk [tilespmem:v46+s17+$0x0], $0xffff  }
0x3a3: {  	[tilespmem:s13+$0x30] =	vst v1;
	v46 =	vld.idx.msk [tilespmem:v46+s16+$0x0], $0xffff;
	v0 =	vadd.f32 v59, v0  }
0x3a4: {  	v47 =	vadd.f32 v61, v47;
	v62 =	vld.idx.msk [tilespmem:v48+s17+$0x0], $0xffff  }
0x3a5: {  	[tilespmem:s15+$0xFFFFFFA0] =	vst v0;
	v0 =	vld.idx.msk [tilespmem:v48+s16+$0x0], $0xffff  }
0x3a6: {  	[tilespmem:s5+$0x40] =	vst v47;
	v53 =	vld [tilespmem:s13+$0xFFFFFFB0]  }
0x3a7: {  	v55 =	vld [tilespmem:s10+$0x50];
	v54 =	vmul.f32 v12, v60  }
0x3a8: {  	v43 =	vmul.f32 v12, v43  }
0x3a9: {  	v46 =	vadd.f32 v54, v46;
	v39 =	vmul.f32 v9, v62  }
0x3aa: {  	v43 =	vadd.f32 v43, v45;
	(xrf0) =	vadd.scan.msk.s32 $0xffff, v63  }
0x3ab: {  	[tilespmem:s21+$0x60] =	vst v46;
	v0 =	vadd.f32 v39, v0;
	(xrf0) =	vadd.scan.msk.s32 $0xffff, v53  }
0x3ac: {  	v36 =	vperm.xlane v36, v2;
	[tilespmem:s7+$0xFFFFFFE0] =	vst v43;
	v56 =	vld [tilespmem:s12+$0x70];
	(xrf0) =	vadd.scan.msk.s32 $0xffff, v55  }
0x3ad: {  	v57 =	vld [tilespmem:s6+$0xFFFFFFF0];
	[tilespmem:s15+$0x30] =	vst v0  }
0x3ae: {  	v41 =	vperm.xlane v41, v2;
	v39 =	vadd.s32 v34, v36;
	v0 =	vperm.xlane v37, v2;
	v58 =	vld [tilespmem:s13+$0x40]  }
0x3af: {  	v34 =	vadd.s32 v39, v35  }
0x3b0: {  	v59 =	vand.u32 $0xFFFFFF80, v34;
	v0 =	vadd.s32 v44, v0;
	v44, _, _ =	vpop (xrf0)  }
0x3b1: {  	v34 =	vand.u32 $0x7F, v34;
	v36 =	vadd.s32 s8, v59;
	v60 =	vadd.s32 v0, v44;
	(xrf0) =	vadd.scan.msk.s32 $0xffff, v56;
	v47, _, _ =	vpop (xrf0)  }
0x3b2: {  	v38 =	vadd.s32 v38, v41;
	v45 =	vor.u32 v34, v36;
	v61 =	vand.u32 $0xFFFFFF80, v60;
	(xrf0) =	vadd.scan.msk.s32 $0xffff, v57;
	v41, _, _ =	vpop (xrf0)  }
0x3b3: {  	v62 =	vand.u32 $0x7F, v60;
	v43 =	vadd.s32 s2, v61;
	(xrf0) =	vadd.scan.msk.s32 $0xffff, v58;
	v53 =	vadd.s32 v38, v41  }
0x3b4: {  	v42 =	vperm.xlane v42, v2;
	v63 =	vor.u32 v62, v43;
	v54 =	vand.u32 $0xFFFFFF80, v53  }
0x3b5: {  	v55 =	vand.u32 $0x7F, v53;
	v34 =	vadd.s32 s4, v54  }
0x3b6: {  	[tilespmem:s12+$0xFFFFFFD0] =	vst v1;
	v5 =	vadd.s32 v5, v42;
	v42 =	vor.u32 v55, v34  }
0x3b7: {  	v56 =	vperm.xlane v51, v2;
	v57 =	vadd.s32 v5, v47;
	v60 =	vld.idx.msk [tilespmem:v45+s17+$0x0], $0xffff;
	v36, _, _ =	vpop (xrf0)  }
0x3b8: {  	[tilespmem:s10+$0xFFFFFFC0] =	vst v1;
	v59 =	vand.u32 $0xFFFFFF80, v57;
	v45 =	vld.idx.msk [tilespmem:v45+s16+$0x0], $0xffff;
	v34, _, _ =	vpop (xrf0)  }
0x3b9: {  	v40 =	vadd.s32 v40, v56;
	v46 =	vand.u32 $0x7F, v57;
	v49 =	vadd.s32 s14, v59;
	v58 =	vld.idx.msk [tilespmem:v63+s17+$0x0], $0xffff;
	v43, _, _ =	vpop (xrf0)  }
0x3ba: {  	[tilespmem:s10+$0x50] =	vst v1;
	v46 =	vor.u32 v46, v49;
	v37 =	vld.idx.msk [tilespmem:v63+s16+$0x0], $0xffff;
	v61 =	vadd.s32 v40, v43  }
0x3bb: {  	v62 =	vand.u32 $0xFFFFFF80, v61;
	v63 =	vld.idx.msk [tilespmem:v42+s17+$0x0], $0xffff  }
0x3bc: {  	v50 =	vmul.f32 v11, v60;
	v51 =	vand.u32 $0x7F, v61;
	v49 =	vadd.s32 s25, v62  }
0x3bd: {  	v42 =	vld.idx.msk [tilespmem:v42+s16+$0x0], $0xffff;
	v49 =	vor.u32 v51, v49  }
0x3be: {  	[tilespmem:s13+$0xFFFFFFB0] =	vst v1;
	v45 =	vadd.f32 v50, v45;
	v48 =	vmul.f32 v10, v58  }
0x3bf: {  	v54 =	vld.idx.msk [tilespmem:v46+s17+$0x0], $0xffff  }
0x3c0: {  	v46 =	vld.idx.msk [tilespmem:v46+s16+$0x0], $0xffff;
	[tilespmem:s21+$0xFFFFFFD0] =	vst v45;
	v37 =	vadd.f32 v48, v37;
	v55 =	vmul.f32 v11, v63  }
0x3c1: {  	[tilespmem:s13+$0x40] =	vst v1;
	v59 =	vld [tilespmem:s12+$0xFFFFFFE0]  }
0x3c2: {  	[tilespmem:s5+$0xFFFFFFC0] =	vst v37;
	v56 =	vld.idx.msk [tilespmem:v49+s17+$0x0], $0xffff;
	v42 =	vadd.f32 v55, v42  }
0x3c3: {  	v57 =	vld [tilespmem:s10+$0xFFFFFFD0]  }
0x3c4: {  	v58 =	vld.idx.msk [tilespmem:v49+s16+$0x0], $0xffff;
	[tilespmem:s5+$0x50] =	vst v42  }
0x3c5: {  	v48 =	vmul.f32 v9, v54;
	v42 =	vld [tilespmem:s10+$0x60];
	_ =	sdelay $0x1  }
0x3c6: {  	v46 =	vadd.f32 v48, v46;
	v37 =	vmul.f32 v10, v56  }
0x3c7: {  	(xrf0) =	vadd.scan.msk.s32 $0xffff, v57  }
0x3c8: {  	[tilespmem:s15+$0xFFFFFFB0] =	vst v46;
	(xrf0) =	vadd.scan.msk.s32 $0xffff, v59;
	v37 =	vadd.f32 v37, v58  }
0x3c9: {  	v60 =	vld [tilespmem:s13+$0xFFFFFFC0];
	(xrf0) =	vadd.scan.msk.s32 $0xffff, v42  }
0x3ca: {  	v31 =	vperm.xlane v31, v2;
	[tilespmem:s15+$0x40] =	vst v37  }
0x3cb: {  	v61 =	vld [tilespmem:s13+$0x50]  }
0x3cc: {  	v47 =	vperm.xlane v47, v2  }
0x3cd: {  	v41 =	vperm.xlane v41, v2;
	v63 =	vperm.xlane v44, v2;
	v44, _, _ =	vpop (xrf0)  }
0x3ce: {  	v33 =	vadd.s32 v33, v31;
	(xrf0) =	vadd.scan.msk.s32 $0xffff, v60;
	v31, _, _ =	vpop (xrf0)  }
0x3cf: {  	v5 =	vadd.s32 v5, v47;
	v62 =	vadd.s32 v33, v22;
	v37 =	vadd.s32 v38, v41;
	v38, _, _ =	vpop (xrf0)  }
0x3d0: {  	v43 =	vperm.xlane v43, v2;
	v48 =	vand.u32 $0xFFFFFF80, v62;
	(xrf0) =	vadd.scan.msk.s32 $0xffff, v61;
	v51 =	vadd.s32 v37, v38  }
0x3d1: {  	v0 =	vadd.s32 v0, v63;
	v49 =	vand.u32 $0x7F, v62;
	v45 =	vand.u32 $0x7F, v51  }
0x3d2: {  	v50 =	vadd.s32 s18, v48;
	v53 =	vadd.s32 v0, v44;
	v52 =	vand.u32 $0xFFFFFF80, v51  }
0x3d3: {  	v41 =	vor.u32 v49, v50;
	v54 =	vand.u32 $0xFFFFFF80, v53;
	v42 =	vadd.s32 s4, v52  }
0x3d4: {  	v46 =	vand.u32 $0x7F, v53;
	v47 =	vadd.s32 s2, v54;
	v42 =	vor.u32 v45, v42;
	v45, _, _ =	vpop (xrf0)  }
0x3d5: {  	v46 =	vor.u32 v46, v47;
	v55 =	vadd.s32 v5, v45  }
0x3d6: {  	v43 =	vadd.s32 v40, v43;
	v56 =	vand.u32 $0xFFFFFF80, v55;
	v49, _, _ =	vpop (xrf0)  }
0x3d7: {  	[tilespmem:s22+$0xFFFFFFE0] =	vst v1;
	v57 =	vand.u32 $0x7F, v55;
	v47 =	vadd.s32 s14, v56;
	v58 =	vadd.s32 v43, v49  }
0x3d8: {  	v59 =	vld.idx.msk [tilespmem:v41+s17+$0x0], $0xffff;
	v40 =	vor.u32 v57, v47;
	v60 =	vand.u32 $0xFFFFFF80, v58  }
0x3d9: {  	[tilespmem:s10+$0xFFFFFFD0] =	vst v1;
	v41 =	vld.idx.msk [tilespmem:v41+s16+$0x0], $0xffff;
	v48 =	vand.u32 $0x7F, v58;
	v47 =	vadd.s32 s25, v60  }
0x3da: {  	[tilespmem:s10+$0x60] =	vst v1;
	v62 =	vld.idx.msk [tilespmem:v46+s17+$0x0], $0xffff;
	v47 =	vor.u32 v48, v47  }
0x3db: {  	v61 =	vld.idx.msk [tilespmem:v42+s17+$0x0], $0xffff  }
0x3dc: {  	[tilespmem:s13+$0xFFFFFFC0] =	vst v1;
	v42 =	vld.idx.msk [tilespmem:v42+s16+$0x0], $0xffff  }
0x3dd: {  	v63 =	vld.idx.msk [tilespmem:v40+s17+$0x0], $0xffff  }
0x3de: {  	[tilespmem:s13+$0x50] =	vst v1;
	v40 =	vld.idx.msk [tilespmem:v40+s16+$0x0], $0xffff  }
0x3df: {  	v56 =	vld.idx.msk [tilespmem:v47+s17+$0x0], $0xffff  }
0x3e0: {  	v46 =	vld.idx.msk [tilespmem:v46+s16+$0x0], $0xffff;
	v51 =	vmul.f32 v12, v61  }
0x3e1: {  	v50 =	vmul.f32 v12, v59;
	v47 =	vld.idx.msk [tilespmem:v47+s16+$0x0], $0xffff  }
0x3e2: {  	v42 =	vadd.f32 v51, v42;
	v57 =	vmul.f32 v10, v63  }
0x3e3: {  	v41 =	vadd.f32 v50, v41;
	v48 =	vmul.f32 v11, v62  }
0x3e4: {  	[tilespmem:s5+$0x60] =	vst v42;
	v40 =	vadd.f32 v57, v40;
	v58 =	vmul.f32 v11, v56  }
0x3e5: {  	[tilespmem:s1+$0xFFFFFFE0] =	vst v41;
	v46 =	vadd.f32 v48, v46;
	v59 =	vld [tilespmem:s10+$0x70]  }
0x3e6: {  	v60 =	vld [tilespmem:s22+$0xFFFFFFF0];
	[tilespmem:s15+$0xFFFFFFC0] =	vst v40;
	v61 =	vadd.f32 v58, v47  }
0x3e7: {  	[tilespmem:s5+$0xFFFFFFD0] =	vst v46;
	v62 =	vld [tilespmem:s13+$0xFFFFFFD0]  }
0x3e8: {  	v46 =	vld [tilespmem:s10+$0xFFFFFFE0];
	[tilespmem:s15+$0x50] =	vst v61  }
0x3e9: {  	v40 =	vld [tilespmem:s13+$0x60]  }
0x3ea: {  	(xrf0) =	vadd.scan.msk.s32 $0xffff, v59  }
0x3eb: {  	(xrf0) =	vadd.scan.msk.s32 $0xffff, v60  }
0x3ec: {  	(xrf0) =	vadd.scan.msk.s32 $0xffff, v62  }
0x3ed: {  	(xrf0) =	vadd.scan.msk.s32 $0xffff, v46  }
0x3ee: {  	(xrf0) =	vadd.scan.msk.s32 $0xffff, v40  }
0x3ef: {  	v35 =	vperm.xlane v35, v2  }
0x3f0: {  	v42, _, _ =	vpop (xrf0)  }
0x3f1: {  	v40, _, _ =	vpop (xrf0)  }
0x3f2: {  	v39 =	vadd.s32 v39, v35;
	v45 =	vperm.xlane v45, v2;
	v63 =	vperm.xlane v49, v2;
	v46, _, _ =	vpop (xrf0)  }
0x3f3: {  	v52 =	vadd.s32 v39, v31;
	v35, _, _ =	vpop (xrf0)  }
0x3f4: {  	v53 =	vand.u32 $0xFFFFFF80, v52;
	v5 =	vadd.s32 v5, v45;
	v41 =	vadd.s32 v43, v63;
	v43, _, _ =	vpop (xrf0)  }
0x3f5: {  	v48 =	vadd.s32 s8, v53;
	v47 =	vand.u32 $0x7F, v52;
	v54 =	vadd.s32 v41, v43  }
0x3f6: {  	v55 =	vor.u32 v47, v48;
	v57 =	vadd.s32 v5, v46;
	v56 =	vand.u32 $0xFFFFFF80, v54  }
0x3f7: {  	v58 =	vand.u32 $0xFFFFFF80, v57;
	v49 =	vand.u32 $0x7F, v54;
	v47 =	vadd.s32 s25, v56  }
0x3f8: {  	v48 =	vand.u32 $0x7F, v57;
	v59 =	vadd.s32 s14, v58;
	v47 =	vor.u32 v49, v47  }
0x3f9: {  	v48 =	vor.u32 v48, v59;
	_ =	sdelay $0x1  }
0x3fa: {  	[tilespmem:s12+$0xFFFFFFE0] =	vst v1  }
0x3fb: {  	[tilespmem:s13+$0x60] =	vst v1;
	v60 =	vld.idx.msk [tilespmem:v55+s17+$0x0], $0xffff  }
0x3fc: {  	[tilespmem:s13+$0xFFFFFFD0] =	vst v1;
	v61 =	vld.idx.msk [tilespmem:v47+s17+$0x0], $0xffff  }
0x3fd: {  	v62 =	vld.idx.msk [tilespmem:v48+s17+$0x0], $0xffff  }
0x3fe: {  	v47 =	vld.idx.msk [tilespmem:v47+s16+$0x0], $0xffff  }
0x3ff: {  	v45 =	vld.idx.msk [tilespmem:v55+s16+$0x0], $0xffff  }
0x400: {  	v48 =	vld.idx.msk [tilespmem:v48+s16+$0x0], $0xffff  }
0x401: {  	v50 =	vmul.f32 v12, v61  }
0x402: {  	v49 =	vmul.f32 v12, v60  }
0x403: {  	v63 =	vmul.f32 v11, v62;
	v47 =	vadd.f32 v50, v47  }
0x404: {  	v45 =	vadd.f32 v49, v45  }
0x405: {  	v52 =	vadd.f32 v63, v48;
	[tilespmem:s15+$0x60] =	vst v47  }
0x406: {  	[tilespmem:s21+$0xFFFFFFE0] =	vst v45;
	v53 =	vld [tilespmem:s13+$0x70]  }
0x407: {  	v54 =	vld [tilespmem:s12+$0xFFFFFFF0];
	[tilespmem:s15+$0xFFFFFFD0] =	vst v52  }
0x408: {  	v47 =	vld [tilespmem:s13+$0xFFFFFFE0];
	_ =	sdelay $0x2  }
0x409: {  	(xrf0) =	vadd.scan.msk.s32 $0xffff, v53  }
0x40a: {  	(xrf0) =	vadd.scan.msk.s32 $0xffff, v54  }
0x40b: {  	v44 =	vperm.xlane v44, v2;
	(xrf0) =	vadd.scan.msk.s32 $0xffff, v47  }
0x40c: {  	v19 =	vperm.xlane v19, v2  }
0x40d: {  	v0 =	vadd.s32 v0, v44  }
0x40e: {  	v18 =	vadd.s32 v18, v19;
	v19 =	vadd.s32 v0, v35  }
0x40f: {  	v18 =	vadd.s32 v25, v18;
	v55 =	vperm.xlane v46, v2;
	v25 =	vand.u32 $0xFFFFFF80, v19;
	v56, _, _ =	vpop (xrf0)  }
0x410: {  	v19 =	vand.u32 $0x7F, v19;
	v25 =	vadd.s32 s2, v25;
	v57, _, _ =	vpop (xrf0)  }
0x411: {  	v5 =	vadd.s32 v5, v55;
	v19 =	vor.u32 v19, v25;
	v58, _, _ =	vpop (xrf0)  }
0x412: {  	v17 =	vmul.f32 v13, v17;
	v59 =	vadd.s32 v5, v58  }
0x413: {  	v15 =	vadd.s32 v24, v15;
	v28 =	vperm.xlane v28, v2;
	v60 =	vand.u32 $0xFFFFFF80, v59  }
0x414: {  	v24 =	vand.u32 $0xFFFFFF80, v15;
	v25 =	vand.u32 $0x7F, v59;
	v61 =	vadd.s32 s14, v60  }
0x415: {  	v15 =	vand.u32 $0x7F, v15;
	v23 =	vadd.s32 v23, v28;
	[tilespmem:s10+$0xFFFFFFE0] =	vst v1;
	v25 =	vor.u32 v25, v61  }
0x416: {  	v24 =	vadd.s32 s0, v24;
	v20 =	vperm.xlane v20, v2;
	v23 =	vadd.s32 v29, v23;
	v29 =	vld.idx.msk [tilespmem:v19+s17+$0x0], $0xffff  }
0x417: {  	v16 =	vadd.f32 v17, v16;
	v15 =	vor.u32 v15, v24  }
0x418: {  	v14 =	vadd.s32 v14, v20;
	v20 =	vand.u32 $0xFFFFFF80, v23;
	v28 =	vperm.xlane v32, v2;
	v19 =	vld.idx.msk [tilespmem:v19+s16+$0x0], $0xffff  }
0x419: {  	v27 =	vperm.xlane v27, v2;
	v23 =	vand.u32 $0x7F, v23;
	v20 =	vadd.s32 s19, v20;
	[tilespmem:s13+$0xFFFFFFE0] =	vst v1  }
0x41a: {  	v14 =	vadd.s32 v26, v14;
	v20 =	vor.u32 v23, v20;
	v28 =	vadd.s32 v30, v28;
	v30 =	vld.idx.msk [tilespmem:v25+s17+$0x0], $0xffff  }
0x41b: {  	v26 =	vadd.s32 v36, v28;
	v62 =	vand.u32 $0xFFFFFF80, v18;
	v29 =	vmul.f32 v12, v29  }
0x41c: {  	v22 =	vperm.xlane v22, v2;
	v18 =	vand.u32 $0x7F, v18;
	v63 =	vadd.s32 s20, v62;
	v25 =	vld.idx.msk [tilespmem:v25+s16+$0x0], $0xffff  }
0x41d: {  	v28 =	vand.u32 $0xFFFFFF80, v14;
	v18 =	vor.u32 v18, v63;
	v19 =	vadd.f32 v29, v19  }
0x41e: {  	v14 =	vand.u32 $0x7F, v14;
	v28 =	vadd.s32 s3, v28;
	v22 =	vadd.s32 v33, v22  }
0x41f: {  	v14 =	vor.u32 v14, v28;
	v22 =	vadd.s32 v40, v22;
	[tilespmem:s5+$0xFFFFFFE0] =	vst v19;
	v24 =	vmul.f32 v12, v30  }
0x420: {  	v48 =	vand.u32 $0xFFFFFF80, v22;
	v22 =	vand.u32 $0x7F, v22;
	v23 =	vld [tilespmem:s10+$0xFFFFFFF0];
	v47 =	vand.u32 $0xFFFFFF80, v26  }
0x421: {  	[tilespmem:s6+$0x70] =	vst v1;
	v26 =	vand.u32 $0x7F, v26;
	v32 =	vadd.s32 s9, v47;
	v24 =	vadd.f32 v24, v25  }
0x422: {  	[tilespmem:s26+$0xFFFFFFF0] =	vst v16;
	v29 =	vperm.xlane v38, v2;
	v17 =	vld.idx.msk [tilespmem:v18+s17+$0x0], $0xffff;
	v26 =	vor.u32 v26, v32;
	v32 =	vadd.s32 s18, v48  }
0x423: {  	v21 =	vadd.s32 v21, v27;
	v18 =	vld.idx.msk [tilespmem:v18+s16+$0x0], $0xffff;
	v22 =	vor.u32 v22, v32;
	[tilespmem:s15+$0xFFFFFFE0] =	vst v24  }
0x424: {  	[tilespmem:s31+$0xFFFFFFF0] =	vst v1;
	v21 =	vadd.s32 v34, v21;
	v19 =	vadd.s32 v37, v29;
	v24 =	vld [tilespmem:s13+$0xFFFFFFF0]  }
0x425: {  	[tilespmem:s29+$0xFFFFFFF0] =	vst v1;
	v29 =	vperm.xlane v43, v2;
	v19 =	vadd.s32 v42, v19;
	(xrf0) =	vadd.scan.msk.s32 $0xffff, v23;
	v23 =	vld.idx.msk [tilespmem:v14+s17+$0x0], $0xffff  }
0x426: {  	[tilespmem:s22+$0x70] =	vst v1;
	v27 =	vand.u32 $0xFFFFFF80, v21;
	v21 =	vand.u32 $0x7F, v21;
	v28 =	vand.u32 $0xFFFFFF80, v19;
	v14 =	vld.idx.msk [tilespmem:v14+s16+$0x0], $0xffff  }
0x427: {  	[tilespmem:s22+$0xFFFFFFF0] =	vst v1;
	v29 =	vadd.s32 v41, v29;
	v17 =	vmul.f32 v13, v17;
	v25 =	vadd.s32 s11, v27;
	v27 =	vld.idx.msk [tilespmem:v15+s17+$0x0], $0xffff  }
0x428: {  	v16 =	vld.idx.msk [tilespmem:v22+s17+$0x0], $0xffff;
	v21 =	vor.u32 v21, v25;
	v25 =	vadd.s32 v56, v29;
	v29 =	vperm.xlane v31, v2  }
0x429: {  	v19 =	vand.u32 $0x7F, v19;
	v28 =	vadd.s32 s4, v28;
	v17 =	vadd.f32 v17, v18;
	v22 =	vld.idx.msk [tilespmem:v22+s16+$0x0], $0xffff;
	(xrf0) =	vadd.scan.msk.s32 $0xffff, v24  }
0x42a: {  	v18 =	vor.u32 v19, v28;
	v50 =	vperm.xlane v58, v2;
	v30 =	vld.idx.msk [tilespmem:v20+s17+$0x0], $0xffff;
	v28 =	vadd.s32 v39, v29  }
0x42b: {  	v15 =	vld.idx.msk [tilespmem:v15+s16+$0x0], $0xffff;
	v31 =	vand.u32 $0xFFFFFF80, v25;
	v25 =	vand.u32 $0x7F, v25;
	v28 =	vadd.s32 v57, v28  }
0x42c: {  	[tilespmem:s12+$0x70] =	vst v1;
	v20 =	vld.idx.msk [tilespmem:v20+s16+$0x0], $0xffff;
	v29 =	vperm.xlane v35, v2;
	v19 =	vmul.f32 v13, v27;
	v49 =	vand.u32 $0xFFFFFF80, v28  }
0x42d: {  	[tilespmem:s10+$0x70] =	vst v1;
	v27 =	vld.idx.msk [tilespmem:v26+s17+$0x0], $0xffff;
	v28 =	vand.u32 $0x7F, v28;
	v32 =	vadd.s32 s8, v49;
	v24 =	vadd.s32 s25, v31  }
0x42e: {  	v26 =	vld.idx.msk [tilespmem:v26+s16+$0x0], $0xffff;
	v0 =	vadd.s32 v0, v29;
	v28 =	vor.u32 v28, v32;
	v24 =	vor.u32 v25, v24;
	v25, _, _ =	vpop (xrf0)  }
0x42f: {  	v5 =	vadd.s32 v5, v50;
	v29 =	vld.idx.msk [tilespmem:v18+s17+$0x0], $0xffff;
	v0 =	vadd.s32 v25, v0;
	v25, _, _ =	vpop (xrf0)  }
0x430: {  	[tilespmem:s6+$0xFFFFFFF0] =	vst v1;
	v18 =	vld.idx.msk [tilespmem:v18+s16+$0x0], $0xffff;
	v15 =	vadd.f32 v19, v15;
	v51 =	vand.u32 $0xFFFFFF80, v0;
	v5 =	vadd.s32 v25, v5  }
0x431: {  	[tilespmem:s12+$0xFFFFFFF0] =	vst v1;
	v31 =	vld.idx.msk [tilespmem:v21+s17+$0x0], $0xffff;
	v0 =	vand.u32 $0x7F, v0;
	v25 =	vadd.s32 s2, v51;
	v52 =	vand.u32 $0xFFFFFF80, v5  }
0x432: {  	[tilespmem:s13+$0x70] =	vst v1;
	v21 =	vld.idx.msk [tilespmem:v21+s16+$0x0], $0xffff;
	v0 =	vor.u32 v0, v25;
	v5 =	vand.u32 $0x7F, v5;
	v25 =	vadd.s32 s14, v52  }
0x433: {  	[tilespmem:s28+$0xFFFFFFF0] =	vst v15;
	v15 =	vmul.f32 v13, v23;
	v23 =	vld.idx.msk [tilespmem:v28+s17+$0x0], $0xffff;
	v5 =	vor.u32 v5, v25  }
0x434: {  	[tilespmem:s7+$0x70] =	vst v17;
	v19 =	vmul.f32 v13, v30;
	v17 =	vld.idx.msk [tilespmem:v24+s17+$0x0], $0xffff  }
0x435: {  	v24 =	vld.idx.msk [tilespmem:v24+s16+$0x0], $0xffff  }
0x436: {  	[tilespmem:s10+$0xFFFFFFF0] =	vst v1;
	v19 =	vadd.f32 v19, v20;
	v20 =	vmul.f32 v13, v27;
	v25 =	vld.idx.msk [tilespmem:v28+s16+$0x0], $0xffff  }
0x437: {  	[tilespmem:s13+$0xFFFFFFF0] =	vst v1;
	v14 =	vadd.f32 v15, v14;
	v15 =	vmul.f32 v13, v31;
	v27 =	vld.idx.msk [tilespmem:v0+s17+$0x0], $0xffff  }
0x438: {  	[tilespmem:s1+$0x70] =	vst v19;
	v19 =	vadd.f32 v20, v26;
	v20 =	vmul.f32 v13, v29;
	v26 =	vld.idx.msk [tilespmem:v5+s17+$0x0], $0xffff  }
0x439: {  	[tilespmem:s30+$0xFFFFFFF0] =	vst v14;
	v14 =	vadd.f32 v15, v21;
	v15 =	vmul.f32 v13, v16;
	v0 =	vld.idx.msk [tilespmem:v0+s16+$0x0], $0xffff  }
0x43a: {  	[tilespmem:s21+$0x70] =	vst v19;
	v16 =	vadd.f32 v20, v18;
	v17 =	vmul.f32 v13, v17;
	v5 =	vld.idx.msk [tilespmem:v5+s16+$0x0], $0xffff  }
0x43b: {  	[tilespmem:s7+$0xFFFFFFF0] =	vst v14;
	v14 =	vadd.f32 v15, v22;
	v15 =	vmul.f32 v13, v23  }
0x43c: {  	[tilespmem:s5+$0x70] =	vst v16;
	v16 =	vadd.f32 v17, v24;
	v17 =	vmul.f32 v13, v27  }
0x43d: {  	[tilespmem:s1+$0xFFFFFFF0] =	vst v14;
	v14 =	vadd.f32 v15, v25;
	v15 =	vmul.f32 v13, v26  }
0x43e: {  	[tilespmem:s15+$0x70] =	vst v16;
	v0 =	vadd.f32 v17, v0  }
0x43f: {  	[tilespmem:s21+$0xFFFFFFF0] =	vst v14;
	v5 =	vadd.f32 v15, v5  }
0x440: {  	[tilespmem:s5+$0xFFFFFFF0] =	vst v0  }
0x441: {  	[tilespmem:s15+$0xFFFFFFF0] =	vst v5  }
0x442: {  	s22 =	rddreg [dreg:$0x8]  }
0x443: {  	s23 =	simm.s32 $0x0;
	s13 =	rddreg [dreg:$0xe]  }
0x444: {  	s24 =	simm.s32 $0x8000;
	s25 =	simm.s32 $0x1;
	s0 =	sadd.s32 s13, s22  }
0x445: {  	[hbm4b:s0+s23] =	stream.linear.scatter [tilespmem:s24], [sflag:$0x3], $0x4000, $0x38;
	[tilespmem:$0x1C000] =	vst v63  }
0x446: {  	_ =	swait.ge [sflag:s25], $0x4000  }
0x447: {  	[sflag:s25] =	ssyncset.done $0x0  }
0x448: {  	s26 =	simm.s32 $0x2;
	[sflag:s25] =	ssyncadd.s32 $0xFFFFC000  }
0x449: {  	_ =	swait.ge [sflag:s26], $0x4000  }
0x44a: {  	[sflag:s26] =	ssyncset.done $0x0  }
0x44b: {  	s28 =	simm.s32 $0x4080;
	[sflag:s26] =	ssyncadd.s32 $0xFFFFC000  }
0x44c: {  	v0 =	vld [tilespmem:s28+$0x20]  }
0x44d: {  	v5 =	vld [tilespmem:s28+$0x0];
	_ =	sdelay $0x1  }
0x44e: {  	v14 =	vld [tilespmem:s28+$0x10];
	_ =	sdelay $0x1  }
0x44f: {  	v28 =	vadd.f32 $9.999999740e-06, v0;
	v0 =	vld [tilespmem:s28+$0xFFFFFF80]  }
0x450: {  	v5 =	vadd.f32 $9.999999740e-06, v5  }
0x451: {  	v15 =	vld [tilespmem:s28+$0x30];
	(xrf2) =	vadd.scan.msk.f32 $0xffff, v28  }
0x452: {  	v23 =	vadd.f32 $9.999999740e-06, v14;
	(xrf2) =	vadd.scan.msk.f32 $0xffff, v5;
	_ =	sdelay $0x1  }
0x453: {  	(xrf2) =	vadd.scan.msk.f32 $0xffff, v23;
	v0 =	vadd.f32 $9.999999740e-06, v0  }
0x454: {  	v14 =	vld [tilespmem:s28+$0xFFFFFF90]  }
0x455: {  	v19 =	vadd.f32 $9.999999740e-06, v15;
	(xrf2) =	vadd.scan.msk.f32 $0xffff, v0  }
0x456: {  	v15 =	vld [tilespmem:s28+$0xFFFFFFA0]  }
0x457: {  	(xrf2) =	vadd.scan.msk.f32 $0xffff, v19  }
0x458: {  	v16 =	vld [tilespmem:s28+$0xFFFFFFB0]  }
0x459: {  	v33 =	vadd.f32 $9.999999740e-06, v14  }
0x45a: {  	v29, _, _ =	vpop (xrf2)  }
0x45b: {  	v25 =	vadd.f32 $9.999999740e-06, v15;
	v18, _, _ =	vpop (xrf2);
	(xrf2) =	vadd.scan.msk.f32 $0xffff, v33;
	_ =	sdelay $0x1  }
0x45c: {  	v17 =	vadd.f32 $9.999999740e-06, v16;
	v34, _, _ =	vpop (xrf2);
	(xrf2) =	vadd.scan.msk.f32 $0xffff, v25  }
0x45d: {  	v35 =	vperm.xlane v18, v2;
	v14 =	vperm.xlane v34, v2  }
0x45e: {  	v16, _, _ =	vpop (xrf2);
	(xrf2) =	vadd.scan.msk.f32 $0xffff, v17  }
0x45f: {  	v15 =	vperm.xlane v29, v2;
	v32 =	vadd.f32 v14, v35  }
0x460: {  	v27, _, _ =	vpop (xrf2)  }
0x461: {  	v14 =	vperm.xlane v27, v2;
	v30 =	vadd.f32 v15, v32;
	_ =	sdelay $0x1  }
0x462: {  	v14 =	vadd.f32 v14, v30  }
0x463: {  	v22 =	vperm.xlane v16, v2;
	v21, _, _ =	vpop (xrf2)  }
0x464: {  	(erf) = vrcp.f32 v14;
	v14 =	vperm.xlane v21, v2  }
0x465: {  	v24, _, _ =	vpop (xrf2)  }
0x466: {  	v26 =	vadd.f32 v14, v22;
	v14 =	vperm.xlane v24, v2  }
0x467: {  	v53, _, _ =	vpop (xrf2)  }
0x468: {  	v54 =	vadd.f32 v14, v26;
	v14 =	vperm.xlane v53, v2;
	_ =	sdelay $0x1  }
0x469: {  	v14 =	vadd.f32 v14, v54;
	_ =	sdelay $0x2  }
0x46a: {  	(erf) = vrcp.f32 v14  }
0x46b: {  	s29 =	simm.s32 $0x80;
	v14 =	vpop (erf)  }
0x46c: {  	v15 =	vld [tilespmem:s29+$0x30];
	v31 =	vmul.f32 $1.270000000e+02, v14;
	_ =	sdelay $0x1  }
0x46d: {  	v18 =	vadd.f32 $0.0e+00, v18;
	v14 =	vld [tilespmem:s29+$0xFFFFFFB0];
	v5 =	vmul.f32 v31, v5  }
0x46e: {  	v34 =	vadd.f32 v35, v34  }
0x46f: {  	v29 =	vadd.f32 v32, v29;
	v57 =	vmul.f32 v31, v18;
	vm0 =	vlt.f32 v5, $1.270000010e-03  }
0x470: {  	v55 =	vperm.xlane v15, v2;
	v60 =	vadd.f32 v22, v21;
	v20 =	vsel vm0, $0x42FE0000, v5  }
0x471: {  	v56 =	vld [tilespmem:s29+$0x0];
	v44 =	vmul.f32 v31, v23;
	v58 =	vsub.f32 $1.280000000e+02, v57;
	(erf) = vrcp.f32 v20  }
0x472: {  	s0 =	simm.s32 $0x10080;
	v42 =	vld [tilespmem:s29+$0x10];
	v21 =	vadd.f32 v26, v24;
	v29 =	vmul.f32 v31, v29;
	v26 =	vperm.xlane v14, v2;
	v18 =	vpop (erf)  }
0x473: {  	v16 =	vadd.f32 $0.0e+00, v16;
	v20 =	vld [tilespmem:s29+$0x20];
	[tilespmem:s0+$0x40] =	vst v55;
	v22 =	vtrunc.f32 v58;
	v18 =	vmul.f32 $1.270000000e+02, v18  }
0x474: {  	v61 =	vperm.xlane v14, v4;
	v5 =	vsub.f32 v57, v5;
	v59 =	vld [tilespmem:s29+$0x1];
	v24 =	vcvt.f32.s32 v22  }
0x475: {  	v22 =	vadd.f32 v54, v53;
	v0 =	vmul.f32 v18, v0;
	v62 =	vmul.f32 v18, v16  }
0x476: {  	v16 =	vsub.s32 $0x80, v24;
	v33 =	vmul.f32 v18, v33;
	v54 =	vmul.f32 v18, v60  }
0x477: {  	v17 =	vmul.f32 v18, v17;
	v21 =	vmul.f32 v18, v21;
	v48 =	vsub.f32 $1.280000000e+02, v62  }
0x478: {  	v38 =	vld [tilespmem:s29+$0xFFFFFF80];
	vm0 =	vlt.f32 v0, $1.270000010e-03;
	v57 =	vsub.f32 $1.280000000e+02, v54;
	v47 =	vsub.f32 v54, v33  }
0x479: {  	v24 =	vld [tilespmem:s29+$0xFFFFFF90];
	v63 =	vsel vm0, $0x42FE0000, v0;
	v41 =	vsub.f32 v59, v56;
	vm0 =	vlt.s32 v16, $0x7F  }
0x47a: {  	s31 =	simm.s32 $0x4180;
	v0 =	vsub.f32 v62, v0;
	(erf) = vrcp.f32 v63;
	v49 =	vnsel vm0, $0x7F, v16;
	v16 =	vld [tilespmem:s29+$0xFFFFFFA0];
	v50 =	vpop (erf)  }
0x47b: {  	[tilespmem:s0+$0xFFFFFFC0] =	vst v26;
	v45 =	vtrunc.f32 v48;
	vm0 =	vlt.f32 v44, $1.270000010e-03;
	v48 =	vld [tilespmem:s31+$0x10];
	v41 =	vmul.f32 v50, v41  }
0x47c: {  	s30 =	simm.s32 $0x80;
	v51 =	vand.u32 $0xFFFFFF80, v49;
	v26 =	vand.u32 $0x7F, v49;
	v23 =	vld [tilespmem:s29+$0xFFFFFF81];
	v52 =	vcvt.f32.s32 v45  }
0x47d: {  	v53 =	vsel vm0, $0x42FE0000, v44;
	v40 =	vadd.s32 s30, v51;
	v5 =	vmul.f32 v41, v5  }
0x47e: {  	v49 =	vld [tilespmem:s31+$0xFFFFFF80];
	(erf) = vrcp.f32 v53;
	v40 =	vor.u32 v26, v40;
	v26 =	vsub.f32 v61, v14  }
0x47f: {  	s1 =	simm.s32 $0x14080;
	v36 =	vsub.s32 $0x80, v52;
	v50 =	vtrunc.f32 v57;
	v5 =	vsub.f32 v56, v5  }
0x480: {  	vm0 =	vlt.s32 v36, $0x7F;
	v35 =	vcvt.f32.s32 v50;
	[tilespmem:s1+$0x0] =	vst v41;
	v56 =	vmul.f32 v31, v34  }
0x481: {  	v55 =	vld [tilespmem:s31+$0x20];
	v34 =	vadd.f32 $9.999999740e-06, v48;
	v48 =	vmul.f32 v31, v19;
	[tilespmem:s0+$0x0] =	vst v5;
	v5 =	vsub.f32 v23, v38  }
0x482: {  	s12 =	simm.s32 $0x18000;
	v60 =	vld [tilespmem:s31+$0x0];
	v23 =	vnsel vm0, $0x7F, v36;
	vm0 =	vlt.f32 v33, $1.270000010e-03;
	v58 =	vsub.f32 $1.280000000e+02, v56  }
0x483: {  	v54 =	vsub.f32 v56, v44;
	v44 =	vmul.f32 v31, v28;
	v28 =	vadd.f32 $9.999999740e-06, v49;
	[tilespmem:v40+s12+$0x0] =	vst.idx.add.s32.msk $0xffff, v3  }
0x484: {  	v49 =	vmul.f32 v18, v25;
	v18 =	vmul.f32 v18, v22;
	v22 =	vsub.f32 $1.280000000e+02, v21;
	v40 =	vld [tilespmem:s29+$0x11]  }
0x485: {  	s2 =	simm.s32 $0x0;
	v59 =	vpop (erf);
	v61 =	vand.u32 $0xFFFFFF80, v23;
	v23 =	vand.u32 $0x7F, v23;
	v36 =	vtrunc.f32 v58  }
0x486: {  	v5 =	vmul.f32 v59, v5;
	v62 =	vadd.s32 s2, v61;
	v36 =	vcvt.f32.s32 v36  }
0x487: {  	v63 =	vsel vm0, $0x42FE0000, v33;
	v37 =	vor.u32 v23, v62;
	v23 =	vadd.f32 $9.999999740e-06, v55  }
0x488: {  	v53 =	vld [tilespmem:s31+$0x30];
	v0 =	vmul.f32 v5, v0;
	v51 =	vsub.s32 $0x80, v36;
	v36 =	vadd.f32 $9.999999740e-06, v60  }
0x489: {  	[tilespmem:s1+$0xFFFFFF80] =	vst v5;
	v5 =	vld [tilespmem:s31+$0xFFFFFFA0];
	(xrf2) =	vadd.scan.msk.f32 $0xffff, v23;
	vm0 =	vlt.s32 v51, $0x7F;
	v40 =	vsub.f32 v40, v42  }
0x48a: {  	(erf) = vrcp.f32 v63;
	v52 =	vpop (erf);
	v0 =	vsub.f32 v38, v0;
	v39 =	vnsel vm0, $0x7F, v51;
	(xrf2) =	vadd.scan.msk.f32 $0xffff, v36  }
0x48b: {  	vm0 =	vlt.f32 v44, $1.270000010e-03;
	v55 =	vand.u32 $0xFFFFFF80, v39;
	(xrf2) =	vadd.scan.msk.f32 $0xffff, v34;
	v38 =	vmul.f32 v40, v52  }
0x48c: {  	v56 =	vld [tilespmem:s31+$0xFFFFFF90];
	v39 =	vand.u32 $0x7F, v39;
	v59 =	vsel vm0, $0x42FE0000, v44;
	v41 =	vadd.s32 s30, v55  }
0x48d: {  	[tilespmem:s0+$0xFFFFFF80] =	vst v0;
	v0 =	vor.u32 v39, v41;
	v41 =	vadd.f32 $9.999999740e-06, v53;
	v57 =	vmul.f32 v38, v54  }
0x48e: {  	(erf) = vrcp.f32 v59;
	(xrf2) =	vadd.scan.msk.f32 $0xffff, v28;
	v33 =	vadd.f32 $9.999999740e-06, v5;
	v5 =	vadd.f32 v30, v27  }
0x48f: {  	v61 =	vsub.s32 $0x80, v35;
	[tilespmem:v37+s12+$0x0] =	vst.idx.add.s32.msk $0xffff, v3;
	(xrf2) =	vadd.scan.msk.f32 $0xffff, v41;
	v60 =	vsub.f32 v42, v57  }
0x490: {  	v58 =	vld [tilespmem:s31+$0xFFFFFFB0];
	v21 =	vsub.f32 v21, v49;
	vm1 =	vlt.s32 v61, $0x7F;
	[tilespmem:s1+$0x10] =	vst v38;
	v5 =	vmul.f32 v31, v5  }
0x491: {  	v61 =	vnsel vm1, $0x7F, v61;
	v32 =	vadd.f32 $9.999999740e-06, v56;
	v56 =	vlaneseq.u32;
	v25 =	vld [tilespmem:s29+$0xFFFFFF91];
	[tilespmem:s0+$0x10] =	vst v60  }
0x492: {  	vm0 =	vlt.f32 v48, $1.270000010e-03;
	v27 =	vperm.xlane v15, v4;
	v62 =	vsub.f32 $1.280000000e+02, v5;
	[tilespmem:v0+s12+$0x0] =	vst.idx.add.s32.msk $0xffff, v3  }
0x493: {  	v19 =	vsel vm0, $0x42FE0000, v48;
	vm0 =	veq.s32 v56, $0xF;
	v42, _, _ =	vpop (xrf2);
	v0 =	vsub.f32 $1.280000000e+02, v29;
	v30 =	vld [tilespmem:s29+$0x21]  }
0x494: {  	(erf) = vrcp.f32 v19;
	v27 =	vsub.f32 v27, v15;
	v37 =	vtrunc.f32 v62;
	v31, _, _ =	vpop (xrf2);
	(xrf2) =	vadd.scan.msk.f32 $0xffff, v32  }
0x495: {  	v19 =	vadd.f32 $9.999999740e-06, v58;
	v0 =	vtrunc.f32 v0;
	v35, _, _ =	vpop (xrf2);
	v38 =	vperm.xlane v31, v2  }
0x496: {  	v51 =	vpop (erf);
	v27 =	vsel vm0, $0x0, v27;
	(xrf2) =	vadd.scan.msk.f32 $0xffff, v33;
	v0 =	vcvt.f32.s32 v0;
	v57 =	vperm.xlane v35, v2  }
0x497: {  	v25 =	vsub.f32 v25, v24;
	v63 =	vperm.xlane v42, v2;
	v37 =	vcvt.f32.s32 v37;
	v58 =	vpop (erf)  }
0x498: {  	v52, _, _ =	vpop (xrf2);
	(xrf2) =	vadd.scan.msk.f32 $0xffff, v19;
	v0 =	vsub.s32 $0x80, v0;
	v46 =	vadd.f32 v57, v38;
	v30 =	vsub.f32 v30, v20  }
0x499: {  	v29 =	vsub.f32 v29, v44;
	v25 =	vmul.f32 v25, v51;
	vm2 =	vlt.s32 v0, $0x7F;
	v44, _, _ =	vpop (xrf2)  }
0x49a: {  	v45 =	vadd.f32 v63, v46;
	v40 =	vmul.f32 v30, v58;
	v30 =	vperm.xlane v44, v2  }
0x49b: {  	v5 =	vsub.f32 v5, v48;
	v37 =	vsub.s32 $0x80, v37;
	v0 =	vnsel vm2, $0x7F, v0  }
0x49c: {  	v47 =	vmul.f32 v25, v47;
	v59 =	vand.u32 $0xFFFFFF80, v0;
	v30 =	vadd.f32 v30, v45  }
0x49d: {  	v60 =	vpop (erf);
	vm2 =	vlt.s32 v37, $0x7F;
	v0 =	vand.u32 $0x7F, v0;
	v39 =	vadd.s32 s30, v59  }
0x49e: {  	s6 =	simm.s32 $0x180;
	v43 =	vor.u32 v0, v39;
	v39 =	vmul.f32 v27, v60;
	v27, _, _ =	vpop (xrf2);
	(erf) = vrcp.f32 v30  }
0x49f: {  	[tilespmem:s1+$0xFFFFFF90] =	vst v25;
	v25 =	vld [tilespmem:s6+$0x30];
	v59 =	vand.u32 $0xFFFFFF80, v61;
	v30 =	vperm.xlane v52, v2;
	v62 =	vperm.xlane v27, v2  }
0x4a0: {  	v24 =	vsub.f32 v24, v47;
	v0 =	vnsel vm2, $0x7F, v37;
	v51 =	vadd.s32 s2, v59;
	v60, _, _ =	vpop (xrf2)  }
0x4a1: {  	v37 =	vand.u32 $0x7F, v61;
	v54 =	vperm.xlane v60, v2;
	v48 =	vadd.f32 v62, v30  }
0x4a2: {  	vm1 =	vlt.f32 v49, $1.270000010e-03;
	v35 =	vadd.f32 v38, v35;
	v51 =	vor.u32 v37, v51;
	v55, _, _ =	vpop (xrf2)  }
0x4a3: {  	[tilespmem:s0+$0xFFFFFF90] =	vst v24;
	v24 =	vsel vm0, $0x0, v26;
	v56 =	vperm.xlane v55, v2;
	v54 =	vadd.f32 v54, v48  }
0x4a4: {  	v58 =	vperm.xlane v25, v2;
	vm2 =	vlt.f32 v17, $1.270000010e-03;
	v61 =	vsel vm1, $0x42FE0000, v49  }
0x4a5: {  	v57 =	vsel vm2, $0x42FE0000, v17;
	(erf) = vrcp.f32 v61;
	v62 =	vadd.f32 v56, v54  }
0x4a6: {  	v63 =	vand.u32 $0xFFFFFF80, v0;
	v5 =	vmul.f32 v39, v5;
	(erf) = vrcp.f32 v57  }
0x4a7: {  	v0 =	vand.u32 $0x7F, v0;
	v50 =	vadd.s32 s30, v63;
	[tilespmem:v51+s12+$0x0] =	vst.idx.add.s32.msk $0xffff, v3;
	(erf) = vrcp.f32 v62  }
0x4a8: {  	v49 =	vsub.f32 v18, v17;
	v47 =	vor.u32 v0, v50;
	v0 =	vsub.f32 v15, v5;
	v26 =	vld [tilespmem:s29+$0xFFFFFFA1]  }
0x4a9: {  	v29 =	vmul.f32 v40, v29;
	v5 =	vadd.f32 v30, v27;
	v27 =	vsub.f32 $1.280000000e+02, v18;
	v63 =	vpop (erf)  }
0x4aa: {  	v45 =	vadd.f32 v45, v44;
	v30 =	vadd.f32 $0.0e+00, v52;
	v15 =	vld [tilespmem:s6+$0xFFFFFFB0];
	v37 =	vmul.f32 $1.270000000e+02, v63  }
0x4ab: {  	v27 =	vtrunc.f32 v27;
	v56 =	vsub.f32 v20, v29;
	v20 =	vadd.f32 v48, v60  }
0x4ac: {  	v29 =	vadd.f32 $0.0e+00, v31;
	v31 =	vtrunc.f32 v22;
	v50 =	vmul.f32 v37, v36  }
0x4ad: {  	v18 =	vcvt.f32.s32 v27;
	v22 =	vadd.f32 v54, v55;
	v26 =	vsub.f32 v26, v16  }
0x4ae: {  	v52 =	vld [tilespmem:s6+$0x0];
	v59 =	vpop (erf);
	v54 =	vmul.f32 v37, v29;
	v29 =	vcvt.f32.s32 v31;
	vm1 =	vlt.f32 v50, $1.270000010e-03  }
0x4af: {  	s4 =	simm.s32 $0x10180;
	v48 =	vld [tilespmem:s6+$0x10];
	v31 =	vpop (erf);
	v53 =	vmul.f32 v26, v59;
	v26 =	vperm.xlane v15, v2;
	v36 =	vsel vm1, $0x42FE0000, v50  }
0x4b0: {  	v60 =	vsub.f32 $1.280000000e+02, v54;
	v29 =	vsub.s32 $0x80, v29;
	(erf) = vrcp.f32 v36;
	v36 =	vld [tilespmem:s6+$0x20];
	[tilespmem:s4+$0x40] =	vst v58;
	v17 =	vpop (erf)  }
0x4b1: {  	v34 =	vmul.f32 v37, v34;
	vm1 =	vlt.s32 v29, $0x7F;
	v61 =	vld [tilespmem:s6+$0x1];
	v27 =	vmul.f32 $1.270000000e+02, v17  }
0x4b2: {  	v17 =	vmul.f32 v24, v31;
	v24 =	vtrunc.f32 v60;
	v31 =	vsub.s32 $0x80, v18  }
0x4b3: {  	v50 =	vsub.f32 v54, v50;
	v18 =	vcvt.f32.s32 v24;
	vm2 =	vlt.s32 v31, $0x7F  }
0x4b4: {  	v24 =	vnsel vm1, $0x7F, v29;
	v51 =	vmul.f32 v27, v28;
	v60 =	vmul.f32 v27, v30  }
0x4b5: {  	v5 =	vmul.f32 v27, v5;
	v38 =	vmul.f32 v27, v33;
	v28 =	vsub.s32 $0x80, v18  }
0x4b6: {  	vm1 =	vlt.f32 v51, $1.270000010e-03;
	v55 =	vsub.f32 v61, v52;
	v61 =	vsub.f32 $1.280000000e+02, v60  }
0x4b7: {  	v57 =	vld [tilespmem:s6+$0xFFFFFF80];
	v58 =	vsel vm1, $0x42FE0000, v51;
	vm1 =	vlt.s32 v28, $0x7F;
	v51 =	vsub.f32 v60, v51  }
0x4b8: {  	s10 =	simm.s32 $0x180;
	v29 =	vld [tilespmem:s6+$0xFFFFFF90];
	(erf) = vrcp.f32 v58;
	v58 =	vperm.xlane v15, v4;
	v28 =	vnsel vm1, $0x7F, v28  }
0x4b9: {  	v18 =	vld [tilespmem:s6+$0xFFFFFFA0];
	[tilespmem:s4+$0xFFFFFFC0] =	vst v26;
	vm1 =	vlt.f32 v34, $1.270000010e-03;
	v59 =	vpop (erf);
	v26 =	vand.u32 $0xFFFFFF80, v28;
	v28 =	vand.u32 $0x7F, v28  }
0x4ba: {  	v55 =	vmul.f32 v59, v55;
	v30 =	vadd.s32 s10, v26;
	v26 =	vnsel vm2, $0x7F, v31  }
0x4bb: {  	v54 =	vld [tilespmem:s6+$0xFFFFFF81];
	v59 =	vor.u32 v28, v30;
	v30 =	vmul.f32 v53, v21;
	v21 =	vtrunc.f32 v61  }
0x4bc: {  	[tilespmem:s1+$0x20] =	vst v40;
	v31 =	vsub.f32 v58, v15;
	v21 =	vcvt.f32.s32 v21;
	v50 =	vmul.f32 v55, v50  }
0x4bd: {  	[tilespmem:s0+$0x20] =	vst v56;
	v58 =	vsel vm1, $0x42FE0000, v34;
	v28 =	vmul.f32 v17, v49;
	v49 =	vmul.f32 v27, v32  }
0x4be: {  	s3 =	simm.s32 $0x14180;
	s9 =	simm.s32 $0x4280;
	[tilespmem:v43+s12+$0x0] =	vst.idx.add.s32.msk $0xffff, v3;
	v32 =	vand.u32 $0xFFFFFF80, v24;
	v21 =	vsub.s32 $0x80, v21;
	v63 =	vsub.f32 v52, v50  }
0x4bf: {  	(erf) = vrcp.f32 v58;
	[tilespmem:s3+$0x0] =	vst v55;
	v50 =	vld [tilespmem:s9+$0x20];
	v52 =	vmul.f32 v37, v35;
	vm1 =	vlt.s32 v21, $0x7F  }
0x4c0: {  	v62 =	vsub.f32 v54, v57;
	v54 =	vld [tilespmem:s9+$0x0];
	v21 =	vnsel vm1, $0x7F, v21;
	vm1 =	vlt.f32 v49, $1.270000010e-03;
	[tilespmem:s4+$0x0] =	vst v63  }
0x4c1: {  	s7 =	simm.s32 $0x100;
	v43 =	vsub.f32 $1.280000000e+02, v52;
	v34 =	vsub.f32 v52, v34;
	v60 =	vand.u32 $0xFFFFFF80, v21;
	v61 =	vpop (erf);
	[tilespmem:v59+s12+$0x0] =	vst.idx.add.s32.msk $0xffff, v3  }
0x4c2: {  	v21 =	vand.u32 $0x7F, v21;
	v55 =	vmul.f32 v61, v62;
	v62 =	vadd.s32 s7, v60;
	v58 =	vld [tilespmem:s6+$0x11]  }
0x4c3: {  	[tilespmem:s1+$0x30] =	vst v39;
	v60 =	vsub.f32 $1.280000000e+02, v5;
	v56 =	vor.u32 v21, v62;
	v62 =	vtrunc.f32 v43  }
0x4c4: {  	[tilespmem:s0+$0x30] =	vst v0;
	v63 =	vsel vm1, $0x42FE0000, v49;
	v61 =	vld [tilespmem:s9+$0x10];
	v21 =	vadd.f32 $9.999999740e-06, v50;
	v40 =	vcvt.f32.s32 v62  }
0x4c5: {  	[tilespmem:v47+s12+$0x0] =	vst.idx.add.s32.msk $0xffff, v3;
	(erf) = vrcp.f32 v63;
	v43 =	vsub.f32 v5, v49;
	v5 =	vtrunc.f32 v60  }
0x4c6: {  	v0 =	vmul.f32 v55, v51;
	v5 =	vcvt.f32.s32 v5;
	(xrf2) =	vadd.scan.msk.f32 $0xffff, v21;
	v63 =	vsub.s32 $0x80, v40  }
0x4c7: {  	v49 =	vld [tilespmem:s9+$0xFFFFFF80];
	v40 =	vadd.f32 $9.999999740e-06, v54;
	v58 =	vsub.f32 v58, v48;
	vm1 =	vlt.s32 v63, $0x7F  }
0x4c8: {  	[tilespmem:s3+$0xFFFFFF80] =	vst v55;
	v59 =	vpop (erf);
	v0 =	vsub.f32 v57, v0;
	v47 =	vsub.s32 $0x80, v5;
	v5 =	vnsel vm1, $0x7F, v63  }
0x4c9: {  	v60 =	vld [tilespmem:s9+$0xFFFFFFA0];
	v33 =	vadd.f32 $9.999999740e-06, v61;
	(xrf2) =	vadd.scan.msk.f32 $0xffff, v40;
	v61 =	vmul.f32 v58, v59;
	v62 =	vand.u32 $0xFFFFFF80, v5  }
0x4ca: {  	v55 =	vmul.f32 v37, v23;
	v57 =	vld [tilespmem:s9+$0xFFFFFF90];
	[tilespmem:s4+$0xFFFFFF80] =	vst v0;
	v0 =	vand.u32 $0x7F, v5;
	v5 =	vadd.s32 s10, v62  }
0x4cb: {  	[tilespmem:s1+$0xFFFFFFA0] =	vst v53;
	v52 =	vmul.f32 v37, v41;
	v54 =	vld [tilespmem:s9+$0x30];
	v23 =	vmul.f32 v61, v34;
	v53 =	vor.u32 v0, v5  }
0x4cc: {  	v39 =	vadd.f32 $9.999999740e-06, v49;
	vm1 =	vlt.f32 v55, $1.270000010e-03;
	v49 =	vld [tilespmem:s9+$0xFFFFFFB0];
	(xrf2) =	vadd.scan.msk.f32 $0xffff, v33;
	v0 =	vadd.f32 v46, v42  }
0x4cd: {  	v35 =	vand.u32 $0xFFFFFF80, v26;
	[tilespmem:v56+s12+$0x0] =	vst.idx.add.s32.msk $0xffff, v3;
	v63 =	vsel vm1, $0x42FE0000, v55;
	v5 =	vsub.f32 v48, v23  }
0x4ce: {  	vm1 =	vlt.f32 v52, $1.270000010e-03;
	(erf) = vrcp.f32 v63;
	[tilespmem:s3+$0x10] =	vst v61;
	v48 =	vld [tilespmem:s6+$0xFFFFFF91];
	v46 =	vmul.f32 v37, v0  }
0x4cf: {  	s11 =	simm.s32 $0x6;
	s8 =	simm.s32 $0x4;
	s5 =	simm.s32 $0x10180;
	(xrf2) =	vadd.scan.msk.f32 $0xffff, v39;
	v34 =	vadd.f32 $9.999999740e-06, v57;
	v51 =	vpop (erf);
	v23 =	vadd.f32 $9.999999740e-06, v60;
	[tilespmem:s4+$0x10] =	vst v5  }
.LBB2_9:
0x4d0: {  	p0 =	slt.u32 s11, $0x7E;
	v42, _, _ =	vpop (xrf2);
	[tilespmem:v53+s12+$0x0] =	vst.idx.add.s32.msk $0xffff, v3;
	v0 =	vsub.f32 $1.280000000e+02, v46;
	v5 =	vsel vm1, $0x42FE0000, v52;
	v44 =	vperm.xlane v25, v4  }
0x4d1: {  	v41 =	vadd.f32 $9.999999740e-06, v54;
	v53 =	vld [tilespmem:s6+$0x21];
	v37 =	vmul.f32 v37, v45;
	(erf) = vrcp.f32 v5  }
0x4d2: {  	v5 =	vadd.f32 $9.999999740e-06, v49;
	v0 =	vtrunc.f32 v0;
	v44 =	vsub.f32 v44, v25  }
0x4d3: {  	v54 =	vsub.f32 v48, v29;
	v50, _, _ =	vpop (xrf2);
	(xrf2) =	vadd.scan.msk.f32 $0xffff, v41;
	v0 =	vcvt.f32.s32 v0;
	v45 =	vsub.f32 $1.280000000e+02, v37  }
0x4d4: {  	vm1 =	vlt.s32 v47, $0x7F;
	v56 =	vperm.xlane v42, v2;
	v44 =	vsel vm0, $0x0, v44  }
0x4d5: {  	v48 =	vperm.xlane v50, v2;
	v0 =	vsub.s32 $0x80, v0;
	v45 =	vtrunc.f32 v45  }
0x4d6: {  	(xrf2) =	vadd.scan.msk.f32 $0xffff, v34;
	v49, _, _ =	vpop (xrf2);
	v53 =	vsub.f32 v53, v36;
	vm2 =	vlt.s32 v0, $0x7F;
	v45 =	vcvt.f32.s32 v45  }
0x4d7: {  	v46 =	vsub.f32 v46, v55;
	v57 =	vperm.xlane v49, v2;
	v0 =	vnsel vm2, $0x7F, v0;
	v55 =	vpop (erf)  }
0x4d8: {  	v53 =	vmul.f32 v53, v55;
	v60 =	vand.u32 $0xFFFFFF80, v0;
	v45 =	vsub.s32 $0x80, v45  }
0x4d9: {  	v0 =	vand.u32 $0x7F, v0;
	v58, _, _ =	vpop (xrf2);
	(xrf2) =	vadd.scan.msk.f32 $0xffff, v23;
	v59 =	vadd.s32 s10, v60;
	vm2 =	vlt.s32 v45, $0x7F  }
0x4da: {  	v46 =	vmul.f32 v53, v46;
	v0 =	vor.u32 v0, v59;
	v45 =	vnsel vm2, $0x7F, v45;
	v55 =	vpop (erf)  }
0x4db: {  	v37 =	vsub.f32 v37, v52;
	v55 =	vmul.f32 v44, v55;
	v59 =	vand.u32 $0xFFFFFF80, v45  }
0x4dc: {  	v45 =	vand.u32 $0x7F, v45;
	(xrf2) =	vadd.scan.msk.f32 $0xffff, v5;
	v36 =	vsub.f32 v36, v46;
	v52 =	vadd.s32 s10, v59  }
0x4dd: {  	v46 =	vadd.f32 v57, v48;
	v44, _, _ =	vpop (xrf2);
	[tilespmem:s3+$0x20] =	vst v53;
	v37 =	vmul.f32 v55, v37;
	v53 =	vor.u32 v45, v52  }
0x4de: {  	v57 =	vperm.xlane v58, v2;
	v52 =	vadd.f32 $0.0e+00, v58;
	v58 =	vperm.xlane v44, v2;
	[tilespmem:s4+$0x20] =	vst v36  }
0x4df: {  	v45 =	vadd.f32 v56, v46;
	v36 =	vnsel vm1, $0x7F, v47;
	[tilespmem:v0+s12+$0x0] =	vst.idx.add.s32.msk $0xffff, v3;
	v0 =	vsub.f32 v25, v37  }
0x4e0: {  	v37 =	vmul.f32 v54, v51;
	v47 =	vand.u32 $0xFFFFFF80, v36;
	v54 =	vmul.f32 v27, v19;
	v25, _, _ =	vpop (xrf2);
	[tilespmem:s3+$0x30] =	vst v55  }
0x4e1: {  	v55 =	vperm.xlane v25, v2;
	v51 =	vadd.f32 v57, v25;
	v25 =	vadd.f32 v58, v45;
	[tilespmem:s4+$0x30] =	vst v0  }
0x4e2: {  	vm1 =	vlt.f32 v38, $1.270000010e-03;
	v19 =	vmovc v5;
	v0 =	vmul.f32 v37, v43;
	vm2 =	vlt.f32 v54, $1.270000010e-03;
	[tilespmem:v53+s12+$0x0] =	vst.idx.add.s32.msk $0xffff, v3  }
0x4e3: {  	v5 =	vadd.f32 v55, v57;
	v43, _, _ =	vpop (xrf2);
	(erf) = vrcp.f32 v25;
	[tilespmem:s3+$0xFFFFFF90] =	vst v37;
	v25 =	vadd.s32 s7, v47  }
0x4e4: {  	v0 =	vsub.f32 v29, v0;
	v29 =	vand.u32 $0x7F, v36;
	v37 =	vperm.xlane v43, v2  }
0x4e5: {  	v36 =	vsel vm2, $0x42FE0000, v54;
	v25 =	vor.u32 v29, v25;
	v29 =	vsel vm1, $0x42FE0000, v38  }
0x4e6: {  	v37 =	vadd.f32 v37, v5;
	v5 =	vadd.f32 v5, v43;
	v43, _, _ =	vpop (xrf2);
	[tilespmem:s4+$0xFFFFFF90] =	vst v0;
	(erf) = vrcp.f32 v29  }
0x4e7: {  	v31 =	vsel vm0, $0x0, v31;
	v0 =	vperm.xlane v43, v2;
	(erf) = vrcp.f32 v36  }
0x4e8: {  	v29 =	vmul.f32 v27, v20;
	v27 =	vmul.f32 v27, v22;
	v22 =	vadd.f32 v37, v43;
	v20 =	vmovc v5  }
0x4e9: {  	v36 =	vsub.f32 v16, v30;
	v30 =	vadd.s32 s2, v32;
	v16 =	vmovc v18;
	v0 =	vadd.f32 v0, v37  }
0x4ea: {  	v32 =	vadd.s32 s2, v35;
	s2 =	smov.u32 s7;
	v18 =	vsub.f32 $1.280000000e+02, v29;
	[tilespmem:v25+s12+$0x0] =	vst.idx.add.s32.msk $0xffff, v3;
	v25 =	vsub.f32 $1.280000000e+02, v27  }
0x4eb: {  	v35 =	vsub.f32 v29, v38;
	v38 =	vsub.f32 v27, v54;
	(erf) = vrcp.f32 v0;
	v0 =	vld [tilespmem:s6+$0xFFFFFFA1];
	[tilespmem:s0+$0xFFFFFFA0] =	vst v36  }
0x4ec: {  	v43 =	vsub.f32 v14, v28;
	v18 =	vtrunc.f32 v18;
	s6 =	sadd.s32 $0x100, s6;
	v5 =	vpop (erf);
	v27 =	vtrunc.f32 v25  }
0x4ed: {  	v14 =	vmovc v15;
	v25 =	vld [tilespmem:s6+$0x30];
	v37 =	vmul.f32 $1.270000000e+02, v5;
	v5 =	vcvt.f32.s32 v18;
	v18 =	vand.u32 $0x7F, v24  }
0x4ee: {  	v27 =	vcvt.f32.s32 v27;
	v15 =	vld [tilespmem:s6+$0xFFFFFFB0];
	v53 =	vor.u32 v18, v30;
	v18 =	vand.u32 $0x7F, v26  }
0x4ef: {  	v47 =	vld [tilespmem:s6+$0xFFFFFF80];
	v40 =	vmul.f32 v37, v40;
	v5 =	vsub.s32 $0x80, v5;
	v26 =	vpop (erf);
	v54 =	vor.u32 v18, v32  }
0x4f0: {  	v32 =	vsub.s32 $0x80, v27;
	v29 =	vld [tilespmem:s6+$0xFFFFFF90];
	v0 =	vsub.f32 v0, v16;
	vm1 =	vlt.s32 v5, $0x7F;
	v24 =	vpop (erf)  }
0x4f1: {  	v30 =	vadd.f32 $0.0e+00, v50;
	v18 =	vld [tilespmem:s6+$0xFFFFFFA0];
	vm2 =	vlt.f32 v40, $1.270000010e-03;
	v55 =	vmul.f32 v31, v24  }
0x4f2: {  	v28 =	vperm.xlane v25, v2;
	v24 =	vsel vm2, $0x42FE0000, v40;
	v0 =	vmul.f32 v0, v26  }
0x4f3: {  	v57 =	vmul.f32 v37, v30;
	vm2 =	vlt.s32 v32, $0x7F;
	v56 =	vld [tilespmem:s6+$0x0];
	(erf) = vrcp.f32 v24  }
0x4f4: {  	s4 =	sadd.s32 $0x100, s4;
	v26 =	vperm.xlane v15, v2;
	v31 =	vperm.xlane v15, v4;
	v24 =	vnsel vm1, $0x7F, v5;
	v50 =	vld [tilespmem:s6+$0x10];
	v27 =	vpop (erf);
	[tilespmem:s3+$0xFFFFFFA0] =	vst v0  }
0x4f5: {  	v5 =	vsub.f32 $1.280000000e+02, v57;
	v30 =	vmul.f32 v0, v35;
	v27 =	vmul.f32 $1.270000000e+02, v27;
	v36 =	vld [tilespmem:s6+$0x20];
	[tilespmem:s4+$0x40] =	vst v28  }
0x4f6: {  	v31 =	vsub.f32 v31, v15;
	v28 =	vmul.f32 v55, v38;
	[tilespmem:s4+$0xFFFFFFC0] =	vst v26;
	v0 =	vld [tilespmem:s6+$0x1];
	v26 =	vnsel vm2, $0x7F, v32  }
0x4f7: {  	v5 =	vtrunc.f32 v5;
	v32 =	vand.u32 $0xFFFFFF80, v24;
	v38 =	vmul.f32 v27, v39;
	v39 =	vld [tilespmem:s6+$0xFFFFFF81]  }
0x4f8: {  	v5 =	vcvt.f32.s32 v5;
	v52 =	vmul.f32 v27, v52;
	v35 =	vand.u32 $0xFFFFFF80, v26;
	[tilespmem:v53+s12+$0x0] =	vst.idx.add.s32.msk $0xffff, v3  }
0x4f9: {  	v34 =	vmul.f32 v27, v34;
	v51 =	vmul.f32 v27, v51;
	vm1 =	vlt.f32 v38, $1.270000010e-03;
	[tilespmem:s1+$0xFFFFFFB0] =	vst v17;
	v17 =	vmovc v55;
	s1 =	smov.u32 s3  }
0x4fa: {  	v5 =	vsub.s32 $0x80, v5;
	v55 =	vsub.f32 $1.280000000e+02, v52;
	v58 =	vsel vm1, $0x42FE0000, v38;
	[tilespmem:s0+$0xFFFFFFB0] =	vst v43;
	s0 =	smov.u32 s5;
	s5 =	smov.u32 s4  }
0x4fb: {  	vm1 =	vlt.s32 v5, $0x7F;
	v0 =	vsub.f32 v0, v56;
	(erf) = vrcp.f32 v58;
	[tilespmem:v54+s12+$0x0] =	vst.idx.add.s32.msk $0xffff, v3  }
0x4fc: {  	s7 =	sshll.u32 s8, $0x7;
	s8 =	smov.u32 s11;
	v43 =	vtrunc.f32 v55;
	v5 =	vnsel vm1, $0x7F, v5;
	v39 =	vsub.f32 v39, v47;
	v53 =	vpop (erf)  }
0x4fd: {  	s10 =	sadd.s32 $0x80, s7;
	v40 =	vsub.f32 v57, v40;
	v0 =	vmul.f32 v53, v0;
	v53 =	vand.u32 $0xFFFFFF80, v5  }
0x4fe: {  	v54 =	vmul.f32 v37, v33;
	v5 =	vand.u32 $0x7F, v5;
	v53 =	vadd.s32 s10, v53  }
0x4ff: {  	v33 =	vcvt.f32.s32 v43;
	v40 =	vmul.f32 v0, v40;
	v5 =	vor.u32 v5, v53  }
0x500: {  	v38 =	vsub.f32 v52, v38;
	v43 =	vadd.f32 v48, v49;
	vm1 =	vlt.f32 v54, $1.270000010e-03  }
0x501: {  	s9 =	sadd.s32 $0x100, s9;
	s3 =	sadd.s32 $0x100, s3;
	v33 =	vsub.s32 $0x80, v33;
	v48 =	vsel vm1, $0x42FE0000, v54;
	v40 =	vsub.f32 v56, v40  }
0x502: {  	vm1 =	vlt.s32 v33, $0x7F;
	v49 =	vld [tilespmem:s9+$0x20];
	[tilespmem:s3+$0x0] =	vst v0;
	v0 =	vmul.f32 v37, v43;
	(erf) = vrcp.f32 v48  }
0x503: {  	v52 =	vsub.f32 $1.280000000e+02, v51;
	v33 =	vnsel vm1, $0x7F, v33;
	vm1 =	vlt.f32 v34, $1.270000010e-03;
	v48 =	vld [tilespmem:s9+$0x0];
	[tilespmem:s4+$0x0] =	vst v40  }
0x504: {  	v40 =	vand.u32 $0xFFFFFF80, v33;
	v33 =	vand.u32 $0x7F, v33;
	[tilespmem:v5+s12+$0x0] =	vst.idx.add.s32.msk $0xffff, v3;
	v5 =	vsub.f32 $1.280000000e+02, v0;
	v43 =	vpop (erf)  }
0x505: {  	v40 =	vadd.s32 s7, v40;
	v39 =	vmul.f32 v43, v39;
	v43 =	vsel vm1, $0x42FE0000, v34;
	v53 =	vld [tilespmem:s6+$0x11]  }
0x506: {  	v56 =	vor.u32 v33, v40;
	v55 =	vld [tilespmem:s9+$0x10];
	v5 =	vtrunc.f32 v5;
	(erf) = vrcp.f32 v43  }
0x507: {  	v57 =	vld [tilespmem:s9+$0xFFFFFF90];
	v58 =	vadd.f32 $9.999999740e-06, v49;
	[tilespmem:s3+$0xFFFFFF80] =	vst v39;
	v33 =	vmul.f32 v39, v38;
	v5 =	vcvt.f32.s32 v5  }
0x508: {  	v43 =	vsub.f32 v51, v34;
	v34 =	vtrunc.f32 v52;
	v38 =	vmul.f32 v27, v23;
	v39 =	vld [tilespmem:s9+$0xFFFFFF80]  }
0x509: {  	v51 =	vcvt.f32.s32 v34;
	v23 =	vld [tilespmem:s9+$0xFFFFFFA0];
	(xrf2) =	vadd.scan.msk.f32 $0xffff, v58;
	v47 =	vsub.f32 v47, v33;
	v5 =	vsub.s32 $0x80, v5  }
0x50a: {  	v40 =	vadd.f32 $9.999999740e-06, v48;
	v49 =	vld [tilespmem:s9+$0xFFFFFFB0];
	v48 =	vsub.f32 v53, v50;
	vm1 =	vlt.s32 v5, $0x7F  }
0x50b: {  	v33 =	vadd.f32 $9.999999740e-06, v55;
	[tilespmem:s4+$0xFFFFFF80] =	vst v47;
	v47 =	vsub.s32 $0x80, v51;
	v5 =	vnsel vm1, $0x7F, v5;
	v34 =	vpop (erf)  }
0x50c: {  	v0 =	vsub.f32 v0, v54;
	(xrf2) =	vadd.scan.msk.f32 $0xffff, v40;
	v59 =	vmul.f32 v48, v34;
	v34 =	vand.u32 $0xFFFFFF80, v5  }
0x50d: {  	v55 =	vmul.f32 v37, v21;
	v21 =	vmovc v58;
	v5 =	vand.u32 $0x7F, v5;
	[tilespmem:v56+s12+$0x0] =	vst.idx.add.s32.msk $0xffff, v3;
	v34 =	vadd.s32 s10, v34  }
.Ltmp3:
0x50e: {  	v39 =	vadd.f32 $9.999999740e-06, v39;
	v48 =	vld [tilespmem:s6+$0xFFFFFF91];
	v0 =	vmul.f32 v59, v0;
	v53 =	vor.u32 v5, v34;
	(pc) =	sbr.rel @p0 .LBB2_9-.Ltmp3, $4  }
0x50f: {  	vm1 =	vlt.f32 v55, $1.270000010e-03;
	v34 =	vadd.f32 $9.999999740e-06, v57;
	v5 =	vadd.f32 v46, v42;
	v54 =	vld [tilespmem:s9+$0x30];
	(xrf2) =	vadd.scan.msk.f32 $0xffff, v33;
	v51 =	vpop (erf)  }
0x510: {  	v52 =	vmul.f32 v37, v41;
	v42 =	vsel vm1, $0x42FE0000, v55;
	v0 =	vsub.f32 v50, v0  }
0x511: {  	v23 =	vadd.f32 $9.999999740e-06, v23;
	v46 =	vmul.f32 v37, v5;
	[tilespmem:s3+$0x10] =	vst v59;
	(erf) = vrcp.f32 v42  }
0x512: {  	v45 =	vadd.f32 v45, v44;
	s11 =	sadd.s32 $0x2, s11;
	vm1 =	vlt.f32 v52, $1.270000010e-03;
	(xrf2) =	vadd.scan.msk.f32 $0xffff, v39;
	[tilespmem:s4+$0x10] =	vst v0  }
0x513: {  	_ = 	snop  }
0x514: {  	v42 =	vadd.f32 $9.999999740e-06, v54;
	_ =	sdelay $0x1  }
0x515: {  	(xrf2) =	vadd.scan.msk.f32 $0xffff, v42;
	_ =	sdelay $0x2  }
0x516: {  	v44, _, _ =	vpop (xrf2);
	(xrf2) =	vadd.scan.msk.f32 $0xffff, v34;
	_ =	sdelay $0x1  }
0x517: {  	v0 =	vsel vm1, $0x42FE0000, v52;
	v50 =	vsub.f32 $1.280000000e+02, v46;
	v5, _, _ =	vpop (xrf2)  }
0x518: {  	[tilespmem:v53+s12+$0x0] =	vst.idx.add.s32.msk $0xffff, v3;
	v56 =	vperm.xlane v25, v4;
	v41 =	vadd.f32 $9.999999740e-06, v49;
	(erf) = vrcp.f32 v0;
	v53, _, _ =	vpop (xrf2)  }
0x519: {  	v59 =	vsub.f32 v48, v29;
	v0 =	vld [tilespmem:s6+$0x21];
	v54 =	vperm.xlane v5, v2;
	(xrf2) =	vadd.scan.msk.f32 $0xffff, v23;
	v60 =	vperm.xlane v53, v2  }
0x51a: {  	v62 =	vlaneseq.u32;
	v57 =	vmul.f32 v37, v45;
	v61 =	vtrunc.f32 v50  }
0x51b: {  	v45 =	vsub.f32 v56, v25;
	v56 =	vperm.xlane v44, v2;
	(xrf2) =	vadd.scan.msk.f32 $0xffff, v41;
	v58, _, _ =	vpop (xrf2);
	v50 =	vadd.f32 v60, v54  }
0x51c: {  	vm0 =	veq.s32 v62, $0xF;
	v37 =	vcvt.f32.s32 v61;
	v60 =	vsub.f32 $1.280000000e+02, v57;
	v48, _, _ =	vpop (xrf2)  }
0x51d: {  	v61 =	vsel vm0, $0x0, v45;
	v49 =	vadd.f32 v56, v50;
	v45 =	vperm.xlane v48, v2  }
0x51e: {  	v46 =	vsub.f32 v46, v55;
	v37 =	vsub.s32 $0x80, v37;
	v0 =	vsub.f32 v0, v36  }
0x51f: {  	vm6 =	vlt.s32 v37, $0x7F;
	v63 =	vtrunc.f32 v60;
	v55, _, _ =	vpop (xrf2);
	v62 =	vadd.f32 v45, v49  }
0x520: {  	v37 =	vnsel vm6, $0x7F, v37;
	v56 =	vcvt.f32.s32 v63;
	v60 =	vpop (erf);
	v63 =	vperm.xlane v55, v2  }
0x521: {  	v45 =	vmul.f32 v0, v60;
	v0 =	vand.u32 $0xFFFFFF80, v37;
	(erf) = vrcp.f32 v62  }
0x522: {  	v37 =	vand.u32 $0x7F, v37;
	v60 =	vpop (erf);
	v0 =	vadd.s32 s10, v0;
	v62 =	vperm.xlane v58, v2  }
0x523: {  	v46 =	vmul.f32 v45, v46;
	v0 =	vor.u32 v37, v0;
	v37 =	vmul.f32 v61, v60;
	v60, _, _ =	vpop (xrf2)  }
0x524: {  	v57 =	vsub.f32 v57, v52;
	v52 =	vperm.xlane v60, v2;
	v61 =	vadd.f32 v63, v62  }
0x525: {  	vm7 =	vlt.f32 v38, $1.270000010e-03;
	[tilespmem:$0x1FFC0] =	vst v0;
	v0 =	vsub.f32 v36, v46;
	v46 =	vmul.f32 v27, v19;
	v63, _, _ =	vpop (xrf2)  }
0x526: {  	v56 =	vsub.s32 $0x80, v56;
	v36 =	vadd.f32 v52, v61;
	v52 =	vperm.xlane v63, v2  }
0x527: {  	vm2 =	vlt.s32 v56, $0x7F;
	v19 =	vsel vm7, $0x42FE0000, v38;
	vm8 =	vlt.f32 v46, $1.270000010e-03  }
0x528: {  	(erf) = vrcp.f32 v19;
	v19 =	vsel vm8, $0x42FE0000, v46;
	v52 =	vadd.f32 v52, v36  }
0x529: {  	vm9 =	vlt.s32 v47, $0x7F;
	v56 =	vnsel vm2, $0x7F, v56;
	(erf) = vrcp.f32 v19  }
0x52a: {  	v59 =	vmul.f32 v59, v51;
	v19 =	vand.u32 $0xFFFFFF80, v56;
	(erf) = vrcp.f32 v52;
	v51 =	vpop (erf)  }
0x52b: {  	v56 =	vand.u32 $0x7F, v56;
	v19 =	vadd.s32 s10, v19;
	v52 =	vmul.f32 $1.270000000e+02, v51  }
0x52c: {  	v51 =	vor.u32 v56, v19;
	v56 =	vadd.f32 $0.0e+00, v58;
	v58 =	vmul.f32 v59, v43  }
0x52d: {  	s26 =	sadd.s32 $0x100, s6;
	v47 =	vnsel vm9, $0x7F, v47;
	v57 =	vmul.f32 v37, v57;
	[tilespmem:$0x1FFB0] =	vst v0  }
0x52e: {  	v5 =	vadd.f32 $0.0e+00, v5;
	v19 =	vld [tilespmem:s26+$0x30];
	v58 =	vsub.f32 v29, v58;
	v29 =	vand.u32 $0x7F, v47  }
0x52f: {  	v57 =	vsub.f32 v25, v57;
	v25 =	vand.u32 $0xFFFFFF80, v47;
	v43 =	vmul.f32 v52, v40  }
0x530: {  	v55 =	vadd.f32 v62, v55;
	v60 =	vadd.f32 v61, v60;
	v25 =	vadd.s32 s7, v25  }
0x531: {  	v61 =	vadd.f32 v36, v63;
	v25 =	vor.u32 v29, v25;
	vm10 =	vlt.f32 v43, $1.270000010e-03;
	v29 =	vpop (erf)  }
0x532: {  	v62 =	vld [tilespmem:s26+$0x0];
	v63 =	vmul.f32 v27, v20;
	v5 =	vmul.f32 v52, v5;
	v40 =	vsel vm10, $0x42FE0000, v43;
	v36 =	vpop (erf)  }
0x533: {  	v30 =	vsub.f32 v16, v30;
	v16 =	vld [tilespmem:s26+$0xFFFFFFB0];
	v0 =	vperm.xlane v19, v2;
	(erf) = vrcp.f32 v40;
	v20 =	vpop (erf)  }
0x534: {  	s9 =	sadd.s32 $0x100, s4;
	v27 =	vmul.f32 v27, v22;
	v47 =	vld [tilespmem:s26+$0x10];
	v22 =	vmul.f32 $1.270000000e+02, v20  }
0x535: {  	v40 =	vld [tilespmem:s26+$0x20];
	[tilespmem:s9+$0x40] =	vst v0;
	v0 =	vsub.f32 v14, v28;
	v14 =	vsub.f32 $1.280000000e+02, v5  }
0x536: {  	v28 =	vadd.s32 s2, v32;
	v32 =	vadd.s32 s2, v35;
	v20 =	vld [tilespmem:s26+$0x1];
	v35 =	vmul.f32 v22, v39  }
0x537: {  	v24 =	vand.u32 $0x7F, v24;
	[tilespmem:s3+$0xFFFFFF90] =	vst v59;
	v14 =	vtrunc.f32 v14  }
0x538: {  	[tilespmem:s4+$0xFFFFFF90] =	vst v58;
	v5 =	vsub.f32 v5, v43;
	v14 =	vcvt.f32.s32 v14;
	vm11 =	vlt.f32 v35, $1.270000010e-03  }
0x539: {  	v28 =	vor.u32 v24, v28;
	v24 =	vand.u32 $0x7F, v26;
	[tilespmem:v25+s12+$0x0] =	vst.idx.add.s32.msk $0xffff, v3;
	v25 =	vsel vm11, $0x42FE0000, v35  }
0x53a: {  	v24 =	vor.u32 v24, v32;
	v56 =	vmul.f32 v22, v56;
	v14 =	vsub.s32 $0x80, v14  }
0x53b: {  	v26 =	vld [tilespmem:s26+$0xFFFFFF90];
	v32 =	vperm.xlane v16, v2;
	v20 =	vsub.f32 v20, v62;
	vm12 =	vlt.s32 v14, $0x7F  }
0x53c: {  	s11 =	sshll.u32 s8, $0x7;
	v39 =	vld [tilespmem:s26+$0xFFFFFF80];
	v43 =	vsub.f32 $1.280000000e+02, v56;
	(erf) = vrcp.f32 v25;
	v58 =	vnsel vm12, $0x7F, v14;
	v25 =	vpop (erf)  }
0x53d: {  	s8 =	sadd.s32 $0x80, s11;
	v31 =	vsel vm0, $0x0, v31;
	v14 =	vld [tilespmem:s26+$0xFFFFFFA0];
	v25 =	vmul.f32 v25, v20;
	v20 =	vand.u32 $0xFFFFFF80, v58  }
0x53e: {  	[tilespmem:s9+$0xFFFFFFC0] =	vst v32;
	v32 =	vld [tilespmem:s6+$0xFFFFFFA1];
	v43 =	vtrunc.f32 v43;
	v58 =	vand.u32 $0x7F, v58;
	v59 =	vadd.s32 s8, v20  }
0x53f: {  	v20 =	vmul.f32 v31, v36;
	v5 =	vmul.f32 v25, v5;
	v31 =	vor.u32 v58, v59;
	v59 =	vld [tilespmem:s26+$0xFFFFFF81]  }
0x540: {  	v33 =	vmul.f32 v52, v33;
	v43 =	vcvt.f32.s32 v43  }
0x541: {  	s14 =	sadd.s32 $0x100, s3;
	v46 =	vsub.f32 v27, v46;
	v5 =	vsub.f32 v62, v5  }
0x542: {  	vm13 =	vlt.f32 v33, $1.270000010e-03;
	v36 =	vadd.f32 v54, v53;
	[tilespmem:s14+$0x0] =	vst v25;
	v58 =	vsub.s32 $0x80, v43  }
0x543: {  	v62 =	vsel vm13, $0x42FE0000, v33;
	[tilespmem:s9+$0x0] =	vst v5;
	v5 =	vsub.f32 $1.280000000e+02, v27;
	v27 =	vsub.f32 v32, v18  }
0x544: {  	vm14 =	vlt.s32 v58, $0x7F;
	(erf) = vrcp.f32 v62;
	[tilespmem:v31+s12+$0x0] =	vst.idx.add.s32.msk $0xffff, v3;
	v31 =	vsub.f32 v59, v39  }
0x545: {  	v36 =	vmul.f32 v52, v36;
	v32 =	vnsel vm14, $0x7F, v58;
	v59 =	vpop (erf);
	v27 =	vmul.f32 v27, v29  }
0x546: {  	v29 =	vsub.f32 v56, v35;
	v35 =	vmul.f32 v59, v31;
	v31 =	vand.u32 $0xFFFFFF80, v32  }
0x547: {  	v25 =	vsub.f32 $1.280000000e+02, v63;
	v62 =	vld [tilespmem:s26+$0x11];
	v32 =	vand.u32 $0x7F, v32;
	v31 =	vadd.s32 s11, v31  }
0x548: {  	v53 =	vor.u32 v32, v31;
	v31 =	vsub.f32 $1.280000000e+02, v36  }
0x549: {  	v21 =	vmul.f32 v52, v21;
	v25 =	vtrunc.f32 v25  }
0x54a: {  	v25 =	vcvt.f32.s32 v25;
	v31 =	vtrunc.f32 v31  }
0x54b: {  	v38 =	vsub.f32 v63, v38;
	vm7 =	vlt.f32 v21, $1.270000010e-03;
	v54 =	vcvt.f32.s32 v31  }
0x54c: {  	v25 =	vsub.s32 $0x80, v25;
	v29 =	vmul.f32 v35, v29;
	v63 =	vsub.f32 v62, v47  }
0x54d: {  	v34 =	vmul.f32 v22, v34;
	vm15 =	vlt.s32 v25, $0x7F;
	v31 =	vpop (erf);
	v59 =	vsub.s32 $0x80, v54  }
0x54e: {  	v29 =	vsub.f32 v39, v29;
	v56 =	vmul.f32 v63, v31;
	vm5 =	vlt.s32 v59, $0x7F  }
0x54f: {  	v31 =	vnsel vm15, $0x7F, v25;
	v25 =	vmul.f32 v27, v38;
	v38 =	vnsel vm5, $0x7F, v59  }
0x550: {  	v23 =	vmul.f32 v22, v23;
	v33 =	vsub.f32 v36, v33;
	[tilespmem:s14+$0xFFFFFF80] =	vst v35;
	v62 =	vand.u32 $0xFFFFFF80, v38  }
0x551: {  	vm6 =	vlt.f32 v34, $1.270000010e-03;
	[tilespmem:s9+$0xFFFFFF80] =	vst v29;
	v38 =	vand.u32 $0x7F, v38;
	v36 =	vadd.s32 s8, v62  }
0x552: {  	v5 =	vtrunc.f32 v5;
	[tilespmem:v53+s12+$0x0] =	vst.idx.add.s32.msk $0xffff, v3;
	v33 =	vmul.f32 v56, v33;
	v36 =	vor.u32 v38, v36  }
0x553: {  	v58 =	vperm.xlane v16, v4;
	v5 =	vcvt.f32.s32 v5;
	v63 =	vsel vm6, $0x42FE0000, v34;
	[tilespmem:s14+$0x10] =	vst v56;
	v56 =	vld [tilespmem:s26+$0xFFFFFF91]  }
0x554: {  	vm12 =	vlt.f32 v23, $1.270000010e-03;
	(erf) = vrcp.f32 v63;
	v33 =	vsub.f32 v47, v33  }
0x555: {  	[tilespmem:s3+$0x20] =	vst v45;
	v43 =	vsub.f32 v58, v16;
	v5 =	vsub.s32 $0x80, v5;
	v32 =	vmul.f32 v20, v46  }
0x556: {  	v46 =	vmul.f32 v22, v55;
	v55 =	vsel vm7, $0x42FE0000, v21;
	vm4 =	vlt.s32 v5, $0x7F;
	[tilespmem:s9+$0x10] =	vst v33  }
0x557: {  	v5 =	vnsel vm4, $0x7F, v5;
	v15 =	vsub.f32 v15, v32;
	v29 =	vadd.f32 v50, v44;
	[tilespmem:v36+s12+$0x0] =	vst.idx.add.s32.msk $0xffff, v3  }
0x558: {  	v54 =	vsub.f32 $1.280000000e+02, v46;
	v53 =	vperm.xlane v19, v4;
	v39 =	vsub.f32 v56, v26;
	v56 =	vld [tilespmem:$0x1FFB0]  }
0x559: {  	v29 =	vmul.f32 v52, v29;
	v34 =	vsub.f32 v46, v34;
	v44 =	vand.u32 $0xFFFFFF80, v31  }
0x55a: {  	v59 =	vadd.f32 v49, v48;
	v48 =	vsub.f32 v53, v19;
	v38 =	vtrunc.f32 v54  }
0x55b: {  	v53 =	vsel vm12, $0x42FE0000, v23;
	v58 =	vcvt.f32.s32 v38;
	v38 =	vmul.f32 v52, v42  }
0x55c: {  	(erf) = vrcp.f32 v55;
	v21 =	vsub.f32 v29, v21;
	v42 =	vmul.f32 v52, v59  }
0x55d: {  	v62 =	vsub.f32 $1.280000000e+02, v29;
	v48 =	vsel vm0, $0x0, v48;
	vm8 =	vlt.f32 v38, $1.270000010e-03;
	v55 =	vpop (erf);
	[tilespmem:s4+$0x20] =	vst v56  }
0x55e: {  	v54 =	vsub.f32 $1.280000000e+02, v42;
	v52 =	vsel vm8, $0x42FE0000, v38;
	v39 =	vmul.f32 v39, v55;
	v59 =	vld [tilespmem:$0x1FFC0]  }
0x55f: {  	v33 =	vsub.s32 $0x80, v58;
	v36 =	vtrunc.f32 v62;
	(erf) = vrcp.f32 v52  }
0x560: {  	vm9 =	vlt.s32 v33, $0x7F;
	v47 =	vtrunc.f32 v54;
	v63 =	vld [tilespmem:s26+$0x21];
	v34 =	vmul.f32 v39, v34;
	[tilespmem:s0+$0xFFFFFFA0] =	vst v30  }
0x561: {  	v33 =	vnsel vm9, $0x7F, v33;
	v52 =	vsub.f32 v42, v38;
	v54 =	vmul.f32 v22, v41;
	[tilespmem:s3+$0xFFFFFFA0] =	vst v27  }
0x562: {  	v36 =	vcvt.f32.s32 v36;
	v47 =	vcvt.f32.s32 v47;
	v26 =	vsub.f32 v26, v34;
	[tilespmem:s14+$0xFFFFFF90] =	vst v39  }
0x563: {  	v50 =	vand.u32 $0xFFFFFF80, v33;
	v33 =	vand.u32 $0x7F, v33;
	(erf) = vrcp.f32 v53;
	[tilespmem:v28+s12+$0x0] =	vst.idx.add.s32.msk $0xffff, v3  }
0x564: {  	vm13 =	vlt.f32 v54, $1.270000010e-03;
	v36 =	vsub.s32 $0x80, v36;
	v49 =	vsub.s32 $0x80, v47;
	[tilespmem:s9+$0xFFFFFF90] =	vst v26  }
0x565: {  	vm10 =	vlt.s32 v36, $0x7F;
	v46 =	vsub.f32 v63, v40;
	v30 =	vadd.s32 s11, v50;
	[tilespmem:s1+$0xFFFFFFB0] =	vst v17  }
0x566: {  	v58 =	vpop (erf);
	vm11 =	vlt.s32 v49, $0x7F;
	v29 =	vnsel vm10, $0x7F, v36;
	v30 =	vor.u32 v33, v30;
	[tilespmem:v59+s12+$0x0] =	vst.idx.add.s32.msk $0xffff, v3  }
0x567: {  	v63 =	vand.u32 $0xFFFFFF80, v29;
	v29 =	vand.u32 $0x7F, v29;
	v62 =	vmul.f32 v46, v58;
	[tilespmem:s3+$0x30] =	vst v37  }
0x568: {  	v27 =	vnsel vm11, $0x7F, v49;
	v26 =	vmul.f32 v22, v60;
	v22 =	vmul.f32 v22, v61;
	[tilespmem:s4+$0x30] =	vst v57  }
0x569: {  	v17 =	vand.u32 $0xFFFFFF80, v27;
	v27 =	vand.u32 $0x7F, v27;
	v21 =	vmul.f32 v62, v21;
	[tilespmem:v51+s12+$0x0] =	vst.idx.add.s32.msk $0xffff, v3;
	v51 =	vpop (erf)  }
0x56a: {  	v17 =	vadd.s32 s8, v17;
	[tilespmem:s0+$0xFFFFFFB0] =	vst v0;
	v37 =	vadd.s32 s8, v63;
	v28 =	vmul.f32 v48, v51  }
0x56b: {  	v0 =	vsel vm13, $0x42FE0000, v54;
	v23 =	vsub.f32 v26, v23;
	[tilespmem:v30+s12+$0x0] =	vst.idx.add.s32.msk $0xffff, v3;
	v29 =	vor.u32 v29, v37  }
0x56c: {  	v17 =	vor.u32 v27, v17;
	v27 =	vsub.f32 $1.280000000e+02, v26;
	v30 =	vld [tilespmem:s26+$0xFFFFFFA1];
	v33 =	vmul.f32 v28, v52  }
0x56d: {  	[tilespmem:s14+$0x20] =	vst v62;
	(erf) = vrcp.f32 v0;
	v0 =	vsub.f32 v18, v25;
	v21 =	vsub.f32 v40, v21  }
0x56e: {  	[tilespmem:v24+s12+$0x0] =	vst.idx.add.s32.msk $0xffff, v3;
	v18 =	vsub.f32 $1.280000000e+02, v22;
	v25 =	vtrunc.f32 v27;
	v19 =	vsub.f32 v19, v33  }
0x56f: {  	v26 =	vand.u32 $0x7F, v31;
	[tilespmem:s9+$0x20] =	vst v21;
	v21 =	vadd.s32 s7, v44;
	v25 =	vcvt.f32.s32 v25  }
0x570: {  	v35 =	vand.u32 $0xFFFFFF80, v5;
	v5 =	vand.u32 $0x7F, v5;
	v21 =	vor.u32 v26, v21;
	[tilespmem:v29+s12+$0x0] =	vst.idx.add.s32.msk $0xffff, v3  }
0x571: {  	v18 =	vtrunc.f32 v18;
	v25 =	vsub.s32 $0x80, v25;
	v26 =	vsub.f32 v30, v14;
	[tilespmem:s14+$0x30] =	vst v28  }
0x572: {  	v24 =	vsel vm0, $0x0, v43;
	v18 =	vcvt.f32.s32 v18;
	vm14 =	vlt.s32 v25, $0x7F;
	[tilespmem:s9+$0x30] =	vst v19;
	v19 =	vpop (erf)  }
0x573: {  	v27 =	vadd.s32 s7, v35;
	[tilespmem:v17+s12+$0x0] =	vst.idx.add.s32.msk $0xffff, v3;
	v17 =	vmul.f32 v26, v19;
	v19 =	vnsel vm14, $0x7F, v25  }
0x574: {  	[tilespmem:s5+$0xFFFFFFA0] =	vst v0;
	v0 =	vor.u32 v5, v27;
	v5 =	vsub.s32 $0x80, v18;
	v18 =	vand.u32 $0xFFFFFF80, v19  }
0x575: {  	vm15 =	vlt.s32 v5, $0x7F;
	[tilespmem:v21+s12+$0x0] =	vst.idx.add.s32.msk $0xffff, v3;
	v19 =	vand.u32 $0x7F, v19;
	v18 =	vadd.s32 s11, v18  }
0x576: {  	v5 =	vnsel vm15, $0x7F, v5;
	v25 =	vpop (erf);
	[tilespmem:s14+$0xFFFFFFA0] =	vst v17;
	v17 =	vmul.f32 v17, v23;
	v18 =	vor.u32 v19, v18  }
0x577: {  	[tilespmem:s3+$0xFFFFFFB0] =	vst v20;
	v21 =	vmul.f32 v24, v25;
	v19 =	vsub.f32 v22, v54;
	v22 =	vand.u32 $0xFFFFFF80, v5  }
0x578: {  	[tilespmem:s5+$0xFFFFFFB0] =	vst v15;
	v5 =	vand.u32 $0x7F, v5;
	v14 =	vsub.f32 v14, v17;
	v15 =	vadd.s32 s11, v22  }
0x579: {  	[tilespmem:v0+s12+$0x0] =	vst.idx.add.s32.msk $0xffff, v3;
	v17 =	vmul.f32 v21, v19;
	v0 =	vor.u32 v5, v15  }
0x57a: {  	[tilespmem:s9+$0xFFFFFFA0] =	vst v14  }
0x57b: {  	v5 =	vsub.f32 v16, v17;
	[tilespmem:v18+s12+$0x0] =	vst.idx.add.s32.msk $0xffff, v3  }
0x57c: {  	[tilespmem:s14+$0xFFFFFFB0] =	vst v21  }
0x57d: {  	s3 =	rddreg [dreg:$0xc];
	[tilespmem:s9+$0xFFFFFFB0] =	vst v5  }
0x57e: {  	p0 =	seq.s32 s3, $0xF;
	s0 =	rddreg [dreg:$0x9];
	[tilespmem:v0+s12+$0x0] =	vst.idx.add.s32.msk $0xffff, v3  }
0x57f: {  	s0 =	sadd.s32 @!p0 s13, s0;
	s1 =	rddreg [dreg:$0x3]  }
0x580: {  	s2 =	simm.s32 @!p0 $0x0;
	s1 =	sadd.s32 @!p0 s1, s0  }
0x581: {  	[tilespmem:s2], [sflag:$0x1] =	stream.linear.gather @!p0 [hbm4b:s1+s2], $0x4000, $0x38;
	[tilespmem:$0x1C000] =	vst v63  }
0x582: {  	s1 =	rddreg [dreg:$0x4]  }
0x583: {  	p1 =	seq.s32 @!p0 s3, $0x0;
	s0 =	sadd.s32 @!p0 s1, s0;
	s1 =	simm.s32 @!p0 $0x4000  }
0x584: {  	[tilespmem:s1], [sflag:$0x2] =	stream.linear.gather @!p0 [hbm4b:s0+s2], $0x4000, $0x38;
	[tilespmem:$0x1C000] =	vst v63  }
0x585: {  	p0 =	por p0, !p1  }
0x586: {  	s0 =	simm.s32 @p0 $0x4  }
0x587: {  	_ =	swait.ge @p0 [sflag:s0], $0x4000  }
0x588: {  	[sflag:s0] =	ssyncset.done @p0 $0x0  }
0x589: {  	s15 =	simm.s32 $0x18080;
	[sflag:s0] =	ssyncadd.s32 @p0 $0xFFFFC000  }
0x58a: {  	v0 =	vld [tilespmem:s15+$0x0];
	_ =	sdelay $0x4  }
0x58b: {  	(xrf0) =	vadd.scan.msk.s32 $0xffff, v0;
	_ =	sdelay $0x2  }
0x58c: {  	v0 =	vld [tilespmem:s15+$0xFFFFFF80];
	_ =	sdelay $0x2  }
0x58d: {  	v5, _, _ =	vpop (xrf0)  }
0x58e: {  	s19 =	simm.s32 $0x80;
	v14 =	vand.u32 $0xFFFFFF80, v5  }
0x58f: {  	(xrf0) =	vadd.scan.msk.s32 $0xffff, v0;
	v0 =	vand.u32 $0x7F, v5;
	v14 =	vadd.s32 s19, v14  }
0x590: {  	v0 =	vor.u32 v0, v14;
	_ =	sdelay $0x3  }
0x591: {  	[tilespmem:s15+$0x0] =	vst v1  }
0x592: {  	v14, _, _ =	vpop (xrf0);
	v15 =	vld.idx.msk [tilespmem:v0+s17+$0x0], $0xffff  }
0x593: {  	s23 =	simm.s32 $0x0;
	v16 =	vand.u32 $0xFFFFFF80, v14  }
0x594: {  	v17 =	vand.u32 $0x7F, v14;
	v16 =	vadd.s32 s23, v16;
	v0 =	vld.idx.msk [tilespmem:v0+s16+$0x0], $0xffff  }
0x595: {  	v16 =	vor.u32 v17, v16;
	_ =	sdelay $0x1  }
0x596: {  	v15 =	vmul.f32 v6, v15;
	_ =	sdelay $0x1  }
0x597: {  	[tilespmem:s15+$0xFFFFFF80] =	vst v1;
	v0 =	vadd.f32 v15, v0  }
0x598: {  	s25 =	simm.s32 $0xC080;
	v15 =	vld.idx.msk [tilespmem:v16+s17+$0x0], $0xffff  }
0x599: {  	v16 =	vld.idx.msk [tilespmem:v16+s16+$0x0], $0xffff;
	[tilespmem:s25+$0x0] =	vst v0  }
0x59a: {  	v0 =	vld [tilespmem:s15+$0x10];
	_ =	sdelay $0x2  }
0x59b: {  	v15 =	vmul.f32 v6, v15;
	_ =	sdelay $0x1  }
0x59c: {  	v15 =	vadd.f32 v15, v16;
	(xrf0) =	vadd.scan.msk.s32 $0xffff, v0;
	_ =	sdelay $0x1  }
0x59d: {  	[tilespmem:s25+$0xFFFFFF80] =	vst v15  }
0x59e: {  	v0 =	vld [tilespmem:s15+$0xFFFFFF90];
	_ =	sdelay $0x1  }
0x59f: {  	v5 =	vperm.xlane v5, v2  }
0x5a0: {  	v15, _, _ =	vpop (xrf0)  }
0x5a1: {  	v16 =	vadd.s32 v5, v15  }
0x5a2: {  	(xrf0) =	vadd.scan.msk.s32 $0xffff, v0;
	v0 =	vand.u32 $0xFFFFFF80, v16  }
0x5a3: {  	v16 =	vand.u32 $0x7F, v16;
	v0 =	vadd.s32 s19, v0  }
0x5a4: {  	v0 =	vor.u32 v16, v0;
	_ =	sdelay $0x1  }
0x5a5: {  	s28 =	simm.s32 $0x18180  }
0x5a6: {  	v14 =	vperm.xlane v14, v2;
	v16 =	vld [tilespmem:s28+$0x0]  }
0x5a7: {  	[tilespmem:s15+$0x10] =	vst v1;
	v17, _, _ =	vpop (xrf0)  }
0x5a8: {  	v18 =	vadd.s32 v14, v17;
	v19 =	vld.idx.msk [tilespmem:v0+s17+$0x0], $0xffff  }
0x5a9: {  	v20 =	vand.u32 $0xFFFFFF80, v18  }
0x5aa: {  	v18 =	vand.u32 $0x7F, v18;
	v0 =	vld.idx.msk [tilespmem:v0+s16+$0x0], $0xffff;
	v20 =	vadd.s32 s23, v20  }
0x5ab: {  	(xrf0) =	vadd.scan.msk.s32 $0xffff, v16;
	v18 =	vor.u32 v18, v20  }
0x5ac: {  	v16 =	vld [tilespmem:s28+$0xFFFFFF80]  }
0x5ad: {  	v19 =	vmul.f32 v7, v19;
	_ =	sdelay $0x1  }
0x5ae: {  	[tilespmem:s15+$0xFFFFFF90] =	vst v1;
	v0 =	vadd.f32 v19, v0  }
0x5af: {  	[tilespmem:s28+$0xFFFFFF80] =	vst v1;
	v19 =	vld.idx.msk [tilespmem:v18+s17+$0x0], $0xffff  }
0x5b0: {  	(xrf0) =	vadd.scan.msk.s32 $0xffff, v16;
	v16 =	vld.idx.msk [tilespmem:v18+s16+$0x0], $0xffff;
	v18, _, _ =	vpop (xrf0);
	[tilespmem:s25+$0x10] =	vst v0  }
0x5b1: {  	v0 =	vld [tilespmem:s15+$0x20]  }
0x5b2: {  	s24 =	simm.s32 $0x180;
	v20 =	vand.u32 $0xFFFFFF80, v18  }
0x5b3: {  	v21 =	vand.u32 $0x7F, v18;
	v20 =	vadd.s32 s24, v20  }
0x5b4: {  	v20 =	vor.u32 v21, v20;
	_ =	sdelay $0x1  }
0x5b5: {  	(xrf0) =	vadd.scan.msk.s32 $0xffff, v0;
	_ =	sdelay $0x1  }
0x5b6: {  	v15 =	vperm.xlane v15, v2;
	[tilespmem:s28+$0x0] =	vst v1  }
0x5b7: {  	v0 =	vld.idx.msk [tilespmem:v20+s17+$0x0], $0xffff  }
0x5b8: {  	v21, _, _ =	vpop (xrf0)  }
0x5b9: {  	s30 =	simm.s32 $0x100;
	v5 =	vadd.s32 v5, v15;
	v22 =	vand.u32 $0xFFFFFF80, v21;
	v20 =	vld.idx.msk [tilespmem:v20+s16+$0x0], $0xffff  }
0x5ba: {  	v19 =	vmul.f32 v7, v19;
	v23 =	vand.u32 $0x7F, v21;
	v22 =	vadd.s32 s30, v22;
	v15, _, _ =	vpop (xrf0)  }
0x5bb: {  	v22 =	vor.u32 v23, v22;
	v23 =	vadd.s32 v5, v15  }
0x5bc: {  	v16 =	vadd.f32 v19, v16;
	v0 =	vmul.f32 v6, v0;
	v19 =	vand.u32 $0xFFFFFF80, v23  }
0x5bd: {  	v23 =	vand.u32 $0x7F, v23;
	v19 =	vadd.s32 s19, v19  }
0x5be: {  	[tilespmem:s25+$0xFFFFFF90] =	vst v16;
	v0 =	vadd.f32 v0, v20;
	v16 =	vor.u32 v23, v19  }
0x5bf: {  	s26 =	simm.s32 $0xC180;
	v19 =	vld [tilespmem:s15+$0xFFFFFFA0]  }
0x5c0: {  	v20 =	vld.idx.msk [tilespmem:v22+s17+$0x0], $0xffff;
	[tilespmem:s26+$0x0] =	vst v0  }
0x5c1: {  	v0 =	vld [tilespmem:s28+$0x10]  }
0x5c2: {  	[tilespmem:s15+$0x20] =	vst v1;
	v22 =	vld.idx.msk [tilespmem:v22+s16+$0x0], $0xffff  }
0x5c3: {  	v23 =	vld.idx.msk [tilespmem:v16+s17+$0x0], $0xffff  }
0x5c4: {  	(xrf0) =	vadd.scan.msk.s32 $0xffff, v19  }
0x5c5: {  	v16 =	vld.idx.msk [tilespmem:v16+s16+$0x0], $0xffff  }
0x5c6: {  	v19 =	vmul.f32 v6, v20;
	(xrf0) =	vadd.scan.msk.s32 $0xffff, v0;
	_ =	sdelay $0x1  }
0x5c7: {  	v0 =	vperm.xlane v17, v2;
	v17 =	vadd.f32 v19, v22;
	v19 =	vmul.f32 v8, v23;
	_ =	sdelay $0x1  }
0x5c8: {  	v0 =	vadd.s32 v14, v0;
	[tilespmem:s26+$0xFFFFFF80] =	vst v17;
	v14, _, _ =	vpop (xrf0);
	v16 =	vadd.f32 v19, v16  }
0x5c9: {  	v18 =	vperm.xlane v18, v2;
	v17 =	vadd.s32 v0, v14;
	v19 =	vld [tilespmem:s28+$0xFFFFFF90]  }
0x5ca: {  	v22, _, _ =	vpop (xrf0);
	v20 =	vand.u32 $0xFFFFFF80, v17;
	[tilespmem:s25+$0x20] =	vst v16  }
0x5cb: {  	v16 =	vand.u32 $0x7F, v17;
	v17 =	vadd.s32 s23, v20;
	v20 =	vadd.s32 v18, v22;
	v23 =	vld [tilespmem:s15+$0x30]  }
0x5cc: {  	v16 =	vor.u32 v16, v17;
	v17 =	vand.u32 $0xFFFFFF80, v20  }
0x5cd: {  	v20 =	vand.u32 $0x7F, v20;
	v17 =	vadd.s32 s24, v17  }
0x5ce: {  	(xrf0) =	vadd.scan.msk.s32 $0xffff, v19;
	v17 =	vor.u32 v20, v17;
	_ =	sdelay $0x1  }
0x5cf: {  	[tilespmem:s15+$0xFFFFFFA0] =	vst v1;
	(xrf0) =	vadd.scan.msk.s32 $0xffff, v23  }
0x5d0: {  	s29 =	simm.s32 $0x18280;
	v19 =	vld.idx.msk [tilespmem:v16+s17+$0x0], $0xffff  }
0x5d1: {  	v15 =	vperm.xlane v15, v2;
	[tilespmem:s28+$0x10] =	vst v1;
	v20 =	vld [tilespmem:s29+$0x0]  }
0x5d2: {  	v21 =	vperm.xlane v21, v2;
	v23 =	vld.idx.msk [tilespmem:v17+s17+$0x0], $0xffff  }
0x5d3: {  	v16 =	vld.idx.msk [tilespmem:v16+s16+$0x0], $0xffff;
	v24, _, _ =	vpop (xrf0)  }
0x5d4: {  	v17 =	vld.idx.msk [tilespmem:v17+s16+$0x0], $0xffff;
	v25 =	vadd.s32 v21, v24  }
0x5d5: {  	v5 =	vadd.s32 v5, v15;
	v19 =	vmul.f32 v8, v19;
	v26 =	vand.u32 $0xFFFFFF80, v25;
	v15, _, _ =	vpop (xrf0)  }
0x5d6: {  	(xrf0) =	vadd.scan.msk.s32 $0xffff, v20;
	v25 =	vand.u32 $0x7F, v25;
	v26 =	vadd.s32 s30, v26;
	v20 =	vadd.s32 v5, v15  }
0x5d7: {  	v25 =	vor.u32 v25, v26;
	v23 =	vmul.f32 v7, v23;
	v26 =	vand.u32 $0xFFFFFF80, v20  }
0x5d8: {  	v16 =	vadd.f32 v19, v16;
	v19 =	vand.u32 $0x7F, v20;
	v20 =	vadd.s32 s19, v26  }
0x5d9: {  	v26 =	vld [tilespmem:s29+$0xFFFFFF80];
	v17 =	vadd.f32 v23, v17;
	v19 =	vor.u32 v19, v20  }
0x5da: {  	[tilespmem:s25+$0xFFFFFFA0] =	vst v16  }
0x5db: {  	v16 =	vld [tilespmem:s15+$0xFFFFFFB0];
	[tilespmem:s26+$0x10] =	vst v17  }
0x5dc: {  	[tilespmem:s28+$0xFFFFFF90] =	vst v1;
	v20 =	vld [tilespmem:s28+$0x20]  }
0x5dd: {  	[tilespmem:s15+$0x30] =	vst v1;
	v23 =	vld.idx.msk [tilespmem:v25+s17+$0x0], $0xffff;
	v17, _, _ =	vpop (xrf0)  }
0x5de: {  	s21 =	simm.s32 $0x280;
	v27 =	vand.u32 $0xFFFFFF80, v17;
	(xrf0) =	vadd.scan.msk.s32 $0xffff, v26;
	v28 =	vld.idx.msk [tilespmem:v19+s17+$0x0], $0xffff  }
0x5df: {  	v25 =	vld.idx.msk [tilespmem:v25+s16+$0x0], $0xffff;
	v26 =	vand.u32 $0x7F, v17;
	v27 =	vadd.s32 s21, v27  }
0x5e0: {  	(xrf0) =	vadd.scan.msk.s32 $0xffff, v16;
	v16 =	vld.idx.msk [tilespmem:v19+s16+$0x0], $0xffff;
	v26 =	vor.u32 v26, v27  }
0x5e1: {  	(xrf0) =	vadd.scan.msk.s32 $0xffff, v20  }
0x5e2: {  	v19 =	vmul.f32 v7, v23  }
0x5e3: {  	v22 =	vperm.xlane v22, v2;
	v20 =	vmul.f32 v9, v28  }
0x5e4: {  	[tilespmem:s29+$0x0] =	vst v1;
	v19 =	vadd.f32 v19, v25;
	v23, _, _ =	vpop (xrf0)  }
0x5e5: {  	s3 =	simm.s32 $0x200;
	v25 =	vld.idx.msk [tilespmem:v26+s17+$0x0], $0xffff;
	v27 =	vand.u32 $0xFFFFFF80, v23;
	v16 =	vadd.f32 v20, v16  }
0x5e6: {  	v28, _, _ =	vpop (xrf0);
	[tilespmem:s26+$0xFFFFFF90] =	vst v19;
	v19 =	vld.idx.msk [tilespmem:v26+s16+$0x0], $0xffff;
	v20 =	vand.u32 $0x7F, v23;
	v27 =	vadd.s32 s3, v27  }
0x5e7: {  	v18 =	vadd.s32 v18, v22;
	v26 =	vld [tilespmem:s28+$0xFFFFFFA0];
	v20 =	vor.u32 v20, v27;
	v22, _, _ =	vpop (xrf0);
	[tilespmem:s25+$0x30] =	vst v16  }
0x5e8: {  	v16 =	vadd.s32 v18, v22;
	v27 =	vld [tilespmem:s15+$0x40]  }
0x5e9: {  	v14 =	vperm.xlane v14, v2;
	v29 =	vand.u32 $0xFFFFFF80, v16  }
0x5ea: {  	v16 =	vand.u32 $0x7F, v16;
	v25 =	vmul.f32 v6, v25;
	v29 =	vadd.s32 s24, v29  }
0x5eb: {  	[tilespmem:s29+$0xFFFFFF80] =	vst v1;
	v29 =	vor.u32 v16, v29  }
0x5ec: {  	v0 =	vadd.s32 v0, v14;
	(xrf0) =	vadd.scan.msk.s32 $0xffff, v26;
	v16 =	vadd.f32 v25, v19;
	v14 =	vld.idx.msk [tilespmem:v20+s17+$0x0], $0xffff  }
0x5ed: {  	s0 =	simm.s32 $0xC280;
	v19 =	vadd.s32 v0, v28;
	(xrf0) =	vadd.scan.msk.s32 $0xffff, v27  }
0x5ee: {  	v20 =	vld.idx.msk [tilespmem:v20+s16+$0x0], $0xffff;
	[tilespmem:s0+$0x0] =	vst v16;
	v16 =	vand.u32 $0xFFFFFF80, v19  }
0x5ef: {  	[tilespmem:s28+$0x20] =	vst v1;
	v19 =	vand.u32 $0x7F, v19;
	v25 =	vld [tilespmem:s29+$0x10];
	v16 =	vadd.s32 s23, v16  }
0x5f0: {  	v24 =	vperm.xlane v24, v2;
	v19 =	vor.u32 v19, v16;
	v26 =	vld.idx.msk [tilespmem:v29+s17+$0x0], $0xffff  }
0x5f1: {  	v15 =	vperm.xlane v15, v2;
	v14 =	vmul.f32 v6, v14  }
0x5f2: {  	v16 =	vadd.s32 v21, v24;
	v24 =	vld.idx.msk [tilespmem:v29+s16+$0x0], $0xffff;
	v21, _, _ =	vpop (xrf0)  }
0x5f3: {  	v5 =	vadd.s32 v5, v15;
	[tilespmem:s15+$0xFFFFFFB0] =	vst v1;
	v14 =	vadd.f32 v14, v20;
	v20 =	vadd.s32 v16, v21;
	v27, _, _ =	vpop (xrf0)  }
0x5f4: {  	(xrf0) =	vadd.scan.msk.s32 $0xffff, v25;
	v15 =	vand.u32 $0xFFFFFF80, v20;
	v20 =	vand.u32 $0x7F, v20;
	v25 =	vadd.s32 v5, v27  }
0x5f5: {  	v29 =	vld.idx.msk [tilespmem:v19+s17+$0x0], $0xffff;
	v15 =	vadd.s32 s30, v15;
	v26 =	vmul.f32 v8, v26;
	v30 =	vand.u32 $0xFFFFFF80, v25  }
0x5f6: {  	[tilespmem:s0+$0xFFFFFF80] =	vst v14;
	v14 =	vor.u32 v20, v15;
	v15 =	vand.u32 $0x7F, v25;
	v20 =	vadd.s32 s19, v30  }
0x5f7: {  	v25 =	vld [tilespmem:s29+$0xFFFFFF90];
	v15 =	vor.u32 v15, v20;
	v20 =	vadd.f32 v26, v24  }
0x5f8: {  	v19 =	vld.idx.msk [tilespmem:v19+s16+$0x0], $0xffff  }
0x5f9: {  	[tilespmem:s26+$0x20] =	vst v20  }
0x5fa: {  	v17 =	vperm.xlane v17, v2;
	v20 =	vmul.f32 v9, v29;
	v29 =	vld [tilespmem:s28+$0x30]  }
0x5fb: {  	[tilespmem:s28+$0xFFFFFFA0] =	vst v1;
	v24, _, _ =	vpop (xrf0)  }
0x5fc: {  	[tilespmem:s15+$0x40] =	vst v1;
	v26 =	vadd.s32 v17, v24;
	v30 =	vld.idx.msk [tilespmem:v14+s17+$0x0], $0xffff;
	(xrf0) =	vadd.scan.msk.s32 $0xffff, v25  }
0x5fd: {  	v31 =	vand.u32 $0xFFFFFF80, v26;
	v19 =	vadd.f32 v20, v19;
	v25 =	vld.idx.msk [tilespmem:v15+s17+$0x0], $0xffff  }
0x5fe: {  	v14 =	vld.idx.msk [tilespmem:v14+s16+$0x0], $0xffff;
	v20 =	vand.u32 $0x7F, v26;
	v26 =	vadd.s32 s21, v31  }
0x5ff: {  	v15 =	vld.idx.msk [tilespmem:v15+s16+$0x0], $0xffff;
	v20 =	vor.u32 v20, v26;
	[tilespmem:s25+$0xFFFFFFB0] =	vst v19;
	(xrf0) =	vadd.scan.msk.s32 $0xffff, v29  }
0x600: {  	v23 =	vperm.xlane v23, v2;
	v19 =	vld [tilespmem:s15+$0xFFFFFFC0]  }
0x601: {  	s31 =	simm.s32 $0x18380;
	v22 =	vperm.xlane v22, v2;
	v26 =	vmul.f32 v8, v30  }
0x602: {  	v29 =	vld [tilespmem:s31+$0x0];
	v30, _, _ =	vpop (xrf0);
	v25 =	vmul.f32 v10, v25  }
0x603: {  	[tilespmem:s29+$0x10] =	vst v1;
	v14 =	vadd.f32 v26, v14;
	v26 =	vadd.s32 v23, v30  }
0x604: {  	v18 =	vadd.s32 v18, v22;
	v31 =	vld.idx.msk [tilespmem:v20+s17+$0x0], $0xffff;
	v15 =	vadd.f32 v25, v15;
	v25 =	vand.u32 $0xFFFFFF80, v26  }
0x605: {  	(xrf0) =	vadd.scan.msk.s32 $0xffff, v19;
	v19 =	vld.idx.msk [tilespmem:v20+s16+$0x0], $0xffff;
	[tilespmem:s26+$0xFFFFFFA0] =	vst v14;
	v14 =	vand.u32 $0x7F, v26;
	v20 =	vadd.s32 s3, v25;
	v22, _, _ =	vpop (xrf0)  }
0x606: {  	v55 =	vld [tilespmem:s31+$0xFFFFFF80];
	v20 =	vor.u32 v14, v20;
	v14 =	vadd.s32 v18, v22  }
0x607: {  	v25 =	vld [tilespmem:s28+$0xFFFFFFB0];
	(xrf0) =	vadd.scan.msk.s32 $0xffff, v29;
	[tilespmem:s25+$0x40] =	vst v15;
	v15 =	vand.u32 $0xFFFFFF80, v14  }
0x608: {  	v26 =	vld [tilespmem:s15+$0x50];
	v15 =	vadd.s32 s24, v15  }
0x609: {  	v28 =	vperm.xlane v28, v2;
	v29 =	vmul.f32 v7, v31  }
0x60a: {  	[tilespmem:s29+$0xFFFFFF90] =	vst v1;
	v14 =	vand.u32 $0x7F, v14  }
0x60b: {  	(xrf0) =	vadd.scan.msk.s32 $0xffff, v55;
	v31 =	vor.u32 v14, v15;
	v19 =	vadd.f32 v29, v19;
	v14 =	vadd.s32 v0, v28;
	v15, _, _ =	vpop (xrf0)  }
0x60c: {  	(xrf0) =	vadd.scan.msk.s32 $0xffff, v25;
	v25 =	vld.idx.msk [tilespmem:v20+s17+$0x0], $0xffff;
	v0 =	vadd.s32 v14, v15  }
0x60d: {  	v27 =	vperm.xlane v27, v2;
	v20 =	vld.idx.msk [tilespmem:v20+s16+$0x0], $0xffff;
	(xrf0) =	vadd.scan.msk.s32 $0xffff, v26;
	[tilespmem:s0+$0x10] =	vst v19;
	v26, _, _ =	vpop (xrf0);
	v19 =	vand.u32 $0xFFFFFF80, v0  }
0x60e: {  	s11 =	simm.s32 $0x380;
	v28 =	vld [tilespmem:s29+$0x20];
	v0 =	vand.u32 $0x7F, v0;
	v29 =	vand.u32 $0xFFFFFF80, v26;
	v19 =	vadd.s32 s23, v19  }
0x60f: {  	[tilespmem:s28+$0x30] =	vst v1;
	v29 =	vadd.s32 s11, v29;
	v0 =	vor.u32 v0, v19;
	v19 =	vand.u32 $0x7F, v26  }
0x610: {  	v56 =	vld.idx.msk [tilespmem:v31+s17+$0x0], $0xffff;
	v19 =	vor.u32 v19, v29  }
0x611: {  	v57, _, _ =	vpop (xrf0);
	v25 =	vmul.f32 v7, v25  }
0x612: {  	v21 =	vperm.xlane v21, v2;
	v29 =	vld.idx.msk [tilespmem:v31+s16+$0x0], $0xffff;
	v31, _, _ =	vpop (xrf0)  }
0x613: {  	s7 =	simm.s32 $0x300;
	v5 =	vadd.s32 v5, v27;
	v58 =	vand.u32 $0xFFFFFF80, v57;
	v27, _, _ =	vpop (xrf0);
	(xrf0) =	vadd.scan.msk.s32 $0xffff, v28;
	v20 =	vadd.f32 v25, v20  }
0x614: {  	v24 =	vperm.xlane v24, v2;
	[tilespmem:s31+$0x0] =	vst v1;
	v34 =	vadd.s32 s7, v58;
	v25 =	vadd.s32 v5, v27  }
0x615: {  	v28 =	vand.u32 $0x7F, v57;
	v60 =	vand.u32 $0xFFFFFF80, v25;
	v32 =	vmul.f32 v9, v56;
	[tilespmem:s0+$0xFFFFFF90] =	vst v20;
	v61 =	vld.idx.msk [tilespmem:v19+s17+$0x0], $0xffff  }
0x616: {  	[tilespmem:s15+$0xFFFFFFC0] =	vst v1;
	v28 =	vor.u32 v28, v34;
	v20 =	vand.u32 $0x7F, v25;
	v25 =	vadd.s32 s19, v60;
	v62 =	vld [tilespmem:s29+$0xFFFFFFA0]  }
0x617: {  	v20 =	vor.u32 v20, v25;
	v25 =	vadd.f32 v32, v29;
	v29 =	vadd.s32 v16, v21;
	v16 =	vld.idx.msk [tilespmem:v19+s16+$0x0], $0xffff  }
0x618: {  	v59 =	vld.idx.msk [tilespmem:v0+s17+$0x0], $0xffff;
	v19 =	vadd.s32 v29, v31  }
0x619: {  	v24 =	vadd.s32 v17, v24;
	v0 =	vld.idx.msk [tilespmem:v0+s16+$0x0], $0xffff;
	v63, _, _ =	vpop (xrf0);
	[tilespmem:s26+$0x30] =	vst v25;
	v17 =	vand.u32 $0xFFFFFF80, v19;
	v19 =	vand.u32 $0x7F, v19  }
0x61a: {  	[tilespmem:s31+$0xFFFFFF80] =	vst v1;
	v21 =	vadd.s32 v24, v63;
	v25 =	vld [tilespmem:s28+$0x40];
	v17 =	vadd.s32 s30, v17;
	v34 =	vmul.f32 v6, v61  }
0x61b: {  	[tilespmem:s15+$0x50] =	vst v1;
	v41 =	vld.idx.msk [tilespmem:v28+s17+$0x0], $0xffff;
	v42 =	vand.u32 $0xFFFFFF80, v21;
	v17 =	vor.u32 v19, v17  }
0x61c: {  	v28 =	vld.idx.msk [tilespmem:v28+s16+$0x0], $0xffff;
	(xrf0) =	vadd.scan.msk.s32 $0xffff, v62;
	v19 =	vand.u32 $0x7F, v21;
	v21 =	vadd.s32 s21, v42;
	v16 =	vadd.f32 v34, v16  }
0x61d: {  	s6 =	simm.s32 $0xC380;
	v43 =	vld.idx.msk [tilespmem:v20+s17+$0x0], $0xffff;
	v21 =	vor.u32 v19, v21  }
0x61e: {  	v20 =	vld.idx.msk [tilespmem:v20+s16+$0x0], $0xffff;
	[tilespmem:s6+$0x0] =	vst v16  }
0x61f: {  	v19 =	vmul.f32 v10, v59;
	(xrf0) =	vadd.scan.msk.s32 $0xffff, v25;
	v16 =	vperm.xlane v30, v2;
	v30 =	vld [tilespmem:s31+$0x10]  }
0x620: {  	[tilespmem:s28+$0xFFFFFFB0] =	vst v1;
	v25 =	vmul.f32 v6, v41  }
0x621: {  	[tilespmem:s29+$0x20] =	vst v1;
	v0 =	vadd.f32 v19, v0;
	v44 =	vld.idx.msk [tilespmem:v17+s17+$0x0], $0xffff  }
0x622: {  	v45, _, _ =	vpop (xrf0);
	v19 =	vadd.s32 v23, v16;
	v16 =	vmul.f32 v11, v43;
	v23 =	vadd.f32 v25, v28;
	v25 =	vld.idx.msk [tilespmem:v21+s17+$0x0], $0xffff  }
0x623: {  	v22 =	vperm.xlane v22, v2;
	[tilespmem:s25+$0xFFFFFFC0] =	vst v0;
	v0 =	vld.idx.msk [tilespmem:v17+s16+$0x0], $0xffff;
	v17 =	vadd.s32 v19, v45  }
0x624: {  	v28 =	vand.u32 $0xFFFFFF80, v17;
	v16 =	vadd.f32 v16, v20;
	v20 =	vld.idx.msk [tilespmem:v21+s16+$0x0], $0xffff;
	(xrf0) =	vadd.scan.msk.s32 $0xffff, v30  }
0x625: {  	[tilespmem:s6+$0xFFFFFF80] =	vst v23;
	v21 =	vld [tilespmem:s15+$0xFFFFFFD0];
	v17 =	vand.u32 $0x7F, v17;
	v23 =	vadd.s32 s3, v28;
	v28 =	vadd.s32 v18, v22;
	v46, _, _ =	vpop (xrf0)  }
0x626: {  	v18 =	vld [tilespmem:s31+$0xFFFFFF90];
	v17 =	vor.u32 v17, v23;
	[tilespmem:s25+$0x50] =	vst v16;
	v16 =	vadd.s32 v28, v46  }
0x627: {  	v23 =	vld [tilespmem:s15+$0x60];
	v22 =	vand.u32 $0xFFFFFF80, v16;
	v25 =	vmul.f32 v8, v25  }
0x628: {  	v16 =	vand.u32 $0x7F, v16;
	v22 =	vadd.s32 s24, v22  }
0x629: {  	v16 =	vor.u32 v16, v22;
	v20 =	vadd.f32 v25, v20;
	v22 =	vperm.xlane v26, v2  }
0x62a: {  	[tilespmem:s29+$0xFFFFFFA0] =	vst v1;
	(xrf0) =	vadd.scan.msk.s32 $0xffff, v21;
	v26, _, _ =	vpop (xrf0)  }
0x62b: {  	v25 =	vmul.f32 v9, v44;
	(xrf0) =	vadd.scan.msk.s32 $0xffff, v18;
	v18 =	vld.idx.msk [tilespmem:v17+s17+$0x0], $0xffff;
	[tilespmem:s0+$0x20] =	vst v20;
	v20 =	vadd.s32 v22, v26  }
0x62c: {  	v30 =	vld.idx.msk [tilespmem:v17+s16+$0x0], $0xffff;
	(xrf0) =	vadd.scan.msk.s32 $0xffff, v23;
	v17 =	vand.u32 $0xFFFFFF80, v20  }
0x62d: {  	v0 =	vadd.f32 v25, v0;
	v17 =	vadd.s32 s11, v17  }
0x62e: {  	v15 =	vperm.xlane v15, v2;
	[tilespmem:s28+$0x40] =	vst v1;
	v25 =	vld [tilespmem:s29+$0x30]  }
0x62f: {  	[tilespmem:s26+$0xFFFFFFB0] =	vst v0;
	v0 =	vand.u32 $0x7F, v20;
	v20 =	vld.idx.msk [tilespmem:v16+s17+$0x0], $0xffff  }
0x630: {  	v27 =	vperm.xlane v27, v2;
	v0 =	vor.u32 v0, v17;
	v17, _, _ =	vpop (xrf0)  }
0x631: {  	v14 =	vadd.s32 v14, v15;
	v47 =	vld [tilespmem:s28+$0xFFFFFFC0];
	v18 =	vmul.f32 v8, v18;
	v23, _, _ =	vpop (xrf0)  }
0x632: {  	v31 =	vperm.xlane v31, v2;
	v21 =	vperm.xlane v57, v2;
	v48 =	vld.idx.msk [tilespmem:v16+s16+$0x0], $0xffff;
	v16 =	vadd.s32 v5, v27;
	v15, _, _ =	vpop (xrf0)  }
0x633: {  	s20 =	simm.s32 $0x18480;
	v32 =	vperm.xlane v63, v2;
	v18 =	vadd.f32 v18, v30;
	(xrf0) =	vadd.scan.msk.s32 $0xffff, v25;
	v27 =	vadd.s32 v16, v15  }
0x634: {  	v49 =	vld [tilespmem:s20+$0x0];
	[tilespmem:s31+$0x10] =	vst v1;
	v20 =	vmul.f32 v10, v20;
	v25 =	vadd.s32 v21, v23;
	v50 =	vand.u32 $0xFFFFFF80, v27  }
0x635: {  	v5 =	vand.u32 $0xFFFFFF80, v25;
	v51 =	vld.idx.msk [tilespmem:v0+s17+$0x0], $0xffff;
	v27 =	vand.u32 $0x7F, v27;
	v30 =	vadd.s32 s19, v50  }
0x636: {  	v25 =	vand.u32 $0x7F, v25;
	v5 =	vadd.s32 s7, v5;
	v27 =	vor.u32 v27, v30  }
0x637: {  	[tilespmem:s15+$0x60] =	vst v1;
	(xrf0) =	vadd.scan.msk.s32 $0xffff, v47;
	v20 =	vadd.f32 v20, v48;
	v0 =	vld.idx.msk [tilespmem:v0+s16+$0x0], $0xffff;
	v5 =	vor.u32 v25, v5  }
0x638: {  	v52 =	vld [tilespmem:s20+$0xFFFFFF80];
	v24 =	vadd.s32 v24, v32;
	[tilespmem:s0+$0xFFFFFFA0] =	vst v18;
	v30 =	vadd.s32 v14, v17  }
0x639: {  	v18 =	vadd.s32 v29, v31;
	v53 =	vld [tilespmem:s29+$0xFFFFFFB0];
	[tilespmem:s26+$0x40] =	vst v20;
	v32, _, _ =	vpop (xrf0);
	v20 =	vand.u32 $0xFFFFFF80, v30;
	v30 =	vand.u32 $0x7F, v30  }
0x63a: {  	(xrf0) =	vadd.scan.msk.s32 $0xffff, v49;
	v29 =	vld [tilespmem:s28+$0x50];
	v25 =	vadd.s32 v24, v32;
	v20 =	vadd.s32 s23, v20;
	v54 =	vmul.f32 v7, v51  }
0x63b: {  	[tilespmem:s31+$0xFFFFFF90] =	vst v1;
	v31 =	vand.u32 $0xFFFFFF80, v25;
	v30 =	vor.u32 v30, v20;
	v20 =	vld.idx.msk [tilespmem:v27+s17+$0x0], $0xffff  }
0x63c: {  	v55 =	vand.u32 $0x7F, v25;
	v31 =	vadd.s32 s21, v31;
	v57 =	vld.idx.msk [tilespmem:v5+s17+$0x0], $0xffff;
	v0 =	vadd.f32 v54, v0  }
0x63d: {  	(xrf0) =	vadd.scan.msk.s32 $0xffff, v52;
	v25, _, _ =	vpop (xrf0);
	v56 =	vor.u32 v55, v31  }
0x63e: {  	(xrf0) =	vadd.scan.msk.s32 $0xffff, v53;
	v5 =	vld.idx.msk [tilespmem:v5+s16+$0x0], $0xffff;
	v31 =	vadd.s32 v18, v25;
	[tilespmem:s6+$0x10] =	vst v0;
	v0 =	vperm.xlane v45, v2  }
0x63f: {  	v27 =	vld.idx.msk [tilespmem:v27+s16+$0x0], $0xffff;
	(xrf0) =	vadd.scan.msk.s32 $0xffff, v29;
	v58 =	vand.u32 $0xFFFFFF80, v31;
	v29 =	vand.u32 $0x7F, v31  }
0x640: {  	v33, _, _ =	vpop (xrf0);
	v31 =	vadd.s32 s30, v58;
	v19 =	vadd.s32 v19, v0;
	v20 =	vmul.f32 v12, v20  }
0x641: {  	s22 =	simm.s32 $0x480;
	[tilespmem:s29+$0x30] =	vst v1;
	v60 =	vld [tilespmem:s31+$0x20];
	v59 =	vor.u32 v29, v31;
	v29 =	vand.u32 $0xFFFFFF80, v33;
	v0 =	vmul.f32 v7, v57  }
0x642: {  	v61 =	vand.u32 $0x7F, v33;
	v29 =	vadd.s32 s22, v29;
	v62 =	vld.idx.msk [tilespmem:v56+s17+$0x0], $0xffff  }
0x643: {  	[tilespmem:s15+$0xFFFFFFD0] =	vst v1;
	v31, _, _ =	vpop (xrf0);
	v39 =	vor.u32 v61, v29;
	v29 =	vperm.xlane v46, v2;
	v0 =	vadd.f32 v0, v5  }
0x644: {  	s18 =	simm.s32 $0x400;
	[tilespmem:s28+$0xFFFFFFC0] =	vst v1;
	v34 =	vld.idx.msk [tilespmem:v56+s16+$0x0], $0xffff;
	v27 =	vadd.f32 v20, v27;
	v46 =	vand.u32 $0xFFFFFF80, v31;
	v20, _, _ =	vpop (xrf0)  }
0x645: {  	v63 =	vld.idx.msk [tilespmem:v30+s17+$0x0], $0xffff;
	v47 =	vand.u32 $0x7F, v31;
	v29 =	vadd.s32 v28, v29;
	v28 =	vadd.s32 s18, v46;
	[tilespmem:s6+$0xFFFFFF90] =	vst v0;
	v42, _, _ =	vpop (xrf0)  }
0x646: {  	v5 =	vld.idx.msk [tilespmem:v59+s17+$0x0], $0xffff;
	[tilespmem:s25+$0x60] =	vst v27;
	v28 =	vor.u32 v47, v28;
	(xrf0) =	vadd.scan.msk.s32 $0xffff, v60;
	v27 =	vadd.s32 v29, v42  }
0x647: {  	v52 =	vld [tilespmem:s31+$0xFFFFFFA0];
	v40 =	vmul.f32 v9, v62;
	v51 =	vadd.s32 v19, v20;
	v49 =	vand.u32 $0xFFFFFF80, v27  }
0x648: {  	[tilespmem:s20+$0x0] =	vst v1;
	v48 =	vld [tilespmem:s15+$0x70];
	v53 =	vand.u32 $0xFFFFFF80, v51;
	v0 =	vand.u32 $0x7F, v27;
	v27 =	vadd.s32 s24, v49  }
0x649: {  	v50 =	vld.idx.msk [tilespmem:v39+s17+$0x0], $0xffff;
	v0 =	vor.u32 v0, v27;
	v27 =	vadd.f32 v40, v34;
	v34 =	vadd.s32 s3, v53  }
0x64a: {  	v26 =	vperm.xlane v26, v2;
	v35 =	vld.idx.msk [tilespmem:v59+s16+$0x0], $0xffff  }
0x64b: {  	v39 =	vld.idx.msk [tilespmem:v39+s16+$0x0], $0xffff;
	v37 =	vand.u32 $0x7F, v51  }
0x64c: {  	v26 =	vadd.s32 v22, v26;
	v30 =	vld.idx.msk [tilespmem:v30+s16+$0x0], $0xffff;
	[tilespmem:s0+$0x30] =	vst v27;
	v27 =	vor.u32 v37, v34;
	v34, _, _ =	vpop (xrf0)  }
0x64d: {  	[tilespmem:s20+$0xFFFFFF80] =	vst v1;
	v5 =	vmul.f32 v10, v5;
	v22 =	vld [tilespmem:s29+$0x40];
	v55 =	vadd.s32 v26, v34  }
0x64e: {  	[tilespmem:s28+$0x50] =	vst v1;
	v54 =	vld.idx.msk [tilespmem:v28+s17+$0x0], $0xffff;
	(xrf0) =	vadd.scan.msk.s32 $0xffff, v48;
	v38 =	vmul.f32 v6, v50;
	v56 =	vand.u32 $0xFFFFFF80, v55  }
0x64f: {  	v58 =	vld.idx.msk [tilespmem:v28+s16+$0x0], $0xffff;
	(xrf0) =	vadd.scan.msk.s32 $0xffff, v52;
	v5 =	vadd.f32 v5, v35;
	v28 =	vand.u32 $0x7F, v55;
	v59 =	vadd.s32 s11, v56  }
0x650: {  	v38 =	vadd.f32 v38, v39;
	v57 =	vld.idx.msk [tilespmem:v0+s17+$0x0], $0xffff;
	v37 =	vor.u32 v28, v59;
	v28 =	vmul.f32 v11, v63  }
0x651: {  	s1 =	simm.s32 $0xC480;
	[tilespmem:s29+$0xFFFFFFB0] =	vst v1;
	v0 =	vld.idx.msk [tilespmem:v0+s16+$0x0], $0xffff  }
0x652: {  	[tilespmem:s1+$0x0] =	vst v38;
	v60 =	vld.idx.msk [tilespmem:v27+s17+$0x0], $0xffff;
	(xrf0) =	vadd.scan.msk.s32 $0xffff, v22;
	v30 =	vadd.f32 v28, v30  }
0x653: {  	[tilespmem:s26+$0xFFFFFFC0] =	vst v5;
	v61 =	vld [tilespmem:s20+$0x10];
	v22 =	vperm.xlane v23, v2;
	v23 =	vmul.f32 v6, v54  }
0x654: {  	v5, _, _ =	vpop (xrf0);
	v62 =	vld.idx.msk [tilespmem:v27+s16+$0x0], $0xffff;
	[tilespmem:s25+$0xFFFFFFD0] =	vst v30;
	v30 =	vperm.xlane v32, v2  }
0x655: {  	[tilespmem:s31+$0x20] =	vst v1;
	v39, _, _ =	vpop (xrf0);
	v28 =	vadd.s32 v21, v22;
	v21 =	vld [tilespmem:s28+$0xFFFFFFD0];
	v22 =	vmul.f32 v11, v57;
	v23 =	vadd.f32 v23, v58  }
0x656: {  	v27 =	vadd.s32 v28, v39;
	v63 =	vld.idx.msk [tilespmem:v37+s17+$0x0], $0xffff  }
0x657: {  	v43 =	vand.u32 $0xFFFFFF80, v27;
	v0 =	vadd.f32 v22, v0;
	v22 =	vld [tilespmem:s15+$0xFFFFFFE0];
	[tilespmem:s1+$0xFFFFFF80] =	vst v23  }
0x658: {  	v23 =	vand.u32 $0x7F, v27;
	v44 =	vld.idx.msk [tilespmem:v37+s16+$0x0], $0xffff;
	(xrf0) =	vadd.scan.msk.s32 $0xffff, v61;
	v27 =	vadd.s32 s7, v43;
	v24 =	vadd.s32 v24, v30;
	v30, _, _ =	vpop (xrf0)  }
0x659: {  	v23 =	vor.u32 v23, v27;
	[tilespmem:s26+$0x50] =	vst v0;
	v0 =	vadd.s32 v24, v30  }
0x65a: {  	v17 =	vperm.xlane v17, v2;
	v45 =	vld [tilespmem:s20+$0xFFFFFF90];
	v27 =	vand.u32 $0xFFFFFF80, v0  }
0x65b: {  	v46 =	vld [tilespmem:s28+$0x60];
	v40 =	vmul.f32 v8, v63;
	v0 =	vand.u32 $0x7F, v0;
	v27 =	vadd.s32 s21, v27  }
0x65c: {  	v25 =	vperm.xlane v25, v2;
	[tilespmem:s31+$0xFFFFFFA0] =	vst v1;
	(xrf0) =	vadd.scan.msk.s32 $0xffff, v21;
	v0 =	vor.u32 v0, v27  }
0x65d: {  	v47 =	vperm.xlane v15, v2;
	v21 =	vperm.xlane v33, v2;
	(xrf0) =	vadd.scan.msk.s32 $0xffff, v22;
	v22 =	vadd.f32 v40, v44  }
0x65e: {  	v15 =	vadd.s32 v18, v25;
	[tilespmem:s29+$0x40] =	vst v1;
	v35 =	vmul.f32 v9, v60;
	v48 =	vld.idx.msk [tilespmem:v23+s17+$0x0], $0xffff;
	v27, _, _ =	vpop (xrf0)  }
0x65f: {  	v16 =	vadd.s32 v16, v47;
	(xrf0) =	vadd.scan.msk.s32 $0xffff, v45;
	v23 =	vld.idx.msk [tilespmem:v23+s16+$0x0], $0xffff;
	[tilespmem:s6+$0x20] =	vst v22;
	v22 =	vadd.s32 v21, v27  }
0x660: {  	v5 =	vadd.s32 v5, v16;
	v35 =	vadd.f32 v35, v62;
	(xrf0) =	vadd.scan.msk.s32 $0xffff, v46;
	v49 =	vld [tilespmem:s31+$0x30];
	v18 =	vand.u32 $0xFFFFFF80, v22  }
0x661: {  	v25 =	vand.u32 $0xFFFFFF80, v5;
	v16 =	vand.u32 $0x7F, v22;
	v50 =	vld.idx.msk [tilespmem:v0+s17+$0x0], $0xffff;
	v22 =	vadd.s32 s22, v18  }
0x662: {  	[tilespmem:s0+$0xFFFFFFB0] =	vst v35;
	v52 =	vor.u32 v16, v22;
	v22 =	vadd.s32 s19, v25;
	v25 =	vperm.xlane v42, v2  }
0x663: {  	v17 =	vadd.s32 v14, v17;
	v51 =	vld [tilespmem:s29+$0xFFFFFFC0];
	v33 =	vmul.f32 v8, v48;
	v18, _, _ =	vpop (xrf0)  }
0x664: {  	v31 =	vperm.xlane v31, v2;
	v5 =	vand.u32 $0x7F, v5;
	v61 =	vperm.xlane v34, v2;
	v0 =	vld.idx.msk [tilespmem:v0+s16+$0x0], $0xffff;
	v16, _, _ =	vpop (xrf0)  }
0x665: {  	s12 =	simm.s32 $0x18580;
	[tilespmem:s20+$0x10] =	vst v1;
	v5 =	vor.u32 v5, v22;
	v23 =	vadd.f32 v33, v23;
	v53 =	vadd.s32 v15, v18;
	v40, _, _ =	vpop (xrf0)  }
0x666: {  	v56 =	vld [tilespmem:s12+$0x0];
	v22 =	vadd.s32 v29, v25;
	(xrf0) =	vadd.scan.msk.s32 $0xffff, v49;
	v54 =	vadd.s32 v31, v40;
	v25, _, _ =	vpop (xrf0);
	v35 =	vmul.f32 v10, v50  }
0x667: {  	v60 =	vld [tilespmem:s12+$0xFFFFFF80];
	[tilespmem:s6+$0xFFFFFFA0] =	vst v23;
	v29 =	vand.u32 $0xFFFFFF80, v54;
	v55 =	vadd.s32 v22, v25;
	v41 =	vand.u32 $0x7F, v54  }
0x668: {  	(xrf0) =	vadd.scan.msk.s32 $0xffff, v51;
	v58 =	vld.idx.msk [tilespmem:v52+s17+$0x0], $0xffff;
	v57 =	vand.u32 $0xFFFFFF80, v55;
	v32 =	vand.u32 $0x7F, v55;
	v29 =	vadd.s32 s18, v29  }
0x669: {  	v45 =	vld [tilespmem:s31+$0xFFFFFFB0];
	v0 =	vadd.f32 v35, v0;
	v59 =	vadd.s32 s24, v57;
	v63 =	vor.u32 v41, v29  }
0x66a: {  	[tilespmem:s15+$0x70] =	vst v1;
	v14 =	vand.u32 $0xFFFFFF80, v53;
	v23 =	vadd.s32 v26, v61;
	v62 =	vld.idx.msk [tilespmem:v52+s16+$0x0], $0xffff;
	v32 =	vor.u32 v32, v59  }
0x66b: {  	v26 =	vand.u32 $0x7F, v53;
	(xrf0) =	vadd.scan.msk.s32 $0xffff, v56;
	v46 =	vld.idx.msk [tilespmem:v5+s17+$0x0], $0xffff;
	[tilespmem:s0+$0x40] =	vst v0;
	v0 =	vperm.xlane v20, v2  }
0x66c: {  	[tilespmem:s20+$0xFFFFFF90] =	vst v1;
	v14 =	vadd.s32 s30, v14;
	v34 =	vld.idx.msk [tilespmem:v5+s16+$0x0], $0xffff;
	v29, _, _ =	vpop (xrf0)  }
0x66d: {  	(xrf0) =	vadd.scan.msk.s32 $0xffff, v60;
	v20 =	vld [tilespmem:s29+$0x50];
	v47 =	vadd.s32 v23, v29;
	v48 =	vmul.f32 v7, v58;
	v19 =	vadd.s32 v19, v0  }
0x66e: {  	[tilespmem:s28+$0x60] =	vst v1;
	v0 =	vor.u32 v26, v14;
	v26, _, _ =	vpop (xrf0);
	v5 =	vand.u32 $0xFFFFFF80, v47;
	v14 =	vand.u32 $0x7F, v47;
	v51 =	vld.idx.msk [tilespmem:v63+s17+$0x0], $0xffff  }
0x66f: {  	[tilespmem:s28+$0xFFFFFFD0] =	vst v1;
	v50 =	vadd.s32 v19, v26;
	v5 =	vadd.s32 s11, v5;
	v35 =	vadd.f32 v48, v62;
	v49 =	vld.idx.msk [tilespmem:v32+s17+$0x0], $0xffff  }
0x670: {  	v54 =	vperm.xlane v40, v2;
	(xrf0) =	vadd.scan.msk.s32 $0xffff, v45;
	v52 =	vand.u32 $0xFFFFFF80, v50;
	v37 =	vld.idx.msk [tilespmem:v63+s16+$0x0], $0xffff;
	v5 =	vor.u32 v14, v5  }
0x671: {  	v55 =	vand.u32 $0x7F, v50;
	v14 =	vperm.xlane v39, v2;
	v53 =	vld.idx.msk [tilespmem:v32+s16+$0x0], $0xffff;
	v56 =	vadd.s32 s3, v52;
	v32, _, _ =	vpop (xrf0);
	[tilespmem:s1+$0x10] =	vst v35  }
0x672: {  	v30 =	vperm.xlane v30, v2;
	(xrf0) =	vadd.scan.msk.s32 $0xffff, v20;
	v36 =	vor.u32 v55, v56;
	v59 =	vand.u32 $0x7F, v32;
	v57 =	vld [tilespmem:s20+$0x20]  }
0x673: {  	s9 =	simm.s32 $0x580;
	v20 =	vadd.s32 v28, v14;
	v14 =	vadd.s32 v31, v54;
	v42 =	vld.idx.msk [tilespmem:v0+s17+$0x0], $0xffff;
	v28 =	vand.u32 $0xFFFFFF80, v32;
	v31, _, _ =	vpop (xrf0)  }
0x674: {  	[tilespmem:s31+$0x30] =	vst v1;
	v0 =	vld.idx.msk [tilespmem:v0+s16+$0x0], $0xffff;
	v28 =	vadd.s32 s9, v28;
	v62 =	vand.u32 $0xFFFFFF80, v31;
	v58 =	vmul.f32 v12, v49  }
0x675: {  	s19 =	simm.s32 $0x500;
	v63 =	vand.u32 $0x7F, v31;
	v38 =	vmul.f32 v7, v51;
	v61 =	vor.u32 v59, v28;
	v60 =	vld.idx.msk [tilespmem:v5+s17+$0x0], $0xffff  }
0x676: {  	[tilespmem:s29+$0xFFFFFFC0] =	vst v1;
	v28 =	vadd.s32 v24, v30;
	v24 =	vadd.s32 s19, v62;
	v5 =	vld.idx.msk [tilespmem:v5+s16+$0x0], $0xffff;
	v41 =	vadd.f32 v58, v53  }
0x677: {  	v27 =	vperm.xlane v27, v2;
	v35, _, _ =	vpop (xrf0);
	v50 =	vor.u32 v63, v24;
	v48 =	vld.idx.msk [tilespmem:v36+s17+$0x0], $0xffff;
	(xrf0) =	vadd.scan.msk.s32 $0xffff, v57  }
0x678: {  	v24 =	vadd.s32 v20, v35;
	v30 =	vadd.f32 v38, v37;
	v36 =	vld.idx.msk [tilespmem:v36+s16+$0x0], $0xffff;
	v33, _, _ =	vpop (xrf0);
	[tilespmem:s26+$0x60] =	vst v41  }
0x679: {  	[tilespmem:s12+$0x0] =	vst v1;
	v53 =	vand.u32 $0x7F, v24;
	v42 =	vmul.f32 v11, v42;
	v49 =	vadd.s32 v28, v33;
	v41 =	vld [tilespmem:s28+$0x70]  }
0x67a: {  	[tilespmem:s1+$0xFFFFFF90] =	vst v30;
	v30 =	vand.u32 $0xFFFFFF80, v24;
	v51 =	vand.u32 $0xFFFFFF80, v49;
	v52 =	vld.idx.msk [tilespmem:v61+s17+$0x0], $0xffff;
	v43 =	vmul.f32 v9, v60  }
0x67b: {  	[tilespmem:s12+$0xFFFFFF80] =	vst v1;
	v24 =	vadd.s32 v21, v27;
	v38 =	vand.u32 $0x7F, v49;
	v54 =	vld [tilespmem:s20+$0xFFFFFFA0];
	v45 =	vadd.s32 s21, v51  }
0x67c: {  	[tilespmem:s29+$0x50] =	vst v1;
	v55 =	vadd.s32 s7, v30;
	v44 =	vld.idx.msk [tilespmem:v61+s16+$0x0], $0xffff;
	v38 =	vor.u32 v38, v45;
	v5 =	vadd.f32 v43, v5  }
0x67d: {  	v0 =	vadd.f32 v42, v0;
	v27 =	vor.u32 v53, v55;
	v21 =	vld.idx.msk [tilespmem:v50+s17+$0x0], $0xffff;
	v37 =	vmul.f32 v10, v48;
	v30, _, _ =	vpop (xrf0)  }
0x67e: {  	v39 =	vld.idx.msk [tilespmem:v50+s16+$0x0], $0xffff;
	[tilespmem:s6+$0x30] =	vst v5;
	v5 =	vadd.s32 v24, v30;
	(xrf0) =	vadd.scan.msk.s32 $0xffff, v41  }
0x67f: {  	v25 =	vperm.xlane v25, v2;
	[tilespmem:s26+$0xFFFFFFD0] =	vst v0;
	v36 =	vadd.f32 v37, v36;
	v56 =	vld [tilespmem:s31+$0x40];
	v57 =	vand.u32 $0xFFFFFF80, v5  }
0x680: {  	v51 =	vld [tilespmem:s28+$0xFFFFFFE0];
	v58 =	vmul.f32 v6, v52;
	v5 =	vand.u32 $0x7F, v5;
	v37 =	vadd.s32 s22, v57;
	(xrf0) =	vadd.scan.msk.s32 $0xffff, v54  }
0x681: {  	[tilespmem:s31+$0xFFFFFFB0] =	vst v1;
	v22 =	vadd.s32 v22, v25;
	v59 =	vld.idx.msk [tilespmem:v38+s17+$0x0], $0xffff;
	v5 =	vor.u32 v5, v37  }
0x682: {  	v29 =	vperm.xlane v29, v2;
	v63 =	vld.idx.msk [tilespmem:v27+s17+$0x0], $0xffff;
	v21 =	vmul.f32 v6, v21;
	v43 =	vadd.f32 v58, v44  }
0x683: {  	s8 =	simm.s32 $0xC580;
	v40 =	vmul.f32 v13, v46;
	v26 =	vperm.xlane v26, v2;
	[tilespmem:s0+$0xFFFFFFC0] =	vst v36;
	v38 =	vld.idx.msk [tilespmem:v38+s16+$0x0], $0xffff  }
0x684: {  	v60 =	vadd.s32 v17, v16;
	v48 =	vld [tilespmem:s29+$0xFFFFFFD0];
	v21 =	vadd.f32 v21, v39;
	[tilespmem:s8+$0x0] =	vst v43;
	(xrf0) =	vadd.scan.msk.s32 $0xffff, v56;
	v25, _, _ =	vpop (xrf0)  }
0x685: {  	v34 =	vadd.f32 v40, v34;
	[tilespmem:s20+$0x20] =	vst v1;
	v61 =	vand.u32 $0xFFFFFF80, v60;
	v49 =	vld [tilespmem:s12+$0x10];
	v0 =	vadd.s32 v25, v22  }
0x686: {  	v62 =	vand.u32 $0x7F, v60;
	[tilespmem:s8+$0xFFFFFF80] =	vst v21;
	v50 =	vmul.f32 v11, v59;
	v25 =	vld.idx.msk [tilespmem:v5+s17+$0x0], $0xffff;
	v39, _, _ =	vpop (xrf0);
	v22 =	vand.u32 $0xFFFFFF80, v0  }
0x687: {  	v37 =	vadd.s32 s23, v61;
	v53 =	vld [tilespmem:s12+$0xFFFFFF90];
	v52 =	vadd.s32 v14, v39;
	v22 =	vadd.s32 s24, v22  }
0x688: {  	[tilespmem:s15+$0xFFFFFFE0] =	vst v1;
	v37 =	vor.u32 v62, v37;
	v5 =	vld.idx.msk [tilespmem:v5+s16+$0x0], $0xffff;
	v38 =	vadd.f32 v50, v38;
	v21 =	vand.u32 $0xFFFFFF80, v52  }
0x689: {  	[tilespmem:s25+$0x70] =	vst v34;
	v56 =	vld.idx.msk [tilespmem:v27+s16+$0x0], $0xffff;
	v0 =	vand.u32 $0x7F, v0;
	v54 =	vand.u32 $0x7F, v52;
	v55 =	vadd.s32 s18, v21  }
0x68a: {  	v0 =	vor.u32 v0, v22;
	[tilespmem:s0+$0x50] =	vst v38;
	v21 =	vadd.s32 v23, v29;
	v38 =	vor.u32 v54, v55;
	v22, _, _ =	vpop (xrf0)  }
0x68b: {  	(xrf0) =	vadd.scan.msk.s32 $0xffff, v49;
	v29 =	vperm.xlane v18, v2;
	v23 =	vld [tilespmem:s29+$0x60];
	v25 =	vmul.f32 v8, v25;
	v18 =	vadd.s32 v21, v22  }
0x68c: {  	[tilespmem:s20+$0xFFFFFFA0] =	vst v1;
	v36 =	vmul.f32 v9, v63;
	(xrf0) =	vadd.scan.msk.s32 $0xffff, v48;
	v27 =	vand.u32 $0xFFFFFF80, v18  }
0x68d: {  	(xrf0) =	vadd.scan.msk.s32 $0xffff, v51;
	v18 =	vand.u32 $0x7F, v18;
	v5 =	vadd.f32 v25, v5;
	v27 =	vadd.s32 s11, v27  }
0x68e: {  	v31 =	vperm.xlane v31, v2;
	[tilespmem:s28+$0x70] =	vst v1;
	v57 =	vld.idx.msk [tilespmem:v37+s17+$0x0], $0xffff;
	(xrf0) =	vadd.scan.msk.s32 $0xffff, v53;
	v59 =	vor.u32 v18, v27  }
0x68f: {  	v60 =	vld.idx.msk [tilespmem:v38+s17+$0x0], $0xffff;
	[tilespmem:s1+$0x20] =	vst v5;
	v5 =	vperm.xlane v16, v2;
	v16 =	vadd.f32 v36, v56  }
0x690: {  	v33 =	vperm.xlane v33, v2;
	[tilespmem:s28+$0xFFFFFFE0] =	vst v1;
	v18 =	vperm.xlane v32, v2;
	(xrf0) =	vadd.scan.msk.s32 $0xffff, v23;
	v62 =	vld.idx.msk [tilespmem:v38+s16+$0x0], $0xffff  }
0x691: {  	v30 =	vperm.xlane v30, v2;
	v55 =	vperm.xlane v39, v2;
	v27 =	vadd.s32 v19, v26;
	v25, _, _ =	vpop (xrf0);
	v61 =	vld [tilespmem:s20+$0x30];
	[tilespmem:s6+$0xFFFFFFB0] =	vst v16  }
0x692: {  	[tilespmem:s31+$0x40] =	vst v1;
	v23 =	vperm.xlane v35, v2;
	v38, _, _ =	vpop (xrf0);
	v19 =	vadd.s32 v18, v25;
	v16 =	vadd.s32 v17, v5;
	v5 =	vld [tilespmem:s31+$0xFFFFFFC0]  }
0x693: {  	[tilespmem:s29+$0xFFFFFFD0] =	vst v1;
	v15 =	vadd.s32 v15, v29;
	v41 =	vmul.f32 v12, v57;
	v26, _, _ =	vpop (xrf0);
	v29 =	vand.u32 $0xFFFFFF80, v19;
	v63 =	vld.idx.msk [tilespmem:v59+s17+$0x0], $0xffff  }
0x694: {  	[tilespmem:s12+$0x10] =	vst v1;
	v37 =	vld.idx.msk [tilespmem:v37+s16+$0x0], $0xffff;
	v19 =	vand.u32 $0x7F, v19;
	v47 =	vadd.s32 s9, v29;
	v29 =	vadd.s32 v20, v23;
	v20, _, _ =	vpop (xrf0)  }
0x695: {  	v22 =	vperm.xlane v22, v2;
	v17 =	vor.u32 v19, v47;
	v44 =	vld.idx.msk [tilespmem:v59+s16+$0x0], $0xffff;
	v49 =	vadd.s32 v31, v20  }
0x696: {  	s10 =	simm.s32 $0x18680;
	v58 =	vld.idx.msk [tilespmem:v0+s17+$0x0], $0xffff;
	v19 =	vadd.s32 v28, v33;
	v28 =	vmul.f32 v8, v60;
	v23, _, _ =	vpop (xrf0);
	(xrf0) =	vadd.scan.msk.s32 $0xffff, v61;
	v50 =	vand.u32 $0xFFFFFF80, v49  }
0x697: {  	[tilespmem:s12+$0xFFFFFF90] =	vst v1;
	v52 =	vld [tilespmem:s10+$0x0];
	v32 =	vand.u32 $0x7F, v49;
	v33 =	vadd.s32 v19, v23;
	v36 =	vadd.s32 s19, v50  }
0x698: {  	v53 =	vld [tilespmem:s10+$0xFFFFFF80];
	v28 =	vadd.f32 v28, v62;
	v51 =	vand.u32 $0xFFFFFF80, v33;
	(xrf0) =	vadd.scan.msk.s32 $0xffff, v5;
	v40 =	vmul.f32 v10, v63  }
0x699: {  	[tilespmem:s10+$0x0] =	vst v1;
	v0 =	vld.idx.msk [tilespmem:v0+s16+$0x0], $0xffff;
	v33 =	vand.u32 $0x7F, v33;
	v32 =	vor.u32 v32, v36;
	v45 =	vadd.s32 s21, v51  }
0x69a: {  	v48 =	vadd.s32 v27, v38;
	v5 =	vld.idx.msk [tilespmem:v17+s17+$0x0], $0xffff;
	v33 =	vor.u32 v33, v45;
	v54 =	vadd.f32 v40, v44  }
0x69b: {  	v22 =	vadd.s32 v21, v22;
	v57 =	vand.u32 $0xFFFFFF80, v48;
	v56 =	vmul.f32 v13, v58;
	[tilespmem:s1+$0xFFFFFFA0] =	vst v28;
	v58 =	vld.idx.msk [tilespmem:v17+s16+$0x0], $0xffff  }
0x69c: {  	v59 =	vand.u32 $0x7F, v48;
	v28 =	vadd.s32 s3, v57;
	v60 =	vld [tilespmem:s20+$0xFFFFFFB0];
	v17 =	vadd.s32 v24, v30;
	v24, _, _ =	vpop (xrf0);
	[tilespmem:s6+$0x40] =	vst v54  }
0x69d: {  	[tilespmem:s29+$0x60] =	vst v1;
	v25 =	vperm.xlane v25, v2;
	v30 =	vor.u32 v59, v28;
	v61 =	vadd.s32 v17, v24;
	v62 =	vld [tilespmem:s31+$0x50]  }
0x69e: {  	(xrf0) =	vadd.scan.msk.s32 $0xffff, v52;
	v28 =	vadd.s32 v14, v55;
	v48 =	vld.idx.msk [tilespmem:v32+s17+$0x0], $0xffff;
	v14 =	vand.u32 $0xFFFFFF80, v61;
	v39, _, _ =	vpop (xrf0);
	v35 =	vand.u32 $0x7F, v61  }
0x69f: {  	[tilespmem:s10+$0xFFFFFF80] =	vst v1;
	v63 =	vld.idx.msk [tilespmem:v33+s17+$0x0], $0xffff;
	v5 =	vmul.f32 v7, v5;
	v14 =	vadd.s32 s22, v14;
	v49 =	vadd.s32 v29, v39  }
0x6a0: {  	v50 =	vperm.xlane v20, v2;
	(xrf0) =	vadd.scan.msk.s32 $0xffff, v53;
	v32 =	vld.idx.msk [tilespmem:v32+s16+$0x0], $0xffff;
	v14 =	vor.u32 v35, v14;
	v20 =	vand.u32 $0xFFFFFF80, v49  }
0x6a1: {  	v0 =	vadd.f32 v56, v0;
	v33 =	vld.idx.msk [tilespmem:v33+s16+$0x0], $0xffff;
	(xrf0) =	vadd.scan.msk.s32 $0xffff, v60;
	v5 =	vadd.f32 v5, v58;
	v20 =	vadd.s32 s7, v20  }
0x6a2: {  	v23 =	vperm.xlane v23, v2;
	v51 =	vadd.s32 v15, v26;
	v40 =	vld.idx.msk [tilespmem:v30+s17+$0x0], $0xffff;
	v52 =	vand.u32 $0x7F, v49;
	(xrf0) =	vadd.scan.msk.s32 $0xffff, v62  }
0x6a3: {  	v31 =	vadd.s32 v31, v50;
	v42 =	vor.u32 v52, v20;
	[tilespmem:s8+$0x10] =	vst v5;
	v5 =	vld.idx.msk [tilespmem:v30+s16+$0x0], $0xffff  }
0x6a4: {  	[tilespmem:s20+$0x30] =	vst v1;
	v53 =	vand.u32 $0xFFFFFF80, v51;
	v30 =	vadd.f32 v41, v37;
	v20, _, _ =	vpop (xrf0);
	v55 =	vld [tilespmem:s12+$0x20];
	v36 =	vmul.f32 v12, v63  }
0x6a5: {  	s4 =	simm.s32 $0x680;
	[tilespmem:s31+$0xFFFFFFC0] =	vst v1;
	v43 =	vadd.s32 s30, v53;
	v58 =	vmul.f32 v7, v48;
	v54 =	vand.u32 $0xFFFFFF80, v20;
	v57 =	vld.idx.msk [tilespmem:v14+s17+$0x0], $0xffff  }
0x6a6: {  	v56 =	vand.u32 $0x7F, v20;
	[tilespmem:s25+$0xFFFFFFE0] =	vst v30;
	v47, _, _ =	vpop (xrf0);
	v59 =	vld.idx.msk [tilespmem:v14+s16+$0x0], $0xffff;
	v37 =	vadd.s32 s4, v54;
	v33 =	vadd.f32 v36, v33  }
0x6a7: {  	s2 =	simm.s32 $0x600;
	[tilespmem:s26+$0x70] =	vst v0;
	v39 =	vperm.xlane v39, v2;
	v36 =	vld [tilespmem:s15+$0xFFFFFFF0];
	v44, _, _ =	vpop (xrf0);
	v14 =	vand.u32 $0xFFFFFF80, v47;
	v30 =	vor.u32 v56, v37  }
0x6a8: {  	v21 =	vadd.f32 v58, v32;
	v60 =	vand.u32 $0x7F, v47;
	v61 =	vld.idx.msk [tilespmem:v42+s17+$0x0], $0xffff;
	v14 =	vadd.s32 s2, v14;
	[tilespmem:s0+$0x60] =	vst v33;
	v34, _, _ =	vpop (xrf0)  }
0x6a9: {  	[tilespmem:s20+$0xFFFFFFB0] =	vst v1;
	v35 =	vand.u32 $0x7F, v51;
	v49 =	vor.u32 v60, v14;
	v33 =	vld [tilespmem:s29+$0x70];
	v62 =	vadd.s32 v22, v34  }
0x6aa: {  	[tilespmem:s8+$0xFFFFFF90] =	vst v21;
	v50 =	vld.idx.msk [tilespmem:v42+s16+$0x0], $0xffff;
	(xrf0) =	vadd.scan.msk.s32 $0xffff, v55;
	v21 =	vmul.f32 v9, v57;
	v14 =	vand.u32 $0xFFFFFF80, v62  }
0x6ab: {  	[tilespmem:s31+$0x50] =	vst v1;
	v53 =	vld [tilespmem:s12+$0xFFFFFFA0];
	v57 =	vmul.f32 v11, v40;
	v32 =	vand.u32 $0x7F, v62;
	v52 =	vadd.s32 s11, v14  }
0x6ac: {  	v35 =	vor.u32 v35, v43;
	v63 =	vperm.xlane v38, v2;
	v51 =	vld.idx.msk [tilespmem:v30+s17+$0x0], $0xffff;
	v32 =	vor.u32 v32, v52  }
0x6ad: {  	v0 =	vadd.s32 v28, v44;
	v21 =	vadd.f32 v21, v59;
	v55 =	vld.idx.msk [tilespmem:v30+s16+$0x0], $0xffff;
	v5 =	vadd.f32 v57, v5  }
0x6ae: {  	v14 =	vadd.s32 v27, v63;
	v27 =	vand.u32 $0xFFFFFF80, v0;
	v0 =	vand.u32 $0x7F, v0;
	v56 =	vld.idx.msk [tilespmem:v49+s17+$0x0], $0xffff;
	(xrf0) =	vadd.scan.msk.s32 $0xffff, v33  }
0x6af: {  	v60 =	vld.idx.msk [tilespmem:v49+s16+$0x0], $0xffff;
	v27 =	vadd.s32 s18, v27;
	[tilespmem:s1+$0x30] =	vst v21;
	v21 =	vadd.s32 v29, v39;
	v29 =	vmul.f32 v10, v61  }
0x6b0: {  	v0 =	vor.u32 v0, v27;
	v27 =	vadd.s32 v18, v25;
	v30, _, _ =	vpop (xrf0);
	v18 =	vperm.xlane v26, v2;
	v26 =	vld [tilespmem:s20+$0x40];
	(xrf0) =	vadd.scan.msk.s32 $0xffff, v36  }
0x6b1: {  	[tilespmem:s12+$0x20] =	vst v1;
	v25 =	vadd.s32 v27, v30;
	(xrf0) =	vadd.scan.msk.s32 $0xffff, v53;
	v42 =	vmul.f32 v6, v51;
	v59 =	vld.idx.msk [tilespmem:v32+s17+$0x0], $0xffff  }
0x6b2: {  	v54 =	vld.idx.msk [tilespmem:v35+s17+$0x0], $0xffff;
	[tilespmem:s15+$0xFFFFFFF0] =	vst v1;
	v29 =	vadd.f32 v29, v50;
	v58 =	vand.u32 $0xFFFFFF80, v25  }
0x6b3: {  	[tilespmem:s0+$0xFFFFFFD0] =	vst v5;
	v25 =	vand.u32 $0x7F, v25;
	v36 =	vadd.s32 s9, v58;
	v32 =	vld.idx.msk [tilespmem:v32+s16+$0x0], $0xffff;
	v61 =	vadd.f32 v42, v55  }
0x6b4: {  	s14 =	simm.s32 $0xC680;
	v19 =	vadd.s32 v19, v23;
	v49 =	vld [tilespmem:s29+$0xFFFFFFE0];
	[tilespmem:s6+$0xFFFFFFC0] =	vst v29;
	v29 =	vmul.f32 v6, v56;
	v25 =	vor.u32 v25, v36;
	v23, _, _ =	vpop (xrf0)  }
0x6b5: {  	v24 =	vperm.xlane v24, v2;
	v62 =	vld.idx.msk [tilespmem:v0+s17+$0x0], $0xffff;
	v19 =	vadd.s32 v23, v19;
	[tilespmem:s14+$0x0] =	vst v61  }
0x6b6: {  	(xrf0) =	vadd.scan.msk.s32 $0xffff, v26;
	v29 =	vadd.f32 v29, v60;
	v63, _, _ =	vpop (xrf0);
	v45 =	vand.u32 $0xFFFFFF80, v19;
	v46 =	vld [tilespmem:s10+$0x10];
	v40 =	vmul.f32 v11, v59  }
0x6b7: {  	[tilespmem:s12+$0xFFFFFFA0] =	vst v1;
	v0 =	vld.idx.msk [tilespmem:v0+s16+$0x0], $0xffff;
	v23 =	vperm.xlane v44, v2;
	v5, _, _ =	vpop (xrf0);
	v19 =	vand.u32 $0x7F, v19;
	v36 =	vadd.s32 s21, v45  }
0x6b8: {  	[tilespmem:s29+$0x70] =	vst v1;
	v26 =	vld [tilespmem:s31+$0xFFFFFFD0];
	v48 =	vadd.s32 v31, v5;
	v19 =	vor.u32 v19, v36;
	v32 =	vadd.f32 v40, v32  }
0x6b9: {  	v41 =	vperm.xlane v47, v2;
	[tilespmem:s14+$0xFFFFFF80] =	vst v29;
	v23 =	vadd.s32 v28, v23;
	v47 =	vld.idx.msk [tilespmem:v25+s17+$0x0], $0xffff;
	v28 =	vand.u32 $0xFFFFFF80, v48  }
0x6ba: {  	[tilespmem:s20+$0x40] =	vst v1;
	v15 =	vadd.s32 v15, v18;
	v50 =	vld [tilespmem:s10+$0xFFFFFF90];
	v18 =	vand.u32 $0x7F, v48;
	v28 =	vadd.s32 s19, v28  }
0x6bb: {  	v29 =	vld.idx.msk [tilespmem:v25+s16+$0x0], $0xffff;
	v38 =	vmul.f32 v9, v62;
	v18 =	vor.u32 v18, v28;
	(xrf0) =	vadd.scan.msk.s32 $0xffff, v46;
	[tilespmem:s6+$0x50] =	vst v32  }
0x6bc: {  	[tilespmem:s29+$0xFFFFFFE0] =	vst v1;
	v16 =	vadd.s32 v63, v16;
	v5 =	vperm.xlane v5, v2;
	v28 =	vadd.s32 v17, v24;
	v17 =	vld [tilespmem:s31+$0x60];
	v32, _, _ =	vpop (xrf0)  }
0x6bd: {  	v53 =	vand.u32 $0xFFFFFF80, v16;
	v0 =	vadd.f32 v38, v0;
	(xrf0) =	vadd.scan.msk.s32 $0xffff, v26;
	v51 =	vld.idx.msk [tilespmem:v19+s17+$0x0], $0xffff;
	v24 =	vadd.s32 v28, v32  }
0x6be: {  	v25 =	vmul.f32 v12, v54;
	v37 =	vmul.f32 v8, v47;
	(xrf0) =	vadd.scan.msk.s32 $0xffff, v49;
	v26 =	vand.u32 $0xFFFFFF80, v24  }
0x6bf: {  	v19 =	vld.idx.msk [tilespmem:v19+s16+$0x0], $0xffff;
	[tilespmem:s1+$0xFFFFFFB0] =	vst v0;
	(xrf0) =	vadd.scan.msk.s32 $0xffff, v50;
	v24 =	vand.u32 $0x7F, v24;
	v26 =	vadd.s32 s22, v26  }
0x6c0: {  	v29 =	vadd.f32 v37, v29;
	v54 =	vld.idx.msk [tilespmem:v18+s17+$0x0], $0xffff;
	v52 =	vor.u32 v24, v26;
	v24 =	vperm.xlane v20, v2  }
0x6c1: {  	v55 =	vld.idx.msk [tilespmem:v18+s16+$0x0], $0xffff;
	(xrf0) =	vadd.scan.msk.s32 $0xffff, v17;
	v26 =	vadd.s32 v31, v5;
	v5 =	vand.u32 $0x7F, v16;
	v16 =	vadd.s32 s23, v53;
	v31, _, _ =	vpop (xrf0)  }
0x6c2: {  	[tilespmem:s8+$0x20] =	vst v29;
	v17 =	vmul.f32 v13, v51;
	v0 =	vor.u32 v5, v16;
	v5 =	vadd.s32 v24, v31  }
0x6c3: {  	[tilespmem:s31+$0xFFFFFFD0] =	vst v1;
	v16 =	vld [tilespmem:s12+$0x30];
	v18 =	vand.u32 $0xFFFFFF80, v5;
	v5 =	vand.u32 $0x7F, v5  }
0x6c4: {  	[tilespmem:s10+$0x10] =	vst v1;
	v56 =	vld [tilespmem:s20+$0xFFFFFFC0];
	v29, _, _ =	vpop (xrf0);
	v17 =	vadd.f32 v17, v19  }
0x6c5: {  	v34 =	vperm.xlane v34, v2;
	[tilespmem:s10+$0xFFFFFF90] =	vst v1;
	v36 =	vadd.s32 v21, v29;
	v20, _, _ =	vpop (xrf0);
	v18 =	vadd.s32 s4, v18;
	v57 =	vld.idx.msk [tilespmem:v52+s17+$0x0], $0xffff  }
0x6c6: {  	v33 =	vld.idx.msk [tilespmem:v35+s16+$0x0], $0xffff;
	v58 =	vmul.f32 v8, v54;
	v38 =	vand.u32 $0xFFFFFF80, v36;
	[tilespmem:s0+$0x70] =	vst v17;
	v37 =	vor.u32 v5, v18;
	v5, _, _ =	vpop (xrf0)  }
0x6c7: {  	v40 =	vld.idx.msk [tilespmem:v52+s16+$0x0], $0xffff;
	v18 =	vadd.s32 v22, v34;
	v59 =	vadd.s32 v41, v5;
	v5 =	vperm.xlane v5, v2;
	v19, _, _ =	vpop (xrf0)  }
0x6c8: {  	(xrf0) =	vadd.scan.msk.s32 $0xffff, v16;
	v17 =	vld.idx.msk [tilespmem:v0+s17+$0x0], $0xffff;
	v60 =	vand.u32 $0xFFFFFF80, v59;
	v35 =	vand.u32 $0x7F, v59;
	v61 =	vadd.s32 v18, v19  }
0x6c9: {  	s13 =	simm.s32 $0x18780;
	v16 =	vld.idx.msk [tilespmem:v0+s16+$0x0], $0xffff;
	(xrf0) =	vadd.scan.msk.s32 $0xffff, v56;
	v22 =	vadd.s32 v41, v5;
	v5 =	vadd.s32 s2, v60;
	v62 =	vand.u32 $0xFFFFFF80, v61  }
0x6ca: {  	[tilespmem:s20+$0xFFFFFFC0] =	vst v1;
	v41 =	vld [tilespmem:s13+$0x0];
	v0 =	vand.u32 $0x7F, v61;
	v42 =	vmul.f32 v10, v57;
	v63 =	vadd.s32 s11, v62  }
0x6cb: {  	s5 =	simm.s32 $0xC680;
	s24 =	simm.s32 $0x10;
	s21 =	simm.s32 $0xE;
	v43 =	vadd.f32 v58, v55;
	v34 =	vor.u32 v35, v5;
	v35 =	vld.idx.msk [tilespmem:v37+s17+$0x0], $0xffff;
	v39 =	vor.u32 v0, v63  }
.LBB2_11:
0x6cc: {  	p0 =	slt.u32 s24, $0x7E;
	v0 =	vld [tilespmem:s13+$0xFFFFFF80];
	[tilespmem:s13+$0xFFFFFF80] =	vst v1;
	v5 =	vperm.xlane v30, v2;
	v30 =	vadd.f32 v42, v40;
	v38 =	vadd.s32 s7, v38  }
0x6cd: {  	v40 =	vperm.xlane v29, v2;
	v36 =	vand.u32 $0x7F, v36;
	v42 =	vld.idx.msk [tilespmem:v37+s16+$0x0], $0xffff;
	[tilespmem:s8+$0xFFFFFFA0] =	vst v43;
	v43 =	vadd.s32 v14, v20  }
0x6ce: {  	v44 =	vld [tilespmem:s12+$0xFFFFFFB0];
	v29 =	vadd.s32 v27, v5;
	v37, _, _ =	vpop (xrf0);
	[tilespmem:s1+$0x40] =	vst v30;
	v5 =	vor.u32 v36, v38;
	v27 =	vand.u32 $0xFFFFFF80, v43  }
0x6cf: {  	v40 =	vadd.s32 v21, v40;
	(xrf0) =	vadd.scan.msk.s32 $0xffff, v41;
	v30 =	vadd.s32 v29, v37;
	v36 =	vld [tilespmem:s20+$0x50];
	v38, _, _ =	vpop (xrf0);
	[tilespmem:s31+$0x60] =	vst v1  }
0x6d0: {  	[tilespmem:s12+$0xFFFFFFB0] =	vst v1;
	v21 =	vand.u32 $0xFFFFFF80, v30;
	v41 =	vadd.s32 v23, v38;
	v38 =	vperm.xlane v38, v2;
	v45 =	vld.idx.msk [tilespmem:v39+s17+$0x0], $0xffff  }
0x6d1: {  	v35 =	vmul.f32 v7, v35;
	v30 =	vand.u32 $0x7F, v30;
	(xrf0) =	vadd.scan.msk.s32 $0xffff, v0;
	v0 =	vld.idx.msk [tilespmem:v34+s17+$0x0], $0xffff;
	v21 =	vadd.s32 s9, v21  }
0x6d2: {  	v46 =	vand.u32 $0xFFFFFF80, v41;
	v41 =	vand.u32 $0x7F, v41;
	v30 =	vor.u32 v30, v21;
	v47 =	vld.idx.msk [tilespmem:v39+s16+$0x0], $0xffff  }
0x6d3: {  	v21 =	vadd.s32 v23, v38;
	v23 =	vadd.s32 s18, v46;
	v48 =	vld.idx.msk [tilespmem:v34+s16+$0x0], $0xffff;
	v34 =	vadd.f32 v35, v42;
	(xrf0) =	vadd.scan.msk.s32 $0xffff, v44  }
0x6d4: {  	v27 =	vadd.s32 s3, v27;
	v23 =	vor.u32 v41, v23;
	v35 =	vand.u32 $0x7F, v43;
	(xrf0) =	vadd.scan.msk.s32 $0xffff, v36;
	v41 =	vld.idx.msk [tilespmem:v5+s17+$0x0], $0xffff  }
0x6d5: {  	s23 =	sshll.u32 s21, $0x7;
	v25 =	vadd.f32 v25, v33;
	s21 =	smov.u32 s24;
	v39 =	vor.u32 v35, v27;
	v36, _, _ =	vpop (xrf0);
	[tilespmem:s14+$0x10] =	vst v34;
	v5 =	vld.idx.msk [tilespmem:v5+s16+$0x0], $0xffff  }
0x6d6: {  	s15 =	sadd.s32 $0x80, s23;
	v20 =	vperm.xlane v20, v2;
	v34 =	vmul.f32 v12, v45;
	v27 =	vand.u32 $0xFFFFFF80, v36;
	v33 =	vld [tilespmem:s10+$0x20];
	[tilespmem:s12+$0x30] =	vst v1  }
0x6d7: {  	v35 =	vand.u32 $0x7F, v36;
	v0 =	vmul.f32 v7, v0;
	v27 =	vadd.s32 s15, v27;
	v38, _, _ =	vpop (xrf0);
	v42 =	vld.idx.msk [tilespmem:v30+s17+$0x0], $0xffff;
	[tilespmem:s26+$0xFFFFFFE0] =	vst v25  }
0x6d8: {  	v25 =	vor.u32 v35, v27;
	v27 =	vperm.xlane v32, v2;
	v32 =	vadd.f32 v34, v47;
	v43 =	vld [tilespmem:s28+$0xFFFFFFF0];
	[tilespmem:s28+$0xFFFFFFF0] =	vst v1;
	s28 =	smov.u32 s29;
	s29 =	smov.u32 s31;
	s31 =	smov.u32 s20  }
0x6d9: {  	v34 =	vperm.xlane v38, v2;
	v35 =	vand.u32 $0xFFFFFF80, v38;
	v44 =	vand.u32 $0x7F, v38;
	s20 =	smov.u32 s12;
	s12 =	smov.u32 s10;
	s10 =	smov.u32 s13;
	v30 =	vld.idx.msk [tilespmem:v30+s16+$0x0], $0xffff;
	v45, _, _ =	vpop (xrf0)  }
0x6da: {  	v0 =	vadd.f32 v0, v48;
	v46 =	vadd.s32 s23, v35;
	v47 =	vld.idx.msk [tilespmem:v23+s17+$0x0], $0xffff;
	v35 =	vadd.s32 v28, v27;
	v38, _, _ =	vpop (xrf0);
	[tilespmem:s6+$0x60] =	vst v32  }
0x6db: {  	v28 =	vor.u32 v44, v46;
	v27 =	vadd.s32 v26, v45;
	(xrf0) =	vadd.scan.msk.s32 $0xffff, v33;
	v32 =	vadd.s32 v35, v38;
	v33 =	vld [tilespmem:s29+$0x70]  }
0x6dc: {  	v44 =	vand.u32 $0xFFFFFF80, v27;
	v27 =	vand.u32 $0x7F, v27;
	[tilespmem:s13+$0x0] =	vst v1;
	v46 =	vld.idx.msk [tilespmem:v23+s16+$0x0], $0xffff;
	v23 =	vand.u32 $0xFFFFFF80, v32  }
0x6dd: {  	v32 =	vand.u32 $0x7F, v32;
	v48 =	vld.idx.msk [tilespmem:v25+s17+$0x0], $0xffff;
	[tilespmem:s14+$0xFFFFFF90] =	vst v0;
	v0 =	vmul.f32 v9, v42;
	v23 =	vadd.s32 s22, v23  }
0x6de: {  	v45 =	vperm.xlane v45, v2;
	v44 =	vadd.s32 s19, v44;
	v42 =	vld [tilespmem:s12+$0xFFFFFFA0];
	[tilespmem:s12+$0xFFFFFFA0] =	vst v1;
	v32 =	vor.u32 v32, v23  }
0x6df: {  	v31 =	vperm.xlane v31, v2;
	v44 =	vor.u32 v27, v44;
	v0 =	vadd.f32 v0, v30;
	v49 =	vld.idx.msk [tilespmem:v39+s17+$0x0], $0xffff  }
0x6e0: {  	v23 =	vadd.s32 v26, v45;
	v50 =	vld.idx.msk [tilespmem:v25+s16+$0x0], $0xffff;
	v25 =	vmul.f32 v10, v47;
	(xrf0) =	vadd.scan.msk.s32 $0xffff, v33  }
0x6e1: {  	v27 =	vadd.s32 v24, v31;
	v26 =	vld.idx.msk [tilespmem:v28+s17+$0x0], $0xffff;
	v30, _, _ =	vpop (xrf0);
	[tilespmem:s8+$0x30] =	vst v0;
	v0 =	vmul.f32 v11, v41;
	(xrf0) =	vadd.scan.msk.s32 $0xffff, v43  }
0x6e2: {  	v20 =	vadd.s32 v14, v20;
	v24 =	vadd.s32 v27, v30;
	v31 =	vld [tilespmem:s20+$0x40];
	v25 =	vadd.f32 v25, v46;
	[tilespmem:s31+$0x50] =	vst v1  }
0x6e3: {  	v33 =	vmul.f32 v6, v48;
	v43 =	vand.u32 $0xFFFFFF80, v24;
	(xrf0) =	vadd.scan.msk.s32 $0xffff, v42;
	v41 =	vld.idx.msk [tilespmem:v32+s17+$0x0], $0xffff;
	v0 =	vadd.f32 v0, v5  }
0x6e4: {  	v14 =	vmovc v40;
	v24 =	vand.u32 $0x7F, v24;
	v42 =	vperm.xlane v19, v2;
	v5 =	vld.idx.msk [tilespmem:v28+s16+$0x0], $0xffff;
	v28 =	vadd.s32 s4, v43;
	[tilespmem:s1+$0xFFFFFFC0] =	vst v25  }
0x6e5: {  	v25 =	vmul.f32 v12, v49;
	v24 =	vor.u32 v24, v28;
	v28 =	vld.idx.msk [tilespmem:v32+s16+$0x0], $0xffff;
	[tilespmem:s6+$0xFFFFFFD0] =	vst v0  }
0x6e6: {  	v17 =	vmul.f32 v13, v17;
	v0 =	vadd.f32 v33, v50;
	v18 =	vadd.s32 v18, v42;
	v32 =	vld.idx.msk [tilespmem:v44+s17+$0x0], $0xffff;
	v19, _, _ =	vpop (xrf0)  }
0x6e7: {  	s14 =	sadd.s32 $0x100, s14;
	v26 =	vmul.f32 v6, v26;
	v33 =	vld.idx.msk [tilespmem:v44+s16+$0x0], $0xffff;
	(xrf0) =	vadd.scan.msk.s32 $0xffff, v31;
	v18 =	vadd.s32 v19, v18;
	v19, _, _ =	vpop (xrf0)  }
0x6e8: {  	v16 =	vadd.f32 v17, v16;
	[tilespmem:s14+$0x0] =	vst v0;
	v0 =	vld [tilespmem:s31+$0xFFFFFFD0];
	v31 =	vand.u32 $0xFFFFFF80, v18;
	v19 =	vadd.s32 v19, v15;
	v15 =	vmovc v20  }
0x6e9: {  	v40 =	vmul.f32 v11, v41;
	v18 =	vand.u32 $0x7F, v18;
	v17 =	vld [tilespmem:s13+$0x10];
	[tilespmem:s12+$0x20] =	vst v1;
	v20, _, _ =	vpop (xrf0);
	v31 =	vadd.s32 s11, v31;
	s11 =	smov.u32 s22;
	s22 =	smov.u32 s9;
	s9 =	smov.u32 s4  }
0x6ea: {  	v5 =	vadd.f32 v26, v5;
	s4 =	smov.u32 s15;
	v26 =	vadd.s32 v22, v20;
	v41 =	vld.idx.msk [tilespmem:v24+s17+$0x0], $0xffff;
	v18 =	vor.u32 v18, v31  }
0x6eb: {  	v37 =	vperm.xlane v37, v2;
	v40 =	vadd.f32 v40, v28;
	v31 =	vand.u32 $0xFFFFFF80, v26;
	[tilespmem:s31+$0xFFFFFFD0] =	vst v1;
	v42 =	vld [tilespmem:s29+$0xFFFFFFE0]  }
0x6ec: {  	[tilespmem:s14+$0xFFFFFF80] =	vst v5;
	v5 =	vperm.xlane v20, v2;
	v20 =	vand.u32 $0x7F, v26;
	v26 =	vadd.s32 s2, v31;
	v24 =	vld.idx.msk [tilespmem:v24+s16+$0x0], $0xffff  }
0x6ed: {  	v28 =	vadd.s32 v29, v37;
	v43 =	vmul.f32 v9, v32;
	v31 =	vld [tilespmem:s13+$0xFFFFFF90];
	v20 =	vor.u32 v20, v26;
	v32, _, _ =	vpop (xrf0);
	[tilespmem:s1+$0x50] =	vst v40  }
0x6ee: {  	(xrf0) =	vadd.scan.msk.s32 $0xffff, v17;
	v26 =	vadd.s32 v22, v5;
	v5 =	vadd.s32 v28, v32;
	v17 =	vld [tilespmem:s31+$0x60];
	[tilespmem:s29+$0x70] =	vst v1  }
0x6ef: {  	v22 =	vadd.f32 v43, v33;
	[tilespmem:s13+$0xFFFFFF90] =	vst v1;
	v29 =	vand.u32 $0xFFFFFF80, v5;
	(xrf0) =	vadd.scan.msk.s32 $0xffff, v0;
	v0 =	vld.idx.msk [tilespmem:v18+s17+$0x0], $0xffff  }
0x6f0: {  	v37 =	vmul.f32 v8, v41;
	v5 =	vand.u32 $0x7F, v5;
	v29 =	vadd.s32 s22, v29;
	(xrf0) =	vadd.scan.msk.s32 $0xffff, v42;
	v33 =	vld.idx.msk [tilespmem:v39+s16+$0x0], $0xffff  }
0x6f1: {  	[tilespmem:s8+$0xFFFFFFB0] =	vst v22;
	v5 =	vor.u32 v5, v29;
	v18 =	vld.idx.msk [tilespmem:v18+s16+$0x0], $0xffff;
	v22 =	vand.u32 $0xFFFFFF80, v19;
	v19 =	vand.u32 $0x7F, v19  }
0x6f2: {  	v37 =	vadd.f32 v37, v24;
	(xrf0) =	vadd.scan.msk.s32 $0xffff, v31;
	v39 =	vld.idx.msk [tilespmem:v20+s17+$0x0], $0xffff;
	[tilespmem:s29+$0xFFFFFFE0] =	vst v1;
	v22 =	vadd.s32 s30, v22;
	s30 =	smov.u32 s3;
	s3 =	smov.u32 s7;
	s7 =	smov.u32 s18  }
0x6f3: {  	v24 =	vperm.xlane v36, v2;
	s18 =	smov.u32 s19;
	s19 =	smov.u32 s2;
	s2 =	smov.u32 s23;
	v43 =	vld.idx.msk [tilespmem:v20+s16+$0x0], $0xffff;
	(xrf0) =	vadd.scan.msk.s32 $0xffff, v17;
	v41 =	vor.u32 v19, v22;
	[tilespmem:s25+$0xFFFFFFF0] =	vst v16  }
0x6f4: {  	s25 =	smov.u32 s26;
	s26 =	smov.u32 s0;
	s0 =	smov.u32 s6;
	v31, _, _ =	vpop (xrf0);
	[tilespmem:s5+$0x20] =	vst v37;
	v16 =	vld [tilespmem:s20+$0xFFFFFFC0]  }
0x6f5: {  	s6 =	smov.u32 s1;
	s1 =	smov.u32 s8;
	s8 =	smov.u32 s5;
	v0 =	vmul.f32 v13, v0;
	v17 =	vadd.s32 v24, v31;
	v22 =	vld [tilespmem:s12+$0x30];
	[tilespmem:s20+$0x40] =	vst v1;
	v29, _, _ =	vpop (xrf0)  }
0x6f6: {  	s5 =	smov.u32 s14;
	v19 =	vand.u32 $0xFFFFFF80, v17;
	v40 =	vand.u32 $0x7F, v17;
	[tilespmem:s20+$0xFFFFFFC0] =	vst v1;
	v42 =	vld.idx.msk [tilespmem:v5+s17+$0x0], $0xffff;
	v36 =	vadd.s32 v21, v29;
	v20, _, _ =	vpop (xrf0)  }
0x6f7: {  	v44 =	vperm.xlane v38, v2;
	v0 =	vadd.f32 v0, v18;
	v46 =	vadd.s32 s4, v19  }
0x6f8: {  	v39 =	vmul.f32 v8, v39;
	v38 =	vand.u32 $0xFFFFFF80, v36;
	v37 =	vor.u32 v40, v46;
	v17, _, _ =	vpop (xrf0);
	v40 =	vld.idx.msk [tilespmem:v5+s16+$0x0], $0xffff  }
.Ltmp4:
0x6f9: {  	v18 =	vadd.s32 v35, v44;
	v5 =	vadd.s32 v34, v17;
	v45 =	vperm.xlane v17, v2;
	v19, _, _ =	vpop (xrf0);
	[tilespmem:s0+$0x70] =	vst v0;
	(pc) =	sbr.rel @p0 .LBB2_11-.Ltmp4, $4  }
0x6fa: {  	v0 =	vand.u32 $0xFFFFFF80, v5;
	v5 =	vand.u32 $0x7F, v5;
	(xrf0) =	vadd.scan.msk.s32 $0xffff, v22;
	v35 =	vadd.s32 v18, v19;
	v17 =	vld.idx.msk [tilespmem:v41+s17+$0x0], $0xffff  }
0x6fb: {  	s13 =	sadd.s32 $0x100, s13;
	v22 =	vadd.s32 v34, v45;
	v0 =	vadd.s32 s2, v0;
	(xrf0) =	vadd.scan.msk.s32 $0xffff, v16;
	v34 =	vand.u32 $0xFFFFFF80, v35;
	v16 =	vld.idx.msk [tilespmem:v41+s16+$0x0], $0xffff  }
0x6fc: {  	v42 =	vmul.f32 v10, v42;
	v44 =	vand.u32 $0x7F, v35;
	v41 =	vld [tilespmem:s13+$0x0];
	[tilespmem:s10+$0x10] =	vst v1;
	v45 =	vadd.s32 s11, v34  }
0x6fd: {  	s24 =	sadd.s32 $0x2, s24;
	v43 =	vadd.f32 v39, v43;
	v34 =	vor.u32 v5, v0;
	v35 =	vld.idx.msk [tilespmem:v37+s17+$0x0], $0xffff;
	v39 =	vor.u32 v44, v45  }
0x6fe: {  	_ =	sdelay $0x2  }
0x6ff: {  	v0 =	vperm.xlane v30, v2;
	(xrf0) =	vadd.scan.msk.s32 $0xffff, v41;
	_ =	sdelay $0x1  }
0x700: {  	v55 =	vadd.f32 v42, v40;
	v0 =	vadd.s32 v27, v0;
	v40, _, _ =	vpop (xrf0)  }
0x701: {  	v5 =	vld [tilespmem:s13+$0xFFFFFF80];
	v58 =	vadd.s32 v0, v40  }
0x702: {  	v37 =	vld.idx.msk [tilespmem:v37+s16+$0x0], $0xffff;
	v60 =	vand.u32 $0xFFFFFF80, v58  }
0x703: {  	[tilespmem:s31+$0x60] =	vst v1;
	v45 =	vld.idx.msk [tilespmem:v34+s17+$0x0], $0xffff;
	v27, _, _ =	vpop (xrf0);
	v30 =	vand.u32 $0x7F, v58;
	v42 =	vadd.s32 s9, v60  }
0x704: {  	s21 =	sshll.u32 s21, $0x7;
	[tilespmem:s8+$0xFFFFFFA0] =	vst v43;
	v61 =	vld.idx.msk [tilespmem:v39+s17+$0x0], $0xffff;
	v30 =	vor.u32 v30, v42;
	v44, _, _ =	vpop (xrf0)  }
0x705: {  	s24 =	sadd.s32 $0x80, s21;
	v57 =	vld [tilespmem:s12+$0xFFFFFFB0];
	[tilespmem:s1+$0x40] =	vst v55;
	v62 =	vand.u32 $0xFFFFFF80, v44  }
0x706: {  	v59 =	vld [tilespmem:s20+$0x50];
	v51 =	vmul.f32 v7, v35;
	v46 =	vand.u32 $0x7F, v44;
	v42 =	vadd.s32 s24, v62  }
0x707: {  	v63 =	vld.idx.msk [tilespmem:v39+s16+$0x0], $0xffff;
	v42 =	vor.u32 v46, v42  }
0x708: {  	[tilespmem:s12+$0x30] =	vst v1;
	(xrf0) =	vadd.scan.msk.s32 $0xffff, v5;
	v5 =	vld.idx.msk [tilespmem:v34+s16+$0x0], $0xffff;
	v34 =	vadd.f32 v51, v37  }
0x709: {  	v56 =	vadd.s32 s7, v38;
	v36 =	vand.u32 $0x7F, v36;
	v53 =	vld.idx.msk [tilespmem:v30+s17+$0x0], $0xffff  }
0x70a: {  	v25 =	vadd.f32 v25, v33;
	v43 =	vmul.f32 v12, v61;
	(xrf0) =	vadd.scan.msk.s32 $0xffff, v57;
	v30 =	vld.idx.msk [tilespmem:v30+s16+$0x0], $0xffff;
	[tilespmem:s14+$0x10] =	vst v34  }
0x70b: {  	[tilespmem:s13+$0x0] =	vst v1;
	v36 =	vor.u32 v36, v56;
	v52 =	vadd.s32 v23, v27;
	(xrf0) =	vadd.scan.msk.s32 $0xffff, v59;
	v47 =	vld [tilespmem:s10+$0x20]  }
0x70c: {  	[tilespmem:s26+$0xFFFFFFE0] =	vst v25;
	v54 =	vand.u32 $0xFFFFFF80, v52;
	v45 =	vmul.f32 v7, v45;
	v39 =	vadd.f32 v43, v63;
	v46 =	vld.idx.msk [tilespmem:v42+s17+$0x0], $0xffff  }
0x70d: {  	v48 =	vperm.xlane v32, v2;
	v38 =	vand.u32 $0x7F, v52;
	v60 =	vld [tilespmem:s28+$0xFFFFFFF0];
	v41 =	vadd.s32 s18, v54  }
0x70e: {  	v38 =	vor.u32 v38, v41;
	[tilespmem:s6+$0x60] =	vst v39;
	v5 =	vadd.f32 v45, v5;
	v42 =	vld.idx.msk [tilespmem:v42+s16+$0x0], $0xffff  }
0x70f: {  	v28 =	vadd.s32 v28, v48;
	v59 =	vld [tilespmem:s31+$0x70];
	v34, _, _ =	vpop (xrf0);
	v37 =	vmul.f32 v9, v53  }
0x710: {  	v35 =	vld.idx.msk [tilespmem:v36+s17+$0x0], $0xffff;
	v55 =	vand.u32 $0xFFFFFF80, v34;
	v32, _, _ =	vpop (xrf0);
	v56 =	vand.u32 $0x7F, v34;
	[tilespmem:s14+$0xFFFFFF90] =	vst v5;
	(xrf0) =	vadd.scan.msk.s32 $0xffff, v47  }
0x711: {  	v33, _, _ =	vpop (xrf0);
	v57 =	vadd.s32 s21, v55;
	v49 =	vld [tilespmem:s10+$0xFFFFFFA0];
	v5 =	vadd.f32 v37, v30;
	v62 =	vmul.f32 v6, v46  }
0x712: {  	v36 =	vld.idx.msk [tilespmem:v36+s16+$0x0], $0xffff;
	v58 =	vadd.s32 v28, v33;
	v25 =	vor.u32 v56, v57  }
0x713: {  	v50 =	vld.idx.msk [tilespmem:v38+s17+$0x0], $0xffff;
	v61 =	vand.u32 $0xFFFFFF80, v58;
	[tilespmem:s8+$0x30] =	vst v5;
	v5 =	vadd.f32 v62, v42  }
0x714: {  	s23 =	sadd.s32 $0x100, s14;
	v31 =	vperm.xlane v31, v2;
	(xrf0) =	vadd.scan.msk.s32 $0xffff, v59;
	v63 =	vand.u32 $0x7F, v58;
	v48 =	vadd.s32 s22, v61;
	v51 =	vld [tilespmem:s12+$0x40]  }
0x715: {  	v38 =	vld.idx.msk [tilespmem:v38+s16+$0x0], $0xffff;
	(xrf0) =	vadd.scan.msk.s32 $0xffff, v60;
	v37 =	vor.u32 v63, v48;
	[tilespmem:s23+$0x0] =	vst v5  }
0x716: {  	[tilespmem:s13+$0xFFFFFF80] =	vst v1;
	(xrf0) =	vadd.scan.msk.s32 $0xffff, v49;
	v45, _, _ =	vpop (xrf0);
	v42 =	vadd.s32 v24, v31;
	v52 =	vld [tilespmem:s13+$0x10]  }
0x717: {  	v54 =	vld.idx.msk [tilespmem:v25+s17+$0x0], $0xffff;
	v24 =	vadd.s32 v42, v45  }
0x718: {  	v35 =	vmul.f32 v11, v35;
	v59 =	vand.u32 $0xFFFFFF80, v24;
	v24 =	vand.u32 $0x7F, v24  }
0x719: {  	[tilespmem:s20+$0x50] =	vst v1;
	v58 =	vmul.f32 v10, v50;
	v57 =	vld.idx.msk [tilespmem:v25+s16+$0x0], $0xffff;
	(xrf0) =	vadd.scan.msk.s32 $0xffff, v51  }
0x71a: {  	v35 =	vadd.f32 v35, v36;
	v25, _, _ =	vpop (xrf0);
	v5 =	vadd.s32 v26, v32;
	v56 =	vld.idx.msk [tilespmem:v37+s17+$0x0], $0xffff;
	v60 =	vadd.s32 s4, v59  }
0x71b: {  	v38 =	vadd.f32 v58, v38;
	v53 =	vand.u32 $0xFFFFFF80, v5;
	v61 =	vor.u32 v24, v60;
	v24, _, _ =	vpop (xrf0);
	(xrf0) =	vadd.scan.msk.s32 $0xffff, v52  }
0x71c: {  	v37 =	vld.idx.msk [tilespmem:v37+s16+$0x0], $0xffff;
	v5 =	vand.u32 $0x7F, v5;
	v55 =	vadd.s32 s19, v53;
	v43 =	vmul.f32 v6, v54;
	v30, _, _ =	vpop (xrf0)  }
0x71d: {  	[tilespmem:s6+$0xFFFFFFD0] =	vst v35;
	v62 =	vperm.xlane v40, v2;
	v5 =	vor.u32 v5, v55;
	v50 =	vadd.s32 v22, v30  }
0x71e: {  	[tilespmem:s1+$0xFFFFFFC0] =	vst v38;
	v41 =	vadd.f32 v43, v57;
	v57 =	vld [tilespmem:s31+$0xFFFFFFE0];
	v43 =	vand.u32 $0x7F, v50  }
0x71f: {  	[tilespmem:s10+$0x20] =	vst v1;
	v0 =	vadd.s32 v0, v62;
	v31 =	vmul.f32 v11, v56;
	v51 =	vand.u32 $0xFFFFFF80, v50;
	v46, _, _ =	vpop (xrf0);
	v52 =	vld [tilespmem:s20+$0xFFFFFFD0]  }
0x720: {  	v44 =	vperm.xlane v44, v2;
	v38 =	vadd.s32 s2, v51;
	v53 =	vadd.s32 v0, v46;
	v54 =	vld.idx.msk [tilespmem:v61+s17+$0x0], $0xffff  }
0x721: {  	[tilespmem:s12+$0xFFFFFFB0] =	vst v1;
	v31 =	vadd.f32 v31, v37;
	v39 =	vld.idx.msk [tilespmem:v61+s16+$0x0], $0xffff;
	v55 =	vor.u32 v43, v38;
	v56 =	vand.u32 $0xFFFFFF80, v53;
	v43, _, _ =	vpop (xrf0)  }
0x722: {  	[tilespmem:s23+$0xFFFFFF80] =	vst v41;
	v63 =	vld.idx.msk [tilespmem:v5+s17+$0x0], $0xffff;
	v47 =	vand.u32 $0x7F, v53;
	v38 =	vadd.s32 s9, v56;
	v49 =	vadd.s32 v44, v43  }
0x723: {  	v59 =	vld [tilespmem:s13+$0xFFFFFF90];
	v38 =	vor.u32 v47, v38;
	v58 =	vand.u32 $0xFFFFFF80, v49  }
0x724: {  	v5 =	vld.idx.msk [tilespmem:v5+s16+$0x0], $0xffff;
	[tilespmem:s1+$0x50] =	vst v31;
	v60 =	vand.u32 $0x7F, v49;
	v41 =	vadd.s32 s24, v58  }
0x725: {  	[tilespmem:s10+$0xFFFFFFA0] =	vst v1;
	v61 =	vld [tilespmem:s20+$0x60];
	v31 =	vor.u32 v60, v41  }
0x726: {  	v35 =	vmul.f32 v8, v54;
	v62 =	vld.idx.msk [tilespmem:v55+s17+$0x0], $0xffff  }
0x727: {  	[tilespmem:s12+$0x40] =	vst v1;
	(xrf0) =	vadd.scan.msk.s32 $0xffff, v52;
	v37 =	vld.idx.msk [tilespmem:v55+s16+$0x0], $0xffff;
	v40 =	vmul.f32 v9, v63  }
0x728: {  	(xrf0) =	vadd.scan.msk.s32 $0xffff, v57;
	v35 =	vadd.f32 v35, v39;
	v50 =	vld.idx.msk [tilespmem:v38+s17+$0x0], $0xffff  }
0x729: {  	[tilespmem:s13+$0x10] =	vst v1;
	(xrf0) =	vadd.scan.msk.s32 $0xffff, v59;
	v63 =	vld.idx.msk [tilespmem:v38+s16+$0x0], $0xffff;
	v5 =	vadd.f32 v40, v5  }
0x72a: {  	v52 =	vadd.s32 v14, v20;
	(xrf0) =	vadd.scan.msk.s32 $0xffff, v61;
	[tilespmem:s5+$0x20] =	vst v35;
	v51 =	vld.idx.msk [tilespmem:v31+s17+$0x0], $0xffff  }
0x72b: {  	v53 =	vand.u32 $0xFFFFFF80, v52;
	[tilespmem:s8+$0xFFFFFFB0] =	vst v5;
	v5 =	vld [tilespmem:s10+$0x30];
	v54 =	vmul.f32 v8, v62  }
0x72c: {  	v56 =	vand.u32 $0x7F, v52;
	v57 =	vadd.s32 s3, v53;
	v61 =	vperm.xlane v27, v2;
	v55 =	vld.idx.msk [tilespmem:v31+s16+$0x0], $0xffff  }
0x72d: {  	v59 =	vld [tilespmem:s12+$0xFFFFFFC0];
	v62 =	vperm.xlane v33, v2;
	v58 =	vmul.f32 v10, v50;
	v35 =	vadd.f32 v54, v37;
	v31, _, _ =	vpop (xrf0)  }
0x72e: {  	v32 =	vperm.xlane v32, v2;
	v39 =	vor.u32 v56, v57;
	v33 =	vadd.s32 v23, v61;
	v27, _, _ =	vpop (xrf0)  }
0x72f: {  	v23 =	vadd.s32 v28, v62;
	v36 =	vadd.f32 v58, v63;
	[tilespmem:s5+$0xFFFFFFA0] =	vst v35;
	v48, _, _ =	vpop (xrf0);
	v60 =	vmul.f32 v7, v51  }
0x730: {  	v35 =	vperm.xlane v34, v2;
	(xrf0) =	vadd.scan.msk.s32 $0xffff, v5;
	v34 =	vadd.s32 v26, v32;
	v56 =	vadd.s32 v33, v31;
	v28, _, _ =	vpop (xrf0)  }
0x731: {  	v63 =	vld [tilespmem:s10+$0xFFFFFFB0];
	v58 =	vand.u32 $0xFFFFFF80, v56;
	[tilespmem:s8+$0x40] =	vst v36;
	v40 =	vadd.s32 v23, v28;
	v49 =	vadd.f32 v60, v55  }
0x732: {  	(xrf0) =	vadd.scan.msk.s32 $0xffff, v59;
	v26 =	vand.u32 $0x7F, v56;
	v59 =	vadd.s32 s18, v58;
	v5 =	vld [tilespmem:s12+$0x50];
	v53 =	vand.u32 $0xFFFFFF80, v40  }
0x733: {  	v26 =	vor.u32 v26, v59;
	v51 =	vadd.s32 v35, v48;
	v41 =	vadd.s32 s22, v53;
	[tilespmem:s23+$0x10] =	vst v49  }
0x734: {  	v40 =	vand.u32 $0x7F, v40;
	v52 =	vand.u32 $0xFFFFFF80, v51;
	v55 =	vperm.xlane v45, v2;
	v54 =	vld [tilespmem:s13+$0x20]  }
0x735: {  	v38 =	vand.u32 $0x7F, v51;
	v36 =	vadd.s32 s21, v52;
	v40 =	vor.u32 v40, v41  }
0x736: {  	v50 =	vld.idx.msk [tilespmem:v39+s17+$0x0], $0xffff;
	(xrf0) =	vadd.scan.msk.s32 $0xffff, v63;
	v57 =	vor.u32 v38, v36;
	v38 =	vadd.s32 v42, v55;
	v41, _, _ =	vpop (xrf0)  }
0x737: {  	[tilespmem:s20+$0xFFFFFFD0] =	vst v1;
	(xrf0) =	vadd.scan.msk.s32 $0xffff, v5;
	v42 =	vadd.s32 v38, v41  }
0x738: {  	v46 =	vperm.xlane v46, v2;
	[tilespmem:s20+$0x60] =	vst v1;
	v39 =	vld.idx.msk [tilespmem:v39+s16+$0x0], $0xffff;
	v36, _, _ =	vpop (xrf0);
	v60 =	vand.u32 $0xFFFFFF80, v42  }
0x739: {  	v51 =	vld.idx.msk [tilespmem:v26+s17+$0x0], $0xffff;
	v61 =	vadd.s32 v34, v36;
	v42 =	vand.u32 $0x7F, v42;
	v37 =	vadd.s32 s4, v60;
	(xrf0) =	vadd.scan.msk.s32 $0xffff, v54  }
0x73a: {  	[tilespmem:s13+$0xFFFFFF90] =	vst v1;
	v43 =	vperm.xlane v43, v2;
	v62 =	vld.idx.msk [tilespmem:v40+s17+$0x0], $0xffff;
	v56 =	vand.u32 $0xFFFFFF80, v61;
	v42 =	vor.u32 v42, v37  }
0x73b: {  	v5 =	vmul.f32 v12, v50;
	v45 =	vand.u32 $0x7F, v61;
	v63 =	vld.idx.msk [tilespmem:v57+s17+$0x0], $0xffff;
	v50 =	vadd.s32 s19, v56  }
0x73c: {  	v40 =	vld.idx.msk [tilespmem:v40+s16+$0x0], $0xffff;
	v45 =	vor.u32 v45, v50;
	v37, _, _ =	vpop (xrf0)  }
0x73d: {  	v0 =	vadd.s32 v0, v46;
	v43 =	vadd.s32 v44, v43;
	v32 =	vld.idx.msk [tilespmem:v57+s16+$0x0], $0xffff;
	v46, _, _ =	vpop (xrf0)  }
0x73e: {  	[tilespmem:s10+$0x30] =	vst v1;
	v26 =	vld.idx.msk [tilespmem:v26+s16+$0x0], $0xffff;
	v5 =	vadd.f32 v5, v39;
	v57 =	vadd.s32 v0, v46  }
0x73f: {  	v47 =	vmul.f32 v12, v62;
	v58 =	vand.u32 $0xFFFFFF80, v57;
	v50 =	vand.u32 $0x7F, v57;
	v53 =	vld.idx.msk [tilespmem:v42+s17+$0x0], $0xffff;
	v44, _, _ =	vpop (xrf0)  }
0x740: {  	[tilespmem:s12+$0xFFFFFFC0] =	vst v1;
	v42 =	vld.idx.msk [tilespmem:v42+s16+$0x0], $0xffff;
	v49 =	vmul.f32 v7, v63;
	v39 =	vadd.s32 s9, v58;
	v52 =	vadd.s32 v43, v44  }
0x741: {  	[tilespmem:s0+$0xFFFFFFE0] =	vst v5;
	v60 =	vld.idx.msk [tilespmem:v45+s17+$0x0], $0xffff;
	v40 =	vadd.f32 v47, v40;
	v5 =	vor.u32 v50, v39;
	v59 =	vand.u32 $0xFFFFFF80, v52  }
0x742: {  	v45 =	vld.idx.msk [tilespmem:v45+s16+$0x0], $0xffff;
	v32 =	vadd.f32 v49, v32;
	v52 =	vand.u32 $0x7F, v52;
	v39 =	vadd.s32 s24, v59  }
0x743: {  	v50 =	vld [tilespmem:s29+$0xFFFFFFF0];
	[tilespmem:s1+$0x60] =	vst v40;
	v39 =	vor.u32 v52, v39  }
0x744: {  	v63 =	vld [tilespmem:s20+$0x70];
	[tilespmem:s23+$0xFFFFFF90] =	vst v32;
	v53 =	vmul.f32 v9, v53  }
0x745: {  	[tilespmem:s12+$0x50] =	vst v1;
	v56 =	vld [tilespmem:s13+$0xFFFFFFA0]  }
0x746: {  	v61 =	vld.idx.msk [tilespmem:v5+s17+$0x0], $0xffff;
	v42 =	vadd.f32 v53, v42  }
0x747: {  	[tilespmem:s13+$0x20] =	vst v1;
	v5 =	vld.idx.msk [tilespmem:v5+s16+$0x0], $0xffff  }
0x748: {  	[tilespmem:s5+$0x30] =	vst v42;
	v62 =	vld.idx.msk [tilespmem:v39+s17+$0x0], $0xffff  }
0x749: {  	v52 =	vmul.f32 v10, v60;
	v59 =	vld [tilespmem:s10+$0x40]  }
0x74a: {  	v55 =	vmul.f32 v11, v51;
	v39 =	vld.idx.msk [tilespmem:v39+s16+$0x0], $0xffff  }
0x74b: {  	v57 =	vadd.f32 v52, v45;
	v58 =	vmul.f32 v11, v61  }
0x74c: {  	v30 =	vperm.xlane v30, v2;
	v26 =	vadd.f32 v55, v26;
	(xrf0) =	vadd.scan.msk.s32 $0xffff, v63  }
0x74d: {  	(xrf0) =	vadd.scan.msk.s32 $0xffff, v50;
	[tilespmem:s8+$0xFFFFFFC0] =	vst v57;
	v5 =	vadd.f32 v58, v5;
	v60 =	vmul.f32 v8, v62  }
0x74e: {  	v29 =	vperm.xlane v29, v2;
	[tilespmem:s1+$0xFFFFFFD0] =	vst v26;
	(xrf0) =	vadd.scan.msk.s32 $0xffff, v56;
	v61 =	vld [tilespmem:s12+$0xFFFFFFD0]  }
0x74f: {  	v42 =	vadd.s32 v22, v30;
	(xrf0) =	vadd.scan.msk.s32 $0xffff, v59;
	[tilespmem:s8+$0x50] =	vst v5;
	v62 =	vld [tilespmem:s20+$0xFFFFFFE0];
	v5 =	vadd.f32 v60, v39  }
0x750: {  	v21 =	vadd.s32 v21, v29;
	v30 =	vadd.s32 v42, v37;
	v63 =	vld [tilespmem:s12+$0x60]  }
0x751: {  	v47 =	vadd.s32 v21, v27;
	v50 =	vand.u32 $0xFFFFFF80, v30;
	[tilespmem:s23+$0x20] =	vst v5  }
0x752: {  	v52 =	vand.u32 $0x7F, v30;
	v53 =	vadd.s32 s2, v50;
	v29, _, _ =	vpop (xrf0);
	v5 =	vld [tilespmem:s13+$0x30]  }
0x753: {  	v51 =	vperm.xlane v41, v2;
	v45 =	vperm.xlane v48, v2;
	v26, _, _ =	vpop (xrf0);
	(xrf0) =	vadd.scan.msk.s32 $0xffff, v61;
	v39 =	vor.u32 v52, v53  }
0x754: {  	v48 =	vand.u32 $0xFFFFFF80, v47;
	v22 =	vand.u32 $0x7F, v47;
	v47, _, _ =	vpop (xrf0);
	(xrf0) =	vadd.scan.msk.s32 $0xffff, v62  }
0x755: {  	v38 =	vadd.s32 v38, v51;
	v49 =	vadd.s32 s7, v48;
	v45 =	vadd.s32 v35, v45;
	v40, _, _ =	vpop (xrf0);
	(xrf0) =	vadd.scan.msk.s32 $0xffff, v63  }
0x756: {  	[tilespmem:s10+$0xFFFFFFB0] =	vst v1;
	v41 =	vor.u32 v22, v49;
	v54 =	vadd.s32 v45, v47;
	v55 =	vadd.s32 v38, v40  }
0x757: {  	v22 =	vand.u32 $0x7F, v54;
	v56 =	vand.u32 $0xFFFFFF80, v55;
	(xrf0) =	vadd.scan.msk.s32 $0xffff, v5;
	v5 =	vand.u32 $0xFFFFFF80, v54  }
0x758: {  	v32 =	vadd.s32 s4, v56;
	v58 =	vld.idx.msk [tilespmem:v39+s17+$0x0], $0xffff;
	v5 =	vadd.s32 s21, v5  }
0x759: {  	v46 =	vperm.xlane v46, v2;
	v35, _, _ =	vpop (xrf0);
	v30 =	vand.u32 $0x7F, v55;
	v5 =	vor.u32 v22, v5  }
0x75a: {  	v57 =	vor.u32 v30, v32;
	v22, _, _ =	vpop (xrf0)  }
0x75b: {  	v39 =	vld.idx.msk [tilespmem:v39+s16+$0x0], $0xffff;
	v30 =	vadd.s32 v0, v46;
	v0 =	vperm.xlane v44, v2;
	v32, _, _ =	vpop (xrf0)  }
0x75c: {  	[tilespmem:s31+$0xFFFFFFE0] =	vst v1;
	v46 =	vadd.s32 v30, v32  }
0x75d: {  	[tilespmem:s13+$0xFFFFFFA0] =	vst v1;
	v44 =	vld.idx.msk [tilespmem:v41+s17+$0x0], $0xffff;
	v0 =	vadd.s32 v43, v0;
	v49 =	vmul.f32 v9, v58;
	v59 =	vand.u32 $0xFFFFFF80, v46;
	v43, _, _ =	vpop (xrf0)  }
0x75e: {  	[tilespmem:s10+$0x40] =	vst v1;
	v46 =	vand.u32 $0x7F, v46;
	v50 =	vadd.s32 s9, v59;
	v60 =	vadd.s32 v0, v43;
	v61 =	vld.idx.msk [tilespmem:v5+s17+$0x0], $0xffff  }
0x75f: {  	v63 =	vld.idx.msk [tilespmem:v57+s17+$0x0], $0xffff;
	v46 =	vor.u32 v46, v50;
	v62 =	vand.u32 $0xFFFFFF80, v60  }
0x760: {  	v39 =	vadd.f32 v49, v39;
	v5 =	vld.idx.msk [tilespmem:v5+s16+$0x0], $0xffff;
	v51 =	vand.u32 $0x7F, v60;
	v50 =	vadd.s32 s24, v62  }
0x761: {  	v48 =	vld.idx.msk [tilespmem:v57+s16+$0x0], $0xffff;
	v50 =	vor.u32 v51, v50  }
0x762: {  	v41 =	vld.idx.msk [tilespmem:v41+s16+$0x0], $0xffff;
	[tilespmem:s5+$0xFFFFFFB0] =	vst v39  }
0x763: {  	[tilespmem:s12+$0x60] =	vst v1;
	v60 =	vld [tilespmem:s10+$0xFFFFFFC0];
	v56 =	vmul.f32 v8, v61  }
0x764: {  	v58 =	vmul.f32 v10, v63;
	v57 =	vld.idx.msk [tilespmem:v46+s17+$0x0], $0xffff  }
0x765: {  	[tilespmem:s13+$0x30] =	vst v1;
	v46 =	vld.idx.msk [tilespmem:v46+s16+$0x0], $0xffff;
	v5 =	vadd.f32 v56, v5  }
0x766: {  	v48 =	vadd.f32 v58, v48;
	v59 =	vld.idx.msk [tilespmem:v50+s17+$0x0], $0xffff  }
0x767: {  	[tilespmem:s23+$0xFFFFFFA0] =	vst v5;
	v5 =	vld.idx.msk [tilespmem:v50+s16+$0x0], $0xffff  }
0x768: {  	[tilespmem:s5+$0x40] =	vst v48;
	v61 =	vld [tilespmem:s13+$0xFFFFFFB0]  }
0x769: {  	v63 =	vld [tilespmem:s10+$0x50];
	v62 =	vmul.f32 v12, v57  }
0x76a: {  	v44 =	vmul.f32 v12, v44  }
0x76b: {  	v46 =	vadd.f32 v62, v46;
	v39 =	vmul.f32 v9, v59  }
0x76c: {  	v41 =	vadd.f32 v44, v41;
	(xrf0) =	vadd.scan.msk.s32 $0xffff, v60  }
0x76d: {  	[tilespmem:s8+$0x60] =	vst v46;
	v5 =	vadd.f32 v39, v5;
	(xrf0) =	vadd.scan.msk.s32 $0xffff, v61  }
0x76e: {  	v36 =	vperm.xlane v36, v2;
	[tilespmem:s6+$0xFFFFFFE0] =	vst v41;
	v54 =	vld [tilespmem:s12+$0x70];
	(xrf0) =	vadd.scan.msk.s32 $0xffff, v63  }
0x76f: {  	v55 =	vld [tilespmem:s31+$0xFFFFFFF0];
	[tilespmem:s23+$0x30] =	vst v5  }
0x770: {  	v40 =	vperm.xlane v40, v2;
	v39 =	vadd.s32 v34, v36;
	v5 =	vperm.xlane v37, v2;
	v56 =	vld [tilespmem:s13+$0x40]  }
0x771: {  	v34 =	vadd.s32 v39, v35  }
0x772: {  	v57 =	vand.u32 $0xFFFFFF80, v34;
	v5 =	vadd.s32 v42, v5;
	v42, _, _ =	vpop (xrf0)  }
0x773: {  	v34 =	vand.u32 $0x7F, v34;
	v36 =	vadd.s32 s19, v57;
	v58 =	vadd.s32 v5, v42;
	(xrf0) =	vadd.scan.msk.s32 $0xffff, v54;
	v48, _, _ =	vpop (xrf0)  }
0x774: {  	v38 =	vadd.s32 v38, v40;
	v63 =	vor.u32 v34, v36;
	v59 =	vand.u32 $0xFFFFFF80, v58;
	(xrf0) =	vadd.scan.msk.s32 $0xffff, v55;
	v40, _, _ =	vpop (xrf0)  }
0x775: {  	v60 =	vand.u32 $0x7F, v58;
	v41 =	vadd.s32 s2, v59;
	(xrf0) =	vadd.scan.msk.s32 $0xffff, v56;
	v61 =	vadd.s32 v38, v40  }
0x776: {  	v62 =	vperm.xlane v47, v2;
	v37 =	vor.u32 v60, v41;
	v54 =	vand.u32 $0xFFFFFF80, v61  }
0x777: {  	v43 =	vperm.xlane v43, v2;
	v55 =	vand.u32 $0x7F, v61;
	v34 =	vadd.s32 s4, v54  }
0x778: {  	[tilespmem:s12+$0xFFFFFFD0] =	vst v1;
	v41 =	vadd.s32 v45, v62;
	v56 =	vor.u32 v55, v34  }
0x779: {  	v45 =	vadd.s32 v41, v48;
	v59 =	vld.idx.msk [tilespmem:v63+s17+$0x0], $0xffff;
	v36, _, _ =	vpop (xrf0)  }
0x77a: {  	[tilespmem:s10+$0xFFFFFFC0] =	vst v1;
	v46 =	vld.idx.msk [tilespmem:v63+s16+$0x0], $0xffff;
	v58 =	vand.u32 $0xFFFFFF80, v45;
	v34, _, _ =	vpop (xrf0)  }
0x77b: {  	v0 =	vadd.s32 v0, v43;
	v45 =	vand.u32 $0x7F, v45;
	v49 =	vadd.s32 s21, v58;
	v57 =	vld.idx.msk [tilespmem:v37+s17+$0x0], $0xffff;
	v43, _, _ =	vpop (xrf0)  }
0x77c: {  	[tilespmem:s10+$0x50] =	vst v1;
	v45 =	vor.u32 v45, v49;
	v37 =	vld.idx.msk [tilespmem:v37+s16+$0x0], $0xffff;
	v60 =	vadd.s32 v0, v43  }
0x77d: {  	v61 =	vand.u32 $0xFFFFFF80, v60;
	v62 =	vld.idx.msk [tilespmem:v56+s17+$0x0], $0xffff  }
0x77e: {  	v50 =	vmul.f32 v11, v59;
	v51 =	vand.u32 $0x7F, v60;
	v49 =	vadd.s32 s24, v61  }
0x77f: {  	v44 =	vld.idx.msk [tilespmem:v56+s16+$0x0], $0xffff;
	v49 =	vor.u32 v51, v49  }
0x780: {  	[tilespmem:s13+$0xFFFFFFB0] =	vst v1;
	v46 =	vadd.f32 v50, v46;
	v47 =	vmul.f32 v10, v57  }
0x781: {  	v63 =	vld.idx.msk [tilespmem:v45+s17+$0x0], $0xffff  }
0x782: {  	v45 =	vld.idx.msk [tilespmem:v45+s16+$0x0], $0xffff;
	[tilespmem:s8+$0xFFFFFFD0] =	vst v46;
	v37 =	vadd.f32 v47, v37;
	v54 =	vmul.f32 v11, v62  }
0x783: {  	[tilespmem:s13+$0x40] =	vst v1;
	v58 =	vld [tilespmem:s12+$0xFFFFFFE0]  }
0x784: {  	[tilespmem:s5+$0xFFFFFFC0] =	vst v37;
	v55 =	vld.idx.msk [tilespmem:v49+s17+$0x0], $0xffff;
	v44 =	vadd.f32 v54, v44  }
0x785: {  	v56 =	vld [tilespmem:s10+$0xFFFFFFD0]  }
0x786: {  	v57 =	vld.idx.msk [tilespmem:v49+s16+$0x0], $0xffff;
	[tilespmem:s5+$0x50] =	vst v44  }
0x787: {  	v47 =	vmul.f32 v9, v63;
	v44 =	vld [tilespmem:s10+$0x60];
	_ =	sdelay $0x1  }
0x788: {  	v45 =	vadd.f32 v47, v45;
	v37 =	vmul.f32 v10, v55  }
0x789: {  	(xrf0) =	vadd.scan.msk.s32 $0xffff, v56  }
0x78a: {  	[tilespmem:s23+$0xFFFFFFB0] =	vst v45;
	(xrf0) =	vadd.scan.msk.s32 $0xffff, v58;
	v37 =	vadd.f32 v37, v57  }
0x78b: {  	v45 =	vld [tilespmem:s13+$0xFFFFFFC0];
	(xrf0) =	vadd.scan.msk.s32 $0xffff, v44  }
0x78c: {  	v31 =	vperm.xlane v31, v2;
	[tilespmem:s23+$0x40] =	vst v37  }
0x78d: {  	v59 =	vld [tilespmem:s13+$0x50];
	_ =	sdelay $0x1  }
0x78e: {  	v40 =	vperm.xlane v40, v2;
	v61 =	vperm.xlane v42, v2;
	v42, _, _ =	vpop (xrf0)  }
0x78f: {  	v33 =	vadd.s32 v33, v31;
	v43 =	vperm.xlane v43, v2;
	(xrf0) =	vadd.scan.msk.s32 $0xffff, v45;
	v31, _, _ =	vpop (xrf0)  }
0x790: {  	v60 =	vadd.s32 v33, v22;
	v5 =	vadd.s32 v5, v61;
	v37 =	vadd.s32 v38, v40;
	v38, _, _ =	vpop (xrf0)  }
0x791: {  	v62 =	vand.u32 $0xFFFFFF80, v60;
	v63 =	vperm.xlane v48, v2;
	(xrf0) =	vadd.scan.msk.s32 $0xffff, v59;
	v50 =	vadd.s32 v37, v38  }
0x792: {  	v48 =	vand.u32 $0x7F, v60;
	v49 =	vadd.s32 s18, v62;
	v45 =	vand.u32 $0x7F, v50  }
0x793: {  	v44 =	vadd.s32 v41, v63;
	v52 =	vadd.s32 v5, v42;
	v51 =	vand.u32 $0xFFFFFF80, v50  }
0x794: {  	v40 =	vor.u32 v48, v49;
	v53 =	vand.u32 $0xFFFFFF80, v52;
	v41 =	vadd.s32 s4, v51  }
0x795: {  	v46 =	vand.u32 $0x7F, v52;
	v47 =	vadd.s32 s2, v53;
	v41 =	vor.u32 v45, v41;
	v45, _, _ =	vpop (xrf0)  }
0x796: {  	v46 =	vor.u32 v46, v47;
	v54 =	vadd.s32 v44, v45  }
0x797: {  	v0 =	vadd.s32 v0, v43;
	v55 =	vand.u32 $0xFFFFFF80, v54;
	v43, _, _ =	vpop (xrf0)  }
0x798: {  	[tilespmem:s20+$0xFFFFFFE0] =	vst v1;
	v48 =	vand.u32 $0x7F, v54;
	v47 =	vadd.s32 s21, v55;
	v56 =	vadd.s32 v0, v43  }
0x799: {  	v57 =	vld.idx.msk [tilespmem:v40+s17+$0x0], $0xffff;
	v47 =	vor.u32 v48, v47;
	v58 =	vand.u32 $0xFFFFFF80, v56  }
0x79a: {  	[tilespmem:s10+$0xFFFFFFD0] =	vst v1;
	v40 =	vld.idx.msk [tilespmem:v40+s16+$0x0], $0xffff;
	v49 =	vand.u32 $0x7F, v56;
	v48 =	vadd.s32 s24, v58  }
0x79b: {  	[tilespmem:s10+$0x60] =	vst v1;
	v60 =	vld.idx.msk [tilespmem:v46+s17+$0x0], $0xffff;
	v48 =	vor.u32 v49, v48  }
0x79c: {  	v59 =	vld.idx.msk [tilespmem:v41+s17+$0x0], $0xffff  }
0x79d: {  	[tilespmem:s13+$0xFFFFFFC0] =	vst v1;
	v41 =	vld.idx.msk [tilespmem:v41+s16+$0x0], $0xffff  }
0x79e: {  	v61 =	vld.idx.msk [tilespmem:v47+s17+$0x0], $0xffff  }
0x79f: {  	[tilespmem:s13+$0x50] =	vst v1;
	v47 =	vld.idx.msk [tilespmem:v47+s16+$0x0], $0xffff  }
0x7a0: {  	v62 =	vld.idx.msk [tilespmem:v48+s17+$0x0], $0xffff  }
0x7a1: {  	v46 =	vld.idx.msk [tilespmem:v46+s16+$0x0], $0xffff;
	v51 =	vmul.f32 v12, v59  }
0x7a2: {  	v50 =	vmul.f32 v12, v57;
	v48 =	vld.idx.msk [tilespmem:v48+s16+$0x0], $0xffff  }
0x7a3: {  	v41 =	vadd.f32 v51, v41;
	v63 =	vmul.f32 v10, v61  }
0x7a4: {  	v40 =	vadd.f32 v50, v40;
	v49 =	vmul.f32 v11, v60  }
0x7a5: {  	[tilespmem:s5+$0x60] =	vst v41;
	v52 =	vadd.f32 v63, v47;
	v54 =	vmul.f32 v11, v62  }
0x7a6: {  	[tilespmem:s1+$0xFFFFFFE0] =	vst v40;
	v46 =	vadd.f32 v49, v46;
	v55 =	vld [tilespmem:s10+$0x70]  }
0x7a7: {  	v56 =	vld [tilespmem:s20+$0xFFFFFFF0];
	[tilespmem:s23+$0xFFFFFFC0] =	vst v52;
	v57 =	vadd.f32 v54, v48  }
0x7a8: {  	[tilespmem:s5+$0xFFFFFFD0] =	vst v46;
	v58 =	vld [tilespmem:s13+$0xFFFFFFD0]  }
0x7a9: {  	v59 =	vld [tilespmem:s10+$0xFFFFFFE0];
	[tilespmem:s23+$0x50] =	vst v57  }
0x7aa: {  	v41 =	vld [tilespmem:s13+$0x60]  }
0x7ab: {  	(xrf0) =	vadd.scan.msk.s32 $0xffff, v55  }
0x7ac: {  	(xrf0) =	vadd.scan.msk.s32 $0xffff, v56  }
0x7ad: {  	(xrf0) =	vadd.scan.msk.s32 $0xffff, v58  }
0x7ae: {  	(xrf0) =	vadd.scan.msk.s32 $0xffff, v59  }
0x7af: {  	(xrf0) =	vadd.scan.msk.s32 $0xffff, v41;
	_ =	sdelay $0x1  }
0x7b0: {  	v35 =	vperm.xlane v35, v2;
	v46, _, _ =	vpop (xrf0)  }
0x7b1: {  	v40, _, _ =	vpop (xrf0)  }
0x7b2: {  	v35 =	vadd.s32 v39, v35;
	v45 =	vperm.xlane v45, v2;
	v60 =	vperm.xlane v43, v2;
	v47, _, _ =	vpop (xrf0)  }
0x7b3: {  	v61 =	vadd.s32 v35, v31;
	v39, _, _ =	vpop (xrf0)  }
0x7b4: {  	v44 =	vadd.s32 v44, v45;
	v62 =	vand.u32 $0xFFFFFF80, v61;
	v41 =	vadd.s32 v0, v60;
	v0, _, _ =	vpop (xrf0)  }
0x7b5: {  	v43 =	vand.u32 $0x7F, v61;
	v48 =	vadd.s32 s19, v62;
	v63 =	vadd.s32 v41, v0  }
0x7b6: {  	v43 =	vor.u32 v43, v48;
	v53 =	vadd.s32 v44, v47;
	v52 =	vand.u32 $0xFFFFFF80, v63  }
0x7b7: {  	v54 =	vand.u32 $0xFFFFFF80, v53;
	v49 =	vand.u32 $0x7F, v63;
	v45 =	vadd.s32 s24, v52  }
0x7b8: {  	v48 =	vand.u32 $0x7F, v53;
	v55 =	vadd.s32 s21, v54;
	v45 =	vor.u32 v49, v45  }
0x7b9: {  	v48 =	vor.u32 v48, v55;
	_ =	sdelay $0x1  }
0x7ba: {  	[tilespmem:s12+$0xFFFFFFE0] =	vst v1  }
0x7bb: {  	[tilespmem:s13+$0x60] =	vst v1;
	v56 =	vld.idx.msk [tilespmem:v43+s17+$0x0], $0xffff  }
0x7bc: {  	[tilespmem:s13+$0xFFFFFFD0] =	vst v1;
	v57 =	vld.idx.msk [tilespmem:v45+s17+$0x0], $0xffff  }
0x7bd: {  	v58 =	vld.idx.msk [tilespmem:v48+s17+$0x0], $0xffff  }
0x7be: {  	v45 =	vld.idx.msk [tilespmem:v45+s16+$0x0], $0xffff  }
0x7bf: {  	v43 =	vld.idx.msk [tilespmem:v43+s16+$0x0], $0xffff  }
0x7c0: {  	v48 =	vld.idx.msk [tilespmem:v48+s16+$0x0], $0xffff  }
0x7c1: {  	v50 =	vmul.f32 v12, v57  }
0x7c2: {  	v49 =	vmul.f32 v12, v56  }
0x7c3: {  	v59 =	vmul.f32 v11, v58;
	v45 =	vadd.f32 v50, v45  }
0x7c4: {  	v43 =	vadd.f32 v49, v43  }
0x7c5: {  	v60 =	vadd.f32 v59, v48;
	[tilespmem:s23+$0x60] =	vst v45  }
0x7c6: {  	[tilespmem:s8+$0xFFFFFFE0] =	vst v43;
	v61 =	vld [tilespmem:s13+$0x70]  }
0x7c7: {  	v62 =	vld [tilespmem:s12+$0xFFFFFFF0];
	[tilespmem:s23+$0xFFFFFFD0] =	vst v60  }
0x7c8: {  	v45 =	vld [tilespmem:s13+$0xFFFFFFE0];
	_ =	sdelay $0x2  }
0x7c9: {  	(xrf0) =	vadd.scan.msk.s32 $0xffff, v61  }
0x7ca: {  	(xrf0) =	vadd.scan.msk.s32 $0xffff, v62  }
0x7cb: {  	(xrf0) =	vadd.scan.msk.s32 $0xffff, v45;
	_ =	sdelay $0x1  }
0x7cc: {  	v42 =	vperm.xlane v42, v2  }
0x7cd: {  	v19 =	vperm.xlane v19, v2  }
0x7ce: {  	v5 =	vadd.s32 v5, v42;
	v63 =	vperm.xlane v47, v2;
	v47, _, _ =	vpop (xrf0)  }
0x7cf: {  	v17 =	vmul.f32 v13, v17;
	v18 =	vadd.s32 v18, v19;
	v42 =	vadd.s32 v5, v39;
	v48, _, _ =	vpop (xrf0)  }
0x7d0: {  	v18 =	vadd.s32 v25, v18;
	v51 =	vand.u32 $0xFFFFFF80, v42;
	v43 =	vadd.s32 v44, v63;
	v44, _, _ =	vpop (xrf0)  }
0x7d1: {  	v42 =	vand.u32 $0x7F, v42;
	v45 =	vadd.s32 s2, v51;
	v52 =	vadd.s32 v43, v44  }
0x7d2: {  	v25 =	vand.u32 $0xFFFFFF80, v18;
	v42 =	vor.u32 v42, v45;
	v53 =	vand.u32 $0xFFFFFF80, v52  }
0x7d3: {  	v18 =	vand.u32 $0x7F, v18;
	v54 =	vand.u32 $0x7F, v52;
	v55 =	vadd.s32 s21, v53  }
0x7d4: {  	v25 =	vadd.s32 s11, v25;
	v15 =	vadd.s32 v24, v15;
	v19 =	vor.u32 v54, v55  }
0x7d5: {  	v16 =	vadd.f32 v17, v16;
	v18 =	vor.u32 v18, v25;
	v24 =	vand.u32 $0xFFFFFF80, v15  }
0x7d6: {  	v15 =	vand.u32 $0x7F, v15;
	v24 =	vadd.s32 s30, v24;
	v22 =	vperm.xlane v22, v2;
	[tilespmem:s10+$0xFFFFFFE0] =	vst v1  }
0x7d7: {  	v15 =	vor.u32 v15, v24;
	v28 =	vperm.xlane v28, v2;
	v0 =	vperm.xlane v0, v2;
	v57 =	vld.idx.msk [tilespmem:v42+s17+$0x0], $0xffff  }
0x7d8: {  	v22 =	vadd.s32 v33, v22;
	v56 =	vperm.xlane v20, v2;
	[tilespmem:s13+$0xFFFFFFE0] =	vst v1;
	v59 =	vld.idx.msk [tilespmem:v42+s16+$0x0], $0xffff  }
0x7d9: {  	v22 =	vadd.s32 v40, v22;
	v0 =	vadd.s32 v41, v0;
	v58 =	vadd.s32 v23, v28;
	v61 =	vld.idx.msk [tilespmem:v19+s17+$0x0], $0xffff  }
0x7da: {  	v14 =	vadd.s32 v14, v56;
	v49 =	vperm.xlane v38, v2;
	v20 =	vadd.s32 v29, v58  }
0x7db: {  	v14 =	vadd.s32 v26, v14;
	v29 =	vand.u32 $0xFFFFFF80, v20;
	v20 =	vand.u32 $0x7F, v20;
	v19 =	vld.idx.msk [tilespmem:v19+s16+$0x0], $0xffff  }
0x7dc: {  	v29 =	vadd.s32 s22, v29;
	v60 =	vperm.xlane v32, v2;
	v63 =	vmul.f32 v12, v57  }
0x7dd: {  	v20 =	vor.u32 v20, v29;
	v62 =	vand.u32 $0xFFFFFF80, v14;
	v14 =	vand.u32 $0x7F, v14  }
0x7de: {  	[tilespmem:s31+$0x70] =	vst v1;
	v32 =	vadd.s32 s3, v62;
	v23 =	vadd.f32 v63, v59;
	v50 =	vmul.f32 v12, v61  }
0x7df: {  	v25 =	vld.idx.msk [tilespmem:v18+s17+$0x0], $0xffff;
	v28 =	vadd.s32 v30, v60;
	v45 =	vperm.xlane v27, v2;
	v14 =	vor.u32 v14, v32  }
0x7e0: {  	v60 =	vperm.xlane v31, v2;
	v28 =	vadd.s32 v36, v28;
	[tilespmem:s5+$0xFFFFFFE0] =	vst v23;
	v19 =	vadd.f32 v50, v19  }
0x7e1: {  	v36 =	vand.u32 $0xFFFFFF80, v28;
	v28 =	vand.u32 $0x7F, v28;
	v21 =	vadd.s32 v21, v45;
	v51 =	vld [tilespmem:s10+$0xFFFFFFF0]  }
0x7e2: {  	v18 =	vld.idx.msk [tilespmem:v18+s16+$0x0], $0xffff;
	v21 =	vadd.s32 v34, v21;
	v42 =	vadd.s32 s9, v36;
	v36 =	vperm.xlane v39, v2;
	[tilespmem:s23+$0xFFFFFFE0] =	vst v19  }
0x7e3: {  	[tilespmem:s29+$0xFFFFFFF0] =	vst v1;
	v0 =	vadd.s32 v47, v0;
	v28 =	vor.u32 v28, v42;
	v44 =	vperm.xlane v44, v2;
	v58 =	vld [tilespmem:s13+$0xFFFFFFF0]  }
0x7e4: {  	[tilespmem:s28+$0xFFFFFFF0] =	vst v1;
	v39 =	vld.idx.msk [tilespmem:v14+s17+$0x0], $0xffff;
	v52 =	vadd.s32 v37, v49;
	v37 =	vand.u32 $0xFFFFFF80, v0;
	v5 =	vadd.s32 v5, v36  }
0x7e5: {  	v0 =	vand.u32 $0x7F, v0;
	v53 =	vadd.s32 v46, v52;
	v38 =	vadd.s32 s24, v37;
	v59 =	vld.idx.msk [tilespmem:v15+s17+$0x0], $0xffff  }
0x7e6: {  	v14 =	vld.idx.msk [tilespmem:v14+s16+$0x0], $0xffff;
	v47 =	vadd.s32 v43, v44;
	v54 =	vand.u32 $0xFFFFFF80, v21;
	v55 =	vand.u32 $0xFFFFFF80, v53;
	(xrf0) =	vadd.scan.msk.s32 $0xffff, v51  }
0x7e7: {  	[tilespmem:s20+$0x70] =	vst v1;
	v21 =	vand.u32 $0x7F, v21;
	v0 =	vor.u32 v0, v38;
	v56 =	vadd.s32 s7, v54;
	v15 =	vld.idx.msk [tilespmem:v15+s16+$0x0], $0xffff  }
0x7e8: {  	v62 =	vld.idx.msk [tilespmem:v20+s17+$0x0], $0xffff;
	v57 =	vadd.s32 s4, v55;
	v63 =	vadd.s32 v35, v60;
	v23 =	vand.u32 $0x7F, v53;
	(xrf0) =	vadd.scan.msk.s32 $0xffff, v58  }
0x7e9: {  	[tilespmem:s12+$0x70] =	vst v1;
	v20 =	vld.idx.msk [tilespmem:v20+s16+$0x0], $0xffff;
	v53 =	vmul.f32 v13, v39;
	v23 =	vor.u32 v23, v57;
	v61 =	vand.u32 $0xFFFFFF80, v22  }
0x7ea: {  	[tilespmem:s13+$0x70] =	vst v1;
	v42 =	vld.idx.msk [tilespmem:v28+s17+$0x0], $0xffff;
	v24 =	vmul.f32 v13, v59;
	v22 =	vand.u32 $0x7F, v22;
	v30 =	vadd.s32 s18, v61  }
0x7eb: {  	v28 =	vld.idx.msk [tilespmem:v28+s16+$0x0], $0xffff;
	v22 =	vor.u32 v22, v30;
	v19 =	vor.u32 v21, v56;
	v21 =	vadd.s32 v48, v63  }
0x7ec: {  	[tilespmem:s25+$0xFFFFFFF0] =	vst v16;
	v54 =	vld.idx.msk [tilespmem:v0+s17+$0x0], $0xffff;
	v14 =	vadd.f32 v53, v14;
	v15 =	vadd.f32 v24, v15;
	v40 =	vand.u32 $0xFFFFFF80, v21;
	v41, _, _ =	vpop (xrf0)  }
0x7ed: {  	[tilespmem:s10+$0x70] =	vst v1;
	v0 =	vld.idx.msk [tilespmem:v0+s16+$0x0], $0xffff;
	v21 =	vand.u32 $0x7F, v21;
	v26 =	vadd.s32 s19, v40;
	v5 =	vadd.s32 v41, v5  }
0x7ee: {  	v49 =	vld.idx.msk [tilespmem:v23+s17+$0x0], $0xffff;
	[tilespmem:s26+$0xFFFFFFF0] =	vst v15;
	v15 =	vmul.f32 v13, v25;
	v21 =	vor.u32 v21, v26;
	v45 =	vand.u32 $0xFFFFFF80, v5;
	v48, _, _ =	vpop (xrf0)  }
0x7ef: {  	[tilespmem:s20+$0xFFFFFFF0] =	vst v1;
	v23 =	vld.idx.msk [tilespmem:v23+s16+$0x0], $0xffff;
	v5 =	vand.u32 $0x7F, v5;
	v30 =	vadd.s32 s2, v45;
	v50 =	vadd.s32 v48, v47  }
0x7f0: {  	[tilespmem:s0+$0xFFFFFFF0] =	vst v14;
	v14 =	vadd.f32 v15, v18;
	v52 =	vld.idx.msk [tilespmem:v22+s17+$0x0], $0xffff;
	v5 =	vor.u32 v5, v30;
	v27 =	vand.u32 $0xFFFFFF80, v50  }
0x7f1: {  	[tilespmem:s31+$0xFFFFFFF0] =	vst v1;
	v15 =	vmul.f32 v13, v62;
	v22 =	vld.idx.msk [tilespmem:v22+s16+$0x0], $0xffff;
	v26 =	vand.u32 $0x7F, v50;
	v51 =	vadd.s32 s21, v27  }
0x7f2: {  	[tilespmem:s12+$0xFFFFFFF0] =	vst v1;
	v46 =	vld.idx.msk [tilespmem:v19+s17+$0x0], $0xffff;
	v16 =	vor.u32 v26, v51  }
0x7f3: {  	[tilespmem:s6+$0x70] =	vst v14;
	v14 =	vadd.f32 v15, v20;
	v15 =	vmul.f32 v13, v42;
	v19 =	vld.idx.msk [tilespmem:v19+s16+$0x0], $0xffff  }
0x7f4: {  	[tilespmem:s10+$0xFFFFFFF0] =	vst v1;
	v55 =	vld.idx.msk [tilespmem:v21+s17+$0x0], $0xffff  }
0x7f5: {  	[tilespmem:s1+$0x70] =	vst v14;
	v14 =	vadd.f32 v15, v28;
	v15 =	vmul.f32 v13, v49;
	v57 =	vld.idx.msk [tilespmem:v5+s17+$0x0], $0xffff  }
0x7f6: {  	[tilespmem:s13+$0xFFFFFFF0] =	vst v1;
	v5 =	vld.idx.msk [tilespmem:v5+s16+$0x0], $0xffff  }
0x7f7: {  	[tilespmem:s8+$0x70] =	vst v14;
	v14 =	vadd.f32 v15, v23;
	v15 =	vmul.f32 v13, v54;
	v59 =	vld.idx.msk [tilespmem:v16+s17+$0x0], $0xffff  }
0x7f8: {  	v21 =	vld.idx.msk [tilespmem:v21+s16+$0x0], $0xffff;
	v58 =	vmul.f32 v13, v52  }
0x7f9: {  	v0 =	vadd.f32 v15, v0;
	v56 =	vmul.f32 v13, v46;
	v16 =	vld.idx.msk [tilespmem:v16+s16+$0x0], $0xffff  }
0x7fa: {  	[tilespmem:s5+$0x70] =	vst v14;
	v60 =	vadd.f32 v58, v22;
	v18 =	vmul.f32 v13, v57  }
0x7fb: {  	[tilespmem:s23+$0x70] =	vst v0;
	v19 =	vadd.f32 v56, v19;
	v61 =	vmul.f32 v13, v55  }
0x7fc: {  	[tilespmem:s1+$0xFFFFFFF0] =	vst v60;
	v5 =	vadd.f32 v18, v5;
	v63 =	vmul.f32 v13, v59  }
0x7fd: {  	[tilespmem:s6+$0xFFFFFFF0] =	vst v19;
	v62 =	vadd.f32 v61, v21  }
0x7fe: {  	[tilespmem:s5+$0xFFFFFFF0] =	vst v5;
	v5 =	vadd.f32 v63, v16  }
0x7ff: {  	[tilespmem:s8+$0xFFFFFFF0] =	vst v62  }
0x800: {  	[tilespmem:s23+$0xFFFFFFF0] =	vst v5  }
0x801: {  	s14 =	rddreg [dreg:$0xc]  }
0x802: {  	s14 =	sadd.s32 $0x1, s14  }
0x803: {  	p0 =	sne.s32 s14, $0x10  }
.Ltmp5:
0x804: {  	_ = 	snop;
	(pc) =	sbr.rel @p0 .LBB2_4-.Ltmp5, $4  }
0x805: {  	s30 =	rddreg [dreg:$0x1]  }
0x806: {  	s31 =	simm.s32 $0xC000;
	s1 =	rddreg [dreg:$0xd]  }
0x807: {  	s12 =	simm.s32 $0x0;
	s13 =	simm.s32 $0x18000;
	s0 =	sadd.s32 s30, s1  }
0x808: {  	[hbm4b:s0+s12] =	stream.linear.scatter [tilespmem:s31], [sflag:$0x4], $0x4000, $0x38;
	[tilespmem:$0x1C000] =	vst v63  }
0x809: {  	s0 =	simm.s32 $0x3  }
0x80a: {  	_ =	swait.ge [sflag:s0], $0x4000  }
0x80b: {  	[sflag:s0] =	ssyncset.done $0x0  }
0x80c: {  	s1 =	simm.s32 $0x4;
	[sflag:s0] =	ssyncadd.s32 $0xFFFFC000  }
0x80d: {  	_ =	swait.ge [sflag:s1], $0x4000  }
0x80e: {  	s2 =	rddreg [dreg:$0xb]  }
0x80f: {  	s31 =	rddreg [dreg:$0xa];
	s2 =	sadd.s32 $0x1, s2  }
0x810: {  	p0 =	sne.s32 s2, s31  }
.Ltmp6:
0x811: {  	_ = 	snop;
	(pc) =	sbr.rel @p0 .LBB2_1-.Ltmp6, $3  }
0x812: {  	_ =	sdelay $0x1  }
0x813: {  	[sflag:s1] =	ssyncset.done $0x0  }
0x814: {  	v0 =	vimm.f32 $0.0e+00;
	[sflag:s1] =	ssyncadd.s32 $0xFFFFC000  }
0x815: {  	_ =	sfence.sel $0x180000  }
0x816: {  	[bflag:$0x0] =	sbarrier.arrive $0xFFFF  }
0x817: {  	_ =	strace $0x90000047  }
0x818: {  	s0 =	stileid.u32;
	[bflag:$0x2] =	sbarrier.arrive $0xFFFF  }
0x819: {  	p0 =	sne.s32 s0, $0x0;
	s0 =	rddreg [dreg:$0x2]  }
0x81a: {  	s0 =	sadd.s32 @!p0 $0x100000, s0  }
0x81b: {  	[sflag:s0] =	ssyncadd.tile.s32 @!p0 $0x1;
	_ =	shalt  }
.Lfunc_end2:
_tile_overlayer_lowered:
.L_overlay_start_2:
0x81c: {  	(tag) =	ssettag $0x2  }
0x81d: {  	s0 =	rddreg [dreg:$0x0];
	s2 =	stileid.u32  }
0x81e: {  	s1 =	rddreg [dreg:$0x1];
	p0 =	sne.s32 s2, $0x0  }
0x81f: {  	s3 =	rddreg [dreg:$0x2];
	[bflag:$0x3] =	sbarrier.arrive $0xFFFF;
	s2 =	simm.s32 @!p0 $0x1C05  }
0x820: {  	[timem:s3], [sflag:s2] =	dma.local @!p0 [hbm:s0], s1  }
0x821: {  	s0 =	simm.s32 @!p0 $0x5  }
0x822: {  	_ =	swait.ge @!p0 [sflag:s0], s1  }
0x823: {  	s1 =	ssub.s32 @!p0 $0x0, s1;
	[sflag:s0] =	ssyncset.done @!p0 $0x0  }
0x824: {  	[sflag:s0] =	ssyncadd.s32 @!p0 s1  }
0x825: {  	[bflag:$0x3] =	sbarrier.arrive $0xFFFF  }
0x826: {  	_ =	shalt  }

</sc_bundles>
